<compile_context>
chip_gen: v7x
topology: tpu7x:2x2x1
jax: 0.10.2.dev20260603
libtpu: 0.0.44.dev20260713+nightly
codegen_flags: <defaults>
</compile_context>

<pallas_src>
import functools

import jax
import jax.numpy as jnp
from jax import lax
from jax.experimental import pallas as pl
from jax.experimental.pallas import tpu as pltpu

N = 50000
E = 1600000
G = 128
POS = 3
F = 5
XD = POS + F
MD = 16
PD = 19


BE = 2000


def _edge_body(gs, gd, ea, w1, b1, w2, b2, cw1, cb1, cw2, cb2, sw, sb,
               cscale, p_out):
    def mm_r(w, x):
        return lax.dot_general(w, x, (((1,), (1,)), ((), ())),
                               preferred_element_type=jnp.float32)

    def mm_f(w, x):
        return lax.dot_general(w, x, (((1,), (0,)), ((), ())),
                               preferred_element_type=jnp.float32)

    xs = gs[...]
    xd = gd[...]
    rel = xs[:, :POS] - xd[:, :POS]
    rel_dist = jnp.sum(rel * rel, axis=1, keepdims=True)
    m_in = jnp.concatenate(
        [xd[:, POS:], xs[:, POS:], ea[...], rel_dist,
         jnp.zeros((BE, 1), jnp.float32)], axis=1)
    h1 = jax.nn.silu(mm_r(w1[...], m_in) + b1[...])
    mij = jax.nn.silu(mm_f(w2[...], h1) + b2[...])
    ch = jax.nn.silu(mm_f(cw1[...], mij) + cb1[...])
    cwij = mm_f(cw2[...], ch) + cb2[...]
    gate = jax.nn.sigmoid(mm_f(sw[...], mij) + sb[...])
    m_out = mij * gate
    inv = jax.lax.rsqrt(jnp.maximum(rel_dist, 1e-16))
    mvec = rel * inv * cwij.T * cscale[...]
    p_out[...] = jnp.concatenate([mvec, m_out.T], axis=1)


def _edge_tc(gs, gd, ea, ew):
    spec_full = lambda a: pl.BlockSpec(a.shape, lambda i: (0,) * a.ndim)
    return pl.pallas_call(
        _edge_body,
        grid=(E // BE,),
        in_specs=[pl.BlockSpec((BE, XD), lambda i: (i, 0)),
                  pl.BlockSpec((BE, XD), lambda i: (i, 0)),
                  pl.BlockSpec((BE, 4), lambda i: (i, 0))]
                 + [spec_full(a) for a in ew],
        out_specs=pl.BlockSpec((BE, PD), lambda i: (i, 0)),
        out_shape=jax.ShapeDtypeStruct((E, PD), jnp.float32),
    )(gs, gd, ea, *ew)


BN = 2000
NB = N // BN
EPS = 1e-5


def _dot(a, b):
    return jnp.dot(a, b, preferred_element_type=jnp.float32)


def _seg(oh, v):
    return lax.dot_general(oh, v, (((0,), (0,)), ((), ())),
                           preferred_element_type=jnp.float32)


def _nstat_body(x, acc, batch, lnw, lnb, nw1, nb1, nw2,
                xg_out, st_out, st0, st1, st2):
    p = pl.program_id(0)
    i = pl.program_id(1)
    oh = (batch[...] == lax.broadcasted_iota(jnp.int32, (BN, G), 1)
          ).astype(jnp.float32)
    xv = x[...]
    feats = xv[:, POS:]

    @pl.when((p == 0) & (i == 0))
    def _():
        st0[...] = jnp.zeros((G, 8), jnp.float32)

    @pl.when(p == 0)
    def _():
        t1 = jnp.sum(feats, axis=1, keepdims=True)
        t2 = jnp.sum(feats * feats, axis=1, keepdims=True)
        z = jnp.concatenate(
            [jnp.ones((BN, 1), jnp.float32), t1, t2,
             jnp.zeros((BN, 5), jnp.float32)], axis=1)
        st0[...] += _seg(oh, z)

    @pl.when((p == 1) & (i == 0))
    def _():
        st1[...] = jnp.zeros((G, 8), jnp.float32)
        st2[...] = jnp.zeros((8, 8), jnp.float32)

    @pl.when(p == 1)
    def _():
        s0 = st0[...]
        cnt = s0[:, :1]
        sa = s0[:, 1:2]
        sb = s0[:, 2:3]
        normc = jnp.maximum(cnt, 1.0) * F
        m = sa / normc
        var_g = (sb - 2.0 * m * sa + F * cnt * m * m) / normc
        rsg = jax.lax.rsqrt(var_g + EPS)
        m_pn = _dot(oh, m)
        rs_pn = _dot(oh, rsg)
        fn = (feats - m_pn) * rs_pn * lnw[...] + lnb[...]
        a = acc[...]
        nin = jnp.concatenate(
            [fn, a[:, POS:POS + MD], jnp.zeros((BN, 3), jnp.float32)], axis=1)
        h2 = jax.nn.silu(_dot(nin, nw1[...]) + nb1[...])
        hid = feats + _dot(h2, nw2[...])[:, :F]
        xg = jnp.concatenate([xv[:, :POS] + a[:, :POS], hid], axis=1)
        xg_out[...] = xg
        st1[...] += _seg(oh, xg)
        st2[0:1, :] += jnp.sum(xg, axis=0, keepdims=True)
        st2[1:2, :] += jnp.sum(xg * xg, axis=0, keepdims=True)

    @pl.when((p == 1) & (i == NB - 1))
    def _():
        st_out[...] = jnp.concatenate([st1[...], st0[...], st2[...]], axis=0)


def _nstat_tc(x, acc, batch2d, w):
    full = lambda a: pl.BlockSpec(a.shape, lambda p, i: (0,) * a.ndim)
    return pl.pallas_call(
        _nstat_body,
        grid=(2, NB),
        in_specs=[pl.BlockSpec((BN, XD), lambda p, i: (i, 0)),
                  pl.BlockSpec((BN, PD), lambda p, i: (i, 0)),
                  pl.BlockSpec((BN, 1), lambda p, i: (i, 0))]
                 + [full(a) for a in w],
        out_specs=[pl.BlockSpec((BN, XD), lambda p, i: (i, 0)),
                   pl.BlockSpec((G + G + 8, XD), lambda p, i: (0, 0))],
        out_shape=[jax.ShapeDtypeStruct((N, XD), jnp.float32),
                   jax.ShapeDtypeStruct((G + G + 8, XD), jnp.float32)],
        scratch_shapes=[pltpu.VMEM((G, 8), jnp.float32),
                        pltpu.VMEM((G, 8), jnp.float32),
                        pltpu.VMEM((8, 8), jnp.float32)],
    )(x, acc, batch2d, *w)


def _gn_scale(st, gnm, gnw):
    s1 = st[G + G:G + G + 1, :]
    s2 = st[G + G + 1:G + G + 2, :]
    mu = (s1 / N) * gnm
    varg = s2 / N - 2.0 * mu * s1 / N + mu * mu
    return mu, gnw * jax.lax.rsqrt(varg + EPS)


def _gnapply_body(xg, st, gnw, gnb, gnm, out):
    mu, sg = _gn_scale(st[...], gnm[...], gnw[...])
    out[...] = jax.nn.relu(sg * (xg[...] - mu) + gnb[...])


def _gnapply_tc(xg, st, gn):
    full = lambda a: pl.BlockSpec(a.shape, lambda i: (0,) * a.ndim)
    return pl.pallas_call(
        _gnapply_body,
        grid=(NB,),
        in_specs=[pl.BlockSpec((BN, XD), lambda i: (i, 0))]
                 + [full(a) for a in (st,) + gn],
        out_specs=pl.BlockSpec((BN, XD), lambda i: (i, 0)),
        out_shape=jax.ShapeDtypeStruct((N, XD), jnp.float32),
    )(xg, st, *gn)


def _head_body(st, gnw, gnb, gnm, fw1, fb1, fw2, fb2, out):
    s = st[...]
    mu, sg = _gn_scale(s, gnm[...], gnw[...])
    seg_xg = s[:G, :]
    cnt = s[G:G + G, :1]
    seg_xn = sg * (seg_xg - mu * cnt) + gnb[...] * cnt
    pooled = seg_xn / jnp.maximum(cnt, 1.0)
    h = jax.nn.relu(_dot(pooled, fw1[...]) + fb1[...])
    out[...] = _dot(h, fw2[...]) + fb2[...]


def _head_tc(st, hw):
    return pl.pallas_call(
        _head_body,
        out_shape=jax.ShapeDtypeStruct((G, 10), jnp.float32),
    )(st, *hw)


def _prep(params):
    layers = []
    for i in range(3):
        p = params["layers"][i]
        gn = params["gn"][i]
        w1 = jnp.zeros((32, 16), jnp.float32).at[:30, :15].set(p["edge_w1"])
        b1 = jnp.zeros((32, 1), jnp.float32).at[:30, 0].set(p["edge_b1"])
        w2 = jnp.zeros((16, 32), jnp.float32).at[:, :30].set(p["edge_w2"])
        b2 = p["edge_b2"][:, None]
        cw1 = p["coors_w1"]
        cb1 = p["coors_b1"][:, None]
        cw2 = p["coors_w2"]
        cb2 = p["coors_b2"][:, None]
        sw = p["soft_w"]
        sb = p["soft_b"][:, None]
        cscale = p["coors_scale"][None, None]
        ew = (w1, b1, w2, b2, cw1, cb1, cw2, cb2, sw, sb, cscale)

        nw1 = jnp.zeros((24, 16), jnp.float32).at[:21, :10].set(p["node_w1"].T)
        nb1 = jnp.zeros((1, 16), jnp.float32).at[0, :10].set(p["node_b1"])
        nw2 = jnp.zeros((16, 8), jnp.float32).at[:10, :5].set(p["node_w2"].T)
        nw = (p["ln_w"][None, :], p["ln_b"][None, :], nw1, nb1, nw2)
        gnp = (gn["weight"][None, :], gn["bias"][None, :],
               gn["mean_scale"][None, :])
        layers.append((ew, nw, gnp))
    (fw1, fb1), (fw2, fb2) = params["fc"]
    head = (fw1.T, fb1[None, :], fw2.T, fb2[None, :])
    return layers, head


def kernel(x, edge_index, batch, edge_attr, params):
    src = edge_index[0]
    dst = edge_index[1]
    batch2d = batch[:, None]
    layers, head = _prep(params)

    xcur = x
    res = None
    for i in range(3):
        ew, nw, gnp = layers[i]
        gs = xcur[src]
        gd = xcur[dst]
        p = _edge_tc(gs, gd, edge_attr, ew)
        acc = jax.ops.segment_sum(p, dst, num_segments=N)
        xg, st = _nstat_tc(xcur, acc, batch2d, nw)
        if i == 2:
            res = _head_tc(st, gnp + head)
        else:
            res = _gnapply_tc(xg, st, gnp)
        xcur = res
    return res

# --- scband reference (transcript-rebuilt; emitter-appended) ---
"""Pipeline reference for scband-egnn-edit-16217796510252 (READ-ONLY COPY).

The authoritative reference and input builder live on the scoring server;
editing this copy changes nothing except your own understanding.
"""

import jax, jax.numpy as jnp
import numpy as np

N_NODES = 50000
N_EDGES = 1600000
D_EDGE = 4
FEATS_DIM = 5
POS_DIM = 3
M_DIM = 16
NUM_GRAPHS = 128
NUM_CLASSES = 10
HIDDEN = 32
EGNN_LAYERS = 3
EDGE_IN = 2 * FEATS_DIM + D_EDGE + 1


def _linear(key, out_dim, in_dim, scale=0.1):
    w = jax.random.normal(key, (out_dim, in_dim), dtype=jnp.float32) * scale
    b = jnp.zeros((out_dim,), dtype=jnp.float32)
    return w, b


def make_params(key):
    params = {"layers": [], "gn": [], "fc": None}
    for i in range(EGNN_LAYERS):
        ks = jax.random.split(jax.random.fold_in(key, i), 7)
        p = {}
        p["edge_w1"], p["edge_b1"] = _linear(ks[0], 2 * EDGE_IN, EDGE_IN)
        p["edge_w2"], p["edge_b2"] = _linear(ks[1], M_DIM, 2 * EDGE_IN)
        p["soft_w"], p["soft_b"] = _linear(ks[2], 1, M_DIM)
        p["coors_w1"], p["coors_b1"] = _linear(ks[3], 4 * M_DIM, M_DIM)
        p["coors_w2"], p["coors_b2"] = _linear(ks[4], 1, 4 * M_DIM)
        p["coors_scale"] = jnp.asarray(1e-2, dtype=jnp.float32)
        p["ln_w"] = jnp.ones((FEATS_DIM,), jnp.float32)
        p["ln_b"] = jnp.zeros((FEATS_DIM,), jnp.float32)
        p["node_w1"], p["node_b1"] = _linear(ks[5], 2 * FEATS_DIM, FEATS_DIM + M_DIM)
        p["node_w2"], p["node_b2"] = _linear(ks[6], FEATS_DIM, 2 * FEATS_DIM)
        params["layers"].append(p)
        params["gn"].append({
            "weight": jnp.ones((POS_DIM + FEATS_DIM,), jnp.float32),
            "bias": jnp.zeros((POS_DIM + FEATS_DIM,), jnp.float32),
            "mean_scale": jnp.ones((POS_DIM + FEATS_DIM,), jnp.float32)})
    kf = jax.random.fold_in(key, 1000)
    w1, b1 = _linear(jax.random.fold_in(kf, 0), HIDDEN, POS_DIM + FEATS_DIM)
    w2, b2 = _linear(jax.random.fold_in(kf, 1), NUM_CLASSES, HIDDEN)
    params["fc"] = [[w1, b1], [w2, b2]]
    return params


def pyg_layer_norm(x, batch, w, b, eps=1e-5):
    # torch_geometric.nn.norm.LayerNorm(feats_dim), mode='graph'
    ones = jnp.ones((x.shape[0],), x.dtype)
    counts = jax.ops.segment_sum(ones, batch, num_segments=NUM_GRAPHS)
    norm = jnp.clip(counts, 1.0) * x.shape[-1]
    mean = jnp.sum(jax.ops.segment_sum(x, batch, num_segments=NUM_GRAPHS), axis=-1) / norm
    xc = x - mean[batch][:, None]
    var = jnp.sum(jax.ops.segment_sum(xc * xc, batch, num_segments=NUM_GRAPHS), axis=-1) / norm
    out = xc / jnp.sqrt(var + eps)[batch][:, None]
    return out * w + b


def graph_norm(x, g, eps=1e-5):
    # GraphNorm called WITHOUT batch in the torch model -> single-graph normalization
    mean = jnp.mean(x, axis=0)
    out = x - mean * g["mean_scale"]
    var = jnp.mean(out * out, axis=0)
    return g["weight"] * out / jnp.sqrt(var + eps) + g["bias"]


def egnn_sparse(x, edge_index, edge_attr, batch, p):
    coors = x[:, :POS_DIM]
    feats = x[:, POS_DIM:]
    src = edge_index[0]
    dst = edge_index[1]
    rel_coors = coors[src] - coors[dst]
    rel_dist = jnp.sum(rel_coors * rel_coors, axis=-1, keepdims=True)
    ea = jnp.concatenate([edge_attr, rel_dist], axis=-1)
    x_i = feats[dst]
    x_j = feats[src]
    m_in = jnp.concatenate([x_i, x_j, ea], axis=-1)
    h = jax.nn.silu(m_in @ p["edge_w1"].T + p["edge_b1"])
    m_ij = jax.nn.silu(h @ p["edge_w2"].T + p["edge_b2"])
    # coors update
    coor_h = jax.nn.silu(m_ij @ p["coors_w1"].T + p["coors_b1"])
    coor_wij = coor_h @ p["coors_w2"].T + p["coors_b2"]
    # CoorsNorm (norm_coors=True), safe sqrt for zero-length rel vectors
    norm = jnp.sqrt(jnp.clip(jnp.sum(rel_coors * rel_coors, axis=-1, keepdims=True), 1e-16))
    rel_coors_n = rel_coors / jnp.clip(norm, 1e-8) * p["coors_scale"]
    n = x.shape[0]
    mhat = jax.ops.segment_sum(coor_wij * rel_coors_n, dst, num_segments=n)
    coors_out = coors + mhat
    # soft_edge gating
    m_ij = m_ij * jax.nn.sigmoid(m_ij @ p["soft_w"].T + p["soft_b"])
    m_i = jax.ops.segment_sum(m_ij, dst, num_segments=n)
    # node update (norm_feats=True)
    feats_n = pyg_layer_norm(feats, batch, p["ln_w"], p["ln_b"])
    h2 = jax.nn.silu(jnp.concatenate([feats_n, m_i], axis=-1) @ p["node_w1"].T + p["node_b1"])
    hidden_out = feats + (h2 @ p["node_w2"].T + p["node_b2"])
    return jnp.concatenate([coors_out, hidden_out], axis=-1)


def _forward(x, edge_index, batch, edge_attr, params):
    for i in range(EGNN_LAYERS):
        x = egnn_sparse(x, edge_index, edge_attr, batch, params["layers"][i])
        x = graph_norm(x, params["gn"][i])
        if i + 1 < EGNN_LAYERS:
            x = jax.nn.relu(x)
    ones = jnp.ones((x.shape[0],), x.dtype)
    counts = jnp.clip(jax.ops.segment_sum(ones, batch, num_segments=NUM_GRAPHS), 1.0)
    h = jax.ops.segment_sum(x, batch, num_segments=NUM_GRAPHS) / counts[:, None]
    w1, b1 = params["fc"][0]
    w2, b2 = params["fc"][1]
    h = jax.nn.relu(h @ w1.T + b1)
    return h @ w2.T + b2


def setup_inputs(seed: int = 0):
    key = jax.random.key(seed)
    k1, k2, k3, k4, k5 = jax.random.split(key, 5)
    x = jax.random.normal(k1, (N_NODES, POS_DIM + FEATS_DIM), dtype=jnp.float32)
    edge_index = jax.random.randint(k2, (2, N_EDGES), 0, N_NODES, dtype=jnp.int32)
    batch = jnp.sort(jax.random.randint(k3, (N_NODES,), 0, NUM_GRAPHS, dtype=jnp.int32))
    edge_attr = jax.random.normal(k4, (N_EDGES, D_EDGE), dtype=jnp.float32)
    params = make_params(k5)
    return {"x": x, "edge_index": edge_index, "batch": batch, "edge_attr": edge_attr, "params": params}


def reference(x, edge_index, batch, edge_attr, params):
    return _forward(x, edge_index, batch, edge_attr, params)

if __name__ == "__main__":
    import jax
    _d = setup_inputs()
    print(jax.jit(kernel)(*tuple(_d.values())))

</pallas_src>

<mosaic_0001>
module attributes {stable_mosaic.version = 14 : i64} {
  func.func @_edge_body(%arg0: i32, %arg1: memref<2000x8xf32, #tpu.memory_space<vmem>>, %arg2: memref<2000x8xf32, #tpu.memory_space<vmem>>, %arg3: memref<2000x4xf32, #tpu.memory_space<vmem>>, %arg4: memref<32x16xf32, #tpu.memory_space<vmem>>, %arg5: memref<32x1xf32, #tpu.memory_space<vmem>>, %arg6: memref<16x32xf32, #tpu.memory_space<vmem>>, %arg7: memref<16x1xf32, #tpu.memory_space<vmem>>, %arg8: memref<64x16xf32, #tpu.memory_space<vmem>>, %arg9: memref<64x1xf32, #tpu.memory_space<vmem>>, %arg10: memref<1x64xf32, #tpu.memory_space<vmem>>, %arg11: memref<1x1xf32, #tpu.memory_space<vmem>>, %arg12: memref<1x16xf32, #tpu.memory_space<vmem>>, %arg13: memref<1x1xf32, #tpu.memory_space<vmem>>, %arg14: memref<1x1xf32, #tpu.memory_space<vmem>>, %arg15: memref<2000x19xf32, #tpu.memory_space<vmem>>) attributes {dimension_semantics = [#tpu.dimension_semantics<arbitrary>], iteration_bounds = array<i64: 800>, scalar_prefetch = 0 : i64, scratch_operands = 0 : i64, tpu.core_type = #tpu.core_type<tc>, window_params = [{transform_indices = @transform_0, window_bounds = array<i64: 2000, 8>}, {transform_indices = @transform_1, window_bounds = array<i64: 2000, 8>}, {transform_indices = @transform_2, window_bounds = array<i64: 2000, 4>}, {pipeline_mode = #tpu.pipeline_mode<synchronous>, transform_indices = @transform_3, window_bounds = array<i64: 32, 16>}, {pipeline_mode = #tpu.pipeline_mode<synchronous>, transform_indices = @transform_4, window_bounds = array<i64: 32, 1>}, {pipeline_mode = #tpu.pipeline_mode<synchronous>, transform_indices = @transform_5, window_bounds = array<i64: 16, 32>}, {pipeline_mode = #tpu.pipeline_mode<synchronous>, transform_indices = @transform_6, window_bounds = array<i64: 16, 1>}, {pipeline_mode = #tpu.pipeline_mode<synchronous>, transform_indices = @transform_7, window_bounds = array<i64: 64, 16>}, {pipeline_mode = #tpu.pipeline_mode<synchronous>, transform_indices = @transform_8, window_bounds = array<i64: 64, 1>}, {pipeline_mode = #tpu.pipeline_mode<synchronous>, transform_indices = @transform_9, window_bounds = array<i64: 1, 64>}, {pipeline_mode = #tpu.pipeline_mode<synchronous>, transform_indices = @transform_10, window_bounds = array<i64: 1, 1>}, {pipeline_mode = #tpu.pipeline_mode<synchronous>, transform_indices = @transform_11, window_bounds = array<i64: 1, 16>}, {pipeline_mode = #tpu.pipeline_mode<synchronous>, transform_indices = @transform_12, window_bounds = array<i64: 1, 1>}, {pipeline_mode = #tpu.pipeline_mode<synchronous>, transform_indices = @transform_13, window_bounds = array<i64: 1, 1>}, {transform_indices = @transform_14, window_bounds = array<i64: 2000, 19>}]} {
    %get3A = arith.constant 0 : index
    %get3A_0 = arith.constant 0 : index
    %get3A_1 = vector.load %arg1[%get3A, %get3A_0] : memref<2000x8xf32, #tpu.memory_space<vmem>>, vector<2000x8xf32>
    %get3A_2 = arith.constant 0 : index
    %get3A_3 = arith.constant 0 : index
    %get3A_4 = vector.load %arg2[%get3A_2, %get3A_3] : memref<2000x8xf32, #tpu.memory_space<vmem>>, vector<2000x8xf32>
    %slice3A = vector.extract_strided_slice %get3A_1 {offsets = [0, 0], sizes = [2000, 3], strides = [1, 1]} : vector<2000x8xf32> to vector<2000x3xf32>
    %slice3A_5 = vector.extract_strided_slice %get3A_4 {offsets = [0, 0], sizes = [2000, 3], strides = [1, 1]} : vector<2000x8xf32> to vector<2000x3xf32>
    %sub3A = arith.subf %slice3A, %slice3A_5 : vector<2000x3xf32>
    %mul3A = arith.mulf %sub3A, %sub3A : vector<2000x3xf32>
    %reduce_sum3A = arith.constant dense<0.000000e+00> : vector<2000xf32>
    %reduce_sum3A_6 = vector.multi_reduction <add>, %mul3A, %reduce_sum3A [1] : vector<2000x3xf32> to vector<2000xf32>
    %broadcast_in_dim3A = vector.shape_cast %reduce_sum3A_6 : vector<2000xf32> to vector<2000x1xf32>
    %slice3A_7 = vector.extract_strided_slice %get3A_4 {offsets = [0, 3], sizes = [2000, 5], strides = [1, 1]} : vector<2000x8xf32> to vector<2000x5xf32>
    %slice3A_8 = vector.extract_strided_slice %get3A_1 {offsets = [0, 3], sizes = [2000, 5], strides = [1, 1]} : vector<2000x8xf32> to vector<2000x5xf32>
    %get3A_9 = arith.constant 0 : index
    %get3A_10 = arith.constant 0 : index
    %get3A_11 = vector.load %arg3[%get3A_9, %get3A_10] : memref<2000x4xf32, #tpu.memory_space<vmem>>, vector<2000x4xf32>
    %broadcast_in_dim3A_12 = arith.constant 0.000000e+00 : f32
    %broadcast_in_dim3A_13 = vector.broadcast %broadcast_in_dim3A_12 : f32 to vector<2000x1xf32>
    %concatenate3A = tpu.concatenate %slice3A_7, %slice3A_8, %get3A_11, %broadcast_in_dim3A, %broadcast_in_dim3A_13 in 1 : vector<2000x5xf32>, vector<2000x5xf32>, vector<2000x4xf32>, vector<2000x1xf32>, vector<2000x1xf32> -> vector<2000x16xf32>
    %get3A_14 = arith.constant 0 : index
    %get3A_15 = arith.constant 0 : index
    %get3A_16 = vector.load %arg4[%get3A_14, %get3A_15] : memref<32x16xf32, #tpu.memory_space<vmem>>, vector<32x16xf32>
    %dot_general3A = arith.constant dense<0.000000e+00> : vector<32x2000xf32>
    %dot_general3A_17 = tpu.matmul %get3A_16, %concatenate3A, %dot_general3A {dimension_numbers = #tpu.dot_dimension_numbers<[1], [1], [0], [0], [0, 0, 1, 0], [], []>, transpose_lhs_hint = false} : vector<32x16xf32>, vector<2000x16xf32>, vector<32x2000xf32> -> vector<32x2000xf32>
    %get3A_18 = arith.constant 0 : index
    %get3A_19 = arith.constant 0 : index
    %get3A_20 = vector.load %arg5[%get3A_18, %get3A_19] : memref<32x1xf32, #tpu.memory_space<vmem>>, vector<32x1xf32>
    %add3A = vector.broadcast %get3A_20 : vector<32x1xf32> to vector<32x2000xf32>
    %add3A_21 = arith.addf %dot_general3A_17, %add3A : vector<32x2000xf32>
    %logistic3A = arith.negf %add3A_21 : vector<32x2000xf32>
    %logistic3A_22 = math.exp %logistic3A : vector<32x2000xf32>
    %logistic3A_23 = arith.constant 1.000000e+00 : f32
    %logistic3A_24 = vector.broadcast %logistic3A_23 : f32 to vector<32x2000xf32>
    %logistic3A_25 = arith.addf %logistic3A_24, %logistic3A_22 : vector<32x2000xf32>
    %logistic3A_26 = arith.divf %logistic3A_24, %logistic3A_25 : vector<32x2000xf32>
    %mul3A_27 = arith.mulf %add3A_21, %logistic3A_26 : vector<32x2000xf32>
    %get3A_28 = arith.constant 0 : index
    %get3A_29 = arith.constant 0 : index
    %get3A_30 = vector.load %arg6[%get3A_28, %get3A_29] : memref<16x32xf32, #tpu.memory_space<vmem>>, vector<16x32xf32>
    %dot_general3A_31 = arith.constant dense<0.000000e+00> : vector<16x2000xf32>
    %dot_general3A_32 = tpu.matmul %get3A_30, %mul3A_27, %dot_general3A_31 {dimension_numbers = #tpu.dot_dimension_numbers<[1], [0], [0], [1], [0, 0, 1, 1], [], []>, transpose_lhs_hint = false} : vector<16x32xf32>, vector<32x2000xf32>, vector<16x2000xf32> -> vector<16x2000xf32>
    %get3A_33 = arith.constant 0 : index
    %get3A_34 = arith.constant 0 : index
    %get3A_35 = vector.load %arg7[%get3A_33, %get3A_34] : memref<16x1xf32, #tpu.memory_space<vmem>>, vector<16x1xf32>
    %add3A_36 = vector.broadcast %get3A_35 : vector<16x1xf32> to vector<16x2000xf32>
    %add3A_37 = arith.addf %dot_general3A_32, %add3A_36 : vector<16x2000xf32>
    %logistic3A_38 = arith.negf %add3A_37 : vector<16x2000xf32>
    %logistic3A_39 = math.exp %logistic3A_38 : vector<16x2000xf32>
    %logistic3A_40 = arith.constant 1.000000e+00 : f32
    %logistic3A_41 = vector.broadcast %logistic3A_40 : f32 to vector<16x2000xf32>
    %logistic3A_42 = arith.addf %logistic3A_41, %logistic3A_39 : vector<16x2000xf32>
    %logistic3A_43 = arith.divf %logistic3A_41, %logistic3A_42 : vector<16x2000xf32>
    %mul3A_44 = arith.mulf %add3A_37, %logistic3A_43 : vector<16x2000xf32>
    %get3A_45 = arith.constant 0 : index
    %get3A_46 = arith.constant 0 : index
    %get3A_47 = vector.load %arg8[%get3A_45, %get3A_46] : memref<64x16xf32, #tpu.memory_space<vmem>>, vector<64x16xf32>
    %dot_general3A_48 = arith.constant dense<0.000000e+00> : vector<64x2000xf32>
    %dot_general3A_49 = tpu.matmul %get3A_47, %mul3A_44, %dot_general3A_48 {dimension_numbers = #tpu.dot_dimension_numbers<[1], [0], [0], [1], [0, 0, 1, 1], [], []>, transpose_lhs_hint = false} : vector<64x16xf32>, vector<16x2000xf32>, vector<64x2000xf32> -> vector<64x2000xf32>
    %get3A_50 = arith.constant 0 : index
    %get3A_51 = arith.constant 0 : index
    %get3A_52 = vector.load %arg9[%get3A_50, %get3A_51] : memref<64x1xf32, #tpu.memory_space<vmem>>, vector<64x1xf32>
    %add3A_53 = vector.broadcast %get3A_52 : vector<64x1xf32> to vector<64x2000xf32>
    %add3A_54 = arith.addf %dot_general3A_49, %add3A_53 : vector<64x2000xf32>
    %logistic3A_55 = arith.negf %add3A_54 : vector<64x2000xf32>
    %logistic3A_56 = math.exp %logistic3A_55 : vector<64x2000xf32>
    %logistic3A_57 = arith.constant 1.000000e+00 : f32
    %logistic3A_58 = vector.broadcast %logistic3A_57 : f32 to vector<64x2000xf32>
    %logistic3A_59 = arith.addf %logistic3A_58, %logistic3A_56 : vector<64x2000xf32>
    %logistic3A_60 = arith.divf %logistic3A_58, %logistic3A_59 : vector<64x2000xf32>
    %mul3A_61 = arith.mulf %add3A_54, %logistic3A_60 : vector<64x2000xf32>
    %get3A_62 = arith.constant 0 : index
    %get3A_63 = arith.constant 0 : index
    %get3A_64 = vector.load %arg10[%get3A_62, %get3A_63] : memref<1x64xf32, #tpu.memory_space<vmem>>, vector<1x64xf32>
    %dot_general3A_65 = arith.constant dense<0.000000e+00> : vector<1x2000xf32>
    %dot_general3A_66 = tpu.matmul %get3A_64, %mul3A_61, %dot_general3A_65 {dimension_numbers = #tpu.dot_dimension_numbers<[1], [0], [0], [1], [0, 0, 1, 1], [], []>, transpose_lhs_hint = false} : vector<1x64xf32>, vector<64x2000xf32>, vector<1x2000xf32> -> vector<1x2000xf32>
    %get3A_67 = arith.constant 0 : index
    %get3A_68 = arith.constant 0 : index
    %get3A_69 = vector.load %arg11[%get3A_67, %get3A_68] : memref<1x1xf32, #tpu.memory_space<vmem>>, vector<1x1xf32>
    %add3A_70 = vector.broadcast %get3A_69 : vector<1x1xf32> to vector<1x2000xf32>
    %add3A_71 = arith.addf %dot_general3A_66, %add3A_70 : vector<1x2000xf32>
    %get3A_72 = arith.constant 0 : index
    %get3A_73 = arith.constant 0 : index
    %get3A_74 = vector.load %arg12[%get3A_72, %get3A_73] : memref<1x16xf32, #tpu.memory_space<vmem>>, vector<1x16xf32>
    %dot_general3A_75 = arith.constant dense<0.000000e+00> : vector<1x2000xf32>
    %dot_general3A_76 = tpu.matmul %get3A_74, %mul3A_44, %dot_general3A_75 {dimension_numbers = #tpu.dot_dimension_numbers<[1], [0], [0], [1], [0, 0, 1, 1], [], []>, transpose_lhs_hint = false} : vector<1x16xf32>, vector<16x2000xf32>, vector<1x2000xf32> -> vector<1x2000xf32>
    %get3A_77 = arith.constant 0 : index
    %get3A_78 = arith.constant 0 : index
    %get3A_79 = vector.load %arg13[%get3A_77, %get3A_78] : memref<1x1xf32, #tpu.memory_space<vmem>>, vector<1x1xf32>
    %add3A_80 = vector.broadcast %get3A_79 : vector<1x1xf32> to vector<1x2000xf32>
    %add3A_81 = arith.addf %dot_general3A_76, %add3A_80 : vector<1x2000xf32>
    %logistic3A_82 = arith.negf %add3A_81 : vector<1x2000xf32>
    %logistic3A_83 = math.exp %logistic3A_82 : vector<1x2000xf32>
    %logistic3A_84 = arith.constant 1.000000e+00 : f32
    %logistic3A_85 = vector.broadcast %logistic3A_84 : f32 to vector<1x2000xf32>
    %logistic3A_86 = arith.addf %logistic3A_85, %logistic3A_83 : vector<1x2000xf32>
    %logistic3A_87 = arith.divf %logistic3A_85, %logistic3A_86 : vector<1x2000xf32>
    %mul3A_88 = vector.broadcast %logistic3A_87 : vector<1x2000xf32> to vector<16x2000xf32>
    %mul3A_89 = arith.mulf %mul3A_44, %mul3A_88 : vector<16x2000xf32>
    %max3A = arith.constant 1.000000e-16 : f32
    %max3A_90 = vector.broadcast %max3A : f32 to vector<2000x1xf32>
    %max3A_91 = arith.maximumf %broadcast_in_dim3A, %max3A_90 : vector<2000x1xf32>
    %rsqrt3A = math.rsqrt %max3A_91 : vector<2000x1xf32>
    %mul3A_92 = vector.broadcast %rsqrt3A : vector<2000x1xf32> to vector<2000x3xf32>
    %mul3A_93 = arith.mulf %sub3A, %mul3A_92 : vector<2000x3xf32>
    %transpose3A = tpu.transpose %add3A_71, [1, 0] : vector<1x2000xf32> -> vector<2000x1xf32>
    %mul3A_94 = vector.broadcast %transpose3A : vector<2000x1xf32> to vector<2000x3xf32>
    %mul3A_95 = arith.mulf %mul3A_93, %mul3A_94 : vector<2000x3xf32>
    %get3A_96 = arith.constant 0 : index
    %get3A_97 = arith.constant 0 : index
    %get3A_98 = vector.load %arg14[%get3A_96, %get3A_97] : memref<1x1xf32, #tpu.memory_space<vmem>>, vector<1x1xf32>
    %mul3A_99 = vector.broadcast %get3A_98 : vector<1x1xf32> to vector<2000x3xf32>
    %mul3A_100 = arith.mulf %mul3A_95, %mul3A_99 : vector<2000x3xf32>
    %transpose3A_101 = tpu.transpose %mul3A_89, [1, 0] : vector<16x2000xf32> -> vector<2000x16xf32>
    %concatenate3A_102 = tpu.concatenate %mul3A_100, %transpose3A_101 in 1 : vector<2000x3xf32>, vector<2000x16xf32> -> vector<2000x19xf32>
    %swap3A = arith.constant 0 : index
    %swap3A_103 = arith.constant 0 : index
    %swap3A_104 = vector.load %arg15[%swap3A, %swap3A_103] : memref<2000x19xf32, #tpu.memory_space<vmem>>, vector<2000x19xf32>
    tpu.vector_store %arg15[%swap3A, %swap3A_103], %concatenate3A_102 {strides = array<i32>} : memref<2000x19xf32, #tpu.memory_space<vmem>>, vector<2000x19xf32>,
    return
  }
  func.func @transform_0(%arg0: i32) -> (i32, i32) {
    %c0_i32 = arith.constant 0 : i32
    %c0_i32_0 = arith.constant 0 : i32
    return %arg0, %c0_i32 : i32, i32
  }
  func.func @transform_1(%arg0: i32) -> (i32, i32) {
    %c0_i32 = arith.constant 0 : i32
    %c0_i32_0 = arith.constant 0 : i32
    return %arg0, %c0_i32 : i32, i32
  }
  func.func @transform_2(%arg0: i32) -> (i32, i32) {
    %c0_i32 = arith.constant 0 : i32
    %c0_i32_0 = arith.constant 0 : i32
    return %arg0, %c0_i32 : i32, i32
  }
  func.func @transform_3(%arg0: i32) -> (i32, i32) {
    %c0_i32 = arith.constant 0 : i32
    %c0_i32_0 = arith.constant 0 : i32
    %c0_i32_1 = arith.constant 0 : i32
    return %c0_i32, %c0_i32_0 : i32, i32
  }
  func.func @transform_4(%arg0: i32) -> (i32, i32) {
    %c0_i32 = arith.constant 0 : i32
    %c0_i32_0 = arith.constant 0 : i32
    %c0_i32_1 = arith.constant 0 : i32
    return %c0_i32, %c0_i32_0 : i32, i32
  }
  func.func @transform_5(%arg0: i32) -> (i32, i32) {
    %c0_i32 = arith.constant 0 : i32
    %c0_i32_0 = arith.constant 0 : i32
    %c0_i32_1 = arith.constant 0 : i32
    return %c0_i32, %c0_i32_0 : i32, i32
  }
  func.func @transform_6(%arg0: i32) -> (i32, i32) {
    %c0_i32 = arith.constant 0 : i32
    %c0_i32_0 = arith.constant 0 : i32
    %c0_i32_1 = arith.constant 0 : i32
    return %c0_i32, %c0_i32_0 : i32, i32
  }
  func.func @transform_7(%arg0: i32) -> (i32, i32) {
    %c0_i32 = arith.constant 0 : i32
    %c0_i32_0 = arith.constant 0 : i32
    %c0_i32_1 = arith.constant 0 : i32
    return %c0_i32, %c0_i32_0 : i32, i32
  }
  func.func @transform_8(%arg0: i32) -> (i32, i32) {
    %c0_i32 = arith.constant 0 : i32
    %c0_i32_0 = arith.constant 0 : i32
    %c0_i32_1 = arith.constant 0 : i32
    return %c0_i32, %c0_i32_0 : i32, i32
  }
  func.func @transform_9(%arg0: i32) -> (i32, i32) {
    %c0_i32 = arith.constant 0 : i32
    %c0_i32_0 = arith.constant 0 : i32
    %c0_i32_1 = arith.constant 0 : i32
    return %c0_i32, %c0_i32_0 : i32, i32
  }
  func.func @transform_10(%arg0: i32) -> (i32, i32) {
    %c0_i32 = arith.constant 0 : i32
    %c0_i32_0 = arith.constant 0 : i32
    %c0_i32_1 = arith.constant 0 : i32
    return %c0_i32, %c0_i32_0 : i32, i32
  }
  func.func @transform_11(%arg0: i32) -> (i32, i32) {
    %c0_i32 = arith.constant 0 : i32
    %c0_i32_0 = arith.constant 0 : i32
    %c0_i32_1 = arith.constant 0 : i32
    return %c0_i32, %c0_i32_0 : i32, i32
  }
  func.func @transform_12(%arg0: i32) -> (i32, i32) {
    %c0_i32 = arith.constant 0 : i32
    %c0_i32_0 = arith.constant 0 : i32
    %c0_i32_1 = arith.constant 0 : i32
    return %c0_i32, %c0_i32_0 : i32, i32
  }
  func.func @transform_13(%arg0: i32) -> (i32, i32) {
    %c0_i32 = arith.constant 0 : i32
    %c0_i32_0 = arith.constant 0 : i32
    %c0_i32_1 = arith.constant 0 : i32
    return %c0_i32, %c0_i32_0 : i32, i32
  }
  func.func @transform_14(%arg0: i32) -> (i32, i32) {
    %c0_i32 = arith.constant 0 : i32
    %c0_i32_0 = arith.constant 0 : i32
    return %arg0, %c0_i32 : i32, i32
  }
}

module attributes {stable_mosaic.version = 14 : i64} {
  func.func @_nstat_body(%arg0: i32, %arg1: i32, %arg2: memref<2000x8xf32, #tpu.memory_space<vmem>>, %arg3: memref<2000x19xf32, #tpu.memory_space<vmem>>, %arg4: memref<2000x1xi32, #tpu.memory_space<vmem>>, %arg5: memref<1x5xf32, #tpu.memory_space<vmem>>, %arg6: memref<1x5xf32, #tpu.memory_space<vmem>>, %arg7: memref<24x16xf32, #tpu.memory_space<vmem>>, %arg8: memref<1x16xf32, #tpu.memory_space<vmem>>, %arg9: memref<16x8xf32, #tpu.memory_space<vmem>>, %arg10: memref<2000x8xf32, #tpu.memory_space<vmem>>, %arg11: memref<264x8xf32, #tpu.memory_space<vmem>>, %arg12: memref<128x8xf32, #tpu.memory_space<vmem>>, %arg13: memref<128x8xf32, #tpu.memory_space<vmem>>, %arg14: memref<8x8xf32, #tpu.memory_space<vmem>>) attributes {dimension_semantics = [#tpu.dimension_semantics<arbitrary>, #tpu.dimension_semantics<arbitrary>], iteration_bounds = array<i64: 2, 25>, scalar_prefetch = 0 : i64, scratch_operands = 3 : i64, tpu.core_type = #tpu.core_type<tc>, window_params = [{transform_indices = @transform_0, window_bounds = array<i64: 2000, 8>}, {transform_indices = @transform_1, window_bounds = array<i64: 2000, 19>}, {transform_indices = @transform_2, window_bounds = array<i64: 2000, 1>}, {pipeline_mode = #tpu.pipeline_mode<synchronous>, transform_indices = @transform_3, window_bounds = array<i64: 1, 5>}, {pipeline_mode = #tpu.pipeline_mode<synchronous>, transform_indices = @transform_4, window_bounds = array<i64: 1, 5>}, {pipeline_mode = #tpu.pipeline_mode<synchronous>, transform_indices = @transform_5, window_bounds = array<i64: 24, 16>}, {pipeline_mode = #tpu.pipeline_mode<synchronous>, transform_indices = @transform_6, window_bounds = array<i64: 1, 16>}, {pipeline_mode = #tpu.pipeline_mode<synchronous>, transform_indices = @transform_7, window_bounds = array<i64: 16, 8>}, {transform_indices = @transform_8, window_bounds = array<i64: 2000, 8>}, {pipeline_mode = #tpu.pipeline_mode<synchronous>, transform_indices = @transform_9, window_bounds = array<i64: 264, 8>}]} {
    %get3A = arith.constant 0 : index
    %get3A_0 = arith.constant 0 : index
    %get3A_1 = vector.load %arg4[%get3A, %get3A_0] : memref<2000x1xi32, #tpu.memory_space<vmem>>, vector<2000x1xi32>
    %iota3A = tpu.iota {dimensions = array<i32: 1>} : vector<2000x128xi32>
    %eq3A = vector.broadcast %get3A_1 : vector<2000x1xi32> to vector<2000x128xi32>
    %eq3A_2 = arith.cmpi eq, %eq3A, %iota3A : vector<2000x128xi32>
    %convert_element_type3A = arith.extui %eq3A_2 : vector<2000x128xi1> to vector<2000x128xi32>
    %convert_element_type3A_3 = arith.sitofp %convert_element_type3A : vector<2000x128xi32> to vector<2000x128xf32>
    %get3A_4 = arith.constant 0 : index
    %get3A_5 = arith.constant 0 : index
    %get3A_6 = vector.load %arg2[%get3A_4, %get3A_5] : memref<2000x8xf32, #tpu.memory_space<vmem>>, vector<2000x8xf32>
    %slice3A = vector.extract_strided_slice %get3A_6 {offsets = [0, 3], sizes = [2000, 5], strides = [1, 1]} : vector<2000x8xf32> to vector<2000x5xf32>
    %eq3A_7 = arith.constant 0 : i32
    %eq3A_8 = arith.cmpi eq, %arg0, %eq3A_7 : i32
    %eq3A_9 = arith.constant 0 : i32
    %eq3A_10 = arith.cmpi eq, %arg1, %eq3A_9 : i32
    %and3A = arith.andi %eq3A_8, %eq3A_10 : i1
    %convert_element_type3A_11 = arith.extui %and3A : i1 to i32
    %cond3A = arith.constant 0 : i32
    %cond3A_12 = arith.cmpi ne, %convert_element_type3A_11, %cond3A : i32
    scf.if %cond3A_12 {
      %broadcast_in_dim3A = arith.constant 0.000000e+00 : f32
      %broadcast_in_dim3A_39 = vector.broadcast %broadcast_in_dim3A : f32 to vector<128x8xf32>
      %swap3A = arith.constant 0 : index
      %swap3A_40 = arith.constant 0 : index
      %swap3A_41 = vector.load %arg12[%swap3A, %swap3A_40] : memref<128x8xf32, #tpu.memory_space<vmem>>, vector<128x8xf32>
      tpu.vector_store %arg12[%swap3A, %swap3A_40], %broadcast_in_dim3A_39 {strides = array<i32>} : memref<128x8xf32, #tpu.memory_space<vmem>>, vector<128x8xf32>,
    } else {
    }
    %eq3A_13 = arith.constant 0 : i32
    %eq3A_14 = arith.cmpi eq, %arg0, %eq3A_13 : i32
    %convert_element_type3A_15 = arith.extui %eq3A_14 : i1 to i32
    %cond3A_16 = arith.constant 0 : i32
    %cond3A_17 = arith.cmpi ne, %convert_element_type3A_15, %cond3A_16 : i32
    scf.if %cond3A_17 {
      %reduce_sum3A = arith.constant dense<0.000000e+00> : vector<2000xf32>
      %reduce_sum3A_39 = vector.multi_reduction <add>, %slice3A, %reduce_sum3A [1] : vector<2000x5xf32> to vector<2000xf32>
      %broadcast_in_dim3A = vector.shape_cast %reduce_sum3A_39 : vector<2000xf32> to vector<2000x1xf32>
      %mul3A = arith.mulf %slice3A, %slice3A : vector<2000x5xf32>
      %reduce_sum3A_40 = arith.constant dense<0.000000e+00> : vector<2000xf32>
      %reduce_sum3A_41 = vector.multi_reduction <add>, %mul3A, %reduce_sum3A_40 [1] : vector<2000x5xf32> to vector<2000xf32>
      %broadcast_in_dim3A_42 = vector.shape_cast %reduce_sum3A_41 : vector<2000xf32> to vector<2000x1xf32>
      %broadcast_in_dim3A_43 = arith.constant 1.000000e+00 : f32
      %broadcast_in_dim3A_44 = vector.broadcast %broadcast_in_dim3A_43 : f32 to vector<2000x1xf32>
      %broadcast_in_dim3A_45 = arith.constant 0.000000e+00 : f32
      %broadcast_in_dim3A_46 = vector.broadcast %broadcast_in_dim3A_45 : f32 to vector<2000x5xf32>
      %concatenate3A = tpu.concatenate %broadcast_in_dim3A_44, %broadcast_in_dim3A, %broadcast_in_dim3A_42, %broadcast_in_dim3A_46 in 1 : vector<2000x1xf32>, vector<2000x1xf32>, vector<2000x1xf32>, vector<2000x5xf32> -> vector<2000x8xf32>
      %get3A_47 = arith.constant 0 : index
      %get3A_48 = arith.constant 0 : index
      %get3A_49 = vector.load %arg12[%get3A_47, %get3A_48] : memref<128x8xf32, #tpu.memory_space<vmem>>, vector<128x8xf32>
      %dot_general3A = arith.constant dense<0.000000e+00> : vector<128x8xf32>
      %dot_general3A_50 = tpu.matmul %convert_element_type3A_3, %concatenate3A, %dot_general3A {dimension_numbers = #tpu.dot_dimension_numbers<[0], [0], [1], [1], [0, 1, 1, 1], [], []>, transpose_lhs_hint = false} : vector<2000x128xf32>, vector<2000x8xf32>, vector<128x8xf32> -> vector<128x8xf32>
      %add3A = arith.addf %get3A_49, %dot_general3A_50 : vector<128x8xf32>
      %swap3A = arith.constant 0 : index
      %swap3A_51 = arith.constant 0 : index
      %swap3A_52 = vector.load %arg12[%swap3A, %swap3A_51] : memref<128x8xf32, #tpu.memory_space<vmem>>, vector<128x8xf32>
      tpu.vector_store %arg12[%swap3A, %swap3A_51], %add3A {strides = array<i32>} : memref<128x8xf32, #tpu.memory_space<vmem>>, vector<128x8xf32>,
    } else {
    }
    %eq3A_18 = arith.constant 1 : i32
    %eq3A_19 = arith.cmpi eq, %arg0, %eq3A_18 : i32
    %eq3A_20 = arith.constant 0 : i32
    %eq3A_21 = arith.cmpi eq, %arg1, %eq3A_20 : i32
    %and3A_22 = arith.andi %eq3A_19, %eq3A_21 : i1
    %convert_element_type3A_23 = arith.extui %and3A_22 : i1 to i32
    %cond3A_24 = arith.constant 0 : i32
    %cond3A_25 = arith.cmpi ne, %convert_element_type3A_23, %cond3A_24 : i32
    scf.if %cond3A_25 {
      %broadcast_in_dim3A = arith.constant 0.000000e+00 : f32
      %broadcast_in_dim3A_39 = vector.broadcast %broadcast_in_dim3A : f32 to vector<128x8xf32>
      %swap3A = arith.constant 0 : index
      %swap3A_40 = arith.constant 0 : index
      %swap3A_41 = vector.load %arg13[%swap3A, %swap3A_40] : memref<128x8xf32, #tpu.memory_space<vmem>>, vector<128x8xf32>
      tpu.vector_store %arg13[%swap3A, %swap3A_40], %broadcast_in_dim3A_39 {strides = array<i32>} : memref<128x8xf32, #tpu.memory_space<vmem>>, vector<128x8xf32>,
      %broadcast_in_dim3A_42 = arith.constant 0.000000e+00 : f32
      %broadcast_in_dim3A_43 = vector.broadcast %broadcast_in_dim3A_42 : f32 to vector<8x8xf32>
      %swap3A_44 = arith.constant 0 : index
      %swap3A_45 = arith.constant 0 : index
      %swap3A_46 = vector.load %arg14[%swap3A_44, %swap3A_45] : memref<8x8xf32, #tpu.memory_space<vmem>>, vector<8x8xf32>
      tpu.vector_store %arg14[%swap3A_44, %swap3A_45], %broadcast_in_dim3A_43 {strides = array<i32>} : memref<8x8xf32, #tpu.memory_space<vmem>>, vector<8x8xf32>,
    } else {
    }
    %eq3A_26 = arith.constant 1 : i32
    %eq3A_27 = arith.cmpi eq, %arg0, %eq3A_26 : i32
    %convert_element_type3A_28 = arith.extui %eq3A_27 : i1 to i32
    %cond3A_29 = arith.constant 0 : i32
    %cond3A_30 = arith.cmpi ne, %convert_element_type3A_28, %cond3A_29 : i32
    scf.if %cond3A_30 {
      %get3A_39 = arith.constant 0 : index
      %get3A_40 = arith.constant 0 : index
      %get3A_41 = vector.load %arg12[%get3A_39, %get3A_40] : memref<128x8xf32, #tpu.memory_space<vmem>>, vector<128x8xf32>
      %slice3A_42 = vector.extract_strided_slice %get3A_41 {offsets = [0, 0], sizes = [128, 1], strides = [1, 1]} : vector<128x8xf32> to vector<128x1xf32>
      %slice3A_43 = vector.extract_strided_slice %get3A_41 {offsets = [0, 1], sizes = [128, 1], strides = [1, 1]} : vector<128x8xf32> to vector<128x1xf32>
      %slice3A_44 = vector.extract_strided_slice %get3A_41 {offsets = [0, 2], sizes = [128, 1], strides = [1, 1]} : vector<128x8xf32> to vector<128x1xf32>
      %max3A = arith.constant 1.000000e+00 : f32
      %max3A_45 = vector.broadcast %max3A : f32 to vector<128x1xf32>
      %max3A_46 = arith.maximumf %slice3A_42, %max3A_45 : vector<128x1xf32>
      %mul3A = arith.constant 5.000000e+00 : f32
      %mul3A_47 = vector.broadcast %mul3A : f32 to vector<128x1xf32>
      %mul3A_48 = arith.mulf %max3A_46, %mul3A_47 : vector<128x1xf32>
      %div3A = arith.divf %slice3A_43, %mul3A_48 : vector<128x1xf32>
      %mul3A_49 = arith.constant 2.000000e+00 : f32
      %mul3A_50 = vector.broadcast %mul3A_49 : f32 to vector<128x1xf32>
      %mul3A_51 = arith.mulf %mul3A_50, %div3A : vector<128x1xf32>
      %mul3A_52 = arith.mulf %mul3A_51, %slice3A_43 : vector<128x1xf32>
      %sub3A = arith.subf %slice3A_44, %mul3A_52 : vector<128x1xf32>
      %mul3A_53 = arith.constant 5.000000e+00 : f32
      %mul3A_54 = vector.broadcast %mul3A_53 : f32 to vector<128x1xf32>
      %mul3A_55 = arith.mulf %mul3A_54, %slice3A_42 : vector<128x1xf32>
      %mul3A_56 = arith.mulf %mul3A_55, %div3A : vector<128x1xf32>
      %mul3A_57 = arith.mulf %mul3A_56, %div3A : vector<128x1xf32>
      %add3A = arith.addf %sub3A, %mul3A_57 : vector<128x1xf32>
      %div3A_58 = arith.divf %add3A, %mul3A_48 : vector<128x1xf32>
      %add3A_59 = arith.constant 9.99999974E-6 : f32
      %add3A_60 = vector.broadcast %add3A_59 : f32 to vector<128x1xf32>
      %add3A_61 = arith.addf %div3A_58, %add3A_60 : vector<128x1xf32>
      %rsqrt3A = math.rsqrt %add3A_61 : vector<128x1xf32>
      %dot_general3A = arith.constant dense<0.000000e+00> : vector<2000x1xf32>
      %dot_general3A_62 = tpu.matmul %convert_element_type3A_3, %div3A, %dot_general3A {dimension_numbers = #tpu.dot_dimension_numbers<[1], [0], [0], [1], [0, 0, 1, 1], [], []>, transpose_lhs_hint = false} : vector<2000x128xf32>, vector<128x1xf32>, vector<2000x1xf32> -> vector<2000x1xf32>
      %dot_general3A_63 = arith.constant dense<0.000000e+00> : vector<2000x1xf32>
      %dot_general3A_64 = tpu.matmul %convert_element_type3A_3, %rsqrt3A, %dot_general3A_63 {dimension_numbers = #tpu.dot_dimension_numbers<[1], [0], [0], [1], [0, 0, 1, 1], [], []>, transpose_lhs_hint = false} : vector<2000x128xf32>, vector<128x1xf32>, vector<2000x1xf32> -> vector<2000x1xf32>
      %sub3A_65 = vector.broadcast %dot_general3A_62 : vector<2000x1xf32> to vector<2000x5xf32>
      %sub3A_66 = arith.subf %slice3A, %sub3A_65 : vector<2000x5xf32>
      %mul3A_67 = vector.broadcast %dot_general3A_64 : vector<2000x1xf32> to vector<2000x5xf32>
      %mul3A_68 = arith.mulf %sub3A_66, %mul3A_67 : vector<2000x5xf32>
      %get3A_69 = arith.constant 0 : index
      %get3A_70 = arith.constant 0 : index
      %get3A_71 = vector.load %arg5[%get3A_69, %get3A_70] : memref<1x5xf32, #tpu.memory_space<vmem>>, vector<1x5xf32>
      %mul3A_72 = vector.broadcast %get3A_71 : vector<1x5xf32> to vector<2000x5xf32>
      %mul3A_73 = arith.mulf %mul3A_68, %mul3A_72 : vector<2000x5xf32>
      %get3A_74 = arith.constant 0 : index
      %get3A_75 = arith.constant 0 : index
      %get3A_76 = vector.load %arg6[%get3A_74, %get3A_75] : memref<1x5xf32, #tpu.memory_space<vmem>>, vector<1x5xf32>
      %add3A_77 = vector.broadcast %get3A_76 : vector<1x5xf32> to vector<2000x5xf32>
      %add3A_78 = arith.addf %mul3A_73, %add3A_77 : vector<2000x5xf32>
      %get3A_79 = arith.constant 0 : index
      %get3A_80 = arith.constant 0 : index
      %get3A_81 = vector.load %arg3[%get3A_79, %get3A_80] : memref<2000x19xf32, #tpu.memory_space<vmem>>, vector<2000x19xf32>
      %slice3A_82 = vector.extract_strided_slice %get3A_81 {offsets = [0, 3], sizes = [2000, 16], strides = [1, 1]} : vector<2000x19xf32> to vector<2000x16xf32>
      %broadcast_in_dim3A = arith.constant 0.000000e+00 : f32
      %broadcast_in_dim3A_83 = vector.broadcast %broadcast_in_dim3A : f32 to vector<2000x3xf32>
      %concatenate3A = tpu.concatenate %add3A_78, %slice3A_82, %broadcast_in_dim3A_83 in 1 : vector<2000x5xf32>, vector<2000x16xf32>, vector<2000x3xf32> -> vector<2000x24xf32>
      %get3A_84 = arith.constant 0 : index
      %get3A_85 = arith.constant 0 : index
      %get3A_86 = vector.load %arg7[%get3A_84, %get3A_85] : memref<24x16xf32, #tpu.memory_space<vmem>>, vector<24x16xf32>
      %dot_general3A_87 = arith.constant dense<0.000000e+00> : vector<2000x16xf32>
      %dot_general3A_88 = tpu.matmul %concatenate3A, %get3A_86, %dot_general3A_87 {dimension_numbers = #tpu.dot_dimension_numbers<[1], [0], [0], [1], [0, 0, 1, 1], [], []>, transpose_lhs_hint = false} : vector<2000x24xf32>, vector<24x16xf32>, vector<2000x16xf32> -> vector<2000x16xf32>
      %get3A_89 = arith.constant 0 : index
      %get3A_90 = arith.constant 0 : index
      %get3A_91 = vector.load %arg8[%get3A_89, %get3A_90] : memref<1x16xf32, #tpu.memory_space<vmem>>, vector<1x16xf32>
      %add3A_92 = vector.broadcast %get3A_91 : vector<1x16xf32> to vector<2000x16xf32>
      %add3A_93 = arith.addf %dot_general3A_88, %add3A_92 : vector<2000x16xf32>
      %logistic3A = arith.negf %add3A_93 : vector<2000x16xf32>
      %logistic3A_94 = math.exp %logistic3A : vector<2000x16xf32>
      %logistic3A_95 = arith.constant 1.000000e+00 : f32
      %logistic3A_96 = vector.broadcast %logistic3A_95 : f32 to vector<2000x16xf32>
      %logistic3A_97 = arith.addf %logistic3A_96, %logistic3A_94 : vector<2000x16xf32>
      %logistic3A_98 = arith.divf %logistic3A_96, %logistic3A_97 : vector<2000x16xf32>
      %mul3A_99 = arith.mulf %add3A_93, %logistic3A_98 : vector<2000x16xf32>
      %get3A_100 = arith.constant 0 : index
      %get3A_101 = arith.constant 0 : index
      %get3A_102 = vector.load %arg9[%get3A_100, %get3A_101] : memref<16x8xf32, #tpu.memory_space<vmem>>, vector<16x8xf32>
      %dot_general3A_103 = arith.constant dense<0.000000e+00> : vector<2000x8xf32>
      %dot_general3A_104 = tpu.matmul %mul3A_99, %get3A_102, %dot_general3A_103 {dimension_numbers = #tpu.dot_dimension_numbers<[1], [0], [0], [1], [0, 0, 1, 1], [], []>, transpose_lhs_hint = false} : vector<2000x16xf32>, vector<16x8xf32>, vector<2000x8xf32> -> vector<2000x8xf32>
      %slice3A_105 = vector.extract_strided_slice %dot_general3A_104 {offsets = [0, 0], sizes = [2000, 5], strides = [1, 1]} : vector<2000x8xf32> to vector<2000x5xf32>
      %add3A_106 = arith.addf %slice3A, %slice3A_105 : vector<2000x5xf32>
      %slice3A_107 = vector.extract_strided_slice %get3A_6 {offsets = [0, 0], sizes = [2000, 3], strides = [1, 1]} : vector<2000x8xf32> to vector<2000x3xf32>
      %slice3A_108 = vector.extract_strided_slice %get3A_81 {offsets = [0, 0], sizes = [2000, 3], strides = [1, 1]} : vector<2000x19xf32> to vector<2000x3xf32>
      %add3A_109 = arith.addf %slice3A_107, %slice3A_108 : vector<2000x3xf32>
      %concatenate3A_110 = tpu.concatenate %add3A_109, %add3A_106 in 1 : vector<2000x3xf32>, vector<2000x5xf32> -> vector<2000x8xf32>
      %swap3A = arith.constant 0 : index
      %swap3A_111 = arith.constant 0 : index
      %swap3A_112 = vector.load %arg10[%swap3A, %swap3A_111] : memref<2000x8xf32, #tpu.memory_space<vmem>>, vector<2000x8xf32>
      tpu.vector_store %arg10[%swap3A, %swap3A_111], %concatenate3A_110 {strides = array<i32>} : memref<2000x8xf32, #tpu.memory_space<vmem>>, vector<2000x8xf32>,
      %get3A_113 = arith.constant 0 : index
      %get3A_114 = arith.constant 0 : index
      %get3A_115 = vector.load %arg13[%get3A_113, %get3A_114] : memref<128x8xf32, #tpu.memory_space<vmem>>, vector<128x8xf32>
      %dot_general3A_116 = arith.constant dense<0.000000e+00> : vector<128x8xf32>
      %dot_general3A_117 = tpu.matmul %convert_element_type3A_3, %concatenate3A_110, %dot_general3A_116 {dimension_numbers = #tpu.dot_dimension_numbers<[0], [0], [1], [1], [0, 1, 1, 1], [], []>, transpose_lhs_hint = false} : vector<2000x128xf32>, vector<2000x8xf32>, vector<128x8xf32> -> vector<128x8xf32>
      %add3A_118 = arith.addf %get3A_115, %dot_general3A_117 : vector<128x8xf32>
      %swap3A_119 = arith.constant 0 : index
      %swap3A_120 = arith.constant 0 : index
      %swap3A_121 = vector.load %arg13[%swap3A_119, %swap3A_120] : memref<128x8xf32, #tpu.memory_space<vmem>>, vector<128x8xf32>
      tpu.vector_store %arg13[%swap3A_119, %swap3A_120], %add3A_118 {strides = array<i32>} : memref<128x8xf32, #tpu.memory_space<vmem>>, vector<128x8xf32>,
      %get3A_122 = arith.constant 0 : index
      %get3A_123 = arith.constant 0 : index
      %get3A_124 = vector.load %arg14[%get3A_122, %get3A_123] : memref<8x8xf32, #tpu.memory_space<vmem>>, vector<1x8xf32>
      %reduce_sum3A = arith.constant dense<0.000000e+00> : vector<8xf32>
      %reduce_sum3A_125 = vector.multi_reduction <add>, %concatenate3A_110, %reduce_sum3A [0] : vector<2000x8xf32> to vector<8xf32>
      %broadcast_in_dim3A_126 = vector.shape_cast %reduce_sum3A_125 : vector<8xf32> to vector<1x8xf32>
      %add3A_127 = arith.addf %get3A_124, %broadcast_in_dim3A_126 : vector<1x8xf32>
      %swap3A_128 = arith.constant 0 : index
      %swap3A_129 = arith.constant 0 : index
      %swap3A_130 = vector.load %arg14[%swap3A_128, %swap3A_129] : memref<8x8xf32, #tpu.memory_space<vmem>>, vector<1x8xf32>
      tpu.vector_store %arg14[%swap3A_128, %swap3A_129], %add3A_127 {strides = array<i32>} : memref<8x8xf32, #tpu.memory_space<vmem>>, vector<1x8xf32>,
      %get3A_131 = arith.constant 1 : index
      %get3A_132 = arith.constant 0 : index
      %get3A_133 = vector.load %arg14[%get3A_131, %get3A_132] : memref<8x8xf32, #tpu.memory_space<vmem>>, vector<1x8xf32>
      %mul3A_134 = arith.mulf %concatenate3A_110, %concatenate3A_110 : vector<2000x8xf32>
      %reduce_sum3A_135 = arith.constant dense<0.000000e+00> : vector<8xf32>
      %reduce_sum3A_136 = vector.multi_reduction <add>, %mul3A_134, %reduce_sum3A_135 [0] : vector<2000x8xf32> to vector<8xf32>
      %broadcast_in_dim3A_137 = vector.shape_cast %reduce_sum3A_136 : vector<8xf32> to vector<1x8xf32>
      %add3A_138 = arith.addf %get3A_133, %broadcast_in_dim3A_137 : vector<1x8xf32>
      %swap3A_139 = arith.constant 1 : index
      %swap3A_140 = arith.constant 0 : index
      %swap3A_141 = vector.load %arg14[%swap3A_139, %swap3A_140] : memref<8x8xf32, #tpu.memory_space<vmem>>, vector<1x8xf32>
      tpu.vector_store %arg14[%swap3A_139, %swap3A_140], %add3A_138 {strides = array<i32>} : memref<8x8xf32, #tpu.memory_space<vmem>>, vector<1x8xf32>,
    } else {
    }
    %eq3A_31 = arith.constant 1 : i32
    %eq3A_32 = arith.cmpi eq, %arg0, %eq3A_31 : i32
    %eq3A_33 = arith.constant 24 : i32
    %eq3A_34 = arith.cmpi eq, %arg1, %eq3A_33 : i32
    %and3A_35 = arith.andi %eq3A_32, %eq3A_34 : i1
    %convert_element_type3A_36 = arith.extui %and3A_35 : i1 to i32
    %cond3A_37 = arith.constant 0 : i32
    %cond3A_38 = arith.cmpi ne, %convert_element_type3A_36, %cond3A_37 : i32
    scf.if %cond3A_38 {
      %get3A_39 = arith.constant 0 : index
      %get3A_40 = arith.constant 0 : index
      %get3A_41 = vector.load %arg13[%get3A_39, %get3A_40] : memref<128x8xf32, #tpu.memory_space<vmem>>, vector<128x8xf32>
      %get3A_42 = arith.constant 0 : index
      %get3A_43 = arith.constant 0 : index
      %get3A_44 = vector.load %arg12[%get3A_42, %get3A_43] : memref<128x8xf32, #tpu.memory_space<vmem>>, vector<128x8xf32>
      %get3A_45 = arith.constant 0 : index
      %get3A_46 = arith.constant 0 : index
      %get3A_47 = vector.load %arg14[%get3A_45, %get3A_46] : memref<8x8xf32, #tpu.memory_space<vmem>>, vector<8x8xf32>
      %concatenate3A = tpu.concatenate %get3A_41, %get3A_44, %get3A_47 in 0 : vector<128x8xf32>, vector<128x8xf32>, vector<8x8xf32> -> vector<264x8xf32>
      %swap3A = arith.constant 0 : index
      %swap3A_48 = arith.constant 0 : index
      %swap3A_49 = vector.load %arg11[%swap3A, %swap3A_48] : memref<264x8xf32, #tpu.memory_space<vmem>>, vector<264x8xf32>
      tpu.vector_store %arg11[%swap3A, %swap3A_48], %concatenate3A {strides = array<i32>} : memref<264x8xf32, #tpu.memory_space<vmem>>, vector<264x8xf32>,
    } else {
    }
    return
  }
  func.func @transform_0(%arg0: i32, %arg1: i32) -> (i32, i32) {
    %c0_i32 = arith.constant 0 : i32
    %c0_i32_0 = arith.constant 0 : i32
    return %arg1, %c0_i32 : i32, i32
  }
  func.func @transform_1(%arg0: i32, %arg1: i32) -> (i32, i32) {
    %c0_i32 = arith.constant 0 : i32
    %c0_i32_0 = arith.constant 0 : i32
    return %arg1, %c0_i32 : i32, i32
  }
  func.func @transform_2(%arg0: i32, %arg1: i32) -> (i32, i32) {
    %c0_i32 = arith.constant 0 : i32
    %c0_i32_0 = arith.constant 0 : i32
    return %arg1, %c0_i32 : i32, i32
  }
  func.func @transform_3(%arg0: i32, %arg1: i32) -> (i32, i32) {
    %c0_i32 = arith.constant 0 : i32
    %c0_i32_0 = arith.constant 0 : i32
    %c0_i32_1 = arith.constant 0 : i32
    return %c0_i32, %c0_i32_0 : i32, i32
  }
  func.func @transform_4(%arg0: i32, %arg1: i32) -> (i32, i32) {
    %c0_i32 = arith.constant 0 : i32
    %c0_i32_0 = arith.constant 0 : i32
    %c0_i32_1 = arith.constant 0 : i32
    return %c0_i32, %c0_i32_0 : i32, i32
  }
  func.func @transform_5(%arg0: i32, %arg1: i32) -> (i32, i32) {
    %c0_i32 = arith.constant 0 : i32
    %c0_i32_0 = arith.constant 0 : i32
    %c0_i32_1 = arith.constant 0 : i32
    return %c0_i32, %c0_i32_0 : i32, i32
  }
  func.func @transform_6(%arg0: i32, %arg1: i32) -> (i32, i32) {
    %c0_i32 = arith.constant 0 : i32
    %c0_i32_0 = arith.constant 0 : i32
    %c0_i32_1 = arith.constant 0 : i32
    return %c0_i32, %c0_i32_0 : i32, i32
  }
  func.func @transform_7(%arg0: i32, %arg1: i32) -> (i32, i32) {
    %c0_i32 = arith.constant 0 : i32
    %c0_i32_0 = arith.constant 0 : i32
    %c0_i32_1 = arith.constant 0 : i32
    return %c0_i32, %c0_i32_0 : i32, i32
  }
  func.func @transform_8(%arg0: i32, %arg1: i32) -> (i32, i32) {
    %c0_i32 = arith.constant 0 : i32
    %c0_i32_0 = arith.constant 0 : i32
    return %arg1, %c0_i32 : i32, i32
  }
  func.func @transform_9(%arg0: i32, %arg1: i32) -> (i32, i32) {
    %c0_i32 = arith.constant 0 : i32
    %c0_i32_0 = arith.constant 0 : i32
    %c0_i32_1 = arith.constant 0 : i32
    return %c0_i32, %c0_i32_0 : i32, i32
  }
}

module attributes {stable_mosaic.version = 14 : i64} {
  func.func @_gnapply_body(%arg0: i32, %arg1: memref<2000x8xf32, #tpu.memory_space<vmem>>, %arg2: memref<264x8xf32, #tpu.memory_space<vmem>>, %arg3: memref<1x8xf32, #tpu.memory_space<vmem>>, %arg4: memref<1x8xf32, #tpu.memory_space<vmem>>, %arg5: memref<1x8xf32, #tpu.memory_space<vmem>>, %arg6: memref<2000x8xf32, #tpu.memory_space<vmem>>) attributes {dimension_semantics = [#tpu.dimension_semantics<arbitrary>], iteration_bounds = array<i64: 25>, scalar_prefetch = 0 : i64, scratch_operands = 0 : i64, tpu.core_type = #tpu.core_type<tc>, window_params = [{transform_indices = @transform_0, window_bounds = array<i64: 2000, 8>}, {pipeline_mode = #tpu.pipeline_mode<synchronous>, transform_indices = @transform_1, window_bounds = array<i64: 264, 8>}, {pipeline_mode = #tpu.pipeline_mode<synchronous>, transform_indices = @transform_2, window_bounds = array<i64: 1, 8>}, {pipeline_mode = #tpu.pipeline_mode<synchronous>, transform_indices = @transform_3, window_bounds = array<i64: 1, 8>}, {pipeline_mode = #tpu.pipeline_mode<synchronous>, transform_indices = @transform_4, window_bounds = array<i64: 1, 8>}, {transform_indices = @transform_5, window_bounds = array<i64: 2000, 8>}]} {
    %get3A = arith.constant 0 : index
    %get3A_0 = arith.constant 0 : index
    %get3A_1 = vector.load %arg2[%get3A, %get3A_0] : memref<264x8xf32, #tpu.memory_space<vmem>>, vector<264x8xf32>
    %get3A_2 = arith.constant 0 : index
    %get3A_3 = arith.constant 0 : index
    %get3A_4 = vector.load %arg5[%get3A_2, %get3A_3] : memref<1x8xf32, #tpu.memory_space<vmem>>, vector<1x8xf32>
    %get3A_5 = arith.constant 0 : index
    %get3A_6 = arith.constant 0 : index
    %get3A_7 = vector.load %arg3[%get3A_5, %get3A_6] : memref<1x8xf32, #tpu.memory_space<vmem>>, vector<1x8xf32>
    %slice3A = vector.extract_strided_slice %get3A_1 {offsets = [256, 0], sizes = [1, 8], strides = [1, 1]} : vector<264x8xf32> to vector<1x8xf32>
    %slice3A_8 = vector.extract_strided_slice %get3A_1 {offsets = [257, 0], sizes = [1, 8], strides = [1, 1]} : vector<264x8xf32> to vector<1x8xf32>
    %div3A = arith.constant 5.000000e+04 : f32
    %div3A_9 = vector.broadcast %div3A : f32 to vector<1x8xf32>
    %div3A_10 = arith.divf %slice3A, %div3A_9 : vector<1x8xf32>
    %mul3A = arith.mulf %div3A_10, %get3A_4 : vector<1x8xf32>
    %div3A_11 = arith.constant 5.000000e+04 : f32
    %div3A_12 = vector.broadcast %div3A_11 : f32 to vector<1x8xf32>
    %div3A_13 = arith.divf %slice3A_8, %div3A_12 : vector<1x8xf32>
    %mul3A_14 = arith.constant 2.000000e+00 : f32
    %mul3A_15 = vector.broadcast %mul3A_14 : f32 to vector<1x8xf32>
    %mul3A_16 = arith.mulf %mul3A_15, %mul3A : vector<1x8xf32>
    %mul3A_17 = arith.mulf %mul3A_16, %slice3A : vector<1x8xf32>
    %div3A_18 = arith.constant 5.000000e+04 : f32
    %div3A_19 = vector.broadcast %div3A_18 : f32 to vector<1x8xf32>
    %div3A_20 = arith.divf %mul3A_17, %div3A_19 : vector<1x8xf32>
    %sub3A = arith.subf %div3A_13, %div3A_20 : vector<1x8xf32>
    %mul3A_21 = arith.mulf %mul3A, %mul3A : vector<1x8xf32>
    %add3A = arith.addf %sub3A, %mul3A_21 : vector<1x8xf32>
    %add3A_22 = arith.constant 9.99999974E-6 : f32
    %add3A_23 = vector.broadcast %add3A_22 : f32 to vector<1x8xf32>
    %add3A_24 = arith.addf %add3A, %add3A_23 : vector<1x8xf32>
    %rsqrt3A = math.rsqrt %add3A_24 : vector<1x8xf32>
    %mul3A_25 = arith.mulf %get3A_7, %rsqrt3A : vector<1x8xf32>
    %get3A_26 = arith.constant 0 : index
    %get3A_27 = arith.constant 0 : index
    %get3A_28 = vector.load %arg1[%get3A_26, %get3A_27] : memref<2000x8xf32, #tpu.memory_space<vmem>>, vector<2000x8xf32>
    %sub3A_29 = vector.broadcast %mul3A : vector<1x8xf32> to vector<2000x8xf32>
    %sub3A_30 = arith.subf %get3A_28, %sub3A_29 : vector<2000x8xf32>
    %mul3A_31 = vector.broadcast %mul3A_25 : vector<1x8xf32> to vector<2000x8xf32>
    %mul3A_32 = arith.mulf %mul3A_31, %sub3A_30 : vector<2000x8xf32>
    %get3A_33 = arith.constant 0 : index
    %get3A_34 = arith.constant 0 : index
    %get3A_35 = vector.load %arg4[%get3A_33, %get3A_34] : memref<1x8xf32, #tpu.memory_space<vmem>>, vector<1x8xf32>
    %add3A_36 = vector.broadcast %get3A_35 : vector<1x8xf32> to vector<2000x8xf32>
    %add3A_37 = arith.addf %mul3A_32, %add3A_36 : vector<2000x8xf32>
    %max3A = arith.constant 0.000000e+00 : f32
    %max3A_38 = vector.broadcast %max3A : f32 to vector<2000x8xf32>
    %max3A_39 = arith.maximumf %add3A_37, %max3A_38 : vector<2000x8xf32>
    %swap3A = arith.constant 0 : index
    %swap3A_40 = arith.constant 0 : index
    %swap3A_41 = vector.load %arg6[%swap3A, %swap3A_40] : memref<2000x8xf32, #tpu.memory_space<vmem>>, vector<2000x8xf32>
    tpu.vector_store %arg6[%swap3A, %swap3A_40], %max3A_39 {strides = array<i32>} : memref<2000x8xf32, #tpu.memory_space<vmem>>, vector<2000x8xf32>,
    return
  }
  func.func @transform_0(%arg0: i32) -> (i32, i32) {
    %c0_i32 = arith.constant 0 : i32
    %c0_i32_0 = arith.constant 0 : i32
    return %arg0, %c0_i32 : i32, i32
  }
  func.func @transform_1(%arg0: i32) -> (i32, i32) {
    %c0_i32 = arith.constant 0 : i32
    %c0_i32_0 = arith.constant 0 : i32
    %c0_i32_1 = arith.constant 0 : i32
    return %c0_i32, %c0_i32_0 : i32, i32
  }
  func.func @transform_2(%arg0: i32) -> (i32, i32) {
    %c0_i32 = arith.constant 0 : i32
    %c0_i32_0 = arith.constant 0 : i32
    %c0_i32_1 = arith.constant 0 : i32
    return %c0_i32, %c0_i32_0 : i32, i32
  }
  func.func @transform_3(%arg0: i32) -> (i32, i32) {
    %c0_i32 = arith.constant 0 : i32
    %c0_i32_0 = arith.constant 0 : i32
    %c0_i32_1 = arith.constant 0 : i32
    return %c0_i32, %c0_i32_0 : i32, i32
  }
  func.func @transform_4(%arg0: i32) -> (i32, i32) {
    %c0_i32 = arith.constant 0 : i32
    %c0_i32_0 = arith.constant 0 : i32
    %c0_i32_1 = arith.constant 0 : i32
    return %c0_i32, %c0_i32_0 : i32, i32
  }
  func.func @transform_5(%arg0: i32) -> (i32, i32) {
    %c0_i32 = arith.constant 0 : i32
    %c0_i32_0 = arith.constant 0 : i32
    return %arg0, %c0_i32 : i32, i32
  }
}

module attributes {stable_mosaic.version = 14 : i64} {
  func.func @_head_body(%arg0: memref<264x8xf32, #tpu.memory_space<vmem>>, %arg1: memref<1x8xf32, #tpu.memory_space<vmem>>, %arg2: memref<1x8xf32, #tpu.memory_space<vmem>>, %arg3: memref<1x8xf32, #tpu.memory_space<vmem>>, %arg4: memref<8x32xf32, #tpu.memory_space<vmem>>, %arg5: memref<1x32xf32, #tpu.memory_space<vmem>>, %arg6: memref<32x10xf32, #tpu.memory_space<vmem>>, %arg7: memref<1x10xf32, #tpu.memory_space<vmem>>, %arg8: memref<128x10xf32, #tpu.memory_space<vmem>>) attributes {dimension_semantics = [], scalar_prefetch = 0 : i64, scratch_operands = 0 : i64, tpu.core_type = #tpu.core_type<tc>} {
    %get3A = arith.constant 0 : index
    %get3A_0 = arith.constant 0 : index
    %get3A_1 = vector.load %arg0[%get3A, %get3A_0] : memref<264x8xf32, #tpu.memory_space<vmem>>, vector<264x8xf32>
    %get3A_2 = arith.constant 0 : index
    %get3A_3 = arith.constant 0 : index
    %get3A_4 = vector.load %arg3[%get3A_2, %get3A_3] : memref<1x8xf32, #tpu.memory_space<vmem>>, vector<1x8xf32>
    %get3A_5 = arith.constant 0 : index
    %get3A_6 = arith.constant 0 : index
    %get3A_7 = vector.load %arg1[%get3A_5, %get3A_6] : memref<1x8xf32, #tpu.memory_space<vmem>>, vector<1x8xf32>
    %slice3A = vector.extract_strided_slice %get3A_1 {offsets = [256, 0], sizes = [1, 8], strides = [1, 1]} : vector<264x8xf32> to vector<1x8xf32>
    %slice3A_8 = vector.extract_strided_slice %get3A_1 {offsets = [257, 0], sizes = [1, 8], strides = [1, 1]} : vector<264x8xf32> to vector<1x8xf32>
    %div3A = arith.constant 5.000000e+04 : f32
    %div3A_9 = vector.broadcast %div3A : f32 to vector<1x8xf32>
    %div3A_10 = arith.divf %slice3A, %div3A_9 : vector<1x8xf32>
    %mul3A = arith.mulf %div3A_10, %get3A_4 : vector<1x8xf32>
    %div3A_11 = arith.constant 5.000000e+04 : f32
    %div3A_12 = vector.broadcast %div3A_11 : f32 to vector<1x8xf32>
    %div3A_13 = arith.divf %slice3A_8, %div3A_12 : vector<1x8xf32>
    %mul3A_14 = arith.constant 2.000000e+00 : f32
    %mul3A_15 = vector.broadcast %mul3A_14 : f32 to vector<1x8xf32>
    %mul3A_16 = arith.mulf %mul3A_15, %mul3A : vector<1x8xf32>
    %mul3A_17 = arith.mulf %mul3A_16, %slice3A : vector<1x8xf32>
    %div3A_18 = arith.constant 5.000000e+04 : f32
    %div3A_19 = vector.broadcast %div3A_18 : f32 to vector<1x8xf32>
    %div3A_20 = arith.divf %mul3A_17, %div3A_19 : vector<1x8xf32>
    %sub3A = arith.subf %div3A_13, %div3A_20 : vector<1x8xf32>
    %mul3A_21 = arith.mulf %mul3A, %mul3A : vector<1x8xf32>
    %add3A = arith.addf %sub3A, %mul3A_21 : vector<1x8xf32>
    %add3A_22 = arith.constant 9.99999974E-6 : f32
    %add3A_23 = vector.broadcast %add3A_22 : f32 to vector<1x8xf32>
    %add3A_24 = arith.addf %add3A, %add3A_23 : vector<1x8xf32>
    %rsqrt3A = math.rsqrt %add3A_24 : vector<1x8xf32>
    %mul3A_25 = arith.mulf %get3A_7, %rsqrt3A : vector<1x8xf32>
    %slice3A_26 = vector.extract_strided_slice %get3A_1 {offsets = [0, 0], sizes = [128, 8], strides = [1, 1]} : vector<264x8xf32> to vector<128x8xf32>
    %slice3A_27 = vector.extract_strided_slice %get3A_1 {offsets = [128, 0], sizes = [128, 1], strides = [1, 1]} : vector<264x8xf32> to vector<128x1xf32>
    %mul3A_28 = vector.broadcast %mul3A : vector<1x8xf32> to vector<128x8xf32>
    %mul3A_29 = vector.broadcast %slice3A_27 : vector<128x1xf32> to vector<128x8xf32>
    %mul3A_30 = arith.mulf %mul3A_28, %mul3A_29 : vector<128x8xf32>
    %sub3A_31 = arith.subf %slice3A_26, %mul3A_30 : vector<128x8xf32>
    %mul3A_32 = vector.broadcast %mul3A_25 : vector<1x8xf32> to vector<128x8xf32>
    %mul3A_33 = arith.mulf %mul3A_32, %sub3A_31 : vector<128x8xf32>
    %get3A_34 = arith.constant 0 : index
    %get3A_35 = arith.constant 0 : index
    %get3A_36 = vector.load %arg2[%get3A_34, %get3A_35] : memref<1x8xf32, #tpu.memory_space<vmem>>, vector<1x8xf32>
    %mul3A_37 = vector.broadcast %get3A_36 : vector<1x8xf32> to vector<128x8xf32>
    %mul3A_38 = vector.broadcast %slice3A_27 : vector<128x1xf32> to vector<128x8xf32>
    %mul3A_39 = arith.mulf %mul3A_37, %mul3A_38 : vector<128x8xf32>
    %add3A_40 = arith.addf %mul3A_33, %mul3A_39 : vector<128x8xf32>
    %max3A = arith.constant 1.000000e+00 : f32
    %max3A_41 = vector.broadcast %max3A : f32 to vector<128x1xf32>
    %max3A_42 = arith.maximumf %slice3A_27, %max3A_41 : vector<128x1xf32>
    %div3A_43 = vector.broadcast %max3A_42 : vector<128x1xf32> to vector<128x8xf32>
    %div3A_44 = arith.divf %add3A_40, %div3A_43 : vector<128x8xf32>
    %get3A_45 = arith.constant 0 : index
    %get3A_46 = arith.constant 0 : index
    %get3A_47 = vector.load %arg4[%get3A_45, %get3A_46] : memref<8x32xf32, #tpu.memory_space<vmem>>, vector<8x32xf32>
    %dot_general3A = arith.constant dense<0.000000e+00> : vector<128x32xf32>
    %dot_general3A_48 = tpu.matmul %div3A_44, %get3A_47, %dot_general3A {dimension_numbers = #tpu.dot_dimension_numbers<[1], [0], [0], [1], [0, 0, 1, 1], [], []>, transpose_lhs_hint = false} : vector<128x8xf32>, vector<8x32xf32>, vector<128x32xf32> -> vector<128x32xf32>
    %get3A_49 = arith.constant 0 : index
    %get3A_50 = arith.constant 0 : index
    %get3A_51 = vector.load %arg5[%get3A_49, %get3A_50] : memref<1x32xf32, #tpu.memory_space<vmem>>, vector<1x32xf32>
    %add3A_52 = vector.broadcast %get3A_51 : vector<1x32xf32> to vector<128x32xf32>
    %add3A_53 = arith.addf %dot_general3A_48, %add3A_52 : vector<128x32xf32>
    %max3A_54 = arith.constant 0.000000e+00 : f32
    %max3A_55 = vector.broadcast %max3A_54 : f32 to vector<128x32xf32>
    %max3A_56 = arith.maximumf %add3A_53, %max3A_55 : vector<128x32xf32>
    %get3A_57 = arith.constant 0 : index
    %get3A_58 = arith.constant 0 : index
    %get3A_59 = vector.load %arg6[%get3A_57, %get3A_58] : memref<32x10xf32, #tpu.memory_space<vmem>>, vector<32x10xf32>
    %dot_general3A_60 = arith.constant dense<0.000000e+00> : vector<128x10xf32>
    %dot_general3A_61 = tpu.matmul %max3A_56, %get3A_59, %dot_general3A_60 {dimension_numbers = #tpu.dot_dimension_numbers<[1], [0], [0], [1], [0, 0, 1, 1], [], []>, transpose_lhs_hint = false} : vector<128x32xf32>, vector<32x10xf32>, vector<128x10xf32> -> vector<128x10xf32>
    %get3A_62 = arith.constant 0 : index
    %get3A_63 = arith.constant 0 : index
    %get3A_64 = vector.load %arg7[%get3A_62, %get3A_63] : memref<1x10xf32, #tpu.memory_space<vmem>>, vector<1x10xf32>
    %add3A_65 = vector.broadcast %get3A_64 : vector<1x10xf32> to vector<128x10xf32>
    %add3A_66 = arith.addf %dot_general3A_61, %add3A_65 : vector<128x10xf32>
    %swap3A = arith.constant 0 : index
    %swap3A_67 = arith.constant 0 : index
    %swap3A_68 = vector.load %arg8[%swap3A, %swap3A_67] : memref<128x10xf32, #tpu.memory_space<vmem>>, vector<128x10xf32>
    tpu.vector_store %arg8[%swap3A, %swap3A_67], %add3A_66 {strides = array<i32>} : memref<128x10xf32, #tpu.memory_space<vmem>>, vector<128x10xf32>,
    return
  }
}

</mosaic_0001>

<sc_bundles>
// kernel: scatter_offload_async_start.1
scs
__scs_entry_jumppad:
0x0: {  	(pc) =	sbr.rel $0x88, $3  }
0x1: {  	(tag) =	ssettag $0x0;
	lr =	simm.s32 $0x1  }
0x2: {  	[smem:$0x3F60] =	sst lr;
	_ =	strace $0xD0000000  }
0x3: {  	_ = 	snop  }
0x4: {  	_ = 	snop  }
0x5: {  	_ = 	snop  }
0x6: {  	_ = 	snop  }
0x7: {  	_ = 	snop  }
__scs_overlays_trampoline_lowered:
0x8: {  	[smem:$0x3F6F] =	sst s0  }
0x9: {  	[smem:$0x3F70] =	sst s1  }
0xa: {  	[smem:$0x3F71] =	sst s2  }
0xb: {  	[smem:$0x3F72] =	sst s3  }
0xc: {  	[smem:$0x3F73] =	sst s4  }
0xd: {  	[smem:$0x3F74] =	sst s5  }
0xe: {  	[smem:$0x3F75] =	sst s6  }
0xf: {  	[smem:$0x3F76] =	sst s7  }
0x10: {  	[smem:$0x3F77] =	sst s8  }
0x11: {  	[smem:$0x3F78] =	sst s9;
	s0 =	simm.s32 @!p0 $0x0  }
0x12: {  	s1 =	sld [smem:$0x3F5E];
	s0 =	simm.s32 @p0 $0x1  }
0x13: {  	[smem:$0x3F79] =	sst s0;
	s0 =	simm.s32 @!p1 $0x0  }
0x14: {  	s2 =	sld [smem:$0x3F5D];
	s0 =	simm.s32 @p1 $0x1  }
0x15: {  	[smem:$0x3F7A] =	sst s0;
	s0 =	simm.s32 @!p2 $0x0  }
0x16: {  	s3 =	sld [smem:$0x3FDB];
	s0 =	simm.s32 @p2 $0x1  }
0x17: {  	s4 =	simm.s32 $0x1BF5;
	[smem:$0x3F7C] =	sst s0  }
0x18: {  	s0 =	sld [smem:$0x3F5F];
	_ =	swait.ge [sflag:s4], $0x0  }
0x19: {  	s7 =	sld [smem:$0x3F60]  }
0x1a: {  	s8 =	sadd.s32 $0xFFFFE003, lr  }
0x1b: {  	s9 =	sadd.s32 $0xFFFFFEF7, lr;
	s5 =	simm.s32 $0xFFFFFFFF;
	p2 =	slt.u32 s8, $0xFFFFF086  }
0x1c: {  	p1 =	slt.u32 s9, $0xF7A;
	s5 =	simm.s32 @!p2 $0x0  }
0x1d: {  	s5 =	simm.s32 @p1 $0x1;
	p0 =	seq.s32 s7, s2  }
0x1e: {  	s7 =	smul.u32 @!p0 $0xF7A, s2;
	p2 =	seq.s32 @!p0 s5, $0x0  }
0x1f: {  	s9 =	smul.u32 $0xF7A, s1;
	s8 =	simm.s32 @!p0 $0x1BF5;
	p2 =	por !p2, p0  }
0x20: {  	[sflag:s8] =	ssyncset.s32 @!p0 $0xFFFFF086;
	s6 =	sadd.s32 @!p0 s3, s7;
	s7 =	simm.s32 @!p0 $0x108  }
0x21: {  	s3 =	sadd.s32 s3, s9;
	s6 =	sadd.s32 @!p0 $0x88, s6;
	s7 =	simm.s32 @p2 $0x1082  }
0x22: {  	[simem:s7], [sflag:s8] =	dma.local @!p0 [hbm:s6], $0xF7A  }
0x23: {  	s9 =	sor.u32 $0xD0000000, s2;
	s6 =	simm.s32 $0x108;
	_ =	swait.ge @!p0 [sflag:s8], $0x0  }
0x24: {  	s3 =	sadd.s32 $0x88, s3;
	s6 =	simm.s32 @!p1 $0x1082;
	[sflag:s4] =	ssyncset.s32 $0xFFFFF086  }
0x25: {  	[simem:s6], [sflag:s4] =	dma.local [hbm:s3], $0xF7A  }
0x26: {  	[smem:$0x3F60] =	sst s1;
	(tag) =	ssettag s2;
	_ =	strace s9  }
0x27: {  	s1 =	sld [smem:$0x3F70]  }
0x28: {  	s2 =	sld [smem:$0x3F71]  }
0x29: {  	s4 =	sld [smem:$0x3F73]  }
0x2a: {  	p0 =	seq.s32 s5, $0x0;
	s5 =	sld [smem:$0x3F74]  }
0x2b: {  	s6 =	sld [smem:$0x3F75]  }
0x2c: {  	s7 =	sld [smem:$0x3F76]  }
0x2d: {  	s3 =	simm.s32 $0x108;
	s8 =	sld [smem:$0x3F77]  }
0x2e: {  	s3 =	simm.s32 @!p0 $0x1082;
	s9 =	sld [smem:$0x3F78]  }
0x2f: {  	lr =	sadd.s32 s0, s3;
	s0 =	sld [smem:$0x3F6F]  }
0x30: {  	s3 =	sld [smem:$0x3F72]  }
0x31: {  	[smem:$0x3F7B] =	sst s10  }
0x32: {  	s10 =	sld [smem:$0x3F79];
	_ =	sdelay $0x3  }
0x33: {  	p0 =	seq.s32 s10, $0x1;
	s10 =	sld [smem:$0x3F7B];
	_ =	sdelay $0x3  }
0x34: {  	[smem:$0x3F7B] =	sst s10  }
0x35: {  	s10 =	sld [smem:$0x3F7A];
	_ =	sdelay $0x3  }
0x36: {  	p1 =	seq.s32 s10, $0x1;
	s10 =	sld [smem:$0x3F7B];
	_ =	sdelay $0x3  }
0x37: {  	[smem:$0x3F7B] =	sst s10  }
0x38: {  	s10 =	sld [smem:$0x3F7C]  }
0x39: {  	_ = 	snop;
	(pc) =	sbr.ind lr, $3  }
0x3a: {  	_ = 	snop  }
0x3b: {  	_ = 	snop  }
0x3c: {  	p2 =	seq.s32 s10, $0x1;
	s10 =	sld [smem:$0x3F7B]  }
0x3d: {  	_ =	shalt  }
0x3e: {  	_ =	shalt  }
0x3f: {  	_ =	shalt  }
0x40: {  	_ =	shalt  }
0x41: {  	_ =	shalt  }
0x42: {  	_ =	shalt  }
0x43: {  	_ =	shalt  }
0x44: {  	_ =	shalt  }
0x45: {  	_ =	shalt  }
0x46: {  	_ =	shalt  }
0x47: {  	_ =	shalt  }
0x48: {  	_ =	shalt  }
0x49: {  	_ =	shalt  }
0x4a: {  	_ =	shalt  }
0x4b: {  	_ =	shalt  }
0x4c: {  	_ =	shalt  }
0x4d: {  	_ =	shalt  }
0x4e: {  	_ =	shalt  }
0x4f: {  	_ =	shalt  }
0x50: {  	_ =	shalt  }
0x51: {  	_ =	shalt  }
0x52: {  	_ =	shalt  }
0x53: {  	_ =	shalt  }
0x54: {  	_ =	shalt  }
0x55: {  	_ =	shalt  }
0x56: {  	_ =	shalt  }
0x57: {  	_ =	shalt  }
0x58: {  	_ =	shalt  }
0x59: {  	_ =	shalt  }
0x5a: {  	_ =	shalt  }
0x5b: {  	_ =	shalt  }
0x5c: {  	_ =	shalt  }
0x5d: {  	_ =	shalt  }
0x5e: {  	_ =	shalt  }
0x5f: {  	_ =	shalt  }
0x60: {  	_ =	shalt  }
0x61: {  	_ =	shalt  }
0x62: {  	_ =	shalt  }
0x63: {  	_ =	shalt  }
0x64: {  	_ =	shalt  }
0x65: {  	_ =	shalt  }
0x66: {  	_ =	shalt  }
0x67: {  	_ =	shalt  }
0x68: {  	_ =	shalt  }
0x69: {  	_ =	shalt  }
0x6a: {  	_ =	shalt  }
0x6b: {  	_ =	shalt  }
0x6c: {  	_ =	shalt  }
0x6d: {  	_ =	shalt  }
0x6e: {  	_ =	shalt  }
0x6f: {  	_ =	shalt  }
0x70: {  	_ =	shalt  }
0x71: {  	_ =	shalt  }
0x72: {  	_ =	shalt  }
0x73: {  	_ =	shalt  }
0x74: {  	_ =	shalt  }
0x75: {  	_ =	shalt  }
0x76: {  	_ =	shalt  }
0x77: {  	_ =	shalt  }
0x78: {  	_ =	shalt  }
0x79: {  	_ =	shalt  }
0x7a: {  	_ =	shalt  }
0x7b: {  	_ =	shalt  }
0x7c: {  	_ =	shalt  }
0x7d: {  	_ =	shalt  }
0x7e: {  	_ =	shalt  }
0x7f: {  	_ =	shalt  }
0x80: {  	_ =	shalt  }
0x81: {  	_ =	shalt  }
0x82: {  	_ =	shalt  }
0x83: {  	_ =	shalt  }
0x84: {  	_ =	shalt  }
0x85: {  	_ =	shalt  }
0x86: {  	_ =	shalt  }
0x87: {  	_ =	shalt  }
.Lfunc_end0:
.L_simem_size_0:
called_computation.1_lowered:
.L_overlay_start_0:
0x88: {  	s2 =	sld [smem:$0x3FD9]  }
0x89: {  	s3 =	sld [smem:$0x3FFE];
	_ =	sdelay $0x1  }
0x8a: {  	s1 =	srdreg.scid  }
0x8b: {  	s0 =	sand.u32 $0x1, s1  }
0x8c: {  	s15 =	sshll.u32 s0, $0xA;
	s2 =	sadd.s32 s3, s2  }
0x8d: {  	s2 =	sadd.s32 s2, s15  }
0x8e: {  	[smem:$0x3F87] =	sst s2  }
0x8f: {  	_ = 	snop  }
0x90: {  	(tm) =	ssettm $0x1  }
0x91: {  	s16 =	sld [smem:$0x3FFB];
	_ =	sdelay $0x3  }
0x92: {  	_ =	strace s16  }
0x93: {  	s2 =	sld [smem:$0x3FFC];
	_ =	sdelay $0x3  }
0x94: {  	_ =	strace s2  }
0x95: {  	s2 =	sld [smem:$0x3FFD];
	_ =	sdelay $0x3  }
0x96: {  	_ =	strace s2  }
0x97: {  	_ =	strace $0x8FFFFFFF  }
0x98: {  	s17 =	sld [smem:$0x3FDB];
	_ =	sdelay $0x1  }
0x99: {  	s18 =	simm.s32 $_scs_section_size  }
0x9a: {  	s4 =	simm.s32 $_size__tile_overlayer_lowered;
	s5 =	simm.s32 $_tile_overlayer_lowered  }
0x9b: {  	s6 =	simm.s32 $0x1BFF;
	s19 =	sshll.u32 s5, $0x1;
	s3 =	sadd.s32 s18, s17  }
0x9c: {  	s20 =	simm.s32 $0x0;
	s4 =	sshll.u32 s4, $0x1;
	s5 =	sadd.s32 s19, s3  }
0x9d: {  	[timem:s20], [sflag:s6] =	dma.local [hbm:s5], s4  }
0x9e: {  	_ =	swait.ge [sflag:s6], s4  }
0x9f: {  	s4 =	ssub.s32 $0x0, s4;
	[sflag:s6] =	ssyncset.done $0x0  }
0xa0: {  	[sflag:s6] =	ssyncadd.s32 s4;
	_ =	sdelay $0x1  }
0xa1: {  	s21 =	simm.s32 $0x1B8B  }
0xa2: {  	_ =	swait.ge [sflag:s21], $0x1  }
0xa3: {  	[sflag:s21] =	ssyncset.done $0x0  }
0xa4: {  	s22 =	sld [smem:$0x3FFE];
	[sflag:s21] =	ssyncadd.s32 $0xFFFFFFFF  }
0xa5: {  	s24 =	simm.s32 $0x1B8E;
	s23 =	sld [smem:$0x0]  }
0xa6: {  	s25 =	simm.s32 $execute0_lowered;
	[smem:$0x3FD2] =	sst s24  }
0xa7: {  	s6 =	sshll.u32 s25, $0x1;
	_ =	strace $0x8000004C;
	[dreg:$0x1] =	wrdreg $0xFFFFFFFF  }
0xa8: {  	s7 =	simm.s32 $_size_execute0_lowered;
	s6 =	sadd.s32 s3, s6;
	[dreg:$0x0] =	wrdreg $0x0  }
0xa9: {  	s7 =	sshll.u32 s7, $0x1;
	[dreg:$0x2] =	wrdreg s6  }
0xaa: {  	[dreg:$0x3] =	wrdreg s7  }
0xab: {  	[dreg:$0x4] =	wrdreg $0xC0  }
0xac: {  	s26 =	simm.s32 $execute1_lowered;
	_ =	task [dreg:s20], $0x5FFFF  }
0xad: {  	s6 =	sshll.u32 s26, $0x1;
	[dreg:$0x1] =	wrdreg $0xFFFFFFFF  }
0xae: {  	s3 =	sadd.s32 s3, s6;
	[dreg:$0x0] =	wrdreg $0x60  }
0xaf: {  	[dreg:$0x2] =	wrdreg s3  }
0xb0: {  	[dreg:$0x3] =	wrdreg s22  }
0xb1: {  	[dreg:$0x4] =	wrdreg $0x9  }
0xb2: {  	_ =	task.clear_ibuf [dreg:s20], $0x5FFFF;
	_ =	strace $0x9000004C  }
0xb3: {  	s28 =	simm.s32 $0x9;
	_ =	strace $0x8000004E  }
0xb4: {  	_ =	swait.ge [sflag:s28], $0x1  }
0xb5: {  	[sflag:s28] =	ssyncadd.s32 $0xFFFFFFFF  }
0xb6: {  	_ =	strace $0x9000004E  }
0xb7: {  	s3 =	sld [smem:$0x0]  }
0xb8: {  	s6 =	sand.u32 $0xFFFFFFFE, s1  }
0xb9: {  	p0 =	sne.s32 s1, s6  }
0xba: {  	s6 =	sshll.u32 @p0 s6, $0xE  }
0xbb: {  	s6 =	sadd.s32 @p0 $0x11BF3, s6;
	s7 =	sshll.u32 @p0 s3, $0x11  }
0xbc: {  	s6 =	sor.u32 @p0 s7, s6  }
0xbd: {  	[sflag:s6] =	ssyncadd.remote.s32 @p0 $0x1;
	_ =	sdelay $0x1  }
0xbe: {  	s6 =	simm.s32 @p0 $0x1BF3  }
0xbf: {  	_ =	swait.eq @p0 [sflag:s6], $0x1  }
0xc0: {  	[sflag:s6] =	ssyncadd.s32 @p0 $0xFFFFFFFF  }
0xc1: {  	s7 =	sshll.u32 @!p0 s1, $0xE  }
0xc2: {  	s7 =	sor.u32 @!p0 $0x4000, s7;
	s6 =	simm.s32 @!p0 $0x1BF3  }
0xc3: {  	s3 =	sshll.u32 @!p0 s3, $0x11;
	s7 =	sadd.s32 @!p0 $0x11BF3, s7;
	_ =	swait.eq @!p0 [sflag:s6], $0x1  }
0xc4: {  	s3 =	sor.u32 @!p0 s3, s7;
	[sflag:s6] =	ssyncadd.s32 @!p0 $0xFFFFFFFF  }
0xc5: {  	[sflag:s3] =	ssyncadd.remote.s32 @!p0 $0x1  }
0xc6: {  	_ =	strace $0x8000004F;
	[dreg:$0x1] =	wrdreg $0xFFFFFFFF  }
0xc7: {  	[dreg:$0x0] =	wrdreg $0x2030  }
0xc8: {  	[dreg:$0x2] =	wrdreg s22  }
0xc9: {  	[dreg:$0x3] =	wrdreg s1  }
0xca: {  	[dreg:$0x4] =	wrdreg s23  }
0xcb: {  	[dreg:$0x5] =	wrdreg $0xA  }
0xcc: {  	_ =	task.clear_ibuf [dreg:s20], $0x6FFFF;
	_ =	strace $0x9000004F  }
0xcd: {  	s29 =	simm.s32 $0xA;
	_ =	strace $0x80000051  }
0xce: {  	_ =	swait.ge [sflag:s29], $0x1  }
0xcf: {  	[sflag:s29] =	ssyncadd.s32 $0xFFFFFFFF  }
0xd0: {  	_ =	strace $0x90000051  }
0xd1: {  	_ =	sfence  }
0xd2: {  	s30 =	sld [smem:$0x0];
	_ =	sdelay $0x2  }
0xd3: {  	s31 =	sshll.u32 s1, $0xD;
	s1 =	sshrl.u32 s1, $0x2  }
0xd4: {  	s4 =	sand.u32 $0x4000, s31;
	s1 =	sadd.s32 s1, s30  }
0xd5: {  	s0 =	sor.u32 s4, s0;
	s1 =	sshll.u32 s1, $0x11  }
0xd6: {  	s0 =	sor.u32 s1, s0  }
0xd7: {  	s0 =	sadd.s32 $0x8F2B, s0  }
0xd8: {  	[sflag:s0] =	ssyncadd.remote.s32 $0x1  }
0xd9: {  	_ =	sfence.sel $0xFFFF  }
0xda: {  	[dreg:$0x0] =	wrdreg $0xFFFFFFFF;
	(pc) =	sbr.abs _section_cstart, $3  }
0xdb: {  	[dreg:$0x1] =	wrdreg $0xFFFFFFFF  }
0xdc: {  	_ =	task.clear_ibuf [dreg:s20], $0x2FFFF;
	_ =	strace $0x9FFFFFFF  }
0xdd: {  	(tm) =	ssettm $0x7FFFFFFF  }
tec
execute0_lowered:
.L_overlay_start_1:
0x0: {  	(tag) =	ssettag $0x1  }
0x1: {  	s2 =	rddreg [dreg:$0x0]  }
0x2: {  	s5 =	rddreg [dreg:$0x1]  }
0x3: {  	s0 =	rddreg [dreg:$0x2];
	s3 =	stileid.u32;
	[bflag:$0x3] =	sbarrier.arrive $0xFFFF  }
0x4: {  	s1 =	simm.s32 $_size_execute1_lowered;
	s29 =	srdreg.scid;
	s31 =	simm.s32 $0x2  }
0x5: {  	s13 =	simm.s32 $0x0;
	s8 =	simm.s32 $0x20;
	p0 =	sne.s32 s3, $0x0  }
0x6: {  	s1 =	sshll.u32 s1, $0x1;
	s4 =	simm.s32 @!p0 $0x1C3F;
	s6 =	simm.s32 @!p0 $0x4060  }
0x7: {  	[timem:s6], [sflag:s4] =	dma.local @!p0 [hbm:s2], s1  }
0x8: {  	s9 =	simm.s32 $0x80;
	s11 =	simm.s32 $0x0;
	s2 =	sshll.u32 s29, $0x9  }
.Ltmp0:
0x9: {  	s3 =	sshll.u32 s3, $0xA;
	s30 =	sand.u32 $0x200, s2;
	(pc) =	sbr.rel .LBB2_1-.Ltmp0, $4  }
0xa: {  	s12 =	simm.s32 $0x0;
	_ =	strace $0x8000004D;
	s3 =	sor.u32 s3, s30  }
0xb: {  	s4 =	simm.s32 $0x1;
	s2 =	sadd.s32 $0x18EC00, s5;
	s7 =	ssub.s32 $0xC200, s3  }
0xc: {  	s5 =	sadd.s32 $0x69E00, s5;
	[sflag:s4] =	ssyncpa.u1 $0x0;
	s6 =	sshrl.u32 s7, $0xE  }
0xd: {  	[sflag:s31] =	ssyncpa.u1 $0x0;
	s10 =	smov.u32 s3;
	s7 =	sadd.s32 $0x2, s6  }
.LBB2_5:
0xe: {  	_ =	sdelay $0x3  }
0xf: {  	[tilespmem:v1+s16+$0x0 ss:$0x1] =	vst.idx.msk $0xffff, v2  }
0x10: {  	[tilespmem:v1+s17+$0x0 ss:$0x1] =	vst.idx.msk $0xffff, v3  }
.LBB2_6:
0x11: {  	s16 =	sand.u32 $0x1FFFFFF, s11  }
0x12: {  	s17 =	smulhi.u32 $0x14F8B59, s16;
	_ =	sdelay $0x1  }
0x13: {  	s17 =	sshrl.u32 s17, $0x8  }
0x14: {  	s17 =	smul.u32 $0xC350, s17;
	_ =	sdelay $0x1  }
0x15: {  	s16 =	ssub.s32 s16, s17  }
0x16: {  	s16 =	sshll.u32 s16, $0x4  }
0x17: {  	s16 =	sadd.s32 s5, s16  }
0x18: {  	[hbm4b:s16+s8] =	stream.strided.scatter [tilespmem:s15], [sflag:$0x2], s14, s9, s8, $0x38;
	[tilespmem:$0x10000] =	vst v63  }
.LBB2_7:
0x19: {  	p1 =	slt.u32 s12, $0x2  }
0x1a: {  	p2 =	sgt.s32 @!p1 s13, $0xC150  }
0x1b: {  	s14 =	smov.u32 s13;
	s15 =	sshra.s32 @!p1 s13, $0x1F;
	p2 =	por !p2, p1  }
0x1c: {  	s13 =	sand.u32 @!p1 s15, s13;
	s14 =	simm.s32 @p2 $0xC150  }
0x1d: {  	s13 =	ssub.s32 @!p1 s14, s13  }
0x1e: {  	s13 =	sadd.s32 @!p1 $0xFFFF3EB0, s13  }
0x1f: {  	s14 =	sshll.u32 @!p1 s13, $0x7  }
0x20: {  	p2 =	sgt.s32 @!p1 s13, $0x1FF;
	s13 =	ssub.s32 @!p1 $0x10000, s14  }
0x21: {  	s15 =	sadd.s32 $0x4000, s10;
	p2 =	por !p2, p1;
	s13 =	sshrl.u32 @!p1 s13, $0x2  }
0x22: {  	s13 =	simm.s32 @!p2 $0x0;
	p2 =	sgt.s32 s15, $0xC34F  }
0x23: {  	s15 =	smov.u32 @p2 s3;
	p2 =	sne.s32 s12, s7  }
.Ltmp1:
0x24: {  	_ = 	snop;
	(pc) =	sbr.rel @!p2 .LBB2_8-.Ltmp1, $4  }
0x25: {  	s14 =	simm.s32 @!p1 $0x2  }
0x26: {  	_ =	swait.ge @!p1 [sflag:s14], s13;
	s16 =	ssub.s32 @!p1 $0x0, s13  }
0x27: {  	s13 =	smov.u32 s11;
	s12 =	sadd.s32 $0x1, s12;
	[sflag:s14] =	ssyncset.done @!p1 $0x0  }
0x28: {  	s11 =	smov.u32 s10;
	s10 =	smov.u32 s15;
	[sflag:s14] =	ssyncadd.s32 @!p1 s16  }
.LBB2_1:
0x29: {  	p1 =	sgt.u32 s12, s6  }
0x2a: {  	s15 =	smov.u32 s10;
	p2 =	sgt.s32 @!p1 s10, $0xC150  }
0x2b: {  	s14 =	sand.u32 @!p1 $0x1FFFFFF, s10;
	s16 =	sshra.s32 @!p1 s10, $0x1F;
	p2 =	por !p2, p1  }
0x2c: {  	s17 =	smulhi.u32 @!p1 $0x14F8B59, s14;
	s16 =	sand.u32 @!p1 s16, s10;
	s15 =	simm.s32 @p2 $0xC150  }
0x2d: {  	s15 =	ssub.s32 @!p1 s15, s16  }
0x2e: {  	s16 =	sshrl.u32 @!p1 s17, $0x8;
	s15 =	sadd.s32 @!p1 $0xFFFF3EB0, s15  }
0x2f: {  	s17 =	sxor.u32 @!p1 $0xFFFFFFFF, s12;
	s16 =	smul.u32 @!p1 $0xC350, s16;
	s18 =	sshll.u32 @!p1 s15, $0x7  }
0x30: {  	s17 =	sshll.u32 @!p1 s17, $0xE;
	p2 =	sgt.s32 @!p1 s15, $0x1FF;
	s15 =	ssub.s32 @!p1 $0x10000, s18  }
0x31: {  	s14 =	ssub.s32 @!p1 s14, s16;
	p2 =	por !p2, p1;
	s16 =	sand.u32 @!p1 $0x4000, s17  }
0x32: {  	s17 =	simm.s32 @!p1 $0x20;
	s15 =	sshrl.u32 @!p1 s15, $0x2;
	s14 =	sshll.u32 @!p1 s14, $0x4  }
0x33: {  	s18 =	simm.s32 @!p1 $0x80;
	s15 =	simm.s32 @!p2 $0x0;
	s14 =	sadd.s32 @!p1 s2, s14  }
0x34: {  	[tilespmem:s16], [sflag:$0x1] =	stream.strided.gather @!p1 [hbm4b:s14+s17], s15, s18, s17, $0x38;
	[tilespmem:$0x10000] =	vst v63  }
0x35: {  	p1 =	seq.s32 s12, $0x0  }
0x36: {  	p2 =	sge.u32 @!p1 s12, s7  }
0x37: {  	p1 =	por p1, p2  }
.Ltmp2:
0x38: {  	_ = 	snop;
	(pc) =	sbr.rel @p1 .LBB2_7-.Ltmp2, $1  }
0x39: {  	_ =	sdelay $0x3  }
0x3a: {  	p1 =	sgt.s32 s11, $0xC150;
	s14 =	smov.u32 s11;
	s15 =	sshra.s32 s11, $0x1F  }
0x3b: {  	s14 =	simm.s32 @!p1 $0xC150;
	s15 =	sand.u32 s15, s11  }
0x3c: {  	s14 =	ssub.s32 s14, s15  }
0x3d: {  	s14 =	sadd.s32 $0xFFFF3EB0, s14  }
0x3e: {  	s31 =	sshll.u32 s14, $0x7  }
0x3f: {  	s15 =	ssub.s32 $0x10000, s31  }
0x40: {  	p1 =	sgt.s32 s14, $0x1FF;
	s14 =	sshrl.u32 s15, $0x2;
	s15 =	sadd.s32 $0x200, s11  }
0x41: {  	s14 =	simm.s32 @p1 $0x0;
	p1 =	slt.s32 s15, $0xC350  }
0x42: {  	s15 =	simm.s32 @!p1 $0xC350  }
0x43: {  	s18 =	ssub.s32 s15, s11  }
0x44: {  	p1 =	slt.s32 s18, $0x1  }
.Ltmp3:
0x45: {  	_ = 	snop;
	(pc) =	sbr.rel @p1 .LBB2_6-.Ltmp3, $4  }
0x46: {  	_ = 	snop  }
0x47: {  	s16 =	sshll.u32 s12, $0xE;
	_ =	swait.ge [sflag:s4], s14  }
0x48: {  	s16 =	sand.u32 $0x4000, s16;
	s17 =	ssub.s32 $0x0, s14;
	[sflag:s4] =	ssyncset.done $0x0  }
0x49: {  	s15 =	sor.u32 $0x8000, s16;
	[sflag:s4] =	ssyncadd.s32 s17  }
0x4a: {  	v0 =	vmov s16;
	_ =	sdelay $0x2  }
0x4b: {  	s31 =	simm.s32 $0x0;
	p1 =	sne.s32 s18, $0x1  }
.Ltmp4:
0x4c: {  	s16 =	sand.u32 $0x3FE0, s31;
	(pc) =	sbr.rel @!p1 .LBB2_5-.Ltmp4, $3  }
0x4d: {  	v1 =	vmov s15;
	s17 =	sor.u32 $0x10, s16;
	v2 =	vld.idx.msk [tilespmem:v0+s16+$0x0 ss:$0x1], $0xffff  }
0x4e: {  	v3 =	vld.idx.msk [tilespmem:v0+s17+$0x0 ss:$0x1], $0xffff;
	_ =	sdelay $0x1  }
0x4f: {  	s18 =	sadd.s32 $0xFFFFFFFF, s18;
	s19 =	simm.s32 $0x20  }
.LBB2_4:
0x50: {  	s20 =	sand.u32 $0x3FE0, s19;
	p1 =	sne.s32 s18, $0x1;
	s18 =	sadd.s32 $0xFFFFFFFF, s18  }
.Ltmp5:
0x51: {  	s21 =	sor.u32 $0x10, s20;
	[tilespmem:v1+s16+$0x0 ss:$0x1] =	vst.idx.msk $0xffff, v2;
	v2 =	vld.idx.msk [tilespmem:v0+s20+$0x0 ss:$0x1], $0xffff;
	s16 =	smov.u32 s20;
	(pc) =	sbr.rel @p1 .LBB2_4-.Ltmp5, $2  }
0x52: {  	[tilespmem:v1+s17+$0x0 ss:$0x1] =	vst.idx.msk $0xffff, v3;
	v3 =	vld.idx.msk [tilespmem:v0+s21+$0x0 ss:$0x1], $0xffff;
	s17 =	smov.u32 s21;
	_ =	sdelay $0x2  }
0x53: {  	s19 =	sadd.s32 $0x20, s19  }
.Ltmp6:
0x54: {  	_ = 	snop;
	(pc) =	sbr.rel .LBB2_5-.Ltmp6, $1  }
0x55: {  	_ =	sdelay $0x3  }
.LBB2_8:
0x56: {  	_ =	sfence.sel $0x180000  }
0x57: {  	s2 =	simm.s32 $0x1;
	[bflag:$0x0] =	sbarrier.arrive $0xFFFF  }
0x58: {  	s31 =	simm.s32 $0x2;
	[sflag:s2] =	ssyncpa.u1 $0x1  }
0x59: {  	[sflag:s31] =	ssyncpa.u1 $0x1  }
0x5a: {  	_ =	strace $0x9000004D  }
0x5b: {  	s0 =	sadd.s32 @!p0 $0x100000, s0;
	[bflag:$0x2] =	sbarrier.arrive $0xFFFF  }
0x5c: {  	[sflag:s0] =	ssyncadd.tile.s32 @!p0 $0x1;
	s0 =	simm.s32 @!p0 $0x3F  }
0x5d: {  	_ =	swait.ge @!p0 [sflag:s0], s1  }
0x5e: {  	s1 =	ssub.s32 @!p0 $0x0, s1;
	[sflag:s0] =	ssyncset.done @!p0 $0x0  }
0x5f: {  	[sflag:s0] =	ssyncadd.s32 @!p0 s1  }
0x60: {  	[bflag:$0x3] =	sbarrier.arrive $0xFFFF  }
0x61: {  	_ =	shalt  }
.Lfunc_end2:
execute1_lowered:
.L_overlay_start_2:
0x62: {  	(tag) =	ssettag $0x2  }
0x63: {  	s6 =	rddreg [dreg:$0x0]  }
0x64: {  	s2 =	rddreg [dreg:$0x1];
	_ =	strace $0x80000050;
	s7 =	simm.s32 $0x1  }
0x65: {  	v0 =	vimm.s32 $0x0;
	[sflag:s7] =	ssyncpa.u1 $0x0  }
0x66: {  	[tilespmem:$0x48] =	vst v0  }
0x67: {  	[tilespmem:$0x58] =	vst v0  }
0x68: {  	[tilespmem:$0x68] =	vst v0  }
0x69: {  	[tilespmem:$0x78] =	vst v0  }
0x6a: {  	[tilespmem:$0x88] =	vst v0  }
0x6b: {  	[tilespmem:$0x98] =	vst v0  }
0x6c: {  	[tilespmem:$0xA8] =	vst v0  }
0x6d: {  	[tilespmem:$0xB8] =	vst v0  }
0x6e: {  	[tilespmem:$0xC8] =	vst v0  }
0x6f: {  	[tilespmem:$0xD8] =	vst v0  }
0x70: {  	[tilespmem:$0xE8] =	vst v0  }
0x71: {  	[tilespmem:$0xF8] =	vst v0  }
0x72: {  	[tilespmem:$0x108] =	vst v0  }
0x73: {  	[tilespmem:$0x118] =	vst v0  }
0x74: {  	[tilespmem:$0x128] =	vst v0  }
0x75: {  	[tilespmem:$0x138] =	vst v0  }
0x76: {  	[tilespmem:$0x148] =	vst v0  }
0x77: {  	[tilespmem:$0x158] =	vst v0  }
0x78: {  	[tilespmem:$0x168] =	vst v0  }
0x79: {  	[tilespmem:$0x178] =	vst v0  }
0x7a: {  	[tilespmem:$0x188] =	vst v0  }
0x7b: {  	[tilespmem:$0x198] =	vst v0  }
0x7c: {  	[tilespmem:$0x1A8] =	vst v0  }
0x7d: {  	[tilespmem:$0x1B8] =	vst v0  }
0x7e: {  	[tilespmem:$0x1C8] =	vst v0  }
0x7f: {  	[tilespmem:$0x1D8] =	vst v0  }
0x80: {  	[tilespmem:$0x1E8] =	vst v0  }
0x81: {  	[tilespmem:$0x1F8] =	vst v0  }
0x82: {  	[tilespmem:$0x208] =	vst v0  }
0x83: {  	[tilespmem:$0x218] =	vst v0  }
0x84: {  	[tilespmem:$0x228] =	vst v0  }
0x85: {  	[tilespmem:$0x238] =	vst v0  }
0x86: {  	[tilespmem:$0x248] =	vst v0  }
0x87: {  	[tilespmem:$0x258] =	vst v0  }
0x88: {  	[tilespmem:$0x268] =	vst v0  }
0x89: {  	[tilespmem:$0x278] =	vst v0  }
0x8a: {  	[tilespmem:$0x288] =	vst v0  }
0x8b: {  	[tilespmem:$0x298] =	vst v0  }
0x8c: {  	[tilespmem:$0x2A8] =	vst v0  }
0x8d: {  	[tilespmem:$0x2B8] =	vst v0  }
0x8e: {  	[tilespmem:$0x2C8] =	vst v0  }
0x8f: {  	[tilespmem:$0x2D8] =	vst v0  }
0x90: {  	[tilespmem:$0x2E8] =	vst v0  }
0x91: {  	[tilespmem:$0x2F8] =	vst v0  }
0x92: {  	[tilespmem:$0x308] =	vst v0  }
0x93: {  	[tilespmem:$0x318] =	vst v0  }
0x94: {  	[tilespmem:$0x328] =	vst v0  }
0x95: {  	[tilespmem:$0x338] =	vst v0  }
0x96: {  	[tilespmem:$0x348] =	vst v0  }
0x97: {  	[tilespmem:$0x358] =	vst v0  }
0x98: {  	[tilespmem:$0x368] =	vst v0  }
0x99: {  	[tilespmem:$0x378] =	vst v0  }
0x9a: {  	[tilespmem:$0x388] =	vst v0  }
0x9b: {  	[tilespmem:$0x398] =	vst v0  }
0x9c: {  	[tilespmem:$0x3A8] =	vst v0  }
0x9d: {  	[tilespmem:$0x3B8] =	vst v0  }
0x9e: {  	[tilespmem:$0x3C8] =	vst v0  }
0x9f: {  	[tilespmem:$0x3D8] =	vst v0  }
0xa0: {  	[tilespmem:$0x3E8] =	vst v0  }
0xa1: {  	[tilespmem:$0x3F8] =	vst v0  }
0xa2: {  	[tilespmem:$0x408] =	vst v0  }
0xa3: {  	[tilespmem:$0x418] =	vst v0  }
0xa4: {  	[tilespmem:$0x428] =	vst v0  }
0xa5: {  	[tilespmem:$0x438] =	vst v0  }
0xa6: {  	[tilespmem:$0x448] =	vst v0  }
0xa7: {  	[tilespmem:$0x458] =	vst v0  }
0xa8: {  	[tilespmem:$0x468] =	vst v0  }
0xa9: {  	[tilespmem:$0x478] =	vst v0  }
0xaa: {  	[tilespmem:$0x488] =	vst v0  }
0xab: {  	[tilespmem:$0x498] =	vst v0  }
0xac: {  	[tilespmem:$0x4A8] =	vst v0  }
0xad: {  	[tilespmem:$0x4B8] =	vst v0  }
0xae: {  	[tilespmem:$0x4C8] =	vst v0  }
0xaf: {  	[tilespmem:$0x4D8] =	vst v0  }
0xb0: {  	[tilespmem:$0x4E8] =	vst v0  }
0xb1: {  	[tilespmem:$0x4F8] =	vst v0  }
0xb2: {  	[tilespmem:$0x508] =	vst v0  }
0xb3: {  	[tilespmem:$0x518] =	vst v0  }
0xb4: {  	[tilespmem:$0x528] =	vst v0  }
0xb5: {  	[tilespmem:$0x538] =	vst v0  }
0xb6: {  	[tilespmem:$0x548] =	vst v0  }
0xb7: {  	[tilespmem:$0x558] =	vst v0  }
0xb8: {  	[tilespmem:$0x568] =	vst v0  }
0xb9: {  	[tilespmem:$0x578] =	vst v0  }
0xba: {  	[tilespmem:$0x588] =	vst v0  }
0xbb: {  	[tilespmem:$0x598] =	vst v0  }
0xbc: {  	[tilespmem:$0x5A8] =	vst v0  }
0xbd: {  	[tilespmem:$0x5B8] =	vst v0  }
0xbe: {  	[tilespmem:$0x5C8] =	vst v0  }
0xbf: {  	[tilespmem:$0x5D8] =	vst v0  }
0xc0: {  	[tilespmem:$0x5E8] =	vst v0  }
0xc1: {  	[tilespmem:$0x5F8] =	vst v0  }
0xc2: {  	[tilespmem:$0x608] =	vst v0  }
0xc3: {  	[tilespmem:$0x618] =	vst v0  }
0xc4: {  	[tilespmem:$0x628] =	vst v0  }
0xc5: {  	[tilespmem:$0x638] =	vst v0  }
0xc6: {  	[tilespmem:$0x648] =	vst v0  }
0xc7: {  	[tilespmem:$0x658] =	vst v0  }
0xc8: {  	[tilespmem:$0x668] =	vst v0  }
0xc9: {  	[tilespmem:$0x678] =	vst v0  }
0xca: {  	[tilespmem:$0x688] =	vst v0  }
0xcb: {  	[tilespmem:$0x698] =	vst v0  }
0xcc: {  	[tilespmem:$0x6A8] =	vst v0  }
0xcd: {  	[tilespmem:$0x6B8] =	vst v0  }
0xce: {  	[tilespmem:$0x6C8] =	vst v0  }
0xcf: {  	[tilespmem:$0x6D8] =	vst v0  }
0xd0: {  	[tilespmem:$0x6E8] =	vst v0  }
0xd1: {  	[tilespmem:$0x6F8] =	vst v0  }
0xd2: {  	[tilespmem:$0x708] =	vst v0  }
0xd3: {  	[tilespmem:$0x718] =	vst v0  }
0xd4: {  	[tilespmem:$0x728] =	vst v0  }
0xd5: {  	[tilespmem:$0x738] =	vst v0  }
0xd6: {  	[tilespmem:$0x748] =	vst v0  }
0xd7: {  	[tilespmem:$0x758] =	vst v0  }
0xd8: {  	[tilespmem:$0x768] =	vst v0  }
0xd9: {  	[tilespmem:$0x778] =	vst v0  }
0xda: {  	[tilespmem:$0x788] =	vst v0  }
0xdb: {  	[tilespmem:$0x798] =	vst v0  }
0xdc: {  	[tilespmem:$0x7A8] =	vst v0  }
0xdd: {  	[tilespmem:$0x7B8] =	vst v0  }
0xde: {  	[tilespmem:$0x7C8] =	vst v0  }
0xdf: {  	[tilespmem:$0x7D8] =	vst v0  }
0xe0: {  	[tilespmem:$0x7E8] =	vst v0  }
0xe1: {  	[tilespmem:$0x7F8] =	vst v0  }
0xe2: {  	[tilespmem:$0x808] =	vst v0  }
0xe3: {  	[tilespmem:$0x818] =	vst v0  }
0xe4: {  	[tilespmem:$0x828] =	vst v0  }
0xe5: {  	[tilespmem:$0x838] =	vst v0  }
0xe6: {  	[tilespmem:$0x848] =	vst v0  }
0xe7: {  	[tilespmem:$0x858] =	vst v0  }
0xe8: {  	[tilespmem:$0x868] =	vst v0  }
0xe9: {  	[tilespmem:$0x878] =	vst v0  }
0xea: {  	[tilespmem:$0x888] =	vst v0  }
0xeb: {  	[tilespmem:$0x898] =	vst v0  }
0xec: {  	[tilespmem:$0x8A8] =	vst v0  }
0xed: {  	[tilespmem:$0x8B8] =	vst v0  }
0xee: {  	[tilespmem:$0x8C8] =	vst v0  }
0xef: {  	[tilespmem:$0x8D8] =	vst v0  }
0xf0: {  	[tilespmem:$0x8E8] =	vst v0  }
0xf1: {  	[tilespmem:$0x8F8] =	vst v0  }
0xf2: {  	[tilespmem:$0x908] =	vst v0  }
0xf3: {  	[tilespmem:$0x918] =	vst v0  }
0xf4: {  	[tilespmem:$0x928] =	vst v0  }
0xf5: {  	[tilespmem:$0x938] =	vst v0  }
0xf6: {  	[tilespmem:$0x948] =	vst v0  }
0xf7: {  	[tilespmem:$0x958] =	vst v0  }
0xf8: {  	[tilespmem:$0x968] =	vst v0  }
0xf9: {  	[tilespmem:$0x978] =	vst v0  }
0xfa: {  	[tilespmem:$0x988] =	vst v0  }
0xfb: {  	[tilespmem:$0x998] =	vst v0  }
0xfc: {  	[tilespmem:$0x9A8] =	vst v0  }
0xfd: {  	[tilespmem:$0x9B8] =	vst v0  }
0xfe: {  	[tilespmem:$0x9C8] =	vst v0  }
0xff: {  	[tilespmem:$0x9D8] =	vst v0  }
0x100: {  	[tilespmem:$0x9E8] =	vst v0  }
0x101: {  	[tilespmem:$0x9F8] =	vst v0  }
0x102: {  	[tilespmem:$0xA08] =	vst v0  }
0x103: {  	[tilespmem:$0xA18] =	vst v0  }
0x104: {  	[tilespmem:$0xA28] =	vst v0  }
0x105: {  	[tilespmem:$0xA38] =	vst v0  }
0x106: {  	[tilespmem:$0xA48] =	vst v0  }
0x107: {  	[tilespmem:$0xA58] =	vst v0  }
0x108: {  	[tilespmem:$0xA68] =	vst v0  }
0x109: {  	[tilespmem:$0xA78] =	vst v0  }
0x10a: {  	[tilespmem:$0xA88] =	vst v0  }
0x10b: {  	[tilespmem:$0xA98] =	vst v0  }
0x10c: {  	[tilespmem:$0xAA8] =	vst v0  }
0x10d: {  	[tilespmem:$0xAB8] =	vst v0  }
0x10e: {  	[tilespmem:$0xAC8] =	vst v0  }
0x10f: {  	[tilespmem:$0xAD8] =	vst v0  }
0x110: {  	[tilespmem:$0xAE8] =	vst v0  }
0x111: {  	[tilespmem:$0xAF8] =	vst v0  }
0x112: {  	[tilespmem:$0xB08] =	vst v0  }
0x113: {  	[tilespmem:$0xB18] =	vst v0  }
0x114: {  	[tilespmem:$0xB28] =	vst v0  }
0x115: {  	[tilespmem:$0xB38] =	vst v0  }
0x116: {  	[tilespmem:$0xB48] =	vst v0  }
0x117: {  	[tilespmem:$0xB58] =	vst v0  }
0x118: {  	[tilespmem:$0xB68] =	vst v0  }
0x119: {  	[tilespmem:$0xB78] =	vst v0  }
0x11a: {  	[tilespmem:$0xB88] =	vst v0  }
0x11b: {  	[tilespmem:$0xB98] =	vst v0  }
0x11c: {  	[tilespmem:$0xBA8] =	vst v0  }
0x11d: {  	[tilespmem:$0xBB8] =	vst v0  }
0x11e: {  	[tilespmem:$0xBC8] =	vst v0  }
0x11f: {  	[tilespmem:$0xBD8] =	vst v0  }
0x120: {  	[tilespmem:$0xBE8] =	vst v0  }
0x121: {  	[tilespmem:$0xBF8] =	vst v0  }
0x122: {  	[tilespmem:$0xC08] =	vst v0  }
0x123: {  	[tilespmem:$0xC18] =	vst v0  }
0x124: {  	[tilespmem:$0xC28] =	vst v0  }
0x125: {  	[tilespmem:$0xC38] =	vst v0  }
0x126: {  	[tilespmem:$0xC48] =	vst v0  }
0x127: {  	[tilespmem:$0xC58] =	vst v0  }
0x128: {  	[tilespmem:$0xC68] =	vst v0  }
0x129: {  	[tilespmem:$0xC78] =	vst v0  }
0x12a: {  	[tilespmem:$0xC88] =	vst v0  }
0x12b: {  	[tilespmem:$0xC98] =	vst v0  }
0x12c: {  	[tilespmem:$0xCA8] =	vst v0  }
0x12d: {  	[tilespmem:$0xCB8] =	vst v0  }
0x12e: {  	[tilespmem:$0xCC8] =	vst v0  }
0x12f: {  	[tilespmem:$0xCD8] =	vst v0  }
0x130: {  	[tilespmem:$0xCE8] =	vst v0  }
0x131: {  	[tilespmem:$0xCF8] =	vst v0  }
0x132: {  	[tilespmem:$0xD08] =	vst v0  }
0x133: {  	[tilespmem:$0xD18] =	vst v0  }
0x134: {  	[tilespmem:$0xD28] =	vst v0  }
0x135: {  	[tilespmem:$0xD38] =	vst v0  }
0x136: {  	[tilespmem:$0xD48] =	vst v0  }
0x137: {  	[tilespmem:$0xD58] =	vst v0  }
0x138: {  	[tilespmem:$0xD68] =	vst v0  }
0x139: {  	[tilespmem:$0xD78] =	vst v0  }
0x13a: {  	[tilespmem:$0xD88] =	vst v0  }
0x13b: {  	[tilespmem:$0xD98] =	vst v0  }
0x13c: {  	[tilespmem:$0xDA8] =	vst v0  }
0x13d: {  	[tilespmem:$0xDB8] =	vst v0  }
0x13e: {  	[tilespmem:$0xDC8] =	vst v0  }
0x13f: {  	[tilespmem:$0xDD8] =	vst v0  }
0x140: {  	[tilespmem:$0xDE8] =	vst v0  }
0x141: {  	[tilespmem:$0xDF8] =	vst v0  }
0x142: {  	[tilespmem:$0xE08] =	vst v0  }
0x143: {  	[tilespmem:$0xE18] =	vst v0  }
0x144: {  	[tilespmem:$0xE28] =	vst v0  }
0x145: {  	[tilespmem:$0xE38] =	vst v0  }
0x146: {  	[tilespmem:$0xE48] =	vst v0  }
0x147: {  	[tilespmem:$0xE58] =	vst v0  }
0x148: {  	[tilespmem:$0xE68] =	vst v0  }
0x149: {  	[tilespmem:$0xE78] =	vst v0  }
0x14a: {  	[tilespmem:$0xE88] =	vst v0  }
0x14b: {  	[tilespmem:$0xE98] =	vst v0  }
0x14c: {  	[tilespmem:$0xEA8] =	vst v0  }
0x14d: {  	[tilespmem:$0xEB8] =	vst v0  }
0x14e: {  	[tilespmem:$0xEC8] =	vst v0  }
0x14f: {  	[tilespmem:$0xED8] =	vst v0  }
0x150: {  	[tilespmem:$0xEE8] =	vst v0  }
0x151: {  	[tilespmem:$0xEF8] =	vst v0  }
0x152: {  	[tilespmem:$0xF08] =	vst v0  }
0x153: {  	[tilespmem:$0xF18] =	vst v0  }
0x154: {  	[tilespmem:$0xF28] =	vst v0  }
0x155: {  	[tilespmem:$0xF38] =	vst v0  }
0x156: {  	[tilespmem:$0xF48] =	vst v0  }
0x157: {  	[tilespmem:$0xF58] =	vst v0  }
0x158: {  	[tilespmem:$0xF68] =	vst v0  }
0x159: {  	[tilespmem:$0xF78] =	vst v0  }
0x15a: {  	[tilespmem:$0xF88] =	vst v0  }
0x15b: {  	[tilespmem:$0xF98] =	vst v0  }
0x15c: {  	[tilespmem:$0xFA8] =	vst v0  }
0x15d: {  	[tilespmem:$0xFB8] =	vst v0  }
0x15e: {  	[tilespmem:$0xFC8] =	vst v0  }
0x15f: {  	[tilespmem:$0xFD8] =	vst v0  }
0x160: {  	[tilespmem:$0xFE8] =	vst v0  }
0x161: {  	[tilespmem:$0xFF8] =	vst v0  }
0x162: {  	[tilespmem:$0x1008] =	vst v0  }
0x163: {  	[tilespmem:$0x1018] =	vst v0  }
0x164: {  	[tilespmem:$0x1028] =	vst v0  }
0x165: {  	[tilespmem:$0x1178] =	vst v0  }
0x166: {  	[tilespmem:$0x1038] =	vst v0  }
0x167: {  	[tilespmem:$0x1048] =	vst v0  }
0x168: {  	[tilespmem:$0x1058] =	vst v0  }
0x169: {  	[tilespmem:$0x1068] =	vst v0  }
0x16a: {  	[tilespmem:$0x1078] =	vst v0  }
0x16b: {  	[tilespmem:$0x1088] =	vst v0  }
0x16c: {  	[tilespmem:$0x1098] =	vst v0  }
0x16d: {  	[tilespmem:$0x10A8] =	vst v0  }
0x16e: {  	[tilespmem:$0x10B8] =	vst v0  }
0x16f: {  	[tilespmem:$0x10C8] =	vst v0  }
0x170: {  	[tilespmem:$0x10D8] =	vst v0  }
0x171: {  	[tilespmem:$0x10E8] =	vst v0  }
0x172: {  	[tilespmem:$0x10F8] =	vst v0  }
0x173: {  	[tilespmem:$0x1108] =	vst v0  }
0x174: {  	[tilespmem:$0x1118] =	vst v0  }
0x175: {  	[tilespmem:$0x1128] =	vst v0  }
0x176: {  	[tilespmem:$0x1138] =	vst v0  }
0x177: {  	[tilespmem:$0x1148] =	vst v0  }
0x178: {  	[tilespmem:$0x1158] =	vst v0  }
0x179: {  	[tilespmem:$0x1168] =	vst v0  }
0x17a: {  	[tilespmem:$0x1188] =	vst v0  }
0x17b: {  	[tilespmem:$0x1198] =	vst v0  }
0x17c: {  	[tilespmem:$0x11A8] =	vst v0  }
0x17d: {  	[tilespmem:$0x11B8] =	vst v0  }
0x17e: {  	[tilespmem:$0x11C8] =	vst v0  }
0x17f: {  	[tilespmem:$0x11D8] =	vst v0  }
0x180: {  	[tilespmem:$0x11E8] =	vst v0  }
0x181: {  	[tilespmem:$0x11F8] =	vst v0  }
0x182: {  	[tilespmem:$0x1208] =	vst v0  }
0x183: {  	[tilespmem:$0x1218] =	vst v0  }
0x184: {  	[tilespmem:$0x1228] =	vst v0  }
0x185: {  	[tilespmem:$0x1238] =	vst v0  }
0x186: {  	[tilespmem:$0x1248] =	vst v0  }
0x187: {  	[tilespmem:$0x1258] =	vst v0  }
0x188: {  	[tilespmem:$0x1268] =	vst v0  }
0x189: {  	[tilespmem:$0x1278] =	vst v0  }
0x18a: {  	[tilespmem:$0x1288] =	vst v0  }
0x18b: {  	[tilespmem:$0x1298] =	vst v0  }
0x18c: {  	[tilespmem:$0x12A8] =	vst v0  }
0x18d: {  	[tilespmem:$0x12B8] =	vst v0  }
0x18e: {  	[tilespmem:$0x12C8] =	vst v0  }
0x18f: {  	[tilespmem:$0x12D8] =	vst v0  }
0x190: {  	[tilespmem:$0x12E8] =	vst v0  }
0x191: {  	[tilespmem:$0x12F8] =	vst v0  }
0x192: {  	[tilespmem:$0x1308] =	vst v0  }
0x193: {  	[tilespmem:$0x1318] =	vst v0  }
0x194: {  	[tilespmem:$0x1328] =	vst v0  }
0x195: {  	[tilespmem:$0x1338] =	vst v0  }
0x196: {  	[tilespmem:$0x1348] =	vst v0  }
0x197: {  	[tilespmem:$0x1358] =	vst v0  }
0x198: {  	[tilespmem:$0x1368] =	vst v0  }
0x199: {  	[tilespmem:$0x1378] =	vst v0  }
0x19a: {  	[tilespmem:$0x1388] =	vst v0  }
0x19b: {  	[tilespmem:$0x1398] =	vst v0  }
0x19c: {  	[tilespmem:$0x13A8] =	vst v0  }
0x19d: {  	[tilespmem:$0x13B8] =	vst v0  }
0x19e: {  	[tilespmem:$0x13C8] =	vst v0  }
0x19f: {  	[tilespmem:$0x13D8] =	vst v0  }
0x1a0: {  	[tilespmem:$0x13E8] =	vst v0  }
0x1a1: {  	[tilespmem:$0x13F8] =	vst v0  }
0x1a2: {  	[tilespmem:$0x1408] =	vst v0  }
0x1a3: {  	[tilespmem:$0x1418] =	vst v0  }
0x1a4: {  	[tilespmem:$0x1428] =	vst v0  }
0x1a5: {  	[tilespmem:$0x1438] =	vst v0  }
0x1a6: {  	[tilespmem:$0x1448] =	vst v0  }
0x1a7: {  	[tilespmem:$0x1458] =	vst v0  }
0x1a8: {  	[tilespmem:$0x1468] =	vst v0  }
0x1a9: {  	[tilespmem:$0x1478] =	vst v0  }
0x1aa: {  	[tilespmem:$0x1488] =	vst v0  }
0x1ab: {  	[tilespmem:$0x1498] =	vst v0  }
0x1ac: {  	[tilespmem:$0x14A8] =	vst v0  }
0x1ad: {  	[tilespmem:$0x14B8] =	vst v0  }
0x1ae: {  	[tilespmem:$0x14C8] =	vst v0  }
0x1af: {  	[tilespmem:$0x14D8] =	vst v0  }
0x1b0: {  	[tilespmem:$0x14E8] =	vst v0  }
0x1b1: {  	[tilespmem:$0x14F8] =	vst v0  }
0x1b2: {  	[tilespmem:$0x1508] =	vst v0  }
0x1b3: {  	[tilespmem:$0x1518] =	vst v0  }
0x1b4: {  	[tilespmem:$0x1528] =	vst v0  }
0x1b5: {  	[tilespmem:$0x1538] =	vst v0  }
0x1b6: {  	[tilespmem:$0x1548] =	vst v0  }
0x1b7: {  	[tilespmem:$0x1558] =	vst v0  }
0x1b8: {  	[tilespmem:$0x1568] =	vst v0  }
0x1b9: {  	[tilespmem:$0x1578] =	vst v0  }
0x1ba: {  	[tilespmem:$0x1588] =	vst v0  }
0x1bb: {  	[tilespmem:$0x1598] =	vst v0  }
0x1bc: {  	[tilespmem:$0x15A8] =	vst v0  }
0x1bd: {  	[tilespmem:$0x15B8] =	vst v0  }
0x1be: {  	[tilespmem:$0x15C8] =	vst v0  }
0x1bf: {  	[tilespmem:$0x15D8] =	vst v0  }
0x1c0: {  	[tilespmem:$0x15E8] =	vst v0  }
0x1c1: {  	[tilespmem:$0x15F8] =	vst v0  }
0x1c2: {  	[tilespmem:$0x1608] =	vst v0  }
0x1c3: {  	[tilespmem:$0x1618] =	vst v0  }
0x1c4: {  	[tilespmem:$0x1628] =	vst v0  }
0x1c5: {  	[tilespmem:$0x1638] =	vst v0  }
0x1c6: {  	[tilespmem:$0x1648] =	vst v0  }
0x1c7: {  	[tilespmem:$0x1658] =	vst v0  }
0x1c8: {  	[tilespmem:$0x1668] =	vst v0  }
0x1c9: {  	[tilespmem:$0x1678] =	vst v0  }
0x1ca: {  	[tilespmem:$0x1688] =	vst v0  }
0x1cb: {  	[tilespmem:$0x1698] =	vst v0  }
0x1cc: {  	[tilespmem:$0x16A8] =	vst v0  }
0x1cd: {  	[tilespmem:$0x16B8] =	vst v0  }
0x1ce: {  	[tilespmem:$0x16C8] =	vst v0  }
0x1cf: {  	[tilespmem:$0x16D8] =	vst v0  }
0x1d0: {  	[tilespmem:$0x16E8] =	vst v0  }
0x1d1: {  	[tilespmem:$0x16F8] =	vst v0  }
0x1d2: {  	[tilespmem:$0x1708] =	vst v0  }
0x1d3: {  	[tilespmem:$0x1718] =	vst v0  }
0x1d4: {  	[tilespmem:$0x1728] =	vst v0  }
0x1d5: {  	[tilespmem:$0x1738] =	vst v0  }
0x1d6: {  	[tilespmem:$0x1748] =	vst v0  }
0x1d7: {  	[tilespmem:$0x1758] =	vst v0  }
0x1d8: {  	[tilespmem:$0x1768] =	vst v0  }
0x1d9: {  	[tilespmem:$0x1778] =	vst v0  }
0x1da: {  	[tilespmem:$0x1788] =	vst v0  }
0x1db: {  	[tilespmem:$0x1798] =	vst v0  }
0x1dc: {  	[tilespmem:$0x17A8] =	vst v0  }
0x1dd: {  	[tilespmem:$0x17B8] =	vst v0  }
0x1de: {  	[tilespmem:$0x17C8] =	vst v0  }
0x1df: {  	[tilespmem:$0x17D8] =	vst v0  }
0x1e0: {  	[tilespmem:$0x17E8] =	vst v0  }
0x1e1: {  	[tilespmem:$0x17F8] =	vst v0  }
0x1e2: {  	[tilespmem:$0x1808] =	vst v0  }
0x1e3: {  	[tilespmem:$0x1818] =	vst v0  }
0x1e4: {  	[tilespmem:$0x1828] =	vst v0  }
0x1e5: {  	[tilespmem:$0x1838] =	vst v0  }
0x1e6: {  	[tilespmem:$0x1848] =	vst v0  }
0x1e7: {  	[tilespmem:$0x1858] =	vst v0  }
0x1e8: {  	[tilespmem:$0x1868] =	vst v0  }
0x1e9: {  	[tilespmem:$0x1878] =	vst v0  }
0x1ea: {  	[tilespmem:$0x1888] =	vst v0  }
0x1eb: {  	[tilespmem:$0x1898] =	vst v0  }
0x1ec: {  	[tilespmem:$0x18A8] =	vst v0  }
0x1ed: {  	[tilespmem:$0x18B8] =	vst v0  }
0x1ee: {  	[tilespmem:$0x18C8] =	vst v0  }
0x1ef: {  	[tilespmem:$0x18D8] =	vst v0  }
0x1f0: {  	[tilespmem:$0x18E8] =	vst v0  }
0x1f1: {  	[tilespmem:$0x18F8] =	vst v0  }
0x1f2: {  	[tilespmem:$0x1908] =	vst v0  }
0x1f3: {  	[tilespmem:$0x1918] =	vst v0  }
0x1f4: {  	[tilespmem:$0x1928] =	vst v0  }
0x1f5: {  	[tilespmem:$0x1938] =	vst v0  }
0x1f6: {  	[tilespmem:$0x1948] =	vst v0  }
0x1f7: {  	[tilespmem:$0x1958] =	vst v0  }
0x1f8: {  	[tilespmem:$0x1968] =	vst v0  }
0x1f9: {  	[tilespmem:$0x1978] =	vst v0  }
0x1fa: {  	[tilespmem:$0x1988] =	vst v0  }
0x1fb: {  	[tilespmem:$0x1998] =	vst v0  }
0x1fc: {  	[tilespmem:$0x19A8] =	vst v0  }
0x1fd: {  	[tilespmem:$0x19B8] =	vst v0  }
0x1fe: {  	[tilespmem:$0x19C8] =	vst v0  }
0x1ff: {  	[tilespmem:$0x19D8] =	vst v0  }
0x200: {  	[tilespmem:$0x19E8] =	vst v0  }
0x201: {  	[tilespmem:$0x19F8] =	vst v0  }
0x202: {  	[tilespmem:$0x1A08] =	vst v0  }
0x203: {  	[tilespmem:$0x1A18] =	vst v0  }
0x204: {  	[tilespmem:$0x1A28] =	vst v0  }
0x205: {  	[tilespmem:$0x1A38] =	vst v0  }
0x206: {  	[tilespmem:$0x1A48] =	vst v0  }
0x207: {  	[tilespmem:$0x1A58] =	vst v0  }
0x208: {  	[tilespmem:$0x1A68] =	vst v0  }
0x209: {  	[tilespmem:$0x1A78] =	vst v0  }
0x20a: {  	[tilespmem:$0x1A88] =	vst v0  }
0x20b: {  	[tilespmem:$0x1A98] =	vst v0  }
0x20c: {  	[tilespmem:$0x1AA8] =	vst v0  }
0x20d: {  	[tilespmem:$0x1AB8] =	vst v0  }
0x20e: {  	[tilespmem:$0x1AC8] =	vst v0  }
0x20f: {  	[tilespmem:$0x1AD8] =	vst v0  }
0x210: {  	[tilespmem:$0x1AE8] =	vst v0  }
0x211: {  	[tilespmem:$0x1AF8] =	vst v0  }
0x212: {  	[tilespmem:$0x1B08] =	vst v0  }
0x213: {  	[tilespmem:$0x1B18] =	vst v0  }
0x214: {  	[tilespmem:$0x1B28] =	vst v0  }
0x215: {  	[tilespmem:$0x1B38] =	vst v0  }
0x216: {  	[tilespmem:$0x1B48] =	vst v0  }
0x217: {  	[tilespmem:$0x1B58] =	vst v0  }
0x218: {  	[tilespmem:$0x1B68] =	vst v0  }
0x219: {  	[tilespmem:$0x1B78] =	vst v0  }
0x21a: {  	[tilespmem:$0x1B88] =	vst v0  }
0x21b: {  	[tilespmem:$0x1B98] =	vst v0  }
0x21c: {  	[tilespmem:$0x1BA8] =	vst v0  }
0x21d: {  	[tilespmem:$0x1BB8] =	vst v0  }
0x21e: {  	[tilespmem:$0x1BC8] =	vst v0  }
0x21f: {  	[tilespmem:$0x1BD8] =	vst v0  }
0x220: {  	[tilespmem:$0x1BE8] =	vst v0  }
0x221: {  	[tilespmem:$0x1BF8] =	vst v0  }
0x222: {  	[tilespmem:$0x1C08] =	vst v0  }
0x223: {  	[tilespmem:$0x1C18] =	vst v0  }
0x224: {  	[tilespmem:$0x1C28] =	vst v0  }
0x225: {  	[tilespmem:$0x1C38] =	vst v0  }
0x226: {  	[tilespmem:$0x1C48] =	vst v0  }
0x227: {  	[tilespmem:$0x1C58] =	vst v0  }
0x228: {  	[tilespmem:$0x1C68] =	vst v0  }
0x229: {  	[tilespmem:$0x1C78] =	vst v0  }
0x22a: {  	[tilespmem:$0x1C88] =	vst v0  }
0x22b: {  	[tilespmem:$0x1C98] =	vst v0  }
0x22c: {  	[tilespmem:$0x1CA8] =	vst v0  }
0x22d: {  	[tilespmem:$0x1CB8] =	vst v0  }
0x22e: {  	[tilespmem:$0x1CC8] =	vst v0  }
0x22f: {  	[tilespmem:$0x1CD8] =	vst v0  }
0x230: {  	[tilespmem:$0x1CE8] =	vst v0  }
0x231: {  	[tilespmem:$0x1CF8] =	vst v0  }
0x232: {  	[tilespmem:$0x1D08] =	vst v0  }
0x233: {  	[tilespmem:$0x1D18] =	vst v0  }
0x234: {  	[tilespmem:$0x1D28] =	vst v0  }
0x235: {  	[tilespmem:$0x1D38] =	vst v0  }
0x236: {  	[tilespmem:$0x1D48] =	vst v0  }
0x237: {  	[tilespmem:$0x1D58] =	vst v0  }
0x238: {  	[tilespmem:$0x1D68] =	vst v0  }
0x239: {  	[tilespmem:$0x1D78] =	vst v0  }
0x23a: {  	[tilespmem:$0x1D88] =	vst v0  }
0x23b: {  	[tilespmem:$0x1D98] =	vst v0  }
0x23c: {  	[tilespmem:$0x1DA8] =	vst v0  }
0x23d: {  	[tilespmem:$0x1DB8] =	vst v0  }
0x23e: {  	[tilespmem:$0x1DC8] =	vst v0  }
0x23f: {  	[tilespmem:$0x1DD8] =	vst v0  }
0x240: {  	[tilespmem:$0x1DE8] =	vst v0  }
0x241: {  	[tilespmem:$0x1DF8] =	vst v0  }
0x242: {  	[tilespmem:$0x1E08] =	vst v0  }
0x243: {  	[tilespmem:$0x1E18] =	vst v0  }
0x244: {  	[tilespmem:$0x1E28] =	vst v0  }
0x245: {  	[tilespmem:$0x1E38] =	vst v0  }
0x246: {  	[tilespmem:$0x1E48] =	vst v0  }
0x247: {  	[tilespmem:$0x1E58] =	vst v0  }
0x248: {  	[tilespmem:$0x1E68] =	vst v0  }
0x249: {  	[tilespmem:$0x1E78] =	vst v0  }
0x24a: {  	[tilespmem:$0x1E88] =	vst v0  }
0x24b: {  	[tilespmem:$0x1E98] =	vst v0  }
0x24c: {  	[tilespmem:$0x1EA8] =	vst v0  }
0x24d: {  	[tilespmem:$0x1EB8] =	vst v0  }
0x24e: {  	[tilespmem:$0x1EC8] =	vst v0  }
0x24f: {  	[tilespmem:$0x1ED8] =	vst v0  }
0x250: {  	[tilespmem:$0x1EE8] =	vst v0  }
0x251: {  	[tilespmem:$0x1EF8] =	vst v0  }
0x252: {  	[tilespmem:$0x1F08] =	vst v0  }
0x253: {  	[tilespmem:$0x1F18] =	vst v0  }
0x254: {  	[tilespmem:$0x1F28] =	vst v0  }
0x255: {  	[tilespmem:$0x1F38] =	vst v0  }
0x256: {  	[tilespmem:$0x1F48] =	vst v0  }
0x257: {  	[tilespmem:$0x1F58] =	vst v0  }
0x258: {  	[tilespmem:$0x1F68] =	vst v0  }
0x259: {  	[tilespmem:$0x1F78] =	vst v0  }
0x25a: {  	[tilespmem:$0x1F88] =	vst v0  }
0x25b: {  	[tilespmem:$0x1F98] =	vst v0  }
0x25c: {  	[tilespmem:$0x1FA8] =	vst v0  }
0x25d: {  	[tilespmem:$0x1FB8] =	vst v0  }
0x25e: {  	[tilespmem:$0x1FC8] =	vst v0  }
0x25f: {  	[tilespmem:$0x1FD8] =	vst v0  }
0x260: {  	[tilespmem:$0x1FE8] =	vst v0  }
0x261: {  	[tilespmem:$0x1FF8] =	vst v0  }
0x262: {  	[tilespmem:$0x2008] =	vst v0  }
0x263: {  	[tilespmem:$0x2018] =	vst v0  }
0x264: {  	[tilespmem:$0x2028] =	vst v0  }
0x265: {  	[tilespmem:$0x2038] =	vst v0  }
0x266: {  	[tilespmem:$0x2048] =	vst v0  }
0x267: {  	[tilespmem:$0x2058] =	vst v0  }
0x268: {  	[tilespmem:$0x2068] =	vst v0  }
0x269: {  	[tilespmem:$0x2078] =	vst v0  }
0x26a: {  	[tilespmem:$0x2088] =	vst v0  }
0x26b: {  	[tilespmem:$0x2098] =	vst v0  }
0x26c: {  	[tilespmem:$0x20A8] =	vst v0  }
0x26d: {  	[tilespmem:$0x20B8] =	vst v0  }
0x26e: {  	[tilespmem:$0x20C8] =	vst v0  }
0x26f: {  	[tilespmem:$0x20D8] =	vst v0  }
0x270: {  	[tilespmem:$0x20E8] =	vst v0  }
0x271: {  	[tilespmem:$0x20F8] =	vst v0  }
0x272: {  	[tilespmem:$0x2108] =	vst v0  }
0x273: {  	[tilespmem:$0x2118] =	vst v0  }
0x274: {  	[tilespmem:$0x2128] =	vst v0  }
0x275: {  	[tilespmem:$0x2138] =	vst v0  }
0x276: {  	[tilespmem:$0x2148] =	vst v0  }
0x277: {  	[tilespmem:$0x2158] =	vst v0  }
0x278: {  	[tilespmem:$0x2168] =	vst v0  }
0x279: {  	[tilespmem:$0x2198] =	vst v0  }
0x27a: {  	[tilespmem:$0x2258] =	vst v0  }
0x27b: {  	[tilespmem:$0x21D8] =	vst v0  }
0x27c: {  	[tilespmem:$0x3058] =	vst v0  }
0x27d: {  	[tilespmem:$0x3048] =	vst v0  }
0x27e: {  	[tilespmem:$0x3038] =	vst v0  }
0x27f: {  	[tilespmem:$0x3028] =	vst v0  }
0x280: {  	[tilespmem:$0x3018] =	vst v0  }
0x281: {  	[tilespmem:$0x3008] =	vst v0  }
0x282: {  	[tilespmem:$0x2FF8] =	vst v0  }
0x283: {  	[tilespmem:$0x2FE8] =	vst v0  }
0x284: {  	[tilespmem:$0x2FD8] =	vst v0  }
0x285: {  	[tilespmem:$0x2FC8] =	vst v0  }
0x286: {  	[tilespmem:$0x2FB8] =	vst v0  }
0x287: {  	[tilespmem:$0x2FA8] =	vst v0  }
0x288: {  	[tilespmem:$0x2F98] =	vst v0  }
0x289: {  	[tilespmem:$0x2F88] =	vst v0  }
0x28a: {  	[tilespmem:$0x2F78] =	vst v0  }
0x28b: {  	[tilespmem:$0x2F68] =	vst v0  }
0x28c: {  	[tilespmem:$0x2F58] =	vst v0  }
0x28d: {  	[tilespmem:$0x2F48] =	vst v0  }
0x28e: {  	[tilespmem:$0x2F38] =	vst v0  }
0x28f: {  	[tilespmem:$0x2F28] =	vst v0  }
0x290: {  	[tilespmem:$0x2F18] =	vst v0  }
0x291: {  	[tilespmem:$0x2F08] =	vst v0  }
0x292: {  	[tilespmem:$0x2EF8] =	vst v0  }
0x293: {  	[tilespmem:$0x2EE8] =	vst v0  }
0x294: {  	[tilespmem:$0x2ED8] =	vst v0  }
0x295: {  	[tilespmem:$0x2EC8] =	vst v0  }
0x296: {  	[tilespmem:$0x2EB8] =	vst v0  }
0x297: {  	[tilespmem:$0x2EA8] =	vst v0  }
0x298: {  	[tilespmem:$0x2E98] =	vst v0  }
0x299: {  	[tilespmem:$0x2E88] =	vst v0  }
0x29a: {  	[tilespmem:$0x2E78] =	vst v0  }
0x29b: {  	[tilespmem:$0x2E68] =	vst v0  }
0x29c: {  	[tilespmem:$0x2E58] =	vst v0  }
0x29d: {  	[tilespmem:$0x2E48] =	vst v0  }
0x29e: {  	[tilespmem:$0x2E38] =	vst v0  }
0x29f: {  	[tilespmem:$0x2E28] =	vst v0  }
0x2a0: {  	[tilespmem:$0x2E18] =	vst v0  }
0x2a1: {  	[tilespmem:$0x2E08] =	vst v0  }
0x2a2: {  	[tilespmem:$0x2DF8] =	vst v0  }
0x2a3: {  	[tilespmem:$0x2DE8] =	vst v0  }
0x2a4: {  	[tilespmem:$0x2DD8] =	vst v0  }
0x2a5: {  	[tilespmem:$0x2DC8] =	vst v0  }
0x2a6: {  	[tilespmem:$0x2DB8] =	vst v0  }
0x2a7: {  	[tilespmem:$0x2DA8] =	vst v0  }
0x2a8: {  	[tilespmem:$0x2D98] =	vst v0  }
0x2a9: {  	[tilespmem:$0x2D88] =	vst v0  }
0x2aa: {  	[tilespmem:$0x2D78] =	vst v0  }
0x2ab: {  	[tilespmem:$0x2D68] =	vst v0  }
0x2ac: {  	[tilespmem:$0x2D58] =	vst v0  }
0x2ad: {  	[tilespmem:$0x2D48] =	vst v0  }
0x2ae: {  	[tilespmem:$0x2D38] =	vst v0  }
0x2af: {  	[tilespmem:$0x2D28] =	vst v0  }
0x2b0: {  	[tilespmem:$0x2D18] =	vst v0  }
0x2b1: {  	[tilespmem:$0x2D08] =	vst v0  }
0x2b2: {  	[tilespmem:$0x2CF8] =	vst v0  }
0x2b3: {  	[tilespmem:$0x2CE8] =	vst v0  }
0x2b4: {  	[tilespmem:$0x2CD8] =	vst v0  }
0x2b5: {  	[tilespmem:$0x2CC8] =	vst v0  }
0x2b6: {  	[tilespmem:$0x2CB8] =	vst v0  }
0x2b7: {  	[tilespmem:$0x2CA8] =	vst v0  }
0x2b8: {  	[tilespmem:$0x2C98] =	vst v0  }
0x2b9: {  	[tilespmem:$0x2C88] =	vst v0  }
0x2ba: {  	[tilespmem:$0x2C78] =	vst v0  }
0x2bb: {  	[tilespmem:$0x2C68] =	vst v0  }
0x2bc: {  	[tilespmem:$0x2C58] =	vst v0  }
0x2bd: {  	[tilespmem:$0x2C48] =	vst v0  }
0x2be: {  	[tilespmem:$0x2C38] =	vst v0  }
0x2bf: {  	[tilespmem:$0x2C28] =	vst v0  }
0x2c0: {  	[tilespmem:$0x2C18] =	vst v0  }
0x2c1: {  	[tilespmem:$0x2C08] =	vst v0  }
0x2c2: {  	[tilespmem:$0x2BF8] =	vst v0  }
0x2c3: {  	[tilespmem:$0x2BE8] =	vst v0  }
0x2c4: {  	[tilespmem:$0x2BD8] =	vst v0  }
0x2c5: {  	[tilespmem:$0x2BC8] =	vst v0  }
0x2c6: {  	[tilespmem:$0x2BB8] =	vst v0  }
0x2c7: {  	[tilespmem:$0x2BA8] =	vst v0  }
0x2c8: {  	[tilespmem:$0x2B98] =	vst v0  }
0x2c9: {  	[tilespmem:$0x2B88] =	vst v0  }
0x2ca: {  	[tilespmem:$0x2B78] =	vst v0  }
0x2cb: {  	[tilespmem:$0x2B68] =	vst v0  }
0x2cc: {  	[tilespmem:$0x2B58] =	vst v0  }
0x2cd: {  	[tilespmem:$0x2B48] =	vst v0  }
0x2ce: {  	[tilespmem:$0x2B38] =	vst v0  }
0x2cf: {  	[tilespmem:$0x2B28] =	vst v0  }
0x2d0: {  	[tilespmem:$0x2B18] =	vst v0  }
0x2d1: {  	[tilespmem:$0x2B08] =	vst v0  }
0x2d2: {  	[tilespmem:$0x2AF8] =	vst v0  }
0x2d3: {  	[tilespmem:$0x2AE8] =	vst v0  }
0x2d4: {  	[tilespmem:$0x2AD8] =	vst v0  }
0x2d5: {  	[tilespmem:$0x2AC8] =	vst v0  }
0x2d6: {  	[tilespmem:$0x2AB8] =	vst v0  }
0x2d7: {  	[tilespmem:$0x2AA8] =	vst v0  }
0x2d8: {  	[tilespmem:$0x2A98] =	vst v0  }
0x2d9: {  	[tilespmem:$0x2A88] =	vst v0  }
0x2da: {  	[tilespmem:$0x2A78] =	vst v0  }
0x2db: {  	[tilespmem:$0x2A68] =	vst v0  }
0x2dc: {  	[tilespmem:$0x2A58] =	vst v0  }
0x2dd: {  	[tilespmem:$0x2A48] =	vst v0  }
0x2de: {  	[tilespmem:$0x2A38] =	vst v0  }
0x2df: {  	[tilespmem:$0x2A28] =	vst v0  }
0x2e0: {  	[tilespmem:$0x2A18] =	vst v0  }
0x2e1: {  	[tilespmem:$0x2A08] =	vst v0  }
0x2e2: {  	[tilespmem:$0x29F8] =	vst v0  }
0x2e3: {  	[tilespmem:$0x29E8] =	vst v0  }
0x2e4: {  	[tilespmem:$0x29D8] =	vst v0  }
0x2e5: {  	[tilespmem:$0x29C8] =	vst v0  }
0x2e6: {  	[tilespmem:$0x29B8] =	vst v0  }
0x2e7: {  	[tilespmem:$0x29A8] =	vst v0  }
0x2e8: {  	[tilespmem:$0x2998] =	vst v0  }
0x2e9: {  	[tilespmem:$0x2988] =	vst v0  }
0x2ea: {  	[tilespmem:$0x2978] =	vst v0  }
0x2eb: {  	[tilespmem:$0x2968] =	vst v0  }
0x2ec: {  	[tilespmem:$0x2958] =	vst v0  }
0x2ed: {  	[tilespmem:$0x2948] =	vst v0  }
0x2ee: {  	[tilespmem:$0x2938] =	vst v0  }
0x2ef: {  	[tilespmem:$0x2928] =	vst v0  }
0x2f0: {  	[tilespmem:$0x2918] =	vst v0  }
0x2f1: {  	[tilespmem:$0x2908] =	vst v0  }
0x2f2: {  	[tilespmem:$0x28F8] =	vst v0  }
0x2f3: {  	[tilespmem:$0x28E8] =	vst v0  }
0x2f4: {  	[tilespmem:$0x28D8] =	vst v0  }
0x2f5: {  	[tilespmem:$0x28C8] =	vst v0  }
0x2f6: {  	[tilespmem:$0x28B8] =	vst v0  }
0x2f7: {  	[tilespmem:$0x28A8] =	vst v0  }
0x2f8: {  	[tilespmem:$0x2898] =	vst v0  }
0x2f9: {  	[tilespmem:$0x2888] =	vst v0  }
0x2fa: {  	[tilespmem:$0x2878] =	vst v0  }
0x2fb: {  	[tilespmem:$0x2868] =	vst v0  }
0x2fc: {  	[tilespmem:$0x2858] =	vst v0  }
0x2fd: {  	[tilespmem:$0x2848] =	vst v0  }
0x2fe: {  	[tilespmem:$0x2838] =	vst v0  }
0x2ff: {  	[tilespmem:$0x2828] =	vst v0  }
0x300: {  	[tilespmem:$0x2818] =	vst v0  }
0x301: {  	[tilespmem:$0x2808] =	vst v0  }
0x302: {  	[tilespmem:$0x27F8] =	vst v0  }
0x303: {  	[tilespmem:$0x27E8] =	vst v0  }
0x304: {  	[tilespmem:$0x27D8] =	vst v0  }
0x305: {  	[tilespmem:$0x27C8] =	vst v0  }
0x306: {  	[tilespmem:$0x27B8] =	vst v0  }
0x307: {  	[tilespmem:$0x27A8] =	vst v0  }
0x308: {  	[tilespmem:$0x2798] =	vst v0  }
0x309: {  	[tilespmem:$0x2788] =	vst v0  }
0x30a: {  	[tilespmem:$0x2778] =	vst v0  }
0x30b: {  	[tilespmem:$0x2768] =	vst v0  }
0x30c: {  	[tilespmem:$0x2758] =	vst v0  }
0x30d: {  	[tilespmem:$0x2748] =	vst v0  }
0x30e: {  	[tilespmem:$0x2738] =	vst v0  }
0x30f: {  	[tilespmem:$0x2728] =	vst v0  }
0x310: {  	[tilespmem:$0x2718] =	vst v0  }
0x311: {  	[tilespmem:$0x2708] =	vst v0  }
0x312: {  	[tilespmem:$0x26F8] =	vst v0  }
0x313: {  	[tilespmem:$0x26E8] =	vst v0  }
0x314: {  	[tilespmem:$0x26D8] =	vst v0  }
0x315: {  	[tilespmem:$0x26C8] =	vst v0  }
0x316: {  	[tilespmem:$0x26B8] =	vst v0  }
0x317: {  	[tilespmem:$0x26A8] =	vst v0  }
0x318: {  	[tilespmem:$0x2698] =	vst v0  }
0x319: {  	[tilespmem:$0x2688] =	vst v0  }
0x31a: {  	[tilespmem:$0x2678] =	vst v0  }
0x31b: {  	[tilespmem:$0x2668] =	vst v0  }
0x31c: {  	[tilespmem:$0x2658] =	vst v0  }
0x31d: {  	[tilespmem:$0x2648] =	vst v0  }
0x31e: {  	[tilespmem:$0x2638] =	vst v0  }
0x31f: {  	[tilespmem:$0x2628] =	vst v0  }
0x320: {  	[tilespmem:$0x2618] =	vst v0  }
0x321: {  	[tilespmem:$0x2608] =	vst v0  }
0x322: {  	[tilespmem:$0x25F8] =	vst v0  }
0x323: {  	[tilespmem:$0x25E8] =	vst v0  }
0x324: {  	[tilespmem:$0x25D8] =	vst v0  }
0x325: {  	[tilespmem:$0x25C8] =	vst v0  }
0x326: {  	[tilespmem:$0x25B8] =	vst v0  }
0x327: {  	[tilespmem:$0x25A8] =	vst v0  }
0x328: {  	[tilespmem:$0x2598] =	vst v0  }
0x329: {  	[tilespmem:$0x2588] =	vst v0  }
0x32a: {  	[tilespmem:$0x2578] =	vst v0  }
0x32b: {  	[tilespmem:$0x2568] =	vst v0  }
0x32c: {  	[tilespmem:$0x2558] =	vst v0  }
0x32d: {  	[tilespmem:$0x2548] =	vst v0  }
0x32e: {  	[tilespmem:$0x2538] =	vst v0  }
0x32f: {  	[tilespmem:$0x2528] =	vst v0  }
0x330: {  	[tilespmem:$0x2518] =	vst v0  }
0x331: {  	[tilespmem:$0x2508] =	vst v0  }
0x332: {  	[tilespmem:$0x24F8] =	vst v0  }
0x333: {  	[tilespmem:$0x24E8] =	vst v0  }
0x334: {  	[tilespmem:$0x24D8] =	vst v0  }
0x335: {  	[tilespmem:$0x24C8] =	vst v0  }
0x336: {  	[tilespmem:$0x24B8] =	vst v0  }
0x337: {  	[tilespmem:$0x24A8] =	vst v0  }
0x338: {  	[tilespmem:$0x2498] =	vst v0  }
0x339: {  	[tilespmem:$0x2488] =	vst v0  }
0x33a: {  	[tilespmem:$0x2478] =	vst v0  }
0x33b: {  	[tilespmem:$0x2468] =	vst v0  }
0x33c: {  	[tilespmem:$0x2458] =	vst v0  }
0x33d: {  	[tilespmem:$0x2448] =	vst v0  }
0x33e: {  	[tilespmem:$0x2438] =	vst v0  }
0x33f: {  	[tilespmem:$0x2428] =	vst v0  }
0x340: {  	[tilespmem:$0x2418] =	vst v0  }
0x341: {  	[tilespmem:$0x2408] =	vst v0  }
0x342: {  	[tilespmem:$0x23F8] =	vst v0  }
0x343: {  	[tilespmem:$0x23E8] =	vst v0  }
0x344: {  	[tilespmem:$0x23D8] =	vst v0  }
0x345: {  	[tilespmem:$0x23C8] =	vst v0  }
0x346: {  	[tilespmem:$0x23B8] =	vst v0  }
0x347: {  	[tilespmem:$0x23A8] =	vst v0  }
0x348: {  	[tilespmem:$0x2398] =	vst v0  }
0x349: {  	[tilespmem:$0x2388] =	vst v0  }
0x34a: {  	[tilespmem:$0x2378] =	vst v0  }
0x34b: {  	[tilespmem:$0x2368] =	vst v0  }
0x34c: {  	[tilespmem:$0x2358] =	vst v0  }
0x34d: {  	[tilespmem:$0x2348] =	vst v0  }
0x34e: {  	[tilespmem:$0x2338] =	vst v0  }
0x34f: {  	[tilespmem:$0x2328] =	vst v0  }
0x350: {  	[tilespmem:$0x2318] =	vst v0  }
0x351: {  	[tilespmem:$0x2308] =	vst v0  }
0x352: {  	[tilespmem:$0x22F8] =	vst v0  }
0x353: {  	[tilespmem:$0x22E8] =	vst v0  }
0x354: {  	[tilespmem:$0x22D8] =	vst v0  }
0x355: {  	[tilespmem:$0x22C8] =	vst v0  }
0x356: {  	[tilespmem:$0x22B8] =	vst v0  }
0x357: {  	[tilespmem:$0x22A8] =	vst v0  }
0x358: {  	[tilespmem:$0x2298] =	vst v0  }
0x359: {  	[tilespmem:$0x2288] =	vst v0  }
0x35a: {  	s4 =	stileid.u32;
	[tilespmem:$0x2278] =	vst v0  }
0x35b: {  	s0 =	smul.u32 $0x82, s4;
	[tilespmem:$0x2268] =	vst v0  }
0x35c: {  	s1 =	smin.u32 s4, $0x4;
	[tilespmem:$0x2238] =	vst v0  }
0x35d: {  	[tilespmem:$0x2248] =	vst v0;
	s0 =	sadd.s32 s1, s0  }
0x35e: {  	p0 =	slt.u32 s4, $0x4;
	[tilespmem:$0x2228] =	vst v0;
	s1 =	simm.s32 $0xC480;
	s8 =	smul.u32 $0x180, s0  }
0x35f: {  	s1 =	simm.s32 @!p0 $0xC300;
	[tilespmem:$0x21A8] =	vst v0  }
0x360: {  	[tilespmem:$0x2218] =	vst v0;
	s0 =	sadd.s32 s1, s8  }
0x361: {  	s3 =	simm.s32 $0x2;
	[tilespmem:$0x2208] =	vst v0;
	s9 =	smin.u32 s0, $0xC3500  }
0x362: {  	s11 =	simm.s32 $0x9;
	s12 =	simm.s32 $0xA;
	[tilespmem:$0x21F8] =	vst v0;
	s0 =	ssub.s32 s9, s8  }
0x363: {  	s16 =	simm.s32 $0x0;
	p4 =	por $0x0, $0x0;
	[tilespmem:$0x21E8] =	vst v0;
	p0 =	sgt.s32 s0, $0x0  }
0x364: {  	s17 =	simm.s32 $0xC;
	s21 =	simm.s32 $0x0;
	[tilespmem:$0x21C8] =	vst v0;
	s0 =	simm.s32 @!p0 $0x0  }
0x365: {  	s18 =	simm.s32 $0x0;
	s2 =	sand.u32 $0x1, s2;
	[tilespmem:$0x21B8] =	vst v0;
	s30 =	smulhi.u32 $0x2AAAAAAB, s0  }
0x366: {  	s20 =	simm.s32 $0x0;
	s31 =	sshll.u32 s4, $0x6;
	[tilespmem:$0x2188] =	vst v0;
	[dreg:$0x5] =	wrdreg s2  }
0x367: {  	s2 =	smul.u32 $0x186A0, s2;
	[tilespmem:$0x2178] =	vst v0;
	[sflag:s3] =	ssyncpa.u1 $0x0;
	s1 =	sshrl.u32 s30, $0x6  }
0x368: {  	v0 =	vimm.s32 $0xFFFFFFFF;
	s3 =	sadd.s32 $0x69E00, s6;
	[dreg:$0x4] =	wrdreg s31;
	s5 =	smul.u32 $0x180, s1  }
.Ltmp7:
0x369: {  	[tilespmem:$0x6088] =	vst v0;
	[sflag:s11] =	ssyncpa.u1 $0x0;
	s2 =	sadd.s32 s2, s6;
	(pc) =	sbr.rel .LBB3_1-.Ltmp7, $4  }
0x36a: {  	[sflag:s12] =	ssyncpa.u1 $0x0;
	s12 =	simm.s32 $0xB;
	p0 =	sne.s32 s0, s5  }
0x36b: {  	s6 =	sadd.s32 $0x6367A00, s6;
	[sflag:s12] =	ssyncpa.u1 $0x0;
	s7 =	simm.s32 @!p0 $0x0  }
0x36c: {  	s13 =	sadd.s32 $0x4ACCC00, s2;
	s14 =	sadd.s32 $0x39000, s2;
	s7 =	sadd.s32 s7, s1  }
0x36d: {  	v0 =	vlaneseq.u32;
	s19 =	smov.u32 s8;
	p0 =	por $0x1, $0x1;
	s15 =	sadd.s32 $0x1, s7  }
.LBB3_18:
0x36e: {  	s0 =	simm.s32 $0x2  }
0x36f: {  	_ =	swait.ge [sflag:s0], $0x0  }
0x370: {  	[sflag:s0] =	ssyncset.done $0x0;
	s0 =	simm.s32 $0x0  }
.LBB3_19:
0x371: {  	_ =	swait.ge [sflag:s17], s0  }
0x372: {  	s31 =	ssub.s32 $0x0, s0;
	v1 =	vmov s23;
	vm0 =	veq.s32 v0, $0x0;
	[sflag:s17] =	ssyncset.done $0x0  }
0x373: {  	vm15 =	veq.s32 v0, $0x2;
	v1 =	vsel vm0, s28, v1;
	[sflag:s17] =	ssyncadd.s32 s31  }
0x374: {  	v1 =	vsel vm15, s21, v1;
	[sflag:s17] =	ssyncpa.u1 $0x1  }
0x375: {  	[tilespmem:$0x6088] =	vst v1  }
.LBB3_20:
0x376: {  	s0 =	sadd.s32 $0x180, s19  }
0x377: {  	s1 =	smov.u32 s8;
	p1 =	slt.s32 s0, s9  }
0x378: {  	s1 =	smov.u32 @p1 s0;
	p1 =	sne.s32 s20, s15  }
.Ltmp8:
0x379: {  	_ = 	snop;
	(pc) =	sbr.rel @!p1 .LBB3_21-.Ltmp8, $4  }
0x37a: {  	_ = 	snop  }
0x37b: {  	s21 =	smov.u32 s18  }
0x37c: {  	s31 =	sadd.s32 $0x1, s20;
	s18 =	smov.u32 s19;
	p0 =	por !p0, !p0  }
0x37d: {  	p4 =	por !p4, !p4;
	s20 =	smov.u32 s31;
	s19 =	smov.u32 s1  }
.LBB3_1:
0x37e: {  	p2 =	sge.u32 s20, s7  }
0x37f: {  	s0 =	smulhi.u32 @!p2 $0xAAAAAAAB, s20  }
0x380: {  	s1 =	smov.u32 s19;
	p3 =	sgt.s32 @!p2 s19, $0xC3380  }
0x381: {  	s2 =	sshra.s32 @!p2 s19, $0x1F;
	p3 =	por !p3, p2;
	s0 =	sshrl.u32 @!p2 s0, $0x1  }
0x382: {  	s2 =	sand.u32 @!p2 s2, s19;
	s1 =	simm.s32 @p3 $0xC3380;
	s0 =	smul.u32 @!p2 $0x3, s0  }
0x383: {  	s1 =	ssub.s32 @!p2 s1, s2  }
0x384: {  	s22 =	sadd.s32 $0xFFFFFFFF, s20;
	s1 =	sadd.s32 @!p2 $0xFFF3CC80, s1;
	s0 =	ssub.s32 @!p2 s20, s0  }
0x385: {  	s2 =	sshll.u32 @!p2 s1, $0x2;
	p3 =	sgt.s32 @!p2 s1, $0x17F;
	s0 =	smul.u32 @!p2 $0x600, s0  }
0x386: {  	s5 =	sand.u32 @!p2 $0x7, s19;
	s1 =	ssub.s32 @!p2 $0x600, s2;
	p3 =	por !p3, p2  }
0x387: {  	s2 =	sshrl.u32 @!p2 s19, $0x3;
	s1 =	sshrl.u32 @!p2 s1, $0x2;
	s0 =	sshrl.u32 @!p2 s0, $0x2  }
0x388: {  	s2 =	sadd.s32 @!p2 s2, s13;
	s1 =	simm.s32 @!p3 $0x0;
	s0 =	sadd.s32 @!p2 $0x64C8, s0  }
0x389: {  	[tilespmem:s0], [sflag:$0xA] =	stream.linear.gather @!p2 [hbm4b:s2+s5], s1, $0x38;
	[tilespmem:$0x1EC48] =	vst v63  }
0x38a: {  	p2 =	sge.u32 s22, s7  }
0x38b: {  	p3 =	sgt.s32 @!p2 s18, $0xC3380  }
0x38c: {  	s0 =	smov.u32 s18;
	s1 =	sshra.s32 @!p2 s18, $0x1F;
	p3 =	por !p3, p2  }
0x38d: {  	s1 =	sand.u32 @!p2 s1, s18;
	s0 =	simm.s32 @p3 $0xC3380  }
0x38e: {  	s0 =	ssub.s32 @!p2 s0, s1  }
0x38f: {  	s0 =	sadd.s32 @!p2 $0xFFF3CC80, s0  }
0x390: {  	s1 =	sshll.u32 @!p2 s0, $0x2  }
0x391: {  	p3 =	sgt.s32 @!p2 s0, $0x17F;
	s0 =	ssub.s32 @!p2 $0x600, s1  }
0x392: {  	p3 =	por !p3, p2;
	s0 =	sshrl.u32 @!p2 s0, $0x2  }
0x393: {  	s2 =	simm.s32 @!p2 $0xA;
	s1 =	sand.u32 @!p2 $0x1, s22;
	s0 =	simm.s32 @!p3 $0x0  }
0x394: {  	s1 =	smul.u32 @!p2 $0x600, s1;
	_ =	swait.ge @!p2 [sflag:s2], s0  }
0x395: {  	s5 =	ssub.s32 @!p2 $0x0, s0;
	[sflag:s2] =	ssyncset.done @!p2 $0x0  }
0x396: {  	s1 =	sshrl.u32 @!p2 s1, $0x2;
	[sflag:s2] =	ssyncadd.s32 @!p2 s5;
	s2 =	sshrl.u32 @!p2 s18, $0x3  }
0x397: {  	s1 =	sadd.s32 @!p2 $0x6948, s1;
	s5 =	sand.u32 @!p2 $0x7, s18;
	s2 =	sadd.s32 @!p2 s2, s14  }
0x398: {  	[tilespmem:s1], [sflag:$0xB] =	stream.linear.gather @!p2 [hbm4b:s2+s5], s0, $0x38;
	[tilespmem:$0x1EC48] =	vst v63  }
0x399: {  	s0 =	ssub.s32 @!p2 $0xC3500, s18  }
0x39a: {  	p3 =	slt.s32 @!p2 s0, $0x1  }
0x39b: {  	p3 =	por p2, p3  }
.Ltmp9:
0x39c: {  	_ = 	snop;
	(pc) =	sbr.rel @p3 .LBB3_7-.Ltmp9, $1  }
0x39d: {  	_ =	sdelay $0x3  }
0x39e: {  	s1 =	smulhi.u32 $0xAAAAAAAB, s22;
	_ =	sdelay $0x1  }
0x39f: {  	s1 =	sshrl.u32 s1, $0x1  }
0x3a0: {  	s1 =	smul.u32 $0x3, s1;
	_ =	sdelay $0x1  }
0x3a1: {  	s1 =	ssub.s32 s22, s1  }
0x3a2: {  	s2 =	simm.s32 $0x1;
	s1 =	smul.u32 $0x600, s1  }
.Ltmp10:
0x3a3: {  	s2 =	simm.s32 @!p0 $0x0;
	(pc) =	sbr.rel .LBB3_4-.Ltmp10, $4  }
0x3a4: {  	s2 =	smul.u32 $0x30000, s2  }
0x3a5: {  	p3 =	slt.s32 @!p2 s0, $0x180;
	s1 =	sshrl.u32 s1, $0x2  }
0x3a6: {  	p2 =	por !p3, p2;
	s2 =	sshrl.u32 s2, $0x2;
	s1 =	sadd.s32 $0x64C8, s1  }
0x3a7: {  	s23 =	simm.s32 $0x0;
	s0 =	simm.s32 @p2 $0x180;
	s22 =	sadd.s32 $0x6C48, s2;
	v1 =	vmov s1  }
.LBB3_3:
0x3a8: {  	p2 =	sge.s32 s23, s0  }
.Ltmp11:
0x3a9: {  	_ = 	snop;
	(pc) =	sbr.rel @p2 .LBB3_7-.Ltmp11, $2  }
0x3aa: {  	_ =	sdelay $0x2  }
0x3ab: {  	s22 =	sadd.s32 $0x800, s22  }
.LBB3_4:
0x3ac: {  	p2 =	sle.s32 s0, s23  }
.Ltmp12:
0x3ad: {  	_ = 	snop;
	(pc) =	sbr.rel @p2 .LBB3_3-.Ltmp12, $2  }
0x3ae: {  	_ =	sdelay $0x2  }
0x3af: {  	s24 =	smov.u32 s23;
	s23 =	sadd.s32 $0x10, s23  }
0x3b0: {  	s1 =	ssub.s32 s0, s24  }
0x3b1: {  	p2 =	slt.s32 s1, $0x10  }
0x3b2: {  	s1 =	simm.s32 @!p2 $0x10  }
0x3b3: {  	v2 =	vmov s1  }
0x3b4: {  	vm0 =	vgt.s32 v2, v0;
	_ =	sdelay $0x5  }
0x3b5: {  	v2 =	vld.idx.msk [tilespmem:v1+s24+$0x0 ss:$0x1], vm0;
	_ =	sdelay $0x2  }
0x3b6: {  	p2 =	slt.s32 s23, s0;
	s1 =	smov.u32 s0  }
0x3b7: {  	s2 =	smov.u32 s22;
	s25 =	simm.s32 $0x0;
	s1 =	smov.u32 @p2 s23  }
.LBB3_6:
0x3b8: {  	(v2sf) =	vpush v2, s25;
	_ =	sdelay $0xc  }
0x3b9: {  	s25 =	sadd.s32 $0x1, s25  }
0x3ba: {  	s31 =	sadd.s32 s25, s24  }
0x3bb: {  	p2 =	slt.s32 s31, s1;
	s5 =	spop (v2sf)  }
.Ltmp13:
0x3bc: {  	s5 =	sshll.u32 s5, $0x4;
	(pc) =	sbr.rel @p2 .LBB3_6-.Ltmp13, $4  }
0x3bd: {  	s5 =	sand.u32 $0x1FFFFFF0, s5  }
0x3be: {  	s5 =	sadd.s32 s6, s5  }
0x3bf: {  	[tilespmem:s2], [sflag:$0x9] =	stream.linear.gather [hbm4b:s5+s16], $0x13, $0x38;
	[tilespmem:$0x1EC48] =	vst v63  }
0x3c0: {  	s2 =	sadd.s32 $0x80, s2  }
.Ltmp14:
0x3c1: {  	_ = 	snop;
	(pc) =	sbr.rel .LBB3_3-.Ltmp14, $1  }
0x3c2: {  	_ =	sdelay $0x3  }
.LBB3_7:
0x3c3: {  	p2 =	slt.u32 s20, $0x2  }
.Ltmp15:
0x3c4: {  	_ = 	snop;
	(pc) =	sbr.rel @p2 .LBB3_20-.Ltmp15, $1  }
0x3c5: {  	_ =	sdelay $0x3  }
0x3c6: {  	s0 =	ssub.s32 $0xC3500, s21;
	p2 =	sgt.s32 s21, $0xC3380  }
0x3c7: {  	s1 =	smov.u32 s21;
	s2 =	sshra.s32 s21, $0x1F;
	p3 =	slt.s32 s0, $0x180  }
0x3c8: {  	s1 =	simm.s32 @!p2 $0xC3380;
	s2 =	sand.u32 s2, s21;
	s0 =	simm.s32 @!p3 $0x180  }
0x3c9: {  	s1 =	ssub.s32 s1, s2;
	s0 =	smul.u32 $0x4C, s0  }
0x3ca: {  	s1 =	sadd.s32 $0xFFF3CC80, s1  }
0x3cb: {  	s26 =	sshll.u32 s1, $0x2;
	s0 =	sshrl.u32 s0, $0x2  }
0x3cc: {  	p2 =	sgt.s32 s1, $0x17F;
	s28 =	ssub.s32 $0x600, s26;
	_ =	swait.ge [sflag:s11], s0  }
0x3cd: {  	s0 =	ssub.s32 $0x0, s0;
	s1 =	sshrl.u32 s28, $0x2;
	[sflag:s11] =	ssyncset.done $0x0  }
0x3ce: {  	s1 =	simm.s32 @p2 $0x0;
	[sflag:s11] =	ssyncadd.s32 s0  }
0x3cf: {  	_ =	swait.ge [sflag:s12], s1  }
0x3d0: {  	s29 =	ssub.s32 $0x0, s1;
	[sflag:s12] =	ssyncset.done $0x0  }
0x3d1: {  	[sflag:s12] =	ssyncadd.s32 s29  }
0x3d2: {  	v1 =	vld [tilespmem:$0x6088];
	_ =	sdelay $0x4  }
0x3d3: {  	(v2sf) =	vpush v1, $0x0  }
0x3d4: {  	(v2sf) =	vpush v1, $0x1  }
0x3d5: {  	(v2sf) =	vpush v1, $0x2;
	_ =	sdelay $0x3  }
0x3d6: {  	s0 =	sadd.s32 $0x180, s21  }
0x3d7: {  	p2 =	slt.s32 s9, s0;
	s1 =	ssub.s32 $0x186A00, s21  }
0x3d8: {  	s0 =	smov.u32 @p2 s9;
	p2 =	sgt.s32 s1, $0x0  }
0x3d9: {  	s0 =	ssub.s32 s0, s21;
	s1 =	simm.s32 @!p2 $0x0  }
0x3da: {  	p2 =	slt.s32 s1, s0  }
0x3db: {  	s0 =	smov.u32 @p2 s1  }
0x3dc: {  	s24 =	simm.s32 $0x1;
	p2 =	slt.s32 s0, $0x1  }
.Ltmp16:
0x3dd: {  	s24 =	simm.s32 @!p4 $0x0;
	(pc) =	sbr.rel @p2 .LBB3_12-.Ltmp16, $4  }
0x3de: {  	s30 =	smul.u32 $0x600, s24  }
0x3df: {  	s25 =	spop (v2sf)  }
0x3e0: {  	s31 =	sshrl.u32 s30, $0x2;
	s26 =	spop (v2sf)  }
0x3e1: {  	s22 =	sadd.s32 $0x6948, s31;
	s21 =	spop (v2sf)  }
0x3e2: {  	s1 =	smin.u32 s0, $0x10  }
0x3e3: {  	v1 =	vmov s1  }
0x3e4: {  	p3 =	sgt.s32 s0, $0x10;
	vm1 =	vgt.u32 v1, v0  }
.Ltmp17:
0x3e5: {  	_ = 	snop;
	(pc) =	sbr.rel @!p3 .LBB3_11-.Ltmp17, $2  }
0x3e6: {  	_ =	sdelay $0x2  }
0x3e7: {  	s28 =	simm.s32 $0x10;
	s29 =	sadd.s32 $0xFFFFFFF0, s0;
	s23 =	smov.u32 s22;
	vm0 =	vmmov vm1  }
.LBB3_10:
0x3e8: {  	s1 =	smin.u32 s29, $0x10;
	s28 =	sadd.s32 $0x10, s28;
	v1 =	vld.msk [tilespmem:s23+$0x0 ss:$0x1], vm1  }
0x3e9: {  	v2 =	vmov s1;
	p3 =	slt.s32 s28, s0  }
0x3ea: {  	vm1 =	vgt.u32 v2, v0  }
.Ltmp18:
0x3eb: {  	(pc) =	sbr.rel @p3 .LBB3_10-.Ltmp18, $3  }
0x3ec: {  	_ =	sdelay $0x1  }
0x3ed: {  	v1 =	vshll.u32 v1, $0x4  }
0x3ee: {  	s29 =	sadd.s32 $0xFFFFFFF0, s29;
	[tilespmem:s23+$0x0] =	vst.msk vm0, v1;
	s23 =	sadd.s32 $0x10, s23;
	vm0 =	vmmov vm1  }
.LBB3_11:
0x3ef: {  	_ =	sdelay $0x4  }
0x3f0: {  	v1 =	vld.msk [tilespmem:s23+$0x0 ss:$0x1], vm1;
	_ =	sdelay $0x4  }
0x3f1: {  	v1 =	vshll.u32 v1, $0x4  }
0x3f2: {  	[tilespmem:s23+$0x0] =	vst.msk vm0, v1  }
.LBB3_12:
0x3f3: {  	s1 =	sand.u32 $0x1, s20  }
0x3f4: {  	s1 =	smul.u32 $0x180, s1  }
0x3f5: {  	p3 =	sne.s32 s26, $0xFFFFFFFF  }
0x3f6: {  	v1 =	vld.msk @!p3 [tilespmem:s1+$0x6948], $0x1;
	_ =	sdelay $0x4  }
0x3f7: {  	(v2sf) =	vpush @!p3 v1, $0x0;
	_ =	sdelay $0xc  }
.Ltmp19:
0x3f8: {  	_ = 	snop;
	(pc) =	sbr.rel @p2 .LBB3_18-.Ltmp19, $4  }
0x3f9: {  	_ = 	snop  }
0x3fa: {  	s28 =	spop @!p3 (v2sf)  }
0x3fb: {  	s21 =	simm.s32 @!p3 $0x0;
	s23 =	smov.u32 s28  }
0x3fc: {  	[sflag:s17] =	ssyncpa.u1 $0x0;
	s28 =	smov.u32 @p3 s25;
	s23 =	smov.u32 @p3 s26  }
0x3fd: {  	v1 =	vld.msk [tilespmem:s22+$0x0], $0x1;
	_ =	sdelay $0x4  }
0x3fe: {  	(v2sf) =	vpush v1, $0x0;
	_ =	sdelay $0xd  }
0x3ff: {  	s1 =	simm.s32 @!p4 $0x0  }
0x400: {  	s26 =	smul.u32 $0x30000, s24;
	s29 =	ssub.s32 $0x0, s0;
	s30 =	spop (v2sf)  }
0x401: {  	s1 =	simm.s32 @p4 $0x1;
	s0 =	sadd.s32 $0x1, s29;
	p2 =	seq.s32 s28, s30  }
0x402: {  	[smem:$0x7FD] =	sst s1;
	s1 =	sshrl.u32 s26, $0x2;
	p3 =	sgt.s32 @!p2 s28, $0x0  }
0x403: {  	s24 =	sadd.s32 $0x6C58, s1;
	s1 =	smov.u32 s28;
	p3 =	por !p3, p2  }
0x404: {  	s1 =	simm.s32 @p3 $0x0;
	p3 =	seq.s32 s0, $0x0  }
.Ltmp20:
0x405: {  	_ = 	snop;
	(pc) =	sbr.rel @p3 .LBB3_15-.Ltmp20, $4  }
0x406: {  	_ = 	snop  }
0x407: {  	s25 =	simm.s32 $0x0;
	s31 =	simm.s32 @!p2 $0x1;
	s2 =	smin.u32 @!p2 s1, $0xC34FD  }
0x408: {  	s26 =	sadd.s32 $0x1, s22;
	s31 =	smov.u32 @p2 s25;
	s5 =	sand.u32 @!p2 $0xFFFF8, s2  }
0x409: {  	s1 =	simm.s32 @!p2 $0x3068;
	s2 =	sand.u32 @!p2 $0x7, s2;
	s5 =	sadd.s32 @!p2 s3, s5  }
.LBB3_14:
0x40a: {  	s4 =	smov.u32 s31  }
0x40b: {  	[tilespmem:s1], [sflag:$0x2] =	stream.linear.gather @!p2 [hbm4b:s5+s2], $0x13, $0x38;
	[tilespmem:$0x1EC48] =	vst v63  }
0x40c: {  	s0 =	sadd.s32 $0x1, s0;
	s2 =	smov.u32 s30;
	v1 =	vld.msk [tilespmem:s26+$0x0], $0x1  }
0x40d: {  	p3 =	seq.s32 s0, $0x0;
	_ =	sdelay $0x3  }
0x40e: {  	(v2sf) =	vpush v1, $0x0;
	_ =	sdelay $0xe  }
0x40f: {  	s30 =	spop (v2sf)  }
0x410: {  	p2 =	seq.s32 s2, s30  }
0x411: {  	p4 =	sgt.s32 @!p2 s2, $0x0;
	s1 =	sshll.u32 @!p2 s31, $0x7;
	s31 =	sadd.s32 @!p2 $0x1, s31  }
.Ltmp21:
0x412: {  	p4 =	por !p4, p2;
	s1 =	sshra.s32 @!p2 s1, $0x2;
	(pc) =	sbr.rel @!p3 .LBB3_14-.Ltmp21, $4  }
0x413: {  	s31 =	smov.u32 @p2 s4;
	s2 =	simm.s32 @p4 $0x0;
	s1 =	sadd.s32 @!p2 $0x3068, s1  }
0x414: {  	s2 =	smin.u32 @!p2 s2, $0xC34FD  }
0x415: {  	s4 =	sand.u32 @!p2 $0xFFFF8, s2;
	s2 =	sand.u32 @!p2 $0x7, s2  }
0x416: {  	s26 =	sadd.s32 $0x1, s26;
	s5 =	sadd.s32 @!p2 s3, s4  }
.LBB3_15:
0x417: {  	s0 =	smul.u32 $0x4C, s31  }
0x418: {  	[tilespmem:s1], [sflag:$0x2] =	stream.linear.gather @!p2 [hbm4b:s5+s2], $0x13, $0x38;
	[tilespmem:$0x1EC48] =	vst v63  }
0x419: {  	s31 =	simm.s32 $0x2;
	s0 =	sshrl.u32 s0, $0x2  }
0x41a: {  	_ =	swait.ge [sflag:s31], s0  }
0x41b: {  	s0 =	ssub.s32 $0x0, s0;
	[sflag:s31] =	ssyncset.done $0x0  }
0x41c: {  	[sflag:s31] =	ssyncadd.s32 s0  }
0x41d: {  	v1 =	vld.msk [tilespmem:s22+$0x0], $0x1;
	_ =	sdelay $0x4  }
0x41e: {  	(v2sf) =	vpush v1, $0x0;
	_ =	sdelay $0xe  }
0x41f: {  	s26 =	spop (v2sf)  }
0x420: {  	p2 =	sne.s32 s28, s26  }
0x421: {  	p4 =	sne.s32 @p2 s28, s23  }
0x422: {  	p3 =	por !p4, !p2  }
0x423: {  	s0 =	simm.s32 @!p3 $0x0  }
0x424: {  	v1 =	vld @!p3 [tilespmem:s0+$0x3068];
	_ =	sdelay $0x2  }
0x425: {  	s1 =	sshll.u32 @!p3 s21, $0x7  }
0x426: {  	s1 =	sshra.s32 @!p3 s1, $0x2  }
0x427: {  	[tilespmem:s1+$0x48] =	vst.add.f32.msk @!p3 $0xffff, v1  }
0x428: {  	v1 =	vld.msk @!p3 [tilespmem:s0+$0x3078], $0x7  }
0x429: {  	p5 =	sgt.u32 @!p3 s28, $0xC34FD  }
0x42a: {  	p6 =	por @p2 p5, !p4  }
0x42b: {  	p1 =	por p6, !p2;
	p6 =	por p4, !p2  }
0x42c: {  	s4 =	sand.u32 @!p1 $0xFFFF8, s28;
	s5 =	sshll.u32 @!p6 s21, $0x7;
	s28 =	sand.u32 @!p1 $0x7, s28  }
0x42d: {  	s0 =	sadd.s32 @!p3 $0x48, s1;
	[tilespmem:s1+$0x58] =	vst.add.f32.msk @!p3 $0x7, v1;
	s1 =	sadd.s32 @!p1 s3, s4;
	s4 =	sshra.s32 @!p6 s5, $0x2  }
0x42e: {  	[hbm4b:s1+s28] =	stream.linear.scatter @!p1 [tilespmem:s0], [sflag:$0xC], $0x13, $0x38;
	[tilespmem:$0x1EC48] =	vst v63  }
0x42f: {  	s2 =	rddreg [dreg:$0x4];
	s0 =	sadd.s32 @!p6 $0x48, s4;
	s1 =	simm.s32 @!p6 $0x1  }
0x430: {  	[spmem:s2] =	stream.linear.scatter @!p6 [tilespmem:s0], [sflag:$0x1], $0x13, $0x38;
	[tilespmem:$0x1EC48] =	vst v63  }
0x431: {  	s0 =	sadd.s32 @p2 $0x1, s21;
	_ =	swait.ge @!p6 [sflag:s1], $0x13  }
0x432: {  	s2 =	smulhi.u32 @p2 $0xAAAAAAAB, s0;
	[sflag:s1] =	ssyncset.done @!p6 $0x0  }
0x433: {  	[sflag:s1] =	ssyncadd.s32 @!p6 $0xFFFFFFED  }
0x434: {  	s1 =	sshrl.u32 @p2 s2, $0x8;
	v1 =	vld @p2 [tilespmem:s24+$0xFFFFFFF0]  }
0x435: {  	s1 =	smul.u32 @p2 $0x180, s1;
	_ =	sdelay $0x1  }
0x436: {  	s1 =	ssub.s32 @p2 s0, s1  }
0x437: {  	s0 =	sshll.u32 @p2 s1, $0x5  }
0x438: {  	[tilespmem:s0+$0x48] =	vst @p2 v1  }
0x439: {  	v1 =	vld.msk @p2 [tilespmem:s24+$0x0], $0x7;
	_ =	sdelay $0x4  }
0x43a: {  	p1 =	por @p2 !p5, !p4;
	[tilespmem:s0+$0x58] =	vst.msk @p2 $0x7, v1  }
0x43b: {  	s28 =	sadd.s32 $0x1, s29;
	p1 =	por !p1, !p2;
	s0 =	simm.s32 @!p3 $0x0;
	v1 =	vld @!p2 [tilespmem:s24+$0xFFFFFFF0]  }
0x43c: {  	s0 =	simm.s32 @!p1 $0x4C;
	p1 =	seq.s32 s28, $0x0  }
.Ltmp22:
0x43d: {  	_ = 	snop;
	(pc) =	sbr.rel @p1 .LBB3_17-.Ltmp22, $4  }
0x43e: {  	s2 =	sshll.u32 @!p2 s21, $0x7  }
0x43f: {  	s5 =	sadd.s32 @!p3 $0x0, s0;
	s0 =	sshra.s32 @!p2 s2, $0x2  }
0x440: {  	s4 =	simm.s32 @p2 $0x1;
	s29 =	simm.s32 $0x0;
	s5 =	smov.u32 @p3 s25;
	[tilespmem:s0+$0x48] =	vst.add.f32.msk @!p2 $0xffff, v1  }
0x441: {  	s29 =	smov.u32 @p2 s4;
	s21 =	smov.u32 @p2 s1;
	s25 =	smov.u32 @p2 s5;
	v1 =	vld.msk @!p2 [tilespmem:s24+$0x0], $0x7  }
.LBB3_16:
0x442: {  	_ =	sdelay $0x3  }
0x443: {  	s22 =	sadd.s32 $0x1, s22;
	[tilespmem:s0+$0x58] =	vst.add.f32.msk @!p2 $0x7, v1  }
0x444: {  	v1 =	vld.msk [tilespmem:s22+$0x0], $0x1;
	_ =	sdelay $0x4  }
0x445: {  	(v2sf) =	vpush v1, $0x0;
	_ =	sdelay $0xe  }
0x446: {  	s31 =	smov.u32 s26;
	s26 =	spop (v2sf)  }
0x447: {  	p2 =	sne.s32 s31, s26  }
0x448: {  	p5 =	sne.s32 @p2 s31, s23  }
0x449: {  	p4 =	por !p5, !p2  }
0x44a: {  	s1 =	sadd.s32 @p2 $0x1, s21;
	s4 =	sadd.s32 @p2 $0x1, s29;
	s5 =	sshll.u32 @!p4 s29, $0x7  }
0x44b: {  	s2 =	smulhi.u32 @p2 $0xAAAAAAAB, s1;
	s29 =	smov.u32 @p2 s4;
	s4 =	sshra.s32 @!p4 s5, $0x2  }
0x44c: {  	v1 =	vld @!p4 [tilespmem:s4+$0x3068]  }
0x44d: {  	s2 =	sshrl.u32 @p2 s2, $0x8  }
0x44e: {  	s2 =	smul.u32 @p2 $0x180, s2  }
0x44f: {  	s10 =	sshll.u32 @!p4 s21, $0x7  }
0x450: {  	p1 =	sgt.u32 @!p4 s31, $0xC34FD;
	s1 =	ssub.s32 @p2 s1, s2;
	s2 =	sshra.s32 @!p4 s10, $0x2  }
0x451: {  	p6 =	por @p2 p1, !p5;
	p1 =	por @p2 !p1, !p5;
	[tilespmem:s2+$0x48] =	vst.add.f32.msk @!p4 $0xffff, v1  }
0x452: {  	s5 =	simm.s32 @!p4 $0x0;
	p1 =	por !p1, !p2;
	v1 =	vld.msk @!p4 [tilespmem:s4+$0x3078], $0x7  }
0x453: {  	s5 =	simm.s32 @!p1 $0x4C  }
0x454: {  	s0 =	smov.u32 s21;
	p5 =	por p5, !p2;
	s5 =	sadd.s32 @!p4 s5, s25  }
0x455: {  	s0 =	sshll.u32 @!p5 s0, $0x7;
	p1 =	por p6, !p2;
	s5 =	smov.u32 @p4 s25  }
0x456: {  	s0 =	sshra.s32 @!p5 s0, $0x2;
	s25 =	smov.u32 @p2 s5;
	s5 =	sand.u32 @!p1 $0xFFFF8, s31  }
0x457: {  	s10 =	sadd.s32 @!p4 $0x48, s2;
	s31 =	sand.u32 @!p1 $0x7, s31;
	[tilespmem:s2+$0x58] =	vst.add.f32.msk @!p4 $0x7, v1;
	s2 =	sadd.s32 @!p1 s3, s5  }
0x458: {  	[hbm4b:s2+s31] =	stream.linear.scatter @!p1 [tilespmem:s10], [sflag:$0xC], $0x13, $0x38;
	[tilespmem:$0x1EC48] =	vst v63  }
0x459: {  	s0 =	sadd.s32 @!p5 $0x48, s0;
	s4 =	rddreg [dreg:$0x4];
	s2 =	simm.s32 @!p5 $0x1  }
0x45a: {  	[spmem:s4] =	stream.linear.scatter @!p5 [tilespmem:s0], [sflag:$0x1], $0x13, $0x38;
	[tilespmem:$0x1EC48] =	vst v63  }
0x45b: {  	_ =	swait.ge @!p5 [sflag:s2], $0x13  }
0x45c: {  	[sflag:s2] =	ssyncset.done @!p5 $0x0  }
0x45d: {  	s24 =	sadd.s32 $0x80, s24;
	[sflag:s2] =	ssyncadd.s32 @!p5 $0xFFFFFFED  }
0x45e: {  	v1 =	vld @p2 [tilespmem:s24+$0xFFFFFFF0];
	_ =	sdelay $0x3  }
0x45f: {  	s0 =	sshll.u32 @p2 s1, $0x5  }
0x460: {  	[tilespmem:s0+$0x48] =	vst @p2 v1  }
0x461: {  	v1 =	vld.msk @p2 [tilespmem:s24+$0x0], $0x7;
	_ =	sdelay $0x4  }
0x462: {  	[tilespmem:s0+$0x58] =	vst.msk @p2 $0x7, v1  }
0x463: {  	s28 =	sadd.s32 $0x1, s28;
	v1 =	vld @!p2 [tilespmem:s24+$0xFFFFFFF0]  }
0x464: {  	p3 =	seq.s32 s28, $0x0  }
.Ltmp23:
0x465: {  	_ = 	snop;
	(pc) =	sbr.rel @!p3 .LBB3_16-.Ltmp23, $4  }
0x466: {  	s30 =	sshll.u32 @!p2 s21, $0x7  }
0x467: {  	s0 =	sshra.s32 @!p2 s30, $0x2  }
0x468: {  	[tilespmem:s0+$0x48] =	vst.add.f32.msk @!p2 $0xffff, v1  }
0x469: {  	s21 =	smov.u32 @p2 s1;
	v1 =	vld.msk @!p2 [tilespmem:s24+$0x0], $0x7  }
.LBB3_17:
.Ltmp24:
0x46a: {  	_ = 	snop;
	(pc) =	sbr.rel .LBB3_19-.Ltmp24, $2  }
0x46b: {  	s1 =	sld [smem:$0x7FD];
	_ =	sdelay $0x2  }
0x46c: {  	s28 =	smov.u32 s26;
	p4 =	seq.s32 s1, $0x1;
	[tilespmem:s0+$0x58] =	vst.add.f32.msk @!p2 $0x7, v1;
	s0 =	sshrl.u32 s25, $0x2  }
.LBB3_21:
0x46d: {  	_ =	sfence.sel $0x180000  }
0x46e: {  	s0 =	simm.s32 $0x9;
	[bflag:$0x0] =	sbarrier.arrive $0xFFFF  }
0x46f: {  	s24 =	simm.s32 $0xA;
	[sflag:s0] =	ssyncpa.u1 $0x1  }
0x470: {  	s25 =	simm.s32 $0xB;
	[sflag:s24] =	ssyncpa.u1 $0x1  }
0x471: {  	s26 =	simm.s32 $0x2;
	[sflag:s25] =	ssyncpa.u1 $0x1  }
0x472: {  	[sflag:s26] =	ssyncpa.u1 $0x1  }
0x473: {  	v0 =	vld [tilespmem:$0x6088];
	_ =	sdelay $0x4  }
0x474: {  	(v2sf) =	vpush v0, $0x0  }
0x475: {  	(v2sf) =	vpush v0, $0x1;
	_ =	sdelay $0x1  }
0x476: {  	(v2sf) =	vpush v0, $0x2;
	_ =	sdelay $0xb  }
0x477: {  	s0 =	spop (v2sf)  }
0x478: {  	s1 =	spop (v2sf)  }
0x479: {  	s2 =	smov.u32 s0;
	p0 =	sne.s32 s0, s1  }
0x47a: {  	s4 =	spop (v2sf);
	s2 =	simm.s32 @!p0 $0xFFFFFFFF  }
0x47b: {  	v2 =	vimm.s32 $0x1;
	v3 =	vlaneseq.u32;
	p0 =	seq.s32 s4, $0xFFFFFFFF;
	v1 =	vmov s2  }
0x47c: {  	s15 =	stileid.u32;
	v0 =	vperm.xlane v0, v2;
	p1 =	sne.s32 @!p0 s0, s1;
	v1 =	vperm.xlane v1, v3  }
0x47d: {  	vm0 =	vcmask $0x3F04;
	s6 =	simm.s32 $0x6088;
	s0 =	simm.s32 @!p0 $0x1;
	p1 =	por !p1, p0  }
0x47e: {  	s2 =	sshll.u32 s15, $0x1;
	s1 =	sshll.u32 @!p0 s4, $0x7;
	s0 =	simm.s32 @p1 $0x0;
	v0 =	vsel vm0, v1, v0  }
0x47f: {  	s5 =	sor.u32 $0x400, s2;
	s1 =	sshra.s32 @!p0 s1, $0x2;
	s0 =	sor.u32 @!p0 s0, s2;
	[tilespmem:$0x6088] =	vst v0  }
0x480: {  	[spmem:s5] =	stream.linear.scatter [tilespmem:s6], [sflag:$0x1], $0x2, $0x38;
	[tilespmem:$0x1EC48] =	vst v63  }
0x481: {  	s1 =	sadd.s32 @!p0 $0x48, s1;
	s0 =	sshll.u32 @!p0 s0, $0x5  }
0x482: {  	[spmem:s0] =	stream.linear.scatter @!p0 [tilespmem:s1], [sflag:$0x1], $0x20, $0x38;
	[tilespmem:$0x1EC48] =	vst v63  }
0x483: {  	s0 =	simm.s32 @!p0 $0x22  }
0x484: {  	s28 =	simm.s32 $0x1;
	s0 =	simm.s32 @p0 $0x2  }
0x485: {  	_ =	swait.ge [sflag:s28], s0  }
0x486: {  	s0 =	ssub.s32 $0x0, s0;
	[sflag:s28] =	ssyncset.done $0x0  }
0x487: {  	p0 =	sne.s32 s15, $0x0;
	[sflag:s28] =	ssyncadd.s32 s0  }
.Ltmp25:
0x488: {  	_ =	sfence.stream.spmem;
	(pc) =	sbr.rel @p0 .LBB3_38-.Ltmp25, $4  }
0x489: {  	s29 =	simm.s32 $0x3;
	[bflag:$0x0] =	sbarrier.arrive $0xFFFF  }
0x48a: {  	s30 =	simm.s32 $0x4;
	[sflag:s29] =	ssyncpa.u1 $0x1  }
0x48b: {  	s31 =	simm.s32 $0x3C;
	[sflag:s30] =	ssyncpa.u1 $0x1  }
0x48c: {  	s16 =	rddreg [dreg:$0x5];
	[sflag:s31] =	ssyncpa.u1 $0x1  }
0x48d: {  	_ =	sfence.stream.spmem;
	s0 =	simm.s32 $0x5  }
0x48e: {  	s1 =	simm.s32 $0x400;
	s2 =	simm.s32 $0x6098;
	[sflag:s0] =	ssyncpa.u1 $0x0  }
0x48f: {  	[tilespmem:s2], [sflag:$0x5] =	stream.linear.gather [spmem:s1], $0x20, $0x38;
	[tilespmem:$0x1EC48] =	vst v63  }
0x490: {  	s26 =	simm.s32 $0x0;
	s28 =	simm.s32 $0x60B8  }
0x491: {  	[tilespmem:s28], [sflag:$0x5] =	stream.linear.gather [spmem:s26], $0x400, $0x38;
	[tilespmem:$0x1EC48] =	vst v63  }
0x492: {  	_ =	swait.ge [sflag:s0], $0x420  }
0x493: {  	[sflag:s0] =	ssyncset.done $0x0  }
0x494: {  	s29 =	simm.s32 $0x0;
	[sflag:s0] =	ssyncadd.s32 $0xFFFFFBE0  }
0x495: {  	v0 =	vld.msk [tilespmem:s29+$0x6098], $0x1;
	_ =	sdelay $0x1  }
0x496: {  	s30 =	simm.s32 $0x1  }
0x497: {  	v1 =	vld.msk [tilespmem:s30+$0x6098], $0x1;
	_ =	sdelay $0x1  }
0x498: {  	(v2sf) =	vpush v0, $0x0;
	_ =	sdelay $0x2  }
0x499: {  	(v2sf) =	vpush v1, $0x0;
	_ =	sdelay $0x2  }
0x49a: {  	s31 =	simm.s32 $0x2  }
0x49b: {  	v0 =	vld.msk [tilespmem:s31+$0x6098], $0x1;
	_ =	sdelay $0x2  }
0x49c: {  	s6 =	simm.s32 $0xFFFFFFFF;
	s1 =	simm.s32 $0xFFFFFFFF;
	s0 =	simm.s32 $0xC  }
.LBB3_23:
0x49d: {  	s2 =	smov.u32 s6;
	s4 =	smov.u32 s1  }
0x49e: {  	s1 =	sshra.s32 s0, $0x2;
	p1 =	sne.s32 s0, $0x7C;
	s0 =	sadd.s32 $0x4, s0;
	(v2sf) =	vpush v0, $0x0  }
0x49f: {  	v0 =	vld.msk [tilespmem:s1+$0x6098], $0x1  }
.Ltmp26:
0x4a0: {  	(pc) =	sbr.rel @p1 .LBB3_23-.Ltmp26, $4  }
0x4a1: {  	s6 =	spop (v2sf)  }
0x4a2: {  	p2 =	sne.s32 s4, $0xFFFFFFFF;
	s1 =	smov.u32 s6  }
0x4a3: {  	p3 =	seq.s32 s6, $0xFFFFFFFF;
	s1 =	smov.u32 @p2 s4  }
0x4a4: {  	s6 =	smov.u32 @p3 s2;
	s1 =	smov.u32 @p3 s4  }
0x4a5: {  	(v2sf) =	vpush v0, $0x0;
	_ =	sdelay $0x8  }
0x4a6: {  	s0 =	spop (v2sf)  }
0x4a7: {  	p1 =	sne.s32 s1, $0xFFFFFFFF;
	s2 =	smov.u32 s0  }
0x4a8: {  	s9 =	simm.s32 $0x6;
	p2 =	seq.s32 s0, $0xFFFFFFFF;
	s2 =	smov.u32 @p1 s1  }
0x4a9: {  	s10 =	simm.s32 $0x6068;
	s2 =	smov.u32 @p2 s1;
	s1 =	spop (v2sf)  }
0x4aa: {  	s0 =	smov.u32 @p2 s6;
	p1 =	sne.s32 s2, $0xFFFFFFFF;
	s4 =	smov.u32 s1  }
.Ltmp27:
0x4ab: {  	p2 =	seq.s32 s1, $0xFFFFFFFF;
	s4 =	smov.u32 @p1 s2;
	(pc) =	sbr.rel .LBB3_25-.Ltmp27, $4  }
0x4ac: {  	s11 =	simm.s32 $0x0;
	s4 =	smov.u32 @p2 s2;
	s7 =	spop (v2sf)  }
0x4ad: {  	[sflag:s9] =	ssyncpa.u1 $0x0;
	p1 =	sne.s32 s4, $0xFFFFFFFF;
	s8 =	smov.u32 s7  }
0x4ae: {  	s1 =	smov.u32 @p2 s0;
	p2 =	seq.s32 s7, $0xFFFFFFFF;
	s8 =	smov.u32 @p1 s4  }
0x4af: {  	s6 =	simm.s32 $0x0;
	s7 =	smov.u32 @p2 s1;
	s8 =	smov.u32 @p2 s4  }
.LBB3_31:
0x4b0: {  	p1 =	sgt.u32 s12, $0xC34FD  }
0x4b1: {  	p2 =	seq.s32 @!p1 s12, s8  }
0x4b2: {  	p1 =	por p1, p2  }
0x4b3: {  	p2 =	sne.s32 @!p1 s12, s7  }
0x4b4: {  	p1 =	por p1, !p2  }
0x4b5: {  	s0 =	sshll.u32 @p1 s11, $0x7  }
0x4b6: {  	s0 =	sand.u32 @!p1 $0xFFFF8, s12  }
0x4b7: {  	s1 =	sand.u32 @!p1 $0x7, s12;
	s0 =	sadd.s32 @!p1 s3, s0  }
0x4b8: {  	[tilespmem:s10], [sflag:$0x6] =	stream.linear.gather @!p1 [hbm4b:s0+s1], $0x13, $0x38;
	[tilespmem:$0x1EC48] =	vst v63  }
0x4b9: {  	_ =	swait.ge @!p1 [sflag:s9], $0x13  }
0x4ba: {  	[sflag:s9] =	ssyncset.done @!p1 $0x0  }
0x4bb: {  	[sflag:s9] =	ssyncadd.s32 @!p1 $0xFFFFFFED  }
0x4bc: {  	v1 =	vld @!p1 [tilespmem:$0x6068];
	_ =	sdelay $0x2  }
0x4bd: {  	s0 =	sshll.u32 @!p1 s11, $0x7  }
0x4be: {  	s1 =	sshrl.u32 @!p1 s0, $0x2  }
0x4bf: {  	[tilespmem:s1+$0x60B8] =	vst.add.f32.msk @!p1 $0xffff, v1  }
0x4c0: {  	v1 =	vld @!p1 [tilespmem:$0x6078];
	_ =	sdelay $0x4  }
0x4c1: {  	[tilespmem:s1+$0x60C8] =	vst.add.f32.msk @!p1 $0xffff, v1  }
0x4c2: {  	s0 =	sshrl.u32 s0, $0x2;
	[tilespmem:s6+$0x6098] =	vst.msk $0x1, v0  }
0x4c3: {  	v0 =	vld [tilespmem:s0+$0x60B8];
	_ =	sdelay $0x2  }
0x4c4: {  	s31 =	sshll.u32 s6, $0x7  }
0x4c5: {  	s1 =	sshra.s32 s31, $0x2  }
0x4c6: {  	[tilespmem:s1+$0x60B8] =	vst v0  }
0x4c7: {  	v0 =	vld [tilespmem:s0+$0x60C8];
	_ =	sdelay $0x4  }
0x4c8: {  	s6 =	sadd.s32 $0x1, s6;
	[tilespmem:s1+$0x60C8] =	vst v0  }
.LBB3_32:
0x4c9: {  	s11 =	sadd.s32 $0x1, s11  }
0x4ca: {  	p1 =	sne.s32 s11, $0x20  }
.Ltmp28:
0x4cb: {  	_ = 	snop;
	(pc) =	sbr.rel @!p1 .LBB3_33-.Ltmp28, $1  }
0x4cc: {  	_ =	sdelay $0x3  }
.LBB3_25:
0x4cd: {  	v0 =	vld.msk [tilespmem:s11+$0x6098], $0x1;
	_ =	sdelay $0x4  }
0x4ce: {  	(v2sf) =	vpush v0, $0x0;
	_ =	sdelay $0xe  }
0x4cf: {  	s12 =	spop (v2sf)  }
0x4d0: {  	p1 =	seq.s32 s12, $0xFFFFFFFF  }
.Ltmp29:
0x4d1: {  	_ = 	snop;
	(pc) =	sbr.rel @p1 .LBB3_32-.Ltmp29, $1  }
0x4d2: {  	_ =	sdelay $0x3  }
0x4d3: {  	p1 =	slt.s32 s6, $0x1  }
.Ltmp30:
0x4d4: {  	_ = 	snop;
	(pc) =	sbr.rel @p1 .LBB3_31-.Ltmp30, $1  }
0x4d5: {  	_ =	sdelay $0x3  }
0x4d6: {  	s0 =	simm.s32 $0x6098;
	p1 =	por $0x0, $0x0  }
0x4d7: {  	v1 =	vld.msk @!p1 [tilespmem:s0+$0x0], $0x1;
	_ =	sdelay $0x4  }
0x4d8: {  	(v2sf) =	vpush @!p1 v1, $0x0;
	_ =	sdelay $0xd  }
0x4d9: {  	p3 =	sne.s32 s6, $0x1  }
.Ltmp31:
0x4da: {  	s1 =	spop @!p1 (v2sf);
	(pc) =	sbr.rel @!p3 .LBB3_29-.Ltmp31, $4  }
0x4db: {  	p2 =	seq.s32 @!p1 s12, s1  }
0x4dc: {  	s13 =	simm.s32 $0x0;
	p2 =	por !p2, p1  }
0x4dd: {  	s1 =	simm.s32 $0xFFFFFFFF;
	s13 =	simm.s32 @p2 $0xFFFFFFFF  }
0x4de: {  	s14 =	simm.s32 $0x1;
	s13 =	smov.u32 @p1 s1  }
.LBB3_28:
0x4df: {  	s1 =	smov.u32 s13;
	p1 =	sne.s32 s13, $0xFFFFFFFF  }
0x4e0: {  	s0 =	sadd.s32 $0x1, s0;
	s13 =	smov.u32 s14;
	s14 =	sadd.s32 $0x1, s14  }
0x4e1: {  	p2 =	sne.s32 s6, s14;
	v1 =	vld.msk @!p1 [tilespmem:s0+$0x0], $0x1;
	_ =	sdelay $0x4  }
0x4e2: {  	(v2sf) =	vpush @!p1 v1, $0x0;
	_ =	sdelay $0xe  }
.Ltmp32:
0x4e3: {  	s2 =	spop @!p1 (v2sf);
	(pc) =	sbr.rel @p2 .LBB3_28-.Ltmp32, $4  }
0x4e4: {  	p3 =	seq.s32 @!p1 s12, s2  }
0x4e5: {  	p3 =	por !p3, p1  }
0x4e6: {  	s13 =	simm.s32 @p3 $0xFFFFFFFF  }
0x4e7: {  	s13 =	smov.u32 @p1 s1  }
.LBB3_29:
0x4e8: {  	p1 =	seq.s32 s13, $0xFFFFFFFF  }
.Ltmp33:
0x4e9: {  	_ = 	snop;
	(pc) =	sbr.rel @p1 .LBB3_31-.Ltmp33, $1  }
0x4ea: {  	_ =	sdelay $0x3  }
0x4eb: {  	s0 =	sshll.u32 s11, $0x5  }
0x4ec: {  	s0 =	sand.u32 $0x3FFFFFE0, s0  }
0x4ed: {  	v0 =	vld [tilespmem:s0+$0x60B8];
	_ =	sdelay $0x2  }
0x4ee: {  	s1 =	sshll.u32 s13, $0x7  }
0x4ef: {  	s1 =	sshra.s32 s1, $0x2  }
0x4f0: {  	[tilespmem:s1+$0x60B8] =	vst.add.f32.msk $0xffff, v0  }
0x4f1: {  	v0 =	vld [tilespmem:s0+$0x60C8]  }
.Ltmp34:
0x4f2: {  	_ = 	snop;
	(pc) =	sbr.rel .LBB3_32-.Ltmp34, $2  }
0x4f3: {  	_ =	sdelay $0x2  }
0x4f4: {  	[tilespmem:s1+$0x60C8] =	vst.add.f32.msk $0xffff, v0  }
.LBB3_33:
0x4f5: {  	s0 =	simm.s32 $0x6;
	p1 =	seq.s32 s6, $0x0  }
0x4f6: {  	[sflag:s0] =	ssyncpa.u1 $0x1;
	v0 =	vimm.s32 @p1 $0xFFFFFFFF  }
0x4f7: {  	s0 =	sadd.s32 $0xFFFFFFFF, s6;
	[tilespmem:$0x64B8] =	vst @p1 v0  }
0x4f8: {  	v0 =	vld.msk @!p1 [tilespmem:s0+$0x6098], $0x1;
	_ =	sdelay $0x1  }
0x4f9: {  	v1 =	vld.msk @!p1 [tilespmem:$0x6098], $0x1;
	_ =	sdelay $0x2  }
0x4fa: {  	p2 =	seq.s32 @!p1 s0, $0x0;
	v0 =	vbroadcast @!p1 v0, $0x0  }
0x4fb: {  	vm0 =	vmmov @!p1 $0x1;
	p2 =	por !p2, p1  }
0x4fc: {  	v1 =	vnsel @!p1 vm0, $0xFFFFFFFF, v1;
	vm0 =	vcmask @!p1 $0x308;
	v0 =	vpsel !p2, $0xFFFFFFFF, v0  }
0x4fd: {  	p2 =	sne.s32 @!p1 s8, s7;
	v0 =	vsel @!p1 vm0, v1, v0  }
0x4fe: {  	s1 =	simm.s32 @!p1 $0x60B8;
	s2 =	simm.s32 @!p1 $0x0;
	p3 =	por !p2, p1;
	[tilespmem:$0x64B8] =	vst @!p1 v0  }
0x4ff: {  	[spmem:s2] =	stream.linear.scatter @!p1 [tilespmem:s1], [sflag:$0x1], $0x20, $0x38;
	[tilespmem:$0x1EC48] =	vst v63  }
0x500: {  	s1 =	sshll.u32 @!p3 s0, $0x7  }
0x501: {  	s1 =	sshra.s32 @!p3 s1, $0x2  }
0x502: {  	s2 =	simm.s32 @!p3 $0x20;
	s1 =	sadd.s32 @!p3 $0x60B8, s1  }
0x503: {  	[spmem:s2] =	stream.linear.scatter @!p3 [tilespmem:s1], [sflag:$0x1], $0x20, $0x38;
	[tilespmem:$0x1EC48] =	vst v63  }
0x504: {  	s1 =	simm.s32 @!p3 $0x1  }
0x505: {  	_ =	swait.ge @!p3 [sflag:s1], $0x40  }
0x506: {  	p1 =	por p2, p1;
	[sflag:s1] =	ssyncset.done @!p3 $0x0  }
0x507: {  	[sflag:s1] =	ssyncadd.s32 @!p3 $0xFFFFFFC0;
	s1 =	simm.s32 @!p1 $0x1  }
0x508: {  	_ =	swait.ge @!p1 [sflag:s1], $0x20  }
0x509: {  	s29 =	simm.s32 $0x64B8;
	[sflag:s1] =	ssyncset.done @!p1 $0x0  }
0x50a: {  	s30 =	simm.s32 $0x400;
	s31 =	simm.s32 $0x1;
	[sflag:s1] =	ssyncadd.s32 @!p1 $0xFFFFFFE0  }
0x50b: {  	[spmem:s30] =	stream.linear.scatter [tilespmem:s29], [sflag:$0x1], $0x10, $0x38;
	[tilespmem:$0x1EC48] =	vst v63  }
0x50c: {  	_ =	swait.ge [sflag:s31], $0x10  }
0x50d: {  	[sflag:s31] =	ssyncset.done $0x0  }
0x50e: {  	p1 =	seq.s32 s16, $0x0;
	s9 =	rddreg [dreg:$0x1];
	[sflag:s31] =	ssyncadd.s32 $0xFFFFFFF0  }
0x50f: {  	s2 =	sshll.u32 @p1 s9, $0xE;
	s8 =	rddreg [dreg:$0x2]  }
0x510: {  	s1 =	sadd.s32 @p1 $0x15C3C, s2;
	s2 =	sshll.u32 @p1 s8, $0x11  }
0x511: {  	_ =	sfence.stream.spmem;
	s1 =	sor.u32 @p1 s2, s1  }
0x512: {  	[sflag:s1] =	ssyncadd.remote.s32 @p1 $0x1;
	s1 =	simm.s32 @p1 $0x4  }
0x513: {  	s4 =	simm.s32 @!p1 $0x3C;
	s2 =	sand.u32 $0xFFFFFFFE, s9;
	_ =	swait.ge @p1 [sflag:s1], $0xA  }
0x514: {  	s5 =	simm.s32 @!p1 $0x0;
	s2 =	sadd.s32 @!p1 $0x4, s2;
	[sflag:s1] =	ssyncset.done @p1 $0x0  }
0x515: {  	s7 =	simm.s32 @!p1 $0x40;
	[sflag:s1] =	ssyncadd.s32 @p1 $0xFFFFFFF6;
	s1 =	sshll.u32 @!p1 s2, $0x1A  }
0x516: {  	s2 =	sshll.u32 @!p1 s2, $0xD;
	s1 =	sor.u32 @!p1 s1, s8;
	_ =	swait.eq @!p1 [sflag:s4], $0x1  }
0x517: {  	s2 =	sor.u32 @!p1 $0x1C04, s2;
	s4 =	simm.s32 @!p1 $0x1C03;
	s1 =	sor.u32 @!p1 $0x80004000, s1  }
0x518: {  	[spmem:s7], [sflag:s2] =	dma.general @!p1 [spmem:s5], [sflag:s4], length:$0x8, [dreg:$0x0], stride_count:$0x0, ici_dest:s1, dma_misc:DstOpCode:WRITE  }
0x519: {  	p2 =	slt.s32 s0, $0x2;
	s5 =	simm.s32 @!p1 $0x80;
	s7 =	simm.s32 @!p1 $0x82  }
0x51a: {  	[spmem:s7], [sflag:s2] =	dma.general @!p1 [spmem:s5], [sflag:s4], length:$0x2, [dreg:$0x0], stride_count:$0x0, ici_dest:s1, dma_misc:DstOpCode:WRITE  }
.Ltmp35:
0x51b: {  	s1 =	simm.s32 @!p1 $0x3;
	(pc) =	sbr.rel @p2 .LBB3_37-.Ltmp35, $4  }
0x51c: {  	s2 =	sshll.u32 @!p1 s9, $0xE;
	_ =	swait.ge @!p1 [sflag:s1], $0xA  }
0x51d: {  	s4 =	sshll.u32 @!p1 s8, $0x11;
	s2 =	sadd.s32 @!p1 $0x11C3C, s2;
	[sflag:s1] =	ssyncset.done @!p1 $0x0  }
0x51e: {  	[sflag:s1] =	ssyncadd.s32 @!p1 $0xFFFFFFF6;
	s1 =	sor.u32 @!p1 s4, s2  }
0x51f: {  	s0 =	simm.s32 $0x0;
	[sflag:s1] =	ssyncadd.remote.s32 @!p1 $0xFFFFFFFF  }
0x520: {  	s0 =	simm.s32 $0x6099  }
0x521: {  	v0 =	vld.msk [tilespmem:s0+$0x0], $0x1;
	_ =	sdelay $0x4  }
0x522: {  	(v2sf) =	vpush v0, $0x0;
	_ =	sdelay $0xc  }
0x523: {  	s1 =	sadd.s32 $0xFFFFFFFE, s6  }
0x524: {  	s1 =	sadd.s32 $0xFFFFFFFF, s1  }
0x525: {  	p2 =	sne.s32 s1, $0x0;
	s2 =	spop (v2sf)  }
.Ltmp36:
0x526: {  	p1 =	sgt.u32 s2, $0xC34FD;
	(pc) =	sbr.rel @!p2 .LBB3_36-.Ltmp36, $4  }
0x527: {  	s7 =	simm.s32 $0x0;
	s4 =	sand.u32 @!p1 $0xFFFF8, s2  }
0x528: {  	s0 =	simm.s32 $0x60D8;
	s2 =	sand.u32 @!p1 $0x7, s2;
	s4 =	sadd.s32 @!p1 s3, s4  }
0x529: {  	[hbm4b:s4+s2] =	stream.linear.scatter @!p1 [tilespmem:s0], [sflag:$0x5], $0x13, $0x38;
	[tilespmem:$0x1EC48] =	vst v63  }
0x52a: {  	s6 =	simm.s32 $0x609A;
	s7 =	simm.s32 @!p1 $0x4C;
	s2 =	simm.s32 $0x0  }
.LBB3_35:
0x52b: {  	v0 =	vld.msk [tilespmem:s6+$0x0], $0x1;
	s1 =	sadd.s32 $0xFFFFFFFF, s1;
	s2 =	sadd.s32 s2, s7  }
0x52c: {  	p1 =	sne.s32 s1, $0x0;
	_ =	sdelay $0x3  }
0x52d: {  	(v2sf) =	vpush v0, $0x0;
	_ =	sdelay $0xe  }
.Ltmp37:
0x52e: {  	s4 =	spop (v2sf);
	(pc) =	sbr.rel @p1 .LBB3_35-.Ltmp37, $4  }
0x52f: {  	s7 =	simm.s32 $0x0;
	p2 =	sgt.u32 s4, $0xC34FD  }
0x530: {  	s0 =	sadd.s32 $0x20, s0;
	s7 =	simm.s32 @!p2 $0x4C;
	s5 =	sand.u32 @!p2 $0xFFFF8, s4  }
0x531: {  	s6 =	sadd.s32 $0x1, s6;
	s4 =	sand.u32 @!p2 $0x7, s4;
	s5 =	sadd.s32 @!p2 s3, s5  }
0x532: {  	[hbm4b:s5+s4] =	stream.linear.scatter @!p2 [tilespmem:s0], [sflag:$0x5], $0x13, $0x38;
	[tilespmem:$0x1EC48] =	vst v63  }
.LBB3_36:
0x533: {  	s0 =	sadd.s32 s2, s7  }
0x534: {  	s0 =	sshrl.u32 s0, $0x2  }
.LBB3_37:
0x535: {  	s1 =	simm.s32 $0x5  }
0x536: {  	_ =	swait.ge [sflag:s1], s0  }
0x537: {  	s31 =	ssub.s32 $0x0, s0;
	[sflag:s1] =	ssyncset.done $0x0  }
0x538: {  	[sflag:s1] =	ssyncadd.s32 s31  }
0x539: {  	[sflag:s1] =	ssyncpa.u1 $0x1  }
.LBB3_38:
0x53a: {  	s0 =	sor.u32 s16, s15  }
0x53b: {  	p1 =	sne.s32 s0, $0x0  }
.Ltmp38:
0x53c: {  	_ = 	snop;
	(pc) =	sbr.rel @p1 .LBB3_53-.Ltmp38, $3  }
0x53d: {  	_ =	sdelay $0x1  }
0x53e: {  	[bflag:$0x0] =	sbarrier.arrive $0xFFFF  }
0x53f: {  	_ =	sfence  }
0x540: {  	s0 =	simm.s32 $0x7  }
0x541: {  	s1 =	simm.s32 $0x400;
	s2 =	simm.s32 $0x6098;
	[sflag:s0] =	ssyncpa.u1 $0x0  }
0x542: {  	[tilespmem:s2], [sflag:$0x7] =	stream.linear.gather [spmem:s1], $0x20, $0x38;
	[tilespmem:$0x1EC48] =	vst v63  }
0x543: {  	s30 =	simm.s32 $0x60B8;
	s1 =	simm.s32 $0x0  }
0x544: {  	[tilespmem:s30], [sflag:$0x7] =	stream.linear.gather [spmem:s1], $0x400, $0x38;
	[tilespmem:$0x1EC48] =	vst v63  }
.Ltmp39:
0x545: {  	_ = 	snop;
	(pc) =	sbr.rel .LBB3_40-.Ltmp39, $4  }
0x546: {  	_ =	swait.ge [sflag:s0], $0x420  }
0x547: {  	[sflag:s0] =	ssyncset.done $0x0  }
0x548: {  	s31 =	simm.s32 $0x8;
	[sflag:s0] =	ssyncadd.s32 $0xFFFFFBE0  }
0x549: {  	s2 =	simm.s32 $0x0;
	[sflag:s31] =	ssyncpa.u1 $0x0  }
.LBB3_46:
0x54a: {  	p1 =	slt.u32 s0, $0xC34FE  }
0x54b: {  	s4 =	sand.u32 @p1 $0xFFFF8, s0  }
0x54c: {  	s0 =	sand.u32 @p1 $0x7, s0;
	s5 =	simm.s32 @p1 $0x6068;
	s4 =	sadd.s32 @p1 s3, s4  }
0x54d: {  	[tilespmem:s5], [sflag:$0x8] =	stream.linear.gather @p1 [hbm4b:s4+s0], $0x13, $0x38;
	[tilespmem:$0x1EC48] =	vst v63  }
0x54e: {  	s0 =	simm.s32 @p1 $0x8  }
0x54f: {  	_ =	swait.ge @p1 [sflag:s0], $0x13  }
0x550: {  	[sflag:s0] =	ssyncset.done @p1 $0x0  }
0x551: {  	[sflag:s0] =	ssyncadd.s32 @p1 $0xFFFFFFED  }
0x552: {  	v1 =	vld @p1 [tilespmem:$0x6068];
	_ =	sdelay $0x2  }
0x553: {  	s0 =	sshll.u32 @p1 s2, $0x7  }
0x554: {  	s4 =	sshrl.u32 @p1 s0, $0x2  }
0x555: {  	[tilespmem:s4+$0x60B8] =	vst.add.f32.msk @p1 $0xffff, v1  }
0x556: {  	v1 =	vld @p1 [tilespmem:$0x6078];
	_ =	sdelay $0x3  }
0x557: {  	s5 =	sshll.u32 @!p1 s2, $0x7  }
0x558: {  	s5 =	smov.u32 @p1 s0;
	[tilespmem:s4+$0x60C8] =	vst.add.f32.msk @p1 $0xffff, v1  }
0x559: {  	s0 =	sshrl.u32 s5, $0x2;
	[tilespmem:s1+$0x6098] =	vst.msk $0x1, v0  }
0x55a: {  	v0 =	vld [tilespmem:s0+$0x60B8];
	_ =	sdelay $0x2  }
0x55b: {  	s31 =	sshll.u32 s1, $0x7  }
0x55c: {  	s4 =	sshra.s32 s31, $0x2  }
0x55d: {  	[tilespmem:s4+$0x60B8] =	vst v0  }
0x55e: {  	v0 =	vld [tilespmem:s0+$0x60C8];
	_ =	sdelay $0x4  }
0x55f: {  	s1 =	sadd.s32 $0x1, s1;
	[tilespmem:s4+$0x60C8] =	vst v0  }
.LBB3_47:
0x560: {  	s2 =	sadd.s32 $0x1, s2  }
0x561: {  	p1 =	sne.s32 s2, $0x20  }
.Ltmp40:
0x562: {  	_ = 	snop;
	(pc) =	sbr.rel @!p1 .LBB3_48-.Ltmp40, $1  }
0x563: {  	_ =	sdelay $0x3  }
.LBB3_40:
0x564: {  	v0 =	vld.msk [tilespmem:s2+$0x6098], $0x1;
	_ =	sdelay $0x4  }
0x565: {  	(v2sf) =	vpush v0, $0x0;
	_ =	sdelay $0xe  }
0x566: {  	s0 =	spop (v2sf)  }
0x567: {  	p1 =	seq.s32 s0, $0xFFFFFFFF  }
.Ltmp41:
0x568: {  	_ = 	snop;
	(pc) =	sbr.rel @p1 .LBB3_47-.Ltmp41, $1  }
0x569: {  	_ =	sdelay $0x3  }
0x56a: {  	p1 =	slt.s32 s1, $0x1  }
.Ltmp42:
0x56b: {  	_ = 	snop;
	(pc) =	sbr.rel @p1 .LBB3_46-.Ltmp42, $1  }
0x56c: {  	_ =	sdelay $0x3  }
0x56d: {  	s4 =	simm.s32 $0x6098;
	p1 =	por $0x0, $0x0  }
0x56e: {  	v1 =	vld.msk @!p1 [tilespmem:s4+$0x0], $0x1;
	_ =	sdelay $0x4  }
0x56f: {  	(v2sf) =	vpush @!p1 v1, $0x0;
	_ =	sdelay $0xd  }
0x570: {  	p3 =	sne.s32 s1, $0x1  }
.Ltmp43:
0x571: {  	s5 =	spop @!p1 (v2sf);
	(pc) =	sbr.rel @!p3 .LBB3_44-.Ltmp43, $4  }
0x572: {  	p2 =	seq.s32 @!p1 s0, s5  }
0x573: {  	s5 =	simm.s32 $0x0;
	p2 =	por !p2, p1  }
0x574: {  	s7 =	simm.s32 $0xFFFFFFFF;
	s5 =	simm.s32 @p2 $0xFFFFFFFF  }
0x575: {  	s6 =	simm.s32 $0x1;
	s5 =	smov.u32 @p1 s7  }
.LBB3_43:
0x576: {  	s7 =	smov.u32 s5;
	p1 =	sne.s32 s5, $0xFFFFFFFF  }
0x577: {  	s4 =	sadd.s32 $0x1, s4;
	s5 =	smov.u32 s6;
	s6 =	sadd.s32 $0x1, s6  }
0x578: {  	p2 =	sne.s32 s1, s6;
	v1 =	vld.msk @!p1 [tilespmem:s4+$0x0], $0x1;
	_ =	sdelay $0x4  }
0x579: {  	(v2sf) =	vpush @!p1 v1, $0x0;
	_ =	sdelay $0xe  }
.Ltmp44:
0x57a: {  	s8 =	spop @!p1 (v2sf);
	(pc) =	sbr.rel @p2 .LBB3_43-.Ltmp44, $4  }
0x57b: {  	p3 =	seq.s32 @!p1 s0, s8  }
0x57c: {  	p3 =	por !p3, p1  }
0x57d: {  	s5 =	simm.s32 @p3 $0xFFFFFFFF  }
0x57e: {  	s5 =	smov.u32 @p1 s7  }
.LBB3_44:
0x57f: {  	p1 =	seq.s32 s5, $0xFFFFFFFF  }
.Ltmp45:
0x580: {  	_ = 	snop;
	(pc) =	sbr.rel @p1 .LBB3_46-.Ltmp45, $1  }
0x581: {  	_ =	sdelay $0x3  }
0x582: {  	s0 =	sshll.u32 s2, $0x5  }
0x583: {  	s0 =	sand.u32 $0x3FFFFFE0, s0  }
0x584: {  	v0 =	vld [tilespmem:s0+$0x60B8];
	_ =	sdelay $0x2  }
0x585: {  	s4 =	sshll.u32 s5, $0x7  }
0x586: {  	s4 =	sshra.s32 s4, $0x2  }
0x587: {  	[tilespmem:s4+$0x60B8] =	vst.add.f32.msk $0xffff, v0  }
0x588: {  	v0 =	vld [tilespmem:s0+$0x60C8]  }
.Ltmp46:
0x589: {  	_ = 	snop;
	(pc) =	sbr.rel .LBB3_47-.Ltmp46, $2  }
0x58a: {  	_ =	sdelay $0x2  }
0x58b: {  	[tilespmem:s4+$0x60C8] =	vst.add.f32.msk $0xffff, v0  }
.LBB3_48:
0x58c: {  	p1 =	slt.s32 s1, $0x1  }
.Ltmp47:
0x58d: {  	_ = 	snop;
	(pc) =	sbr.rel @p1 .LBB3_52-.Ltmp47, $3  }
0x58e: {  	_ =	sdelay $0x1  }
0x58f: {  	s0 =	simm.s32 $0x8  }
0x590: {  	[sflag:s0] =	ssyncpa.u1 $0x1;
	s0 =	simm.s32 $0x0  }
0x591: {  	s2 =	simm.s32 $0x6098  }
0x592: {  	v0 =	vld.msk [tilespmem:s2+$0x0], $0x1;
	_ =	sdelay $0x4  }
0x593: {  	(v2sf) =	vpush v0, $0x0;
	_ =	sdelay $0xe  }
0x594: {  	s1 =	sadd.s32 $0xFFFFFFFF, s1;
	s4 =	spop (v2sf)  }
0x595: {  	p2 =	sne.s32 s1, $0x0;
	p1 =	sgt.u32 s4, $0xC34FD  }
.Ltmp48:
0x596: {  	s5 =	sand.u32 @!p1 $0xFFFF8, s4;
	(pc) =	sbr.rel @!p2 .LBB3_51-.Ltmp48, $4  }
0x597: {  	s2 =	simm.s32 $0x60B8;
	s4 =	sand.u32 @!p1 $0x7, s4;
	s5 =	sadd.s32 @!p1 s3, s5  }
0x598: {  	[hbm4b:s5+s4] =	stream.linear.scatter @!p1 [tilespmem:s2], [sflag:$0x7], $0x13, $0x38;
	[tilespmem:$0x1EC48] =	vst v63  }
0x599: {  	s5 =	simm.s32 $0x0  }
0x59a: {  	s4 =	simm.s32 $0x6099;
	s5 =	simm.s32 @!p1 $0x4C  }
.LBB3_50:
0x59b: {  	v0 =	vld.msk [tilespmem:s4+$0x0], $0x1;
	s1 =	sadd.s32 $0xFFFFFFFF, s1;
	s0 =	sadd.s32 s0, s5  }
0x59c: {  	p1 =	sne.s32 s1, $0x0;
	_ =	sdelay $0x3  }
0x59d: {  	(v2sf) =	vpush v0, $0x0;
	_ =	sdelay $0xe  }
.Ltmp49:
0x59e: {  	s6 =	spop (v2sf);
	(pc) =	sbr.rel @p1 .LBB3_50-.Ltmp49, $4  }
0x59f: {  	s5 =	simm.s32 $0x0;
	p2 =	sgt.u32 s6, $0xC34FD  }
0x5a0: {  	s2 =	sadd.s32 $0x20, s2;
	s5 =	simm.s32 @!p2 $0x4C;
	s7 =	sand.u32 @!p2 $0xFFFF8, s6  }
0x5a1: {  	s4 =	sadd.s32 $0x1, s4;
	s6 =	sand.u32 @!p2 $0x7, s6;
	s7 =	sadd.s32 @!p2 s3, s7  }
0x5a2: {  	[hbm4b:s7+s6] =	stream.linear.scatter @!p2 [tilespmem:s2], [sflag:$0x7], $0x13, $0x38;
	[tilespmem:$0x1EC48] =	vst v63  }
.LBB3_51:
0x5a3: {  	s0 =	sadd.s32 s0, s5  }
0x5a4: {  	s0 =	sshrl.u32 s0, $0x2  }
.LBB3_52:
0x5a5: {  	s1 =	simm.s32 $0x7  }
0x5a6: {  	_ =	swait.ge [sflag:s1], s0  }
0x5a7: {  	s31 =	ssub.s32 $0x0, s0;
	[sflag:s1] =	ssyncset.done $0x0  }
0x5a8: {  	[sflag:s1] =	ssyncadd.s32 s31  }
0x5a9: {  	[sflag:s1] =	ssyncpa.u1 $0x1  }
.LBB3_53:
0x5aa: {  	_ =	sfence;
	s0 =	simm.s32 $0x1  }
0x5ab: {  	[sflag:s0] =	ssyncpa.u1 $0x1  }
0x5ac: {  	_ =	strace $0x90000050  }
0x5ad: {  	[bflag:$0x2] =	sbarrier.arrive $0xFFFF  }
0x5ae: {  	s0 =	rddreg [dreg:$0x3]  }
0x5af: {  	s0 =	sadd.s32 @!p0 $0x100000, s0  }
0x5b0: {  	[sflag:s0] =	ssyncadd.tile.s32 @!p0 $0x1;
	_ =	shalt  }
.Lfunc_end3:
_tile_overlayer_lowered:
.L_overlay_start_3:
0x5b1: {  	(tag) =	ssettag $0x3  }
0x5b2: {  	s0 =	rddreg [dreg:$0x0];
	s2 =	stileid.u32  }
0x5b3: {  	s1 =	rddreg [dreg:$0x1];
	p0 =	sne.s32 s2, $0x0  }
0x5b4: {  	s3 =	rddreg [dreg:$0x2];
	[bflag:$0x3] =	sbarrier.arrive $0xFFFF;
	s2 =	simm.s32 @!p0 $0x1C01  }
0x5b5: {  	[timem:s3], [sflag:s2] =	dma.local @!p0 [hbm:s0], s1  }
0x5b6: {  	s0 =	simm.s32 @!p0 $0x1  }
0x5b7: {  	_ =	swait.ge @!p0 [sflag:s0], s1  }
0x5b8: {  	s1 =	ssub.s32 @!p0 $0x0, s1;
	[sflag:s0] =	ssyncset.done @!p0 $0x0  }
0x5b9: {  	[sflag:s0] =	ssyncadd.s32 @!p0 s1  }
0x5ba: {  	[bflag:$0x3] =	sbarrier.arrive $0xFFFF  }
0x5bb: {  	_ =	shalt  }

// kernel: scatter_offload_async_start.2
scs
__scs_entry_jumppad:
0x0: {  	(pc) =	sbr.rel $0x88, $3  }
0x1: {  	(tag) =	ssettag $0x0;
	lr =	simm.s32 $0x1  }
0x2: {  	[smem:$0x3F60] =	sst lr;
	_ =	strace $0xD0000000  }
0x3: {  	_ = 	snop  }
0x4: {  	_ = 	snop  }
0x5: {  	_ = 	snop  }
0x6: {  	_ = 	snop  }
0x7: {  	_ = 	snop  }
__scs_overlays_trampoline_lowered:
0x8: {  	[smem:$0x3F6F] =	sst s0  }
0x9: {  	[smem:$0x3F70] =	sst s1  }
0xa: {  	[smem:$0x3F71] =	sst s2  }
0xb: {  	[smem:$0x3F72] =	sst s3  }
0xc: {  	[smem:$0x3F73] =	sst s4  }
0xd: {  	[smem:$0x3F74] =	sst s5  }
0xe: {  	[smem:$0x3F75] =	sst s6  }
0xf: {  	[smem:$0x3F76] =	sst s7  }
0x10: {  	[smem:$0x3F77] =	sst s8  }
0x11: {  	[smem:$0x3F78] =	sst s9;
	s0 =	simm.s32 @!p0 $0x0  }
0x12: {  	s1 =	sld [smem:$0x3F5E];
	s0 =	simm.s32 @p0 $0x1  }
0x13: {  	[smem:$0x3F79] =	sst s0;
	s0 =	simm.s32 @!p1 $0x0  }
0x14: {  	s2 =	sld [smem:$0x3F5D];
	s0 =	simm.s32 @p1 $0x1  }
0x15: {  	[smem:$0x3F7A] =	sst s0;
	s0 =	simm.s32 @!p2 $0x0  }
0x16: {  	s3 =	sld [smem:$0x3FDB];
	s0 =	simm.s32 @p2 $0x1  }
0x17: {  	s4 =	simm.s32 $0x1BF5;
	[smem:$0x3F7C] =	sst s0  }
0x18: {  	s0 =	sld [smem:$0x3F5F];
	_ =	swait.ge [sflag:s4], $0x0  }
0x19: {  	s7 =	sld [smem:$0x3F60]  }
0x1a: {  	s8 =	sadd.s32 $0xFFFFE003, lr  }
0x1b: {  	s9 =	sadd.s32 $0xFFFFFEF7, lr;
	s5 =	simm.s32 $0xFFFFFFFF;
	p2 =	slt.u32 s8, $0xFFFFF086  }
0x1c: {  	p1 =	slt.u32 s9, $0xF7A;
	s5 =	simm.s32 @!p2 $0x0  }
0x1d: {  	s5 =	simm.s32 @p1 $0x1;
	p0 =	seq.s32 s7, s2  }
0x1e: {  	s7 =	smul.u32 @!p0 $0xF7A, s2;
	p2 =	seq.s32 @!p0 s5, $0x0  }
0x1f: {  	s9 =	smul.u32 $0xF7A, s1;
	s8 =	simm.s32 @!p0 $0x1BF5;
	p2 =	por !p2, p0  }
0x20: {  	[sflag:s8] =	ssyncset.s32 @!p0 $0xFFFFF086;
	s6 =	sadd.s32 @!p0 s3, s7;
	s7 =	simm.s32 @!p0 $0x108  }
0x21: {  	s3 =	sadd.s32 s3, s9;
	s6 =	sadd.s32 @!p0 $0x88, s6;
	s7 =	simm.s32 @p2 $0x1082  }
0x22: {  	[simem:s7], [sflag:s8] =	dma.local @!p0 [hbm:s6], $0xF7A  }
0x23: {  	s9 =	sor.u32 $0xD0000000, s2;
	s6 =	simm.s32 $0x108;
	_ =	swait.ge @!p0 [sflag:s8], $0x0  }
0x24: {  	s3 =	sadd.s32 $0x88, s3;
	s6 =	simm.s32 @!p1 $0x1082;
	[sflag:s4] =	ssyncset.s32 $0xFFFFF086  }
0x25: {  	[simem:s6], [sflag:s4] =	dma.local [hbm:s3], $0xF7A  }
0x26: {  	[smem:$0x3F60] =	sst s1;
	(tag) =	ssettag s2;
	_ =	strace s9  }
0x27: {  	s1 =	sld [smem:$0x3F70]  }
0x28: {  	s2 =	sld [smem:$0x3F71]  }
0x29: {  	s4 =	sld [smem:$0x3F73]  }
0x2a: {  	p0 =	seq.s32 s5, $0x0;
	s5 =	sld [smem:$0x3F74]  }
0x2b: {  	s6 =	sld [smem:$0x3F75]  }
0x2c: {  	s7 =	sld [smem:$0x3F76]  }
0x2d: {  	s3 =	simm.s32 $0x108;
	s8 =	sld [smem:$0x3F77]  }
0x2e: {  	s3 =	simm.s32 @!p0 $0x1082;
	s9 =	sld [smem:$0x3F78]  }
0x2f: {  	lr =	sadd.s32 s0, s3;
	s0 =	sld [smem:$0x3F6F]  }
0x30: {  	s3 =	sld [smem:$0x3F72]  }
0x31: {  	[smem:$0x3F7B] =	sst s10  }
0x32: {  	s10 =	sld [smem:$0x3F79];
	_ =	sdelay $0x3  }
0x33: {  	p0 =	seq.s32 s10, $0x1;
	s10 =	sld [smem:$0x3F7B];
	_ =	sdelay $0x3  }
0x34: {  	[smem:$0x3F7B] =	sst s10  }
0x35: {  	s10 =	sld [smem:$0x3F7A];
	_ =	sdelay $0x3  }
0x36: {  	p1 =	seq.s32 s10, $0x1;
	s10 =	sld [smem:$0x3F7B];
	_ =	sdelay $0x3  }
0x37: {  	[smem:$0x3F7B] =	sst s10  }
0x38: {  	s10 =	sld [smem:$0x3F7C]  }
0x39: {  	_ = 	snop;
	(pc) =	sbr.ind lr, $3  }
0x3a: {  	_ = 	snop  }
0x3b: {  	_ = 	snop  }
0x3c: {  	p2 =	seq.s32 s10, $0x1;
	s10 =	sld [smem:$0x3F7B]  }
0x3d: {  	_ =	shalt  }
0x3e: {  	_ =	shalt  }
0x3f: {  	_ =	shalt  }
0x40: {  	_ =	shalt  }
0x41: {  	_ =	shalt  }
0x42: {  	_ =	shalt  }
0x43: {  	_ =	shalt  }
0x44: {  	_ =	shalt  }
0x45: {  	_ =	shalt  }
0x46: {  	_ =	shalt  }
0x47: {  	_ =	shalt  }
0x48: {  	_ =	shalt  }
0x49: {  	_ =	shalt  }
0x4a: {  	_ =	shalt  }
0x4b: {  	_ =	shalt  }
0x4c: {  	_ =	shalt  }
0x4d: {  	_ =	shalt  }
0x4e: {  	_ =	shalt  }
0x4f: {  	_ =	shalt  }
0x50: {  	_ =	shalt  }
0x51: {  	_ =	shalt  }
0x52: {  	_ =	shalt  }
0x53: {  	_ =	shalt  }
0x54: {  	_ =	shalt  }
0x55: {  	_ =	shalt  }
0x56: {  	_ =	shalt  }
0x57: {  	_ =	shalt  }
0x58: {  	_ =	shalt  }
0x59: {  	_ =	shalt  }
0x5a: {  	_ =	shalt  }
0x5b: {  	_ =	shalt  }
0x5c: {  	_ =	shalt  }
0x5d: {  	_ =	shalt  }
0x5e: {  	_ =	shalt  }
0x5f: {  	_ =	shalt  }
0x60: {  	_ =	shalt  }
0x61: {  	_ =	shalt  }
0x62: {  	_ =	shalt  }
0x63: {  	_ =	shalt  }
0x64: {  	_ =	shalt  }
0x65: {  	_ =	shalt  }
0x66: {  	_ =	shalt  }
0x67: {  	_ =	shalt  }
0x68: {  	_ =	shalt  }
0x69: {  	_ =	shalt  }
0x6a: {  	_ =	shalt  }
0x6b: {  	_ =	shalt  }
0x6c: {  	_ =	shalt  }
0x6d: {  	_ =	shalt  }
0x6e: {  	_ =	shalt  }
0x6f: {  	_ =	shalt  }
0x70: {  	_ =	shalt  }
0x71: {  	_ =	shalt  }
0x72: {  	_ =	shalt  }
0x73: {  	_ =	shalt  }
0x74: {  	_ =	shalt  }
0x75: {  	_ =	shalt  }
0x76: {  	_ =	shalt  }
0x77: {  	_ =	shalt  }
0x78: {  	_ =	shalt  }
0x79: {  	_ =	shalt  }
0x7a: {  	_ =	shalt  }
0x7b: {  	_ =	shalt  }
0x7c: {  	_ =	shalt  }
0x7d: {  	_ =	shalt  }
0x7e: {  	_ =	shalt  }
0x7f: {  	_ =	shalt  }
0x80: {  	_ =	shalt  }
0x81: {  	_ =	shalt  }
0x82: {  	_ =	shalt  }
0x83: {  	_ =	shalt  }
0x84: {  	_ =	shalt  }
0x85: {  	_ =	shalt  }
0x86: {  	_ =	shalt  }
0x87: {  	_ =	shalt  }
.Lfunc_end0:
.L_simem_size_0:
called_computation.2_lowered:
.L_overlay_start_0:
0x88: {  	s2 =	sld [smem:$0x3FD9]  }
0x89: {  	s3 =	sld [smem:$0x3FFE];
	_ =	sdelay $0x1  }
0x8a: {  	s1 =	srdreg.scid  }
0x8b: {  	s0 =	sand.u32 $0x1, s1  }
0x8c: {  	s15 =	sshll.u32 s0, $0xA;
	s2 =	sadd.s32 s3, s2  }
0x8d: {  	s2 =	sadd.s32 s2, s15  }
0x8e: {  	[smem:$0x3F87] =	sst s2  }
0x8f: {  	_ = 	snop  }
0x90: {  	(tm) =	ssettm $0x1  }
0x91: {  	s16 =	sld [smem:$0x3FFB];
	_ =	sdelay $0x3  }
0x92: {  	_ =	strace s16  }
0x93: {  	s2 =	sld [smem:$0x3FFC];
	_ =	sdelay $0x3  }
0x94: {  	_ =	strace s2  }
0x95: {  	s2 =	sld [smem:$0x3FFD];
	_ =	sdelay $0x3  }
0x96: {  	_ =	strace s2  }
0x97: {  	_ =	strace $0x8FFFFFFF  }
0x98: {  	s17 =	sld [smem:$0x3FDB];
	_ =	sdelay $0x1  }
0x99: {  	s18 =	simm.s32 $_scs_section_size  }
0x9a: {  	s4 =	simm.s32 $_size__tile_overlayer_lowered;
	s5 =	simm.s32 $_tile_overlayer_lowered  }
0x9b: {  	s21 =	simm.s32 $0x1BFF;
	s20 =	sshll.u32 s5, $0x1;
	s2 =	sadd.s32 s18, s17  }
0x9c: {  	s6 =	simm.s32 $0x0;
	s19 =	sshll.u32 s4, $0x1;
	s4 =	sadd.s32 s20, s2  }
0x9d: {  	[timem:s6], [sflag:s21] =	dma.local [hbm:s4], s19  }
0x9e: {  	_ =	swait.ge [sflag:s21], s19  }
0x9f: {  	s3 =	ssub.s32 $0x0, s19;
	[sflag:s21] =	ssyncset.done $0x0  }
0xa0: {  	[sflag:s21] =	ssyncadd.s32 s3;
	_ =	sdelay $0x1  }
0xa1: {  	s22 =	simm.s32 $0x1B8B  }
0xa2: {  	_ =	swait.ge [sflag:s22], $0x1  }
0xa3: {  	[sflag:s22] =	ssyncset.done $0x0  }
0xa4: {  	s23 =	sld [smem:$0x3FFE];
	[sflag:s22] =	ssyncadd.s32 $0xFFFFFFFF  }
0xa5: {  	s25 =	simm.s32 $0x1B8E;
	s24 =	sld [smem:$0x0]  }
0xa6: {  	s26 =	simm.s32 $execute0_lowered;
	[smem:$0x3FD2] =	sst s25  }
0xa7: {  	s5 =	sshll.u32 s26, $0x1;
	_ =	strace $0x80000052;
	[dreg:$0x1] =	wrdreg $0xFFFFFFFF  }
0xa8: {  	s28 =	simm.s32 $_size_execute0_lowered;
	s2 =	sadd.s32 s2, s5;
	[dreg:$0x0] =	wrdreg $0x0  }
0xa9: {  	s5 =	sshll.u32 s28, $0x1;
	[dreg:$0x2] =	wrdreg s2  }
0xaa: {  	[dreg:$0x3] =	wrdreg s5  }
0xab: {  	[dreg:$0x4] =	wrdreg $0xC0  }
0xac: {  	_ =	task [dreg:s6], $0x5FFFF  }
0xad: {  	[dreg:$0x1] =	wrdreg $0xFFFFFFFF  }
0xae: {  	[dreg:$0x0] =	wrdreg $0x60  }
0xaf: {  	[dreg:$0x2] =	wrdreg s23  }
0xb0: {  	[dreg:$0x3] =	wrdreg s1  }
0xb1: {  	[dreg:$0x4] =	wrdreg s24  }
0xb2: {  	[dreg:$0x5] =	wrdreg $0x9  }
0xb3: {  	_ =	task.clear_ibuf [dreg:s6], $0x6FFFF;
	_ =	strace $0x90000052  }
0xb4: {  	s29 =	simm.s32 $0x9;
	_ =	strace $0x80000054  }
0xb5: {  	_ =	swait.ge [sflag:s29], $0x1  }
0xb6: {  	[sflag:s29] =	ssyncadd.s32 $0xFFFFFFFF  }
0xb7: {  	_ =	strace $0x90000054  }
0xb8: {  	_ =	sfence  }
0xb9: {  	s30 =	sld [smem:$0x0];
	_ =	sdelay $0x2  }
0xba: {  	s31 =	sshll.u32 s1, $0xD;
	s1 =	sshrl.u32 s1, $0x2  }
0xbb: {  	s3 =	sand.u32 $0x4000, s31;
	s1 =	sadd.s32 s1, s30  }
0xbc: {  	s0 =	sor.u32 s3, s0;
	s1 =	sshll.u32 s1, $0x11  }
0xbd: {  	s0 =	sor.u32 s1, s0  }
0xbe: {  	s0 =	sadd.s32 $0x8F2B, s0  }
0xbf: {  	[sflag:s0] =	ssyncadd.remote.s32 $0x1  }
0xc0: {  	_ =	sfence.sel $0xFFFF  }
0xc1: {  	[dreg:$0x0] =	wrdreg $0xFFFFFFFF;
	(pc) =	sbr.abs _section_cstart, $3  }
0xc2: {  	[dreg:$0x1] =	wrdreg $0xFFFFFFFF  }
0xc3: {  	_ =	task.clear_ibuf [dreg:s6], $0x2FFFF;
	_ =	strace $0x9FFFFFFF  }
0xc4: {  	(tm) =	ssettm $0x7FFFFFFF  }
0xc5: {  	_ =	shalt  }
tec
execute0_lowered:
.L_overlay_start_1:
0x0: {  	(tag) =	ssettag $0x1  }
0x1: {  	s6 =	rddreg [dreg:$0x0]  }
0x2: {  	s2 =	rddreg [dreg:$0x1];
	_ =	strace $0x80000053;
	s7 =	simm.s32 $0x1  }
0x3: {  	v0 =	vimm.s32 $0x0;
	[sflag:s7] =	ssyncpa.u1 $0x0  }
0x4: {  	[tilespmem:$0x48] =	vst v0  }
0x5: {  	[tilespmem:$0x58] =	vst v0  }
0x6: {  	[tilespmem:$0x68] =	vst v0  }
0x7: {  	[tilespmem:$0x78] =	vst v0  }
0x8: {  	[tilespmem:$0x88] =	vst v0  }
0x9: {  	[tilespmem:$0x98] =	vst v0  }
0xa: {  	[tilespmem:$0xA8] =	vst v0  }
0xb: {  	[tilespmem:$0xB8] =	vst v0  }
0xc: {  	[tilespmem:$0xC8] =	vst v0  }
0xd: {  	[tilespmem:$0xD8] =	vst v0  }
0xe: {  	[tilespmem:$0xE8] =	vst v0  }
0xf: {  	[tilespmem:$0xF8] =	vst v0  }
0x10: {  	[tilespmem:$0x108] =	vst v0  }
0x11: {  	[tilespmem:$0x118] =	vst v0  }
0x12: {  	[tilespmem:$0x128] =	vst v0  }
0x13: {  	[tilespmem:$0x138] =	vst v0  }
0x14: {  	[tilespmem:$0x148] =	vst v0  }
0x15: {  	[tilespmem:$0x158] =	vst v0  }
0x16: {  	[tilespmem:$0x168] =	vst v0  }
0x17: {  	[tilespmem:$0x178] =	vst v0  }
0x18: {  	[tilespmem:$0x188] =	vst v0  }
0x19: {  	[tilespmem:$0x198] =	vst v0  }
0x1a: {  	[tilespmem:$0x1A8] =	vst v0  }
0x1b: {  	[tilespmem:$0x1B8] =	vst v0  }
0x1c: {  	[tilespmem:$0x1C8] =	vst v0  }
0x1d: {  	[tilespmem:$0x1D8] =	vst v0  }
0x1e: {  	[tilespmem:$0x1E8] =	vst v0  }
0x1f: {  	[tilespmem:$0x1F8] =	vst v0  }
0x20: {  	[tilespmem:$0x208] =	vst v0  }
0x21: {  	[tilespmem:$0x218] =	vst v0  }
0x22: {  	[tilespmem:$0x228] =	vst v0  }
0x23: {  	[tilespmem:$0x238] =	vst v0  }
0x24: {  	[tilespmem:$0x248] =	vst v0  }
0x25: {  	[tilespmem:$0x258] =	vst v0  }
0x26: {  	[tilespmem:$0x268] =	vst v0  }
0x27: {  	[tilespmem:$0x278] =	vst v0  }
0x28: {  	[tilespmem:$0x288] =	vst v0  }
0x29: {  	[tilespmem:$0x298] =	vst v0  }
0x2a: {  	[tilespmem:$0x2A8] =	vst v0  }
0x2b: {  	[tilespmem:$0x2B8] =	vst v0  }
0x2c: {  	[tilespmem:$0x2C8] =	vst v0  }
0x2d: {  	[tilespmem:$0x2D8] =	vst v0  }
0x2e: {  	[tilespmem:$0x2E8] =	vst v0  }
0x2f: {  	[tilespmem:$0x2F8] =	vst v0  }
0x30: {  	[tilespmem:$0x308] =	vst v0  }
0x31: {  	[tilespmem:$0x318] =	vst v0  }
0x32: {  	[tilespmem:$0x328] =	vst v0  }
0x33: {  	[tilespmem:$0x338] =	vst v0  }
0x34: {  	[tilespmem:$0x348] =	vst v0  }
0x35: {  	[tilespmem:$0x358] =	vst v0  }
0x36: {  	[tilespmem:$0x368] =	vst v0  }
0x37: {  	[tilespmem:$0x378] =	vst v0  }
0x38: {  	[tilespmem:$0x388] =	vst v0  }
0x39: {  	[tilespmem:$0x398] =	vst v0  }
0x3a: {  	[tilespmem:$0x3A8] =	vst v0  }
0x3b: {  	[tilespmem:$0x3B8] =	vst v0  }
0x3c: {  	[tilespmem:$0x3C8] =	vst v0  }
0x3d: {  	[tilespmem:$0x3D8] =	vst v0  }
0x3e: {  	[tilespmem:$0x3E8] =	vst v0  }
0x3f: {  	[tilespmem:$0x3F8] =	vst v0  }
0x40: {  	[tilespmem:$0x408] =	vst v0  }
0x41: {  	[tilespmem:$0x418] =	vst v0  }
0x42: {  	[tilespmem:$0x428] =	vst v0  }
0x43: {  	[tilespmem:$0x438] =	vst v0  }
0x44: {  	[tilespmem:$0x448] =	vst v0  }
0x45: {  	[tilespmem:$0x458] =	vst v0  }
0x46: {  	[tilespmem:$0x468] =	vst v0  }
0x47: {  	[tilespmem:$0x478] =	vst v0  }
0x48: {  	[tilespmem:$0x488] =	vst v0  }
0x49: {  	[tilespmem:$0x498] =	vst v0  }
0x4a: {  	[tilespmem:$0x4A8] =	vst v0  }
0x4b: {  	[tilespmem:$0x4B8] =	vst v0  }
0x4c: {  	[tilespmem:$0x4C8] =	vst v0  }
0x4d: {  	[tilespmem:$0x4D8] =	vst v0  }
0x4e: {  	[tilespmem:$0x4E8] =	vst v0  }
0x4f: {  	[tilespmem:$0x4F8] =	vst v0  }
0x50: {  	[tilespmem:$0x508] =	vst v0  }
0x51: {  	[tilespmem:$0x518] =	vst v0  }
0x52: {  	[tilespmem:$0x528] =	vst v0  }
0x53: {  	[tilespmem:$0x538] =	vst v0  }
0x54: {  	[tilespmem:$0x548] =	vst v0  }
0x55: {  	[tilespmem:$0x558] =	vst v0  }
0x56: {  	[tilespmem:$0x568] =	vst v0  }
0x57: {  	[tilespmem:$0x578] =	vst v0  }
0x58: {  	[tilespmem:$0x588] =	vst v0  }
0x59: {  	[tilespmem:$0x598] =	vst v0  }
0x5a: {  	[tilespmem:$0x5A8] =	vst v0  }
0x5b: {  	[tilespmem:$0x5B8] =	vst v0  }
0x5c: {  	[tilespmem:$0x5C8] =	vst v0  }
0x5d: {  	[tilespmem:$0x5D8] =	vst v0  }
0x5e: {  	[tilespmem:$0x5E8] =	vst v0  }
0x5f: {  	[tilespmem:$0x5F8] =	vst v0  }
0x60: {  	[tilespmem:$0x608] =	vst v0  }
0x61: {  	[tilespmem:$0x618] =	vst v0  }
0x62: {  	[tilespmem:$0x628] =	vst v0  }
0x63: {  	[tilespmem:$0x638] =	vst v0  }
0x64: {  	[tilespmem:$0x648] =	vst v0  }
0x65: {  	[tilespmem:$0x658] =	vst v0  }
0x66: {  	[tilespmem:$0x668] =	vst v0  }
0x67: {  	[tilespmem:$0x678] =	vst v0  }
0x68: {  	[tilespmem:$0x688] =	vst v0  }
0x69: {  	[tilespmem:$0x698] =	vst v0  }
0x6a: {  	[tilespmem:$0x6A8] =	vst v0  }
0x6b: {  	[tilespmem:$0x6B8] =	vst v0  }
0x6c: {  	[tilespmem:$0x6C8] =	vst v0  }
0x6d: {  	[tilespmem:$0x6D8] =	vst v0  }
0x6e: {  	[tilespmem:$0x6E8] =	vst v0  }
0x6f: {  	[tilespmem:$0x6F8] =	vst v0  }
0x70: {  	[tilespmem:$0x708] =	vst v0  }
0x71: {  	[tilespmem:$0x718] =	vst v0  }
0x72: {  	[tilespmem:$0x728] =	vst v0  }
0x73: {  	[tilespmem:$0x738] =	vst v0  }
0x74: {  	[tilespmem:$0x748] =	vst v0  }
0x75: {  	[tilespmem:$0x758] =	vst v0  }
0x76: {  	[tilespmem:$0x768] =	vst v0  }
0x77: {  	[tilespmem:$0x778] =	vst v0  }
0x78: {  	[tilespmem:$0x788] =	vst v0  }
0x79: {  	[tilespmem:$0x798] =	vst v0  }
0x7a: {  	[tilespmem:$0x7A8] =	vst v0  }
0x7b: {  	[tilespmem:$0x7B8] =	vst v0  }
0x7c: {  	[tilespmem:$0x7C8] =	vst v0  }
0x7d: {  	[tilespmem:$0x7D8] =	vst v0  }
0x7e: {  	[tilespmem:$0x7E8] =	vst v0  }
0x7f: {  	[tilespmem:$0x7F8] =	vst v0  }
0x80: {  	[tilespmem:$0x808] =	vst v0  }
0x81: {  	[tilespmem:$0x818] =	vst v0  }
0x82: {  	[tilespmem:$0x828] =	vst v0  }
0x83: {  	[tilespmem:$0x838] =	vst v0  }
0x84: {  	[tilespmem:$0x848] =	vst v0  }
0x85: {  	[tilespmem:$0x858] =	vst v0  }
0x86: {  	[tilespmem:$0x868] =	vst v0  }
0x87: {  	[tilespmem:$0x878] =	vst v0  }
0x88: {  	[tilespmem:$0x888] =	vst v0  }
0x89: {  	[tilespmem:$0x898] =	vst v0  }
0x8a: {  	[tilespmem:$0x8A8] =	vst v0  }
0x8b: {  	[tilespmem:$0x8B8] =	vst v0  }
0x8c: {  	[tilespmem:$0x8C8] =	vst v0  }
0x8d: {  	[tilespmem:$0x8D8] =	vst v0  }
0x8e: {  	[tilespmem:$0x8E8] =	vst v0  }
0x8f: {  	[tilespmem:$0x8F8] =	vst v0  }
0x90: {  	[tilespmem:$0x908] =	vst v0  }
0x91: {  	[tilespmem:$0x918] =	vst v0  }
0x92: {  	[tilespmem:$0x928] =	vst v0  }
0x93: {  	[tilespmem:$0x938] =	vst v0  }
0x94: {  	[tilespmem:$0x948] =	vst v0  }
0x95: {  	[tilespmem:$0x958] =	vst v0  }
0x96: {  	[tilespmem:$0x968] =	vst v0  }
0x97: {  	[tilespmem:$0x978] =	vst v0  }
0x98: {  	[tilespmem:$0x988] =	vst v0  }
0x99: {  	[tilespmem:$0x998] =	vst v0  }
0x9a: {  	[tilespmem:$0x9A8] =	vst v0  }
0x9b: {  	[tilespmem:$0x9B8] =	vst v0  }
0x9c: {  	[tilespmem:$0x9C8] =	vst v0  }
0x9d: {  	[tilespmem:$0x9D8] =	vst v0  }
0x9e: {  	[tilespmem:$0x9E8] =	vst v0  }
0x9f: {  	[tilespmem:$0x9F8] =	vst v0  }
0xa0: {  	[tilespmem:$0xA08] =	vst v0  }
0xa1: {  	[tilespmem:$0xA18] =	vst v0  }
0xa2: {  	[tilespmem:$0xA28] =	vst v0  }
0xa3: {  	[tilespmem:$0xA38] =	vst v0  }
0xa4: {  	[tilespmem:$0xA48] =	vst v0  }
0xa5: {  	[tilespmem:$0xA58] =	vst v0  }
0xa6: {  	[tilespmem:$0xA68] =	vst v0  }
0xa7: {  	[tilespmem:$0xA78] =	vst v0  }
0xa8: {  	[tilespmem:$0xA88] =	vst v0  }
0xa9: {  	[tilespmem:$0xA98] =	vst v0  }
0xaa: {  	[tilespmem:$0xAA8] =	vst v0  }
0xab: {  	[tilespmem:$0xAB8] =	vst v0  }
0xac: {  	[tilespmem:$0xAC8] =	vst v0  }
0xad: {  	[tilespmem:$0xAD8] =	vst v0  }
0xae: {  	[tilespmem:$0xAE8] =	vst v0  }
0xaf: {  	[tilespmem:$0xAF8] =	vst v0  }
0xb0: {  	[tilespmem:$0xB08] =	vst v0  }
0xb1: {  	[tilespmem:$0xB18] =	vst v0  }
0xb2: {  	[tilespmem:$0xB28] =	vst v0  }
0xb3: {  	[tilespmem:$0xB38] =	vst v0  }
0xb4: {  	[tilespmem:$0xB48] =	vst v0  }
0xb5: {  	[tilespmem:$0xB58] =	vst v0  }
0xb6: {  	[tilespmem:$0xB68] =	vst v0  }
0xb7: {  	[tilespmem:$0xB78] =	vst v0  }
0xb8: {  	[tilespmem:$0xB88] =	vst v0  }
0xb9: {  	[tilespmem:$0xB98] =	vst v0  }
0xba: {  	[tilespmem:$0xBA8] =	vst v0  }
0xbb: {  	[tilespmem:$0xBB8] =	vst v0  }
0xbc: {  	[tilespmem:$0xBC8] =	vst v0  }
0xbd: {  	[tilespmem:$0xBD8] =	vst v0  }
0xbe: {  	[tilespmem:$0xBE8] =	vst v0  }
0xbf: {  	[tilespmem:$0xBF8] =	vst v0  }
0xc0: {  	[tilespmem:$0xC08] =	vst v0  }
0xc1: {  	[tilespmem:$0xC18] =	vst v0  }
0xc2: {  	[tilespmem:$0xC28] =	vst v0  }
0xc3: {  	[tilespmem:$0xC38] =	vst v0  }
0xc4: {  	[tilespmem:$0xC48] =	vst v0  }
0xc5: {  	[tilespmem:$0xC58] =	vst v0  }
0xc6: {  	[tilespmem:$0xC68] =	vst v0  }
0xc7: {  	[tilespmem:$0xC78] =	vst v0  }
0xc8: {  	[tilespmem:$0xC88] =	vst v0  }
0xc9: {  	[tilespmem:$0xC98] =	vst v0  }
0xca: {  	[tilespmem:$0xCA8] =	vst v0  }
0xcb: {  	[tilespmem:$0xCB8] =	vst v0  }
0xcc: {  	[tilespmem:$0xCC8] =	vst v0  }
0xcd: {  	[tilespmem:$0xCD8] =	vst v0  }
0xce: {  	[tilespmem:$0xCE8] =	vst v0  }
0xcf: {  	[tilespmem:$0xCF8] =	vst v0  }
0xd0: {  	[tilespmem:$0xD08] =	vst v0  }
0xd1: {  	[tilespmem:$0xD18] =	vst v0  }
0xd2: {  	[tilespmem:$0xD28] =	vst v0  }
0xd3: {  	[tilespmem:$0xD38] =	vst v0  }
0xd4: {  	[tilespmem:$0xD48] =	vst v0  }
0xd5: {  	[tilespmem:$0xD58] =	vst v0  }
0xd6: {  	[tilespmem:$0xD68] =	vst v0  }
0xd7: {  	[tilespmem:$0xD78] =	vst v0  }
0xd8: {  	[tilespmem:$0xD88] =	vst v0  }
0xd9: {  	[tilespmem:$0xD98] =	vst v0  }
0xda: {  	[tilespmem:$0xDA8] =	vst v0  }
0xdb: {  	[tilespmem:$0xDB8] =	vst v0  }
0xdc: {  	[tilespmem:$0xDC8] =	vst v0  }
0xdd: {  	[tilespmem:$0xDD8] =	vst v0  }
0xde: {  	[tilespmem:$0xDE8] =	vst v0  }
0xdf: {  	[tilespmem:$0xDF8] =	vst v0  }
0xe0: {  	[tilespmem:$0xE08] =	vst v0  }
0xe1: {  	[tilespmem:$0xE18] =	vst v0  }
0xe2: {  	[tilespmem:$0xE28] =	vst v0  }
0xe3: {  	[tilespmem:$0xE38] =	vst v0  }
0xe4: {  	[tilespmem:$0xE48] =	vst v0  }
0xe5: {  	[tilespmem:$0xE58] =	vst v0  }
0xe6: {  	[tilespmem:$0xE68] =	vst v0  }
0xe7: {  	[tilespmem:$0xE78] =	vst v0  }
0xe8: {  	[tilespmem:$0xE88] =	vst v0  }
0xe9: {  	[tilespmem:$0xE98] =	vst v0  }
0xea: {  	[tilespmem:$0xEA8] =	vst v0  }
0xeb: {  	[tilespmem:$0xEB8] =	vst v0  }
0xec: {  	[tilespmem:$0xEC8] =	vst v0  }
0xed: {  	[tilespmem:$0xED8] =	vst v0  }
0xee: {  	[tilespmem:$0xEE8] =	vst v0  }
0xef: {  	[tilespmem:$0xEF8] =	vst v0  }
0xf0: {  	[tilespmem:$0xF08] =	vst v0  }
0xf1: {  	[tilespmem:$0xF18] =	vst v0  }
0xf2: {  	[tilespmem:$0xF28] =	vst v0  }
0xf3: {  	[tilespmem:$0xF38] =	vst v0  }
0xf4: {  	[tilespmem:$0xF48] =	vst v0  }
0xf5: {  	[tilespmem:$0xF58] =	vst v0  }
0xf6: {  	[tilespmem:$0xF68] =	vst v0  }
0xf7: {  	[tilespmem:$0xF78] =	vst v0  }
0xf8: {  	[tilespmem:$0xF88] =	vst v0  }
0xf9: {  	[tilespmem:$0xF98] =	vst v0  }
0xfa: {  	[tilespmem:$0xFA8] =	vst v0  }
0xfb: {  	[tilespmem:$0xFB8] =	vst v0  }
0xfc: {  	[tilespmem:$0xFC8] =	vst v0  }
0xfd: {  	[tilespmem:$0xFD8] =	vst v0  }
0xfe: {  	[tilespmem:$0xFE8] =	vst v0  }
0xff: {  	[tilespmem:$0xFF8] =	vst v0  }
0x100: {  	[tilespmem:$0x1008] =	vst v0  }
0x101: {  	[tilespmem:$0x1018] =	vst v0  }
0x102: {  	[tilespmem:$0x1028] =	vst v0  }
0x103: {  	[tilespmem:$0x1178] =	vst v0  }
0x104: {  	[tilespmem:$0x1038] =	vst v0  }
0x105: {  	[tilespmem:$0x1048] =	vst v0  }
0x106: {  	[tilespmem:$0x1058] =	vst v0  }
0x107: {  	[tilespmem:$0x1068] =	vst v0  }
0x108: {  	[tilespmem:$0x1078] =	vst v0  }
0x109: {  	[tilespmem:$0x1088] =	vst v0  }
0x10a: {  	[tilespmem:$0x1098] =	vst v0  }
0x10b: {  	[tilespmem:$0x10A8] =	vst v0  }
0x10c: {  	[tilespmem:$0x10B8] =	vst v0  }
0x10d: {  	[tilespmem:$0x10C8] =	vst v0  }
0x10e: {  	[tilespmem:$0x10D8] =	vst v0  }
0x10f: {  	[tilespmem:$0x10E8] =	vst v0  }
0x110: {  	[tilespmem:$0x10F8] =	vst v0  }
0x111: {  	[tilespmem:$0x1108] =	vst v0  }
0x112: {  	[tilespmem:$0x1118] =	vst v0  }
0x113: {  	[tilespmem:$0x1128] =	vst v0  }
0x114: {  	[tilespmem:$0x1138] =	vst v0  }
0x115: {  	[tilespmem:$0x1148] =	vst v0  }
0x116: {  	[tilespmem:$0x1158] =	vst v0  }
0x117: {  	[tilespmem:$0x1168] =	vst v0  }
0x118: {  	[tilespmem:$0x1188] =	vst v0  }
0x119: {  	[tilespmem:$0x1198] =	vst v0  }
0x11a: {  	[tilespmem:$0x11A8] =	vst v0  }
0x11b: {  	[tilespmem:$0x11B8] =	vst v0  }
0x11c: {  	[tilespmem:$0x11C8] =	vst v0  }
0x11d: {  	[tilespmem:$0x11D8] =	vst v0  }
0x11e: {  	[tilespmem:$0x11E8] =	vst v0  }
0x11f: {  	[tilespmem:$0x11F8] =	vst v0  }
0x120: {  	[tilespmem:$0x1208] =	vst v0  }
0x121: {  	[tilespmem:$0x1218] =	vst v0  }
0x122: {  	[tilespmem:$0x1228] =	vst v0  }
0x123: {  	[tilespmem:$0x1238] =	vst v0  }
0x124: {  	[tilespmem:$0x1248] =	vst v0  }
0x125: {  	[tilespmem:$0x1258] =	vst v0  }
0x126: {  	[tilespmem:$0x1268] =	vst v0  }
0x127: {  	[tilespmem:$0x1278] =	vst v0  }
0x128: {  	[tilespmem:$0x1288] =	vst v0  }
0x129: {  	[tilespmem:$0x1298] =	vst v0  }
0x12a: {  	[tilespmem:$0x12A8] =	vst v0  }
0x12b: {  	[tilespmem:$0x12B8] =	vst v0  }
0x12c: {  	[tilespmem:$0x12C8] =	vst v0  }
0x12d: {  	[tilespmem:$0x12D8] =	vst v0  }
0x12e: {  	[tilespmem:$0x12E8] =	vst v0  }
0x12f: {  	[tilespmem:$0x12F8] =	vst v0  }
0x130: {  	[tilespmem:$0x1308] =	vst v0  }
0x131: {  	[tilespmem:$0x1318] =	vst v0  }
0x132: {  	[tilespmem:$0x1328] =	vst v0  }
0x133: {  	[tilespmem:$0x1338] =	vst v0  }
0x134: {  	[tilespmem:$0x1348] =	vst v0  }
0x135: {  	[tilespmem:$0x1358] =	vst v0  }
0x136: {  	[tilespmem:$0x1368] =	vst v0  }
0x137: {  	[tilespmem:$0x1378] =	vst v0  }
0x138: {  	[tilespmem:$0x1388] =	vst v0  }
0x139: {  	[tilespmem:$0x1398] =	vst v0  }
0x13a: {  	[tilespmem:$0x13A8] =	vst v0  }
0x13b: {  	[tilespmem:$0x13B8] =	vst v0  }
0x13c: {  	[tilespmem:$0x13C8] =	vst v0  }
0x13d: {  	[tilespmem:$0x13D8] =	vst v0  }
0x13e: {  	[tilespmem:$0x13E8] =	vst v0  }
0x13f: {  	[tilespmem:$0x13F8] =	vst v0  }
0x140: {  	[tilespmem:$0x1408] =	vst v0  }
0x141: {  	[tilespmem:$0x1418] =	vst v0  }
0x142: {  	[tilespmem:$0x1428] =	vst v0  }
0x143: {  	[tilespmem:$0x1438] =	vst v0  }
0x144: {  	[tilespmem:$0x1448] =	vst v0  }
0x145: {  	[tilespmem:$0x1458] =	vst v0  }
0x146: {  	[tilespmem:$0x1468] =	vst v0  }
0x147: {  	[tilespmem:$0x1478] =	vst v0  }
0x148: {  	[tilespmem:$0x1488] =	vst v0  }
0x149: {  	[tilespmem:$0x1498] =	vst v0  }
0x14a: {  	[tilespmem:$0x14A8] =	vst v0  }
0x14b: {  	[tilespmem:$0x14B8] =	vst v0  }
0x14c: {  	[tilespmem:$0x14C8] =	vst v0  }
0x14d: {  	[tilespmem:$0x14D8] =	vst v0  }
0x14e: {  	[tilespmem:$0x14E8] =	vst v0  }
0x14f: {  	[tilespmem:$0x14F8] =	vst v0  }
0x150: {  	[tilespmem:$0x1508] =	vst v0  }
0x151: {  	[tilespmem:$0x1518] =	vst v0  }
0x152: {  	[tilespmem:$0x1528] =	vst v0  }
0x153: {  	[tilespmem:$0x1538] =	vst v0  }
0x154: {  	[tilespmem:$0x1548] =	vst v0  }
0x155: {  	[tilespmem:$0x1558] =	vst v0  }
0x156: {  	[tilespmem:$0x1568] =	vst v0  }
0x157: {  	[tilespmem:$0x1578] =	vst v0  }
0x158: {  	[tilespmem:$0x1588] =	vst v0  }
0x159: {  	[tilespmem:$0x1598] =	vst v0  }
0x15a: {  	[tilespmem:$0x15A8] =	vst v0  }
0x15b: {  	[tilespmem:$0x15B8] =	vst v0  }
0x15c: {  	[tilespmem:$0x15C8] =	vst v0  }
0x15d: {  	[tilespmem:$0x15D8] =	vst v0  }
0x15e: {  	[tilespmem:$0x15E8] =	vst v0  }
0x15f: {  	[tilespmem:$0x15F8] =	vst v0  }
0x160: {  	[tilespmem:$0x1608] =	vst v0  }
0x161: {  	[tilespmem:$0x1618] =	vst v0  }
0x162: {  	[tilespmem:$0x1628] =	vst v0  }
0x163: {  	[tilespmem:$0x1638] =	vst v0  }
0x164: {  	[tilespmem:$0x1648] =	vst v0  }
0x165: {  	[tilespmem:$0x1658] =	vst v0  }
0x166: {  	[tilespmem:$0x1668] =	vst v0  }
0x167: {  	[tilespmem:$0x1678] =	vst v0  }
0x168: {  	[tilespmem:$0x1688] =	vst v0  }
0x169: {  	[tilespmem:$0x1698] =	vst v0  }
0x16a: {  	[tilespmem:$0x16A8] =	vst v0  }
0x16b: {  	[tilespmem:$0x16B8] =	vst v0  }
0x16c: {  	[tilespmem:$0x16C8] =	vst v0  }
0x16d: {  	[tilespmem:$0x16D8] =	vst v0  }
0x16e: {  	[tilespmem:$0x16E8] =	vst v0  }
0x16f: {  	[tilespmem:$0x16F8] =	vst v0  }
0x170: {  	[tilespmem:$0x1708] =	vst v0  }
0x171: {  	[tilespmem:$0x1718] =	vst v0  }
0x172: {  	[tilespmem:$0x1728] =	vst v0  }
0x173: {  	[tilespmem:$0x1738] =	vst v0  }
0x174: {  	[tilespmem:$0x1748] =	vst v0  }
0x175: {  	[tilespmem:$0x1758] =	vst v0  }
0x176: {  	[tilespmem:$0x1768] =	vst v0  }
0x177: {  	[tilespmem:$0x1778] =	vst v0  }
0x178: {  	[tilespmem:$0x1788] =	vst v0  }
0x179: {  	[tilespmem:$0x1798] =	vst v0  }
0x17a: {  	[tilespmem:$0x17A8] =	vst v0  }
0x17b: {  	[tilespmem:$0x17B8] =	vst v0  }
0x17c: {  	[tilespmem:$0x17C8] =	vst v0  }
0x17d: {  	[tilespmem:$0x17D8] =	vst v0  }
0x17e: {  	[tilespmem:$0x17E8] =	vst v0  }
0x17f: {  	[tilespmem:$0x17F8] =	vst v0  }
0x180: {  	[tilespmem:$0x1808] =	vst v0  }
0x181: {  	[tilespmem:$0x1818] =	vst v0  }
0x182: {  	[tilespmem:$0x1828] =	vst v0  }
0x183: {  	[tilespmem:$0x1838] =	vst v0  }
0x184: {  	[tilespmem:$0x1848] =	vst v0  }
0x185: {  	[tilespmem:$0x1858] =	vst v0  }
0x186: {  	[tilespmem:$0x1868] =	vst v0  }
0x187: {  	[tilespmem:$0x1878] =	vst v0  }
0x188: {  	[tilespmem:$0x1888] =	vst v0  }
0x189: {  	[tilespmem:$0x1898] =	vst v0  }
0x18a: {  	[tilespmem:$0x18A8] =	vst v0  }
0x18b: {  	[tilespmem:$0x18B8] =	vst v0  }
0x18c: {  	[tilespmem:$0x18C8] =	vst v0  }
0x18d: {  	[tilespmem:$0x18D8] =	vst v0  }
0x18e: {  	[tilespmem:$0x18E8] =	vst v0  }
0x18f: {  	[tilespmem:$0x18F8] =	vst v0  }
0x190: {  	[tilespmem:$0x1908] =	vst v0  }
0x191: {  	[tilespmem:$0x1918] =	vst v0  }
0x192: {  	[tilespmem:$0x1928] =	vst v0  }
0x193: {  	[tilespmem:$0x1938] =	vst v0  }
0x194: {  	[tilespmem:$0x1948] =	vst v0  }
0x195: {  	[tilespmem:$0x1958] =	vst v0  }
0x196: {  	[tilespmem:$0x1968] =	vst v0  }
0x197: {  	[tilespmem:$0x1978] =	vst v0  }
0x198: {  	[tilespmem:$0x1988] =	vst v0  }
0x199: {  	[tilespmem:$0x1998] =	vst v0  }
0x19a: {  	[tilespmem:$0x19A8] =	vst v0  }
0x19b: {  	[tilespmem:$0x19B8] =	vst v0  }
0x19c: {  	[tilespmem:$0x19C8] =	vst v0  }
0x19d: {  	[tilespmem:$0x19D8] =	vst v0  }
0x19e: {  	[tilespmem:$0x19E8] =	vst v0  }
0x19f: {  	[tilespmem:$0x19F8] =	vst v0  }
0x1a0: {  	[tilespmem:$0x1A08] =	vst v0  }
0x1a1: {  	[tilespmem:$0x1A18] =	vst v0  }
0x1a2: {  	[tilespmem:$0x1A28] =	vst v0  }
0x1a3: {  	[tilespmem:$0x1A38] =	vst v0  }
0x1a4: {  	[tilespmem:$0x1A48] =	vst v0  }
0x1a5: {  	[tilespmem:$0x1A58] =	vst v0  }
0x1a6: {  	[tilespmem:$0x1A68] =	vst v0  }
0x1a7: {  	[tilespmem:$0x1A78] =	vst v0  }
0x1a8: {  	[tilespmem:$0x1A88] =	vst v0  }
0x1a9: {  	[tilespmem:$0x1A98] =	vst v0  }
0x1aa: {  	[tilespmem:$0x1AA8] =	vst v0  }
0x1ab: {  	[tilespmem:$0x1AB8] =	vst v0  }
0x1ac: {  	[tilespmem:$0x1AC8] =	vst v0  }
0x1ad: {  	[tilespmem:$0x1AD8] =	vst v0  }
0x1ae: {  	[tilespmem:$0x1AE8] =	vst v0  }
0x1af: {  	[tilespmem:$0x1AF8] =	vst v0  }
0x1b0: {  	[tilespmem:$0x1B08] =	vst v0  }
0x1b1: {  	[tilespmem:$0x1B18] =	vst v0  }
0x1b2: {  	[tilespmem:$0x1B28] =	vst v0  }
0x1b3: {  	[tilespmem:$0x1B38] =	vst v0  }
0x1b4: {  	[tilespmem:$0x1B48] =	vst v0  }
0x1b5: {  	[tilespmem:$0x1B58] =	vst v0  }
0x1b6: {  	[tilespmem:$0x1B68] =	vst v0  }
0x1b7: {  	[tilespmem:$0x1B78] =	vst v0  }
0x1b8: {  	[tilespmem:$0x1B88] =	vst v0  }
0x1b9: {  	[tilespmem:$0x1B98] =	vst v0  }
0x1ba: {  	[tilespmem:$0x1BA8] =	vst v0  }
0x1bb: {  	[tilespmem:$0x1BB8] =	vst v0  }
0x1bc: {  	[tilespmem:$0x1BC8] =	vst v0  }
0x1bd: {  	[tilespmem:$0x1BD8] =	vst v0  }
0x1be: {  	[tilespmem:$0x1BE8] =	vst v0  }
0x1bf: {  	[tilespmem:$0x1BF8] =	vst v0  }
0x1c0: {  	[tilespmem:$0x1C08] =	vst v0  }
0x1c1: {  	[tilespmem:$0x1C18] =	vst v0  }
0x1c2: {  	[tilespmem:$0x1C28] =	vst v0  }
0x1c3: {  	[tilespmem:$0x1C38] =	vst v0  }
0x1c4: {  	[tilespmem:$0x1C48] =	vst v0  }
0x1c5: {  	[tilespmem:$0x1C58] =	vst v0  }
0x1c6: {  	[tilespmem:$0x1C68] =	vst v0  }
0x1c7: {  	[tilespmem:$0x1C78] =	vst v0  }
0x1c8: {  	[tilespmem:$0x1C88] =	vst v0  }
0x1c9: {  	[tilespmem:$0x1C98] =	vst v0  }
0x1ca: {  	[tilespmem:$0x1CA8] =	vst v0  }
0x1cb: {  	[tilespmem:$0x1CB8] =	vst v0  }
0x1cc: {  	[tilespmem:$0x1CC8] =	vst v0  }
0x1cd: {  	[tilespmem:$0x1CD8] =	vst v0  }
0x1ce: {  	[tilespmem:$0x1CE8] =	vst v0  }
0x1cf: {  	[tilespmem:$0x1CF8] =	vst v0  }
0x1d0: {  	[tilespmem:$0x1D08] =	vst v0  }
0x1d1: {  	[tilespmem:$0x1D18] =	vst v0  }
0x1d2: {  	[tilespmem:$0x1D28] =	vst v0  }
0x1d3: {  	[tilespmem:$0x1D38] =	vst v0  }
0x1d4: {  	[tilespmem:$0x1D48] =	vst v0  }
0x1d5: {  	[tilespmem:$0x1D58] =	vst v0  }
0x1d6: {  	[tilespmem:$0x1D68] =	vst v0  }
0x1d7: {  	[tilespmem:$0x1D78] =	vst v0  }
0x1d8: {  	[tilespmem:$0x1D88] =	vst v0  }
0x1d9: {  	[tilespmem:$0x1D98] =	vst v0  }
0x1da: {  	[tilespmem:$0x1DA8] =	vst v0  }
0x1db: {  	[tilespmem:$0x1DB8] =	vst v0  }
0x1dc: {  	[tilespmem:$0x1DC8] =	vst v0  }
0x1dd: {  	[tilespmem:$0x1DD8] =	vst v0  }
0x1de: {  	[tilespmem:$0x1DE8] =	vst v0  }
0x1df: {  	[tilespmem:$0x1DF8] =	vst v0  }
0x1e0: {  	[tilespmem:$0x1E08] =	vst v0  }
0x1e1: {  	[tilespmem:$0x1E18] =	vst v0  }
0x1e2: {  	[tilespmem:$0x1E28] =	vst v0  }
0x1e3: {  	[tilespmem:$0x1E38] =	vst v0  }
0x1e4: {  	[tilespmem:$0x1E48] =	vst v0  }
0x1e5: {  	[tilespmem:$0x1E58] =	vst v0  }
0x1e6: {  	[tilespmem:$0x1E68] =	vst v0  }
0x1e7: {  	[tilespmem:$0x1E78] =	vst v0  }
0x1e8: {  	[tilespmem:$0x1E88] =	vst v0  }
0x1e9: {  	[tilespmem:$0x1E98] =	vst v0  }
0x1ea: {  	[tilespmem:$0x1EA8] =	vst v0  }
0x1eb: {  	[tilespmem:$0x1EB8] =	vst v0  }
0x1ec: {  	[tilespmem:$0x1EC8] =	vst v0  }
0x1ed: {  	[tilespmem:$0x1ED8] =	vst v0  }
0x1ee: {  	[tilespmem:$0x1EE8] =	vst v0  }
0x1ef: {  	[tilespmem:$0x1EF8] =	vst v0  }
0x1f0: {  	[tilespmem:$0x1F08] =	vst v0  }
0x1f1: {  	[tilespmem:$0x1F18] =	vst v0  }
0x1f2: {  	[tilespmem:$0x1F28] =	vst v0  }
0x1f3: {  	[tilespmem:$0x1F38] =	vst v0  }
0x1f4: {  	[tilespmem:$0x1F48] =	vst v0  }
0x1f5: {  	[tilespmem:$0x1F58] =	vst v0  }
0x1f6: {  	[tilespmem:$0x1F68] =	vst v0  }
0x1f7: {  	[tilespmem:$0x1F78] =	vst v0  }
0x1f8: {  	[tilespmem:$0x1F88] =	vst v0  }
0x1f9: {  	[tilespmem:$0x1F98] =	vst v0  }
0x1fa: {  	[tilespmem:$0x1FA8] =	vst v0  }
0x1fb: {  	[tilespmem:$0x1FB8] =	vst v0  }
0x1fc: {  	[tilespmem:$0x1FC8] =	vst v0  }
0x1fd: {  	[tilespmem:$0x1FD8] =	vst v0  }
0x1fe: {  	[tilespmem:$0x1FE8] =	vst v0  }
0x1ff: {  	[tilespmem:$0x1FF8] =	vst v0  }
0x200: {  	[tilespmem:$0x2008] =	vst v0  }
0x201: {  	[tilespmem:$0x2018] =	vst v0  }
0x202: {  	[tilespmem:$0x2028] =	vst v0  }
0x203: {  	[tilespmem:$0x2038] =	vst v0  }
0x204: {  	[tilespmem:$0x2048] =	vst v0  }
0x205: {  	[tilespmem:$0x2058] =	vst v0  }
0x206: {  	[tilespmem:$0x2068] =	vst v0  }
0x207: {  	[tilespmem:$0x2078] =	vst v0  }
0x208: {  	[tilespmem:$0x2088] =	vst v0  }
0x209: {  	[tilespmem:$0x2098] =	vst v0  }
0x20a: {  	[tilespmem:$0x20A8] =	vst v0  }
0x20b: {  	[tilespmem:$0x20B8] =	vst v0  }
0x20c: {  	[tilespmem:$0x20C8] =	vst v0  }
0x20d: {  	[tilespmem:$0x20D8] =	vst v0  }
0x20e: {  	[tilespmem:$0x20E8] =	vst v0  }
0x20f: {  	[tilespmem:$0x20F8] =	vst v0  }
0x210: {  	[tilespmem:$0x2108] =	vst v0  }
0x211: {  	[tilespmem:$0x2118] =	vst v0  }
0x212: {  	[tilespmem:$0x2128] =	vst v0  }
0x213: {  	[tilespmem:$0x2138] =	vst v0  }
0x214: {  	[tilespmem:$0x2148] =	vst v0  }
0x215: {  	[tilespmem:$0x2158] =	vst v0  }
0x216: {  	[tilespmem:$0x2168] =	vst v0  }
0x217: {  	[tilespmem:$0x2198] =	vst v0  }
0x218: {  	[tilespmem:$0x2258] =	vst v0  }
0x219: {  	[tilespmem:$0x21D8] =	vst v0  }
0x21a: {  	[tilespmem:$0x3058] =	vst v0  }
0x21b: {  	[tilespmem:$0x3048] =	vst v0  }
0x21c: {  	[tilespmem:$0x3038] =	vst v0  }
0x21d: {  	[tilespmem:$0x3028] =	vst v0  }
0x21e: {  	[tilespmem:$0x3018] =	vst v0  }
0x21f: {  	[tilespmem:$0x3008] =	vst v0  }
0x220: {  	[tilespmem:$0x2FF8] =	vst v0  }
0x221: {  	[tilespmem:$0x2FE8] =	vst v0  }
0x222: {  	[tilespmem:$0x2FD8] =	vst v0  }
0x223: {  	[tilespmem:$0x2FC8] =	vst v0  }
0x224: {  	[tilespmem:$0x2FB8] =	vst v0  }
0x225: {  	[tilespmem:$0x2FA8] =	vst v0  }
0x226: {  	[tilespmem:$0x2F98] =	vst v0  }
0x227: {  	[tilespmem:$0x2F88] =	vst v0  }
0x228: {  	[tilespmem:$0x2F78] =	vst v0  }
0x229: {  	[tilespmem:$0x2F68] =	vst v0  }
0x22a: {  	[tilespmem:$0x2F58] =	vst v0  }
0x22b: {  	[tilespmem:$0x2F48] =	vst v0  }
0x22c: {  	[tilespmem:$0x2F38] =	vst v0  }
0x22d: {  	[tilespmem:$0x2F28] =	vst v0  }
0x22e: {  	[tilespmem:$0x2F18] =	vst v0  }
0x22f: {  	[tilespmem:$0x2F08] =	vst v0  }
0x230: {  	[tilespmem:$0x2EF8] =	vst v0  }
0x231: {  	[tilespmem:$0x2EE8] =	vst v0  }
0x232: {  	[tilespmem:$0x2ED8] =	vst v0  }
0x233: {  	[tilespmem:$0x2EC8] =	vst v0  }
0x234: {  	[tilespmem:$0x2EB8] =	vst v0  }
0x235: {  	[tilespmem:$0x2EA8] =	vst v0  }
0x236: {  	[tilespmem:$0x2E98] =	vst v0  }
0x237: {  	[tilespmem:$0x2E88] =	vst v0  }
0x238: {  	[tilespmem:$0x2E78] =	vst v0  }
0x239: {  	[tilespmem:$0x2E68] =	vst v0  }
0x23a: {  	[tilespmem:$0x2E58] =	vst v0  }
0x23b: {  	[tilespmem:$0x2E48] =	vst v0  }
0x23c: {  	[tilespmem:$0x2E38] =	vst v0  }
0x23d: {  	[tilespmem:$0x2E28] =	vst v0  }
0x23e: {  	[tilespmem:$0x2E18] =	vst v0  }
0x23f: {  	[tilespmem:$0x2E08] =	vst v0  }
0x240: {  	[tilespmem:$0x2DF8] =	vst v0  }
0x241: {  	[tilespmem:$0x2DE8] =	vst v0  }
0x242: {  	[tilespmem:$0x2DD8] =	vst v0  }
0x243: {  	[tilespmem:$0x2DC8] =	vst v0  }
0x244: {  	[tilespmem:$0x2DB8] =	vst v0  }
0x245: {  	[tilespmem:$0x2DA8] =	vst v0  }
0x246: {  	[tilespmem:$0x2D98] =	vst v0  }
0x247: {  	[tilespmem:$0x2D88] =	vst v0  }
0x248: {  	[tilespmem:$0x2D78] =	vst v0  }
0x249: {  	[tilespmem:$0x2D68] =	vst v0  }
0x24a: {  	[tilespmem:$0x2D58] =	vst v0  }
0x24b: {  	[tilespmem:$0x2D48] =	vst v0  }
0x24c: {  	[tilespmem:$0x2D38] =	vst v0  }
0x24d: {  	[tilespmem:$0x2D28] =	vst v0  }
0x24e: {  	[tilespmem:$0x2D18] =	vst v0  }
0x24f: {  	[tilespmem:$0x2D08] =	vst v0  }
0x250: {  	[tilespmem:$0x2CF8] =	vst v0  }
0x251: {  	[tilespmem:$0x2CE8] =	vst v0  }
0x252: {  	[tilespmem:$0x2CD8] =	vst v0  }
0x253: {  	[tilespmem:$0x2CC8] =	vst v0  }
0x254: {  	[tilespmem:$0x2CB8] =	vst v0  }
0x255: {  	[tilespmem:$0x2CA8] =	vst v0  }
0x256: {  	[tilespmem:$0x2C98] =	vst v0  }
0x257: {  	[tilespmem:$0x2C88] =	vst v0  }
0x258: {  	[tilespmem:$0x2C78] =	vst v0  }
0x259: {  	[tilespmem:$0x2C68] =	vst v0  }
0x25a: {  	[tilespmem:$0x2C58] =	vst v0  }
0x25b: {  	[tilespmem:$0x2C48] =	vst v0  }
0x25c: {  	[tilespmem:$0x2C38] =	vst v0  }
0x25d: {  	[tilespmem:$0x2C28] =	vst v0  }
0x25e: {  	[tilespmem:$0x2C18] =	vst v0  }
0x25f: {  	[tilespmem:$0x2C08] =	vst v0  }
0x260: {  	[tilespmem:$0x2BF8] =	vst v0  }
0x261: {  	[tilespmem:$0x2BE8] =	vst v0  }
0x262: {  	[tilespmem:$0x2BD8] =	vst v0  }
0x263: {  	[tilespmem:$0x2BC8] =	vst v0  }
0x264: {  	[tilespmem:$0x2BB8] =	vst v0  }
0x265: {  	[tilespmem:$0x2BA8] =	vst v0  }
0x266: {  	[tilespmem:$0x2B98] =	vst v0  }
0x267: {  	[tilespmem:$0x2B88] =	vst v0  }
0x268: {  	[tilespmem:$0x2B78] =	vst v0  }
0x269: {  	[tilespmem:$0x2B68] =	vst v0  }
0x26a: {  	[tilespmem:$0x2B58] =	vst v0  }
0x26b: {  	[tilespmem:$0x2B48] =	vst v0  }
0x26c: {  	[tilespmem:$0x2B38] =	vst v0  }
0x26d: {  	[tilespmem:$0x2B28] =	vst v0  }
0x26e: {  	[tilespmem:$0x2B18] =	vst v0  }
0x26f: {  	[tilespmem:$0x2B08] =	vst v0  }
0x270: {  	[tilespmem:$0x2AF8] =	vst v0  }
0x271: {  	[tilespmem:$0x2AE8] =	vst v0  }
0x272: {  	[tilespmem:$0x2AD8] =	vst v0  }
0x273: {  	[tilespmem:$0x2AC8] =	vst v0  }
0x274: {  	[tilespmem:$0x2AB8] =	vst v0  }
0x275: {  	[tilespmem:$0x2AA8] =	vst v0  }
0x276: {  	[tilespmem:$0x2A98] =	vst v0  }
0x277: {  	[tilespmem:$0x2A88] =	vst v0  }
0x278: {  	[tilespmem:$0x2A78] =	vst v0  }
0x279: {  	[tilespmem:$0x2A68] =	vst v0  }
0x27a: {  	[tilespmem:$0x2A58] =	vst v0  }
0x27b: {  	[tilespmem:$0x2A48] =	vst v0  }
0x27c: {  	[tilespmem:$0x2A38] =	vst v0  }
0x27d: {  	[tilespmem:$0x2A28] =	vst v0  }
0x27e: {  	[tilespmem:$0x2A18] =	vst v0  }
0x27f: {  	[tilespmem:$0x2A08] =	vst v0  }
0x280: {  	[tilespmem:$0x29F8] =	vst v0  }
0x281: {  	[tilespmem:$0x29E8] =	vst v0  }
0x282: {  	[tilespmem:$0x29D8] =	vst v0  }
0x283: {  	[tilespmem:$0x29C8] =	vst v0  }
0x284: {  	[tilespmem:$0x29B8] =	vst v0  }
0x285: {  	[tilespmem:$0x29A8] =	vst v0  }
0x286: {  	[tilespmem:$0x2998] =	vst v0  }
0x287: {  	[tilespmem:$0x2988] =	vst v0  }
0x288: {  	[tilespmem:$0x2978] =	vst v0  }
0x289: {  	[tilespmem:$0x2968] =	vst v0  }
0x28a: {  	[tilespmem:$0x2958] =	vst v0  }
0x28b: {  	[tilespmem:$0x2948] =	vst v0  }
0x28c: {  	[tilespmem:$0x2938] =	vst v0  }
0x28d: {  	[tilespmem:$0x2928] =	vst v0  }
0x28e: {  	[tilespmem:$0x2918] =	vst v0  }
0x28f: {  	[tilespmem:$0x2908] =	vst v0  }
0x290: {  	[tilespmem:$0x28F8] =	vst v0  }
0x291: {  	[tilespmem:$0x28E8] =	vst v0  }
0x292: {  	[tilespmem:$0x28D8] =	vst v0  }
0x293: {  	[tilespmem:$0x28C8] =	vst v0  }
0x294: {  	[tilespmem:$0x28B8] =	vst v0  }
0x295: {  	[tilespmem:$0x28A8] =	vst v0  }
0x296: {  	[tilespmem:$0x2898] =	vst v0  }
0x297: {  	[tilespmem:$0x2888] =	vst v0  }
0x298: {  	[tilespmem:$0x2878] =	vst v0  }
0x299: {  	[tilespmem:$0x2868] =	vst v0  }
0x29a: {  	[tilespmem:$0x2858] =	vst v0  }
0x29b: {  	[tilespmem:$0x2848] =	vst v0  }
0x29c: {  	[tilespmem:$0x2838] =	vst v0  }
0x29d: {  	[tilespmem:$0x2828] =	vst v0  }
0x29e: {  	[tilespmem:$0x2818] =	vst v0  }
0x29f: {  	[tilespmem:$0x2808] =	vst v0  }
0x2a0: {  	[tilespmem:$0x27F8] =	vst v0  }
0x2a1: {  	[tilespmem:$0x27E8] =	vst v0  }
0x2a2: {  	[tilespmem:$0x27D8] =	vst v0  }
0x2a3: {  	[tilespmem:$0x27C8] =	vst v0  }
0x2a4: {  	[tilespmem:$0x27B8] =	vst v0  }
0x2a5: {  	[tilespmem:$0x27A8] =	vst v0  }
0x2a6: {  	[tilespmem:$0x2798] =	vst v0  }
0x2a7: {  	[tilespmem:$0x2788] =	vst v0  }
0x2a8: {  	[tilespmem:$0x2778] =	vst v0  }
0x2a9: {  	[tilespmem:$0x2768] =	vst v0  }
0x2aa: {  	[tilespmem:$0x2758] =	vst v0  }
0x2ab: {  	[tilespmem:$0x2748] =	vst v0  }
0x2ac: {  	[tilespmem:$0x2738] =	vst v0  }
0x2ad: {  	[tilespmem:$0x2728] =	vst v0  }
0x2ae: {  	[tilespmem:$0x2718] =	vst v0  }
0x2af: {  	[tilespmem:$0x2708] =	vst v0  }
0x2b0: {  	[tilespmem:$0x26F8] =	vst v0  }
0x2b1: {  	[tilespmem:$0x26E8] =	vst v0  }
0x2b2: {  	[tilespmem:$0x26D8] =	vst v0  }
0x2b3: {  	[tilespmem:$0x26C8] =	vst v0  }
0x2b4: {  	[tilespmem:$0x26B8] =	vst v0  }
0x2b5: {  	[tilespmem:$0x26A8] =	vst v0  }
0x2b6: {  	[tilespmem:$0x2698] =	vst v0  }
0x2b7: {  	[tilespmem:$0x2688] =	vst v0  }
0x2b8: {  	[tilespmem:$0x2678] =	vst v0  }
0x2b9: {  	[tilespmem:$0x2668] =	vst v0  }
0x2ba: {  	[tilespmem:$0x2658] =	vst v0  }
0x2bb: {  	[tilespmem:$0x2648] =	vst v0  }
0x2bc: {  	[tilespmem:$0x2638] =	vst v0  }
0x2bd: {  	[tilespmem:$0x2628] =	vst v0  }
0x2be: {  	[tilespmem:$0x2618] =	vst v0  }
0x2bf: {  	[tilespmem:$0x2608] =	vst v0  }
0x2c0: {  	[tilespmem:$0x25F8] =	vst v0  }
0x2c1: {  	[tilespmem:$0x25E8] =	vst v0  }
0x2c2: {  	[tilespmem:$0x25D8] =	vst v0  }
0x2c3: {  	[tilespmem:$0x25C8] =	vst v0  }
0x2c4: {  	[tilespmem:$0x25B8] =	vst v0  }
0x2c5: {  	[tilespmem:$0x25A8] =	vst v0  }
0x2c6: {  	[tilespmem:$0x2598] =	vst v0  }
0x2c7: {  	[tilespmem:$0x2588] =	vst v0  }
0x2c8: {  	[tilespmem:$0x2578] =	vst v0  }
0x2c9: {  	[tilespmem:$0x2568] =	vst v0  }
0x2ca: {  	[tilespmem:$0x2558] =	vst v0  }
0x2cb: {  	[tilespmem:$0x2548] =	vst v0  }
0x2cc: {  	[tilespmem:$0x2538] =	vst v0  }
0x2cd: {  	[tilespmem:$0x2528] =	vst v0  }
0x2ce: {  	[tilespmem:$0x2518] =	vst v0  }
0x2cf: {  	[tilespmem:$0x2508] =	vst v0  }
0x2d0: {  	[tilespmem:$0x24F8] =	vst v0  }
0x2d1: {  	[tilespmem:$0x24E8] =	vst v0  }
0x2d2: {  	[tilespmem:$0x24D8] =	vst v0  }
0x2d3: {  	[tilespmem:$0x24C8] =	vst v0  }
0x2d4: {  	[tilespmem:$0x24B8] =	vst v0  }
0x2d5: {  	[tilespmem:$0x24A8] =	vst v0  }
0x2d6: {  	[tilespmem:$0x2498] =	vst v0  }
0x2d7: {  	[tilespmem:$0x2488] =	vst v0  }
0x2d8: {  	[tilespmem:$0x2478] =	vst v0  }
0x2d9: {  	[tilespmem:$0x2468] =	vst v0  }
0x2da: {  	[tilespmem:$0x2458] =	vst v0  }
0x2db: {  	[tilespmem:$0x2448] =	vst v0  }
0x2dc: {  	[tilespmem:$0x2438] =	vst v0  }
0x2dd: {  	[tilespmem:$0x2428] =	vst v0  }
0x2de: {  	[tilespmem:$0x2418] =	vst v0  }
0x2df: {  	[tilespmem:$0x2408] =	vst v0  }
0x2e0: {  	[tilespmem:$0x23F8] =	vst v0  }
0x2e1: {  	[tilespmem:$0x23E8] =	vst v0  }
0x2e2: {  	[tilespmem:$0x23D8] =	vst v0  }
0x2e3: {  	[tilespmem:$0x23C8] =	vst v0  }
0x2e4: {  	[tilespmem:$0x23B8] =	vst v0  }
0x2e5: {  	[tilespmem:$0x23A8] =	vst v0  }
0x2e6: {  	[tilespmem:$0x2398] =	vst v0  }
0x2e7: {  	[tilespmem:$0x2388] =	vst v0  }
0x2e8: {  	[tilespmem:$0x2378] =	vst v0  }
0x2e9: {  	[tilespmem:$0x2368] =	vst v0  }
0x2ea: {  	[tilespmem:$0x2358] =	vst v0  }
0x2eb: {  	[tilespmem:$0x2348] =	vst v0  }
0x2ec: {  	[tilespmem:$0x2338] =	vst v0  }
0x2ed: {  	[tilespmem:$0x2328] =	vst v0  }
0x2ee: {  	[tilespmem:$0x2318] =	vst v0  }
0x2ef: {  	[tilespmem:$0x2308] =	vst v0  }
0x2f0: {  	[tilespmem:$0x22F8] =	vst v0  }
0x2f1: {  	[tilespmem:$0x22E8] =	vst v0  }
0x2f2: {  	[tilespmem:$0x22D8] =	vst v0  }
0x2f3: {  	[tilespmem:$0x22C8] =	vst v0  }
0x2f4: {  	[tilespmem:$0x22B8] =	vst v0  }
0x2f5: {  	[tilespmem:$0x22A8] =	vst v0  }
0x2f6: {  	[tilespmem:$0x2298] =	vst v0  }
0x2f7: {  	[tilespmem:$0x2288] =	vst v0  }
0x2f8: {  	s4 =	stileid.u32;
	[tilespmem:$0x2278] =	vst v0  }
0x2f9: {  	s0 =	smul.u32 $0x82, s4;
	[tilespmem:$0x2268] =	vst v0  }
0x2fa: {  	s1 =	smin.u32 s4, $0x4;
	[tilespmem:$0x2238] =	vst v0  }
0x2fb: {  	[tilespmem:$0x2248] =	vst v0;
	s0 =	sadd.s32 s1, s0  }
0x2fc: {  	p0 =	slt.u32 s4, $0x4;
	[tilespmem:$0x2228] =	vst v0;
	s1 =	simm.s32 $0xC480;
	s8 =	smul.u32 $0x180, s0  }
0x2fd: {  	s1 =	simm.s32 @!p0 $0xC300;
	[tilespmem:$0x21A8] =	vst v0  }
0x2fe: {  	[tilespmem:$0x2218] =	vst v0;
	s0 =	sadd.s32 s1, s8  }
0x2ff: {  	s3 =	simm.s32 $0x2;
	[tilespmem:$0x2208] =	vst v0;
	s9 =	smin.u32 s0, $0xC3500  }
0x300: {  	s11 =	simm.s32 $0x9;
	s12 =	simm.s32 $0xA;
	[tilespmem:$0x21F8] =	vst v0;
	s0 =	ssub.s32 s9, s8  }
0x301: {  	s16 =	simm.s32 $0x0;
	p4 =	por $0x0, $0x0;
	[tilespmem:$0x21E8] =	vst v0;
	p0 =	sgt.s32 s0, $0x0  }
0x302: {  	s17 =	simm.s32 $0xC;
	s21 =	simm.s32 $0x0;
	[tilespmem:$0x21C8] =	vst v0;
	s0 =	simm.s32 @!p0 $0x0  }
0x303: {  	s18 =	simm.s32 $0x0;
	s2 =	sand.u32 $0x1, s2;
	[tilespmem:$0x21B8] =	vst v0;
	s30 =	smulhi.u32 $0x2AAAAAAB, s0  }
0x304: {  	s20 =	simm.s32 $0x0;
	s31 =	sshll.u32 s4, $0x6;
	[tilespmem:$0x2188] =	vst v0;
	[dreg:$0x5] =	wrdreg s2  }
0x305: {  	s2 =	smul.u32 $0x186A0, s2;
	[tilespmem:$0x2178] =	vst v0;
	[sflag:s3] =	ssyncpa.u1 $0x0;
	s1 =	sshrl.u32 s30, $0x6  }
0x306: {  	v0 =	vimm.s32 $0xFFFFFFFF;
	s3 =	sadd.s32 $0x18EC00, s6;
	[dreg:$0x4] =	wrdreg s31;
	s5 =	smul.u32 $0x180, s1  }
.Ltmp0:
0x307: {  	[tilespmem:$0x6088] =	vst v0;
	[sflag:s11] =	ssyncpa.u1 $0x0;
	s2 =	sadd.s32 s2, s6;
	(pc) =	sbr.rel .LBB2_1-.Ltmp0, $4  }
0x308: {  	[sflag:s12] =	ssyncpa.u1 $0x0;
	s12 =	simm.s32 $0xB;
	p0 =	sne.s32 s0, s5  }
0x309: {  	s6 =	sadd.s32 $0x6367A00, s6;
	[sflag:s12] =	ssyncpa.u1 $0x0;
	s7 =	simm.s32 @!p0 $0x0  }
0x30a: {  	s13 =	sadd.s32 $0x4ACCC00, s2;
	s14 =	sadd.s32 $0x39000, s2;
	s7 =	sadd.s32 s7, s1  }
0x30b: {  	v0 =	vlaneseq.u32;
	s19 =	smov.u32 s8;
	p0 =	por $0x1, $0x1;
	s15 =	sadd.s32 $0x1, s7  }
.LBB2_18:
0x30c: {  	s0 =	simm.s32 $0x2  }
0x30d: {  	_ =	swait.ge [sflag:s0], $0x0  }
0x30e: {  	[sflag:s0] =	ssyncset.done $0x0;
	s0 =	simm.s32 $0x0  }
.LBB2_19:
0x30f: {  	_ =	swait.ge [sflag:s17], s0  }
0x310: {  	s31 =	ssub.s32 $0x0, s0;
	v1 =	vmov s23;
	vm0 =	veq.s32 v0, $0x0;
	[sflag:s17] =	ssyncset.done $0x0  }
0x311: {  	vm15 =	veq.s32 v0, $0x2;
	v1 =	vsel vm0, s28, v1;
	[sflag:s17] =	ssyncadd.s32 s31  }
0x312: {  	v1 =	vsel vm15, s21, v1;
	[sflag:s17] =	ssyncpa.u1 $0x1  }
0x313: {  	[tilespmem:$0x6088] =	vst v1  }
.LBB2_20:
0x314: {  	s0 =	sadd.s32 $0x180, s19  }
0x315: {  	s1 =	smov.u32 s8;
	p1 =	slt.s32 s0, s9  }
0x316: {  	s1 =	smov.u32 @p1 s0;
	p1 =	sne.s32 s20, s15  }
.Ltmp1:
0x317: {  	_ = 	snop;
	(pc) =	sbr.rel @!p1 .LBB2_21-.Ltmp1, $4  }
0x318: {  	_ = 	snop  }
0x319: {  	s21 =	smov.u32 s18  }
0x31a: {  	s31 =	sadd.s32 $0x1, s20;
	s18 =	smov.u32 s19;
	p0 =	por !p0, !p0  }
0x31b: {  	p4 =	por !p4, !p4;
	s20 =	smov.u32 s31;
	s19 =	smov.u32 s1  }
.LBB2_1:
0x31c: {  	p2 =	sge.u32 s20, s7  }
0x31d: {  	s0 =	smulhi.u32 @!p2 $0xAAAAAAAB, s20  }
0x31e: {  	s1 =	smov.u32 s19;
	p3 =	sgt.s32 @!p2 s19, $0xC3380  }
0x31f: {  	s2 =	sshra.s32 @!p2 s19, $0x1F;
	p3 =	por !p3, p2;
	s0 =	sshrl.u32 @!p2 s0, $0x1  }
0x320: {  	s2 =	sand.u32 @!p2 s2, s19;
	s1 =	simm.s32 @p3 $0xC3380;
	s0 =	smul.u32 @!p2 $0x3, s0  }
0x321: {  	s1 =	ssub.s32 @!p2 s1, s2  }
0x322: {  	s22 =	sadd.s32 $0xFFFFFFFF, s20;
	s1 =	sadd.s32 @!p2 $0xFFF3CC80, s1;
	s0 =	ssub.s32 @!p2 s20, s0  }
0x323: {  	s2 =	sshll.u32 @!p2 s1, $0x2;
	p3 =	sgt.s32 @!p2 s1, $0x17F;
	s0 =	smul.u32 @!p2 $0x600, s0  }
0x324: {  	s5 =	sand.u32 @!p2 $0x7, s19;
	s1 =	ssub.s32 @!p2 $0x600, s2;
	p3 =	por !p3, p2  }
0x325: {  	s2 =	sshrl.u32 @!p2 s19, $0x3;
	s1 =	sshrl.u32 @!p2 s1, $0x2;
	s0 =	sshrl.u32 @!p2 s0, $0x2  }
0x326: {  	s2 =	sadd.s32 @!p2 s2, s13;
	s1 =	simm.s32 @!p3 $0x0;
	s0 =	sadd.s32 @!p2 $0x64C8, s0  }
0x327: {  	[tilespmem:s0], [sflag:$0xA] =	stream.linear.gather @!p2 [hbm4b:s2+s5], s1, $0x38;
	[tilespmem:$0x1EC48] =	vst v63  }
0x328: {  	p2 =	sge.u32 s22, s7  }
0x329: {  	p3 =	sgt.s32 @!p2 s18, $0xC3380  }
0x32a: {  	s0 =	smov.u32 s18;
	s1 =	sshra.s32 @!p2 s18, $0x1F;
	p3 =	por !p3, p2  }
0x32b: {  	s1 =	sand.u32 @!p2 s1, s18;
	s0 =	simm.s32 @p3 $0xC3380  }
0x32c: {  	s0 =	ssub.s32 @!p2 s0, s1  }
0x32d: {  	s0 =	sadd.s32 @!p2 $0xFFF3CC80, s0  }
0x32e: {  	s1 =	sshll.u32 @!p2 s0, $0x2  }
0x32f: {  	p3 =	sgt.s32 @!p2 s0, $0x17F;
	s0 =	ssub.s32 @!p2 $0x600, s1  }
0x330: {  	p3 =	por !p3, p2;
	s0 =	sshrl.u32 @!p2 s0, $0x2  }
0x331: {  	s2 =	simm.s32 @!p2 $0xA;
	s1 =	sand.u32 @!p2 $0x1, s22;
	s0 =	simm.s32 @!p3 $0x0  }
0x332: {  	s1 =	smul.u32 @!p2 $0x600, s1;
	_ =	swait.ge @!p2 [sflag:s2], s0  }
0x333: {  	s5 =	ssub.s32 @!p2 $0x0, s0;
	[sflag:s2] =	ssyncset.done @!p2 $0x0  }
0x334: {  	s1 =	sshrl.u32 @!p2 s1, $0x2;
	[sflag:s2] =	ssyncadd.s32 @!p2 s5;
	s2 =	sshrl.u32 @!p2 s18, $0x3  }
0x335: {  	s1 =	sadd.s32 @!p2 $0x6948, s1;
	s5 =	sand.u32 @!p2 $0x7, s18;
	s2 =	sadd.s32 @!p2 s2, s14  }
0x336: {  	[tilespmem:s1], [sflag:$0xB] =	stream.linear.gather @!p2 [hbm4b:s2+s5], s0, $0x38;
	[tilespmem:$0x1EC48] =	vst v63  }
0x337: {  	s0 =	ssub.s32 @!p2 $0xC3500, s18  }
0x338: {  	p3 =	slt.s32 @!p2 s0, $0x1  }
0x339: {  	p3 =	por p2, p3  }
.Ltmp2:
0x33a: {  	_ = 	snop;
	(pc) =	sbr.rel @p3 .LBB2_7-.Ltmp2, $1  }
0x33b: {  	_ =	sdelay $0x3  }
0x33c: {  	s1 =	smulhi.u32 $0xAAAAAAAB, s22;
	_ =	sdelay $0x1  }
0x33d: {  	s1 =	sshrl.u32 s1, $0x1  }
0x33e: {  	s1 =	smul.u32 $0x3, s1;
	_ =	sdelay $0x1  }
0x33f: {  	s1 =	ssub.s32 s22, s1  }
0x340: {  	s2 =	simm.s32 $0x1;
	s1 =	smul.u32 $0x600, s1  }
.Ltmp3:
0x341: {  	s2 =	simm.s32 @!p0 $0x0;
	(pc) =	sbr.rel .LBB2_4-.Ltmp3, $4  }
0x342: {  	s2 =	smul.u32 $0x30000, s2  }
0x343: {  	p3 =	slt.s32 @!p2 s0, $0x180;
	s1 =	sshrl.u32 s1, $0x2  }
0x344: {  	p2 =	por !p3, p2;
	s2 =	sshrl.u32 s2, $0x2;
	s1 =	sadd.s32 $0x64C8, s1  }
0x345: {  	s23 =	simm.s32 $0x0;
	s0 =	simm.s32 @p2 $0x180;
	s22 =	sadd.s32 $0x6C48, s2;
	v1 =	vmov s1  }
.LBB2_3:
0x346: {  	p2 =	sge.s32 s23, s0  }
.Ltmp4:
0x347: {  	_ = 	snop;
	(pc) =	sbr.rel @p2 .LBB2_7-.Ltmp4, $2  }
0x348: {  	_ =	sdelay $0x2  }
0x349: {  	s22 =	sadd.s32 $0x800, s22  }
.LBB2_4:
0x34a: {  	p2 =	sle.s32 s0, s23  }
.Ltmp5:
0x34b: {  	_ = 	snop;
	(pc) =	sbr.rel @p2 .LBB2_3-.Ltmp5, $2  }
0x34c: {  	_ =	sdelay $0x2  }
0x34d: {  	s24 =	smov.u32 s23;
	s23 =	sadd.s32 $0x10, s23  }
0x34e: {  	s1 =	ssub.s32 s0, s24  }
0x34f: {  	p2 =	slt.s32 s1, $0x10  }
0x350: {  	s1 =	simm.s32 @!p2 $0x10  }
0x351: {  	v2 =	vmov s1  }
0x352: {  	vm0 =	vgt.s32 v2, v0;
	_ =	sdelay $0x5  }
0x353: {  	v2 =	vld.idx.msk [tilespmem:v1+s24+$0x0 ss:$0x1], vm0;
	_ =	sdelay $0x2  }
0x354: {  	p2 =	slt.s32 s23, s0;
	s1 =	smov.u32 s0  }
0x355: {  	s2 =	smov.u32 s22;
	s25 =	simm.s32 $0x0;
	s1 =	smov.u32 @p2 s23  }
.LBB2_6:
0x356: {  	(v2sf) =	vpush v2, s25;
	_ =	sdelay $0xc  }
0x357: {  	s25 =	sadd.s32 $0x1, s25  }
0x358: {  	s31 =	sadd.s32 s25, s24  }
0x359: {  	p2 =	slt.s32 s31, s1;
	s5 =	spop (v2sf)  }
.Ltmp6:
0x35a: {  	s5 =	sshll.u32 s5, $0x4;
	(pc) =	sbr.rel @p2 .LBB2_6-.Ltmp6, $4  }
0x35b: {  	s5 =	sand.u32 $0x1FFFFFF0, s5  }
0x35c: {  	s5 =	sadd.s32 s6, s5  }
0x35d: {  	[tilespmem:s2], [sflag:$0x9] =	stream.linear.gather [hbm4b:s5+s16], $0x13, $0x38;
	[tilespmem:$0x1EC48] =	vst v63  }
0x35e: {  	s2 =	sadd.s32 $0x80, s2  }
.Ltmp7:
0x35f: {  	_ = 	snop;
	(pc) =	sbr.rel .LBB2_3-.Ltmp7, $1  }
0x360: {  	_ =	sdelay $0x3  }
.LBB2_7:
0x361: {  	p2 =	slt.u32 s20, $0x2  }
.Ltmp8:
0x362: {  	_ = 	snop;
	(pc) =	sbr.rel @p2 .LBB2_20-.Ltmp8, $1  }
0x363: {  	_ =	sdelay $0x3  }
0x364: {  	s0 =	ssub.s32 $0xC3500, s21;
	p2 =	sgt.s32 s21, $0xC3380  }
0x365: {  	s1 =	smov.u32 s21;
	s2 =	sshra.s32 s21, $0x1F;
	p3 =	slt.s32 s0, $0x180  }
0x366: {  	s1 =	simm.s32 @!p2 $0xC3380;
	s2 =	sand.u32 s2, s21;
	s0 =	simm.s32 @!p3 $0x180  }
0x367: {  	s1 =	ssub.s32 s1, s2;
	s0 =	smul.u32 $0x4C, s0  }
0x368: {  	s1 =	sadd.s32 $0xFFF3CC80, s1  }
0x369: {  	s26 =	sshll.u32 s1, $0x2;
	s0 =	sshrl.u32 s0, $0x2  }
0x36a: {  	p2 =	sgt.s32 s1, $0x17F;
	s28 =	ssub.s32 $0x600, s26;
	_ =	swait.ge [sflag:s11], s0  }
0x36b: {  	s0 =	ssub.s32 $0x0, s0;
	s1 =	sshrl.u32 s28, $0x2;
	[sflag:s11] =	ssyncset.done $0x0  }
0x36c: {  	s1 =	simm.s32 @p2 $0x0;
	[sflag:s11] =	ssyncadd.s32 s0  }
0x36d: {  	_ =	swait.ge [sflag:s12], s1  }
0x36e: {  	s29 =	ssub.s32 $0x0, s1;
	[sflag:s12] =	ssyncset.done $0x0  }
0x36f: {  	[sflag:s12] =	ssyncadd.s32 s29  }
0x370: {  	v1 =	vld [tilespmem:$0x6088];
	_ =	sdelay $0x4  }
0x371: {  	(v2sf) =	vpush v1, $0x0  }
0x372: {  	(v2sf) =	vpush v1, $0x1  }
0x373: {  	(v2sf) =	vpush v1, $0x2;
	_ =	sdelay $0x3  }
0x374: {  	s0 =	sadd.s32 $0x180, s21  }
0x375: {  	p2 =	slt.s32 s9, s0;
	s1 =	ssub.s32 $0x186A00, s21  }
0x376: {  	s0 =	smov.u32 @p2 s9;
	p2 =	sgt.s32 s1, $0x0  }
0x377: {  	s0 =	ssub.s32 s0, s21;
	s1 =	simm.s32 @!p2 $0x0  }
0x378: {  	p2 =	slt.s32 s1, s0  }
0x379: {  	s0 =	smov.u32 @p2 s1  }
0x37a: {  	s24 =	simm.s32 $0x1;
	p2 =	slt.s32 s0, $0x1  }
.Ltmp9:
0x37b: {  	s24 =	simm.s32 @!p4 $0x0;
	(pc) =	sbr.rel @p2 .LBB2_12-.Ltmp9, $4  }
0x37c: {  	s30 =	smul.u32 $0x600, s24  }
0x37d: {  	s25 =	spop (v2sf)  }
0x37e: {  	s31 =	sshrl.u32 s30, $0x2;
	s26 =	spop (v2sf)  }
0x37f: {  	s22 =	sadd.s32 $0x6948, s31;
	s21 =	spop (v2sf)  }
0x380: {  	s1 =	smin.u32 s0, $0x10  }
0x381: {  	v1 =	vmov s1  }
0x382: {  	p3 =	sgt.s32 s0, $0x10;
	vm1 =	vgt.u32 v1, v0  }
.Ltmp10:
0x383: {  	_ = 	snop;
	(pc) =	sbr.rel @!p3 .LBB2_11-.Ltmp10, $2  }
0x384: {  	_ =	sdelay $0x2  }
0x385: {  	s28 =	simm.s32 $0x10;
	s29 =	sadd.s32 $0xFFFFFFF0, s0;
	s23 =	smov.u32 s22;
	vm0 =	vmmov vm1  }
.LBB2_10:
0x386: {  	s1 =	smin.u32 s29, $0x10;
	s28 =	sadd.s32 $0x10, s28;
	v1 =	vld.msk [tilespmem:s23+$0x0 ss:$0x1], vm1  }
0x387: {  	v2 =	vmov s1;
	p3 =	slt.s32 s28, s0  }
0x388: {  	vm1 =	vgt.u32 v2, v0  }
.Ltmp11:
0x389: {  	(pc) =	sbr.rel @p3 .LBB2_10-.Ltmp11, $3  }
0x38a: {  	_ =	sdelay $0x1  }
0x38b: {  	v1 =	vshll.u32 v1, $0x4  }
0x38c: {  	s29 =	sadd.s32 $0xFFFFFFF0, s29;
	[tilespmem:s23+$0x0] =	vst.msk vm0, v1;
	s23 =	sadd.s32 $0x10, s23;
	vm0 =	vmmov vm1  }
.LBB2_11:
0x38d: {  	_ =	sdelay $0x4  }
0x38e: {  	v1 =	vld.msk [tilespmem:s23+$0x0 ss:$0x1], vm1;
	_ =	sdelay $0x4  }
0x38f: {  	v1 =	vshll.u32 v1, $0x4  }
0x390: {  	[tilespmem:s23+$0x0] =	vst.msk vm0, v1  }
.LBB2_12:
0x391: {  	s1 =	sand.u32 $0x1, s20  }
0x392: {  	s1 =	smul.u32 $0x180, s1  }
0x393: {  	p3 =	sne.s32 s26, $0xFFFFFFFF  }
0x394: {  	v1 =	vld.msk @!p3 [tilespmem:s1+$0x6948], $0x1;
	_ =	sdelay $0x4  }
0x395: {  	(v2sf) =	vpush @!p3 v1, $0x0;
	_ =	sdelay $0xc  }
.Ltmp12:
0x396: {  	_ = 	snop;
	(pc) =	sbr.rel @p2 .LBB2_18-.Ltmp12, $4  }
0x397: {  	_ = 	snop  }
0x398: {  	s28 =	spop @!p3 (v2sf)  }
0x399: {  	s21 =	simm.s32 @!p3 $0x0;
	s23 =	smov.u32 s28  }
0x39a: {  	[sflag:s17] =	ssyncpa.u1 $0x0;
	s28 =	smov.u32 @p3 s25;
	s23 =	smov.u32 @p3 s26  }
0x39b: {  	v1 =	vld.msk [tilespmem:s22+$0x0], $0x1;
	_ =	sdelay $0x4  }
0x39c: {  	(v2sf) =	vpush v1, $0x0;
	_ =	sdelay $0xd  }
0x39d: {  	s1 =	simm.s32 @!p4 $0x0  }
0x39e: {  	s26 =	smul.u32 $0x30000, s24;
	s29 =	ssub.s32 $0x0, s0;
	s30 =	spop (v2sf)  }
0x39f: {  	s1 =	simm.s32 @p4 $0x1;
	s0 =	sadd.s32 $0x1, s29;
	p2 =	seq.s32 s28, s30  }
0x3a0: {  	[smem:$0x7FD] =	sst s1;
	s1 =	sshrl.u32 s26, $0x2;
	p3 =	sgt.s32 @!p2 s28, $0x0  }
0x3a1: {  	s24 =	sadd.s32 $0x6C58, s1;
	s1 =	smov.u32 s28;
	p3 =	por !p3, p2  }
0x3a2: {  	s1 =	simm.s32 @p3 $0x0;
	p3 =	seq.s32 s0, $0x0  }
.Ltmp13:
0x3a3: {  	_ = 	snop;
	(pc) =	sbr.rel @p3 .LBB2_15-.Ltmp13, $4  }
0x3a4: {  	_ = 	snop  }
0x3a5: {  	s25 =	simm.s32 $0x0;
	s31 =	simm.s32 @!p2 $0x1;
	s2 =	smin.u32 @!p2 s1, $0xC34FD  }
0x3a6: {  	s26 =	sadd.s32 $0x1, s22;
	s31 =	smov.u32 @p2 s25;
	s5 =	sand.u32 @!p2 $0xFFFF8, s2  }
0x3a7: {  	s1 =	simm.s32 @!p2 $0x3068;
	s2 =	sand.u32 @!p2 $0x7, s2;
	s5 =	sadd.s32 @!p2 s3, s5  }
.LBB2_14:
0x3a8: {  	s4 =	smov.u32 s31  }
0x3a9: {  	[tilespmem:s1], [sflag:$0x2] =	stream.linear.gather @!p2 [hbm4b:s5+s2], $0x13, $0x38;
	[tilespmem:$0x1EC48] =	vst v63  }
0x3aa: {  	s0 =	sadd.s32 $0x1, s0;
	s2 =	smov.u32 s30;
	v1 =	vld.msk [tilespmem:s26+$0x0], $0x1  }
0x3ab: {  	p3 =	seq.s32 s0, $0x0;
	_ =	sdelay $0x3  }
0x3ac: {  	(v2sf) =	vpush v1, $0x0;
	_ =	sdelay $0xe  }
0x3ad: {  	s30 =	spop (v2sf)  }
0x3ae: {  	p2 =	seq.s32 s2, s30  }
0x3af: {  	p4 =	sgt.s32 @!p2 s2, $0x0;
	s1 =	sshll.u32 @!p2 s31, $0x7;
	s31 =	sadd.s32 @!p2 $0x1, s31  }
.Ltmp14:
0x3b0: {  	p4 =	por !p4, p2;
	s1 =	sshra.s32 @!p2 s1, $0x2;
	(pc) =	sbr.rel @!p3 .LBB2_14-.Ltmp14, $4  }
0x3b1: {  	s31 =	smov.u32 @p2 s4;
	s2 =	simm.s32 @p4 $0x0;
	s1 =	sadd.s32 @!p2 $0x3068, s1  }
0x3b2: {  	s2 =	smin.u32 @!p2 s2, $0xC34FD  }
0x3b3: {  	s4 =	sand.u32 @!p2 $0xFFFF8, s2;
	s2 =	sand.u32 @!p2 $0x7, s2  }
0x3b4: {  	s26 =	sadd.s32 $0x1, s26;
	s5 =	sadd.s32 @!p2 s3, s4  }
.LBB2_15:
0x3b5: {  	s0 =	smul.u32 $0x4C, s31  }
0x3b6: {  	[tilespmem:s1], [sflag:$0x2] =	stream.linear.gather @!p2 [hbm4b:s5+s2], $0x13, $0x38;
	[tilespmem:$0x1EC48] =	vst v63  }
0x3b7: {  	s31 =	simm.s32 $0x2;
	s0 =	sshrl.u32 s0, $0x2  }
0x3b8: {  	_ =	swait.ge [sflag:s31], s0  }
0x3b9: {  	s0 =	ssub.s32 $0x0, s0;
	[sflag:s31] =	ssyncset.done $0x0  }
0x3ba: {  	[sflag:s31] =	ssyncadd.s32 s0  }
0x3bb: {  	v1 =	vld.msk [tilespmem:s22+$0x0], $0x1;
	_ =	sdelay $0x4  }
0x3bc: {  	(v2sf) =	vpush v1, $0x0;
	_ =	sdelay $0xe  }
0x3bd: {  	s26 =	spop (v2sf)  }
0x3be: {  	p2 =	sne.s32 s28, s26  }
0x3bf: {  	p4 =	sne.s32 @p2 s28, s23  }
0x3c0: {  	p3 =	por !p4, !p2  }
0x3c1: {  	s0 =	simm.s32 @!p3 $0x0  }
0x3c2: {  	v1 =	vld @!p3 [tilespmem:s0+$0x3068];
	_ =	sdelay $0x2  }
0x3c3: {  	s1 =	sshll.u32 @!p3 s21, $0x7  }
0x3c4: {  	s1 =	sshra.s32 @!p3 s1, $0x2  }
0x3c5: {  	[tilespmem:s1+$0x48] =	vst.add.f32.msk @!p3 $0xffff, v1  }
0x3c6: {  	v1 =	vld.msk @!p3 [tilespmem:s0+$0x3078], $0x7  }
0x3c7: {  	p5 =	sgt.u32 @!p3 s28, $0xC34FD  }
0x3c8: {  	p6 =	por @p2 p5, !p4  }
0x3c9: {  	p1 =	por p6, !p2;
	p6 =	por p4, !p2  }
0x3ca: {  	s4 =	sand.u32 @!p1 $0xFFFF8, s28;
	s5 =	sshll.u32 @!p6 s21, $0x7;
	s28 =	sand.u32 @!p1 $0x7, s28  }
0x3cb: {  	s0 =	sadd.s32 @!p3 $0x48, s1;
	[tilespmem:s1+$0x58] =	vst.add.f32.msk @!p3 $0x7, v1;
	s1 =	sadd.s32 @!p1 s3, s4;
	s4 =	sshra.s32 @!p6 s5, $0x2  }
0x3cc: {  	[hbm4b:s1+s28] =	stream.linear.scatter @!p1 [tilespmem:s0], [sflag:$0xC], $0x13, $0x38;
	[tilespmem:$0x1EC48] =	vst v63  }
0x3cd: {  	s2 =	rddreg [dreg:$0x4];
	s0 =	sadd.s32 @!p6 $0x48, s4;
	s1 =	simm.s32 @!p6 $0x1  }
0x3ce: {  	[spmem:s2] =	stream.linear.scatter @!p6 [tilespmem:s0], [sflag:$0x1], $0x13, $0x38;
	[tilespmem:$0x1EC48] =	vst v63  }
0x3cf: {  	s0 =	sadd.s32 @p2 $0x1, s21;
	_ =	swait.ge @!p6 [sflag:s1], $0x13  }
0x3d0: {  	s2 =	smulhi.u32 @p2 $0xAAAAAAAB, s0;
	[sflag:s1] =	ssyncset.done @!p6 $0x0  }
0x3d1: {  	[sflag:s1] =	ssyncadd.s32 @!p6 $0xFFFFFFED  }
0x3d2: {  	s1 =	sshrl.u32 @p2 s2, $0x8;
	v1 =	vld @p2 [tilespmem:s24+$0xFFFFFFF0]  }
0x3d3: {  	s1 =	smul.u32 @p2 $0x180, s1;
	_ =	sdelay $0x1  }
0x3d4: {  	s1 =	ssub.s32 @p2 s0, s1  }
0x3d5: {  	s0 =	sshll.u32 @p2 s1, $0x5  }
0x3d6: {  	[tilespmem:s0+$0x48] =	vst @p2 v1  }
0x3d7: {  	v1 =	vld.msk @p2 [tilespmem:s24+$0x0], $0x7;
	_ =	sdelay $0x4  }
0x3d8: {  	p1 =	por @p2 !p5, !p4;
	[tilespmem:s0+$0x58] =	vst.msk @p2 $0x7, v1  }
0x3d9: {  	s28 =	sadd.s32 $0x1, s29;
	p1 =	por !p1, !p2;
	s0 =	simm.s32 @!p3 $0x0;
	v1 =	vld @!p2 [tilespmem:s24+$0xFFFFFFF0]  }
0x3da: {  	s0 =	simm.s32 @!p1 $0x4C;
	p1 =	seq.s32 s28, $0x0  }
.Ltmp15:
0x3db: {  	_ = 	snop;
	(pc) =	sbr.rel @p1 .LBB2_17-.Ltmp15, $4  }
0x3dc: {  	s2 =	sshll.u32 @!p2 s21, $0x7  }
0x3dd: {  	s5 =	sadd.s32 @!p3 $0x0, s0;
	s0 =	sshra.s32 @!p2 s2, $0x2  }
0x3de: {  	s4 =	simm.s32 @p2 $0x1;
	s29 =	simm.s32 $0x0;
	s5 =	smov.u32 @p3 s25;
	[tilespmem:s0+$0x48] =	vst.add.f32.msk @!p2 $0xffff, v1  }
0x3df: {  	s29 =	smov.u32 @p2 s4;
	s21 =	smov.u32 @p2 s1;
	s25 =	smov.u32 @p2 s5;
	v1 =	vld.msk @!p2 [tilespmem:s24+$0x0], $0x7  }
.LBB2_16:
0x3e0: {  	_ =	sdelay $0x3  }
0x3e1: {  	s22 =	sadd.s32 $0x1, s22;
	[tilespmem:s0+$0x58] =	vst.add.f32.msk @!p2 $0x7, v1  }
0x3e2: {  	v1 =	vld.msk [tilespmem:s22+$0x0], $0x1;
	_ =	sdelay $0x4  }
0x3e3: {  	(v2sf) =	vpush v1, $0x0;
	_ =	sdelay $0xe  }
0x3e4: {  	s31 =	smov.u32 s26;
	s26 =	spop (v2sf)  }
0x3e5: {  	p2 =	sne.s32 s31, s26  }
0x3e6: {  	p5 =	sne.s32 @p2 s31, s23  }
0x3e7: {  	p4 =	por !p5, !p2  }
0x3e8: {  	s1 =	sadd.s32 @p2 $0x1, s21;
	s4 =	sadd.s32 @p2 $0x1, s29;
	s5 =	sshll.u32 @!p4 s29, $0x7  }
0x3e9: {  	s2 =	smulhi.u32 @p2 $0xAAAAAAAB, s1;
	s29 =	smov.u32 @p2 s4;
	s4 =	sshra.s32 @!p4 s5, $0x2  }
0x3ea: {  	v1 =	vld @!p4 [tilespmem:s4+$0x3068]  }
0x3eb: {  	s2 =	sshrl.u32 @p2 s2, $0x8  }
0x3ec: {  	s2 =	smul.u32 @p2 $0x180, s2  }
0x3ed: {  	s10 =	sshll.u32 @!p4 s21, $0x7  }
0x3ee: {  	p1 =	sgt.u32 @!p4 s31, $0xC34FD;
	s1 =	ssub.s32 @p2 s1, s2;
	s2 =	sshra.s32 @!p4 s10, $0x2  }
0x3ef: {  	p6 =	por @p2 p1, !p5;
	p1 =	por @p2 !p1, !p5;
	[tilespmem:s2+$0x48] =	vst.add.f32.msk @!p4 $0xffff, v1  }
0x3f0: {  	s5 =	simm.s32 @!p4 $0x0;
	p1 =	por !p1, !p2;
	v1 =	vld.msk @!p4 [tilespmem:s4+$0x3078], $0x7  }
0x3f1: {  	s5 =	simm.s32 @!p1 $0x4C  }
0x3f2: {  	s0 =	smov.u32 s21;
	p5 =	por p5, !p2;
	s5 =	sadd.s32 @!p4 s5, s25  }
0x3f3: {  	s0 =	sshll.u32 @!p5 s0, $0x7;
	p1 =	por p6, !p2;
	s5 =	smov.u32 @p4 s25  }
0x3f4: {  	s0 =	sshra.s32 @!p5 s0, $0x2;
	s25 =	smov.u32 @p2 s5;
	s5 =	sand.u32 @!p1 $0xFFFF8, s31  }
0x3f5: {  	s10 =	sadd.s32 @!p4 $0x48, s2;
	s31 =	sand.u32 @!p1 $0x7, s31;
	[tilespmem:s2+$0x58] =	vst.add.f32.msk @!p4 $0x7, v1;
	s2 =	sadd.s32 @!p1 s3, s5  }
0x3f6: {  	[hbm4b:s2+s31] =	stream.linear.scatter @!p1 [tilespmem:s10], [sflag:$0xC], $0x13, $0x38;
	[tilespmem:$0x1EC48] =	vst v63  }
0x3f7: {  	s0 =	sadd.s32 @!p5 $0x48, s0;
	s4 =	rddreg [dreg:$0x4];
	s2 =	simm.s32 @!p5 $0x1  }
0x3f8: {  	[spmem:s4] =	stream.linear.scatter @!p5 [tilespmem:s0], [sflag:$0x1], $0x13, $0x38;
	[tilespmem:$0x1EC48] =	vst v63  }
0x3f9: {  	_ =	swait.ge @!p5 [sflag:s2], $0x13  }
0x3fa: {  	[sflag:s2] =	ssyncset.done @!p5 $0x0  }
0x3fb: {  	s24 =	sadd.s32 $0x80, s24;
	[sflag:s2] =	ssyncadd.s32 @!p5 $0xFFFFFFED  }
0x3fc: {  	v1 =	vld @p2 [tilespmem:s24+$0xFFFFFFF0];
	_ =	sdelay $0x3  }
0x3fd: {  	s0 =	sshll.u32 @p2 s1, $0x5  }
0x3fe: {  	[tilespmem:s0+$0x48] =	vst @p2 v1  }
0x3ff: {  	v1 =	vld.msk @p2 [tilespmem:s24+$0x0], $0x7;
	_ =	sdelay $0x4  }
0x400: {  	[tilespmem:s0+$0x58] =	vst.msk @p2 $0x7, v1  }
0x401: {  	s28 =	sadd.s32 $0x1, s28;
	v1 =	vld @!p2 [tilespmem:s24+$0xFFFFFFF0]  }
0x402: {  	p3 =	seq.s32 s28, $0x0  }
.Ltmp16:
0x403: {  	_ = 	snop;
	(pc) =	sbr.rel @!p3 .LBB2_16-.Ltmp16, $4  }
0x404: {  	s30 =	sshll.u32 @!p2 s21, $0x7  }
0x405: {  	s0 =	sshra.s32 @!p2 s30, $0x2  }
0x406: {  	[tilespmem:s0+$0x48] =	vst.add.f32.msk @!p2 $0xffff, v1  }
0x407: {  	s21 =	smov.u32 @p2 s1;
	v1 =	vld.msk @!p2 [tilespmem:s24+$0x0], $0x7  }
.LBB2_17:
.Ltmp17:
0x408: {  	_ = 	snop;
	(pc) =	sbr.rel .LBB2_19-.Ltmp17, $2  }
0x409: {  	s1 =	sld [smem:$0x7FD];
	_ =	sdelay $0x2  }
0x40a: {  	s28 =	smov.u32 s26;
	p4 =	seq.s32 s1, $0x1;
	[tilespmem:s0+$0x58] =	vst.add.f32.msk @!p2 $0x7, v1;
	s0 =	sshrl.u32 s25, $0x2  }
.LBB2_21:
0x40b: {  	_ =	sfence.sel $0x180000  }
0x40c: {  	s0 =	simm.s32 $0x9;
	[bflag:$0x0] =	sbarrier.arrive $0xFFFF  }
0x40d: {  	s24 =	simm.s32 $0xA;
	[sflag:s0] =	ssyncpa.u1 $0x1  }
0x40e: {  	s25 =	simm.s32 $0xB;
	[sflag:s24] =	ssyncpa.u1 $0x1  }
0x40f: {  	s26 =	simm.s32 $0x2;
	[sflag:s25] =	ssyncpa.u1 $0x1  }
0x410: {  	[sflag:s26] =	ssyncpa.u1 $0x1  }
0x411: {  	v0 =	vld [tilespmem:$0x6088];
	_ =	sdelay $0x4  }
0x412: {  	(v2sf) =	vpush v0, $0x0  }
0x413: {  	(v2sf) =	vpush v0, $0x1;
	_ =	sdelay $0x1  }
0x414: {  	(v2sf) =	vpush v0, $0x2;
	_ =	sdelay $0xb  }
0x415: {  	s0 =	spop (v2sf)  }
0x416: {  	s1 =	spop (v2sf)  }
0x417: {  	s2 =	smov.u32 s0;
	p0 =	sne.s32 s0, s1  }
0x418: {  	s4 =	spop (v2sf);
	s2 =	simm.s32 @!p0 $0xFFFFFFFF  }
0x419: {  	v2 =	vimm.s32 $0x1;
	v3 =	vlaneseq.u32;
	p0 =	seq.s32 s4, $0xFFFFFFFF;
	v1 =	vmov s2  }
0x41a: {  	s15 =	stileid.u32;
	v0 =	vperm.xlane v0, v2;
	p1 =	sne.s32 @!p0 s0, s1;
	v1 =	vperm.xlane v1, v3  }
0x41b: {  	vm0 =	vcmask $0x3F04;
	s6 =	simm.s32 $0x6088;
	s0 =	simm.s32 @!p0 $0x1;
	p1 =	por !p1, p0  }
0x41c: {  	s2 =	sshll.u32 s15, $0x1;
	s1 =	sshll.u32 @!p0 s4, $0x7;
	s0 =	simm.s32 @p1 $0x0;
	v0 =	vsel vm0, v1, v0  }
0x41d: {  	s5 =	sor.u32 $0x400, s2;
	s1 =	sshra.s32 @!p0 s1, $0x2;
	s0 =	sor.u32 @!p0 s0, s2;
	[tilespmem:$0x6088] =	vst v0  }
0x41e: {  	[spmem:s5] =	stream.linear.scatter [tilespmem:s6], [sflag:$0x1], $0x2, $0x38;
	[tilespmem:$0x1EC48] =	vst v63  }
0x41f: {  	s1 =	sadd.s32 @!p0 $0x48, s1;
	s0 =	sshll.u32 @!p0 s0, $0x5  }
0x420: {  	[spmem:s0] =	stream.linear.scatter @!p0 [tilespmem:s1], [sflag:$0x1], $0x20, $0x38;
	[tilespmem:$0x1EC48] =	vst v63  }
0x421: {  	s0 =	simm.s32 @!p0 $0x22  }
0x422: {  	s28 =	simm.s32 $0x1;
	s0 =	simm.s32 @p0 $0x2  }
0x423: {  	_ =	swait.ge [sflag:s28], s0  }
0x424: {  	s0 =	ssub.s32 $0x0, s0;
	[sflag:s28] =	ssyncset.done $0x0  }
0x425: {  	p0 =	sne.s32 s15, $0x0;
	[sflag:s28] =	ssyncadd.s32 s0  }
.Ltmp18:
0x426: {  	_ =	sfence.stream.spmem;
	(pc) =	sbr.rel @p0 .LBB2_38-.Ltmp18, $4  }
0x427: {  	s29 =	simm.s32 $0x3;
	[bflag:$0x0] =	sbarrier.arrive $0xFFFF  }
0x428: {  	s30 =	simm.s32 $0x4;
	[sflag:s29] =	ssyncpa.u1 $0x1  }
0x429: {  	s31 =	simm.s32 $0x3C;
	[sflag:s30] =	ssyncpa.u1 $0x1  }
0x42a: {  	s16 =	rddreg [dreg:$0x5];
	[sflag:s31] =	ssyncpa.u1 $0x1  }
0x42b: {  	_ =	sfence.stream.spmem;
	s0 =	simm.s32 $0x5  }
0x42c: {  	s1 =	simm.s32 $0x400;
	s2 =	simm.s32 $0x6098;
	[sflag:s0] =	ssyncpa.u1 $0x0  }
0x42d: {  	[tilespmem:s2], [sflag:$0x5] =	stream.linear.gather [spmem:s1], $0x20, $0x38;
	[tilespmem:$0x1EC48] =	vst v63  }
0x42e: {  	s26 =	simm.s32 $0x0;
	s28 =	simm.s32 $0x60B8  }
0x42f: {  	[tilespmem:s28], [sflag:$0x5] =	stream.linear.gather [spmem:s26], $0x400, $0x38;
	[tilespmem:$0x1EC48] =	vst v63  }
0x430: {  	_ =	swait.ge [sflag:s0], $0x420  }
0x431: {  	[sflag:s0] =	ssyncset.done $0x0  }
0x432: {  	s29 =	simm.s32 $0x0;
	[sflag:s0] =	ssyncadd.s32 $0xFFFFFBE0  }
0x433: {  	v0 =	vld.msk [tilespmem:s29+$0x6098], $0x1;
	_ =	sdelay $0x1  }
0x434: {  	s30 =	simm.s32 $0x1  }
0x435: {  	v1 =	vld.msk [tilespmem:s30+$0x6098], $0x1;
	_ =	sdelay $0x1  }
0x436: {  	(v2sf) =	vpush v0, $0x0;
	_ =	sdelay $0x2  }
0x437: {  	(v2sf) =	vpush v1, $0x0;
	_ =	sdelay $0x2  }
0x438: {  	s31 =	simm.s32 $0x2  }
0x439: {  	v0 =	vld.msk [tilespmem:s31+$0x6098], $0x1;
	_ =	sdelay $0x2  }
0x43a: {  	s6 =	simm.s32 $0xFFFFFFFF;
	s1 =	simm.s32 $0xFFFFFFFF;
	s0 =	simm.s32 $0xC  }
.LBB2_23:
0x43b: {  	s2 =	smov.u32 s6;
	s4 =	smov.u32 s1  }
0x43c: {  	s1 =	sshra.s32 s0, $0x2;
	p1 =	sne.s32 s0, $0x7C;
	s0 =	sadd.s32 $0x4, s0;
	(v2sf) =	vpush v0, $0x0  }
0x43d: {  	v0 =	vld.msk [tilespmem:s1+$0x6098], $0x1  }
.Ltmp19:
0x43e: {  	(pc) =	sbr.rel @p1 .LBB2_23-.Ltmp19, $4  }
0x43f: {  	s6 =	spop (v2sf)  }
0x440: {  	p2 =	sne.s32 s4, $0xFFFFFFFF;
	s1 =	smov.u32 s6  }
0x441: {  	p3 =	seq.s32 s6, $0xFFFFFFFF;
	s1 =	smov.u32 @p2 s4  }
0x442: {  	s6 =	smov.u32 @p3 s2;
	s1 =	smov.u32 @p3 s4  }
0x443: {  	(v2sf) =	vpush v0, $0x0;
	_ =	sdelay $0x8  }
0x444: {  	s0 =	spop (v2sf)  }
0x445: {  	p1 =	sne.s32 s1, $0xFFFFFFFF;
	s2 =	smov.u32 s0  }
0x446: {  	s9 =	simm.s32 $0x6;
	p2 =	seq.s32 s0, $0xFFFFFFFF;
	s2 =	smov.u32 @p1 s1  }
0x447: {  	s10 =	simm.s32 $0x6068;
	s2 =	smov.u32 @p2 s1;
	s1 =	spop (v2sf)  }
0x448: {  	s0 =	smov.u32 @p2 s6;
	p1 =	sne.s32 s2, $0xFFFFFFFF;
	s4 =	smov.u32 s1  }
.Ltmp20:
0x449: {  	p2 =	seq.s32 s1, $0xFFFFFFFF;
	s4 =	smov.u32 @p1 s2;
	(pc) =	sbr.rel .LBB2_25-.Ltmp20, $4  }
0x44a: {  	s11 =	simm.s32 $0x0;
	s4 =	smov.u32 @p2 s2;
	s7 =	spop (v2sf)  }
0x44b: {  	[sflag:s9] =	ssyncpa.u1 $0x0;
	p1 =	sne.s32 s4, $0xFFFFFFFF;
	s8 =	smov.u32 s7  }
0x44c: {  	s1 =	smov.u32 @p2 s0;
	p2 =	seq.s32 s7, $0xFFFFFFFF;
	s8 =	smov.u32 @p1 s4  }
0x44d: {  	s6 =	simm.s32 $0x0;
	s7 =	smov.u32 @p2 s1;
	s8 =	smov.u32 @p2 s4  }
.LBB2_31:
0x44e: {  	p1 =	sgt.u32 s12, $0xC34FD  }
0x44f: {  	p2 =	seq.s32 @!p1 s12, s8  }
0x450: {  	p1 =	por p1, p2  }
0x451: {  	p2 =	sne.s32 @!p1 s12, s7  }
0x452: {  	p1 =	por p1, !p2  }
0x453: {  	s0 =	sshll.u32 @p1 s11, $0x7  }
0x454: {  	s0 =	sand.u32 @!p1 $0xFFFF8, s12  }
0x455: {  	s1 =	sand.u32 @!p1 $0x7, s12;
	s0 =	sadd.s32 @!p1 s3, s0  }
0x456: {  	[tilespmem:s10], [sflag:$0x6] =	stream.linear.gather @!p1 [hbm4b:s0+s1], $0x13, $0x38;
	[tilespmem:$0x1EC48] =	vst v63  }
0x457: {  	_ =	swait.ge @!p1 [sflag:s9], $0x13  }
0x458: {  	[sflag:s9] =	ssyncset.done @!p1 $0x0  }
0x459: {  	[sflag:s9] =	ssyncadd.s32 @!p1 $0xFFFFFFED  }
0x45a: {  	v1 =	vld @!p1 [tilespmem:$0x6068];
	_ =	sdelay $0x2  }
0x45b: {  	s0 =	sshll.u32 @!p1 s11, $0x7  }
0x45c: {  	s1 =	sshrl.u32 @!p1 s0, $0x2  }
0x45d: {  	[tilespmem:s1+$0x60B8] =	vst.add.f32.msk @!p1 $0xffff, v1  }
0x45e: {  	v1 =	vld @!p1 [tilespmem:$0x6078];
	_ =	sdelay $0x4  }
0x45f: {  	[tilespmem:s1+$0x60C8] =	vst.add.f32.msk @!p1 $0xffff, v1  }
0x460: {  	s0 =	sshrl.u32 s0, $0x2;
	[tilespmem:s6+$0x6098] =	vst.msk $0x1, v0  }
0x461: {  	v0 =	vld [tilespmem:s0+$0x60B8];
	_ =	sdelay $0x2  }
0x462: {  	s31 =	sshll.u32 s6, $0x7  }
0x463: {  	s1 =	sshra.s32 s31, $0x2  }
0x464: {  	[tilespmem:s1+$0x60B8] =	vst v0  }
0x465: {  	v0 =	vld [tilespmem:s0+$0x60C8];
	_ =	sdelay $0x4  }
0x466: {  	s6 =	sadd.s32 $0x1, s6;
	[tilespmem:s1+$0x60C8] =	vst v0  }
.LBB2_32:
0x467: {  	s11 =	sadd.s32 $0x1, s11  }
0x468: {  	p1 =	sne.s32 s11, $0x20  }
.Ltmp21:
0x469: {  	_ = 	snop;
	(pc) =	sbr.rel @!p1 .LBB2_33-.Ltmp21, $1  }
0x46a: {  	_ =	sdelay $0x3  }
.LBB2_25:
0x46b: {  	v0 =	vld.msk [tilespmem:s11+$0x6098], $0x1;
	_ =	sdelay $0x4  }
0x46c: {  	(v2sf) =	vpush v0, $0x0;
	_ =	sdelay $0xe  }
0x46d: {  	s12 =	spop (v2sf)  }
0x46e: {  	p1 =	seq.s32 s12, $0xFFFFFFFF  }
.Ltmp22:
0x46f: {  	_ = 	snop;
	(pc) =	sbr.rel @p1 .LBB2_32-.Ltmp22, $1  }
0x470: {  	_ =	sdelay $0x3  }
0x471: {  	p1 =	slt.s32 s6, $0x1  }
.Ltmp23:
0x472: {  	_ = 	snop;
	(pc) =	sbr.rel @p1 .LBB2_31-.Ltmp23, $1  }
0x473: {  	_ =	sdelay $0x3  }
0x474: {  	s0 =	simm.s32 $0x6098;
	p1 =	por $0x0, $0x0  }
0x475: {  	v1 =	vld.msk @!p1 [tilespmem:s0+$0x0], $0x1;
	_ =	sdelay $0x4  }
0x476: {  	(v2sf) =	vpush @!p1 v1, $0x0;
	_ =	sdelay $0xd  }
0x477: {  	p3 =	sne.s32 s6, $0x1  }
.Ltmp24:
0x478: {  	s1 =	spop @!p1 (v2sf);
	(pc) =	sbr.rel @!p3 .LBB2_29-.Ltmp24, $4  }
0x479: {  	p2 =	seq.s32 @!p1 s12, s1  }
0x47a: {  	s13 =	simm.s32 $0x0;
	p2 =	por !p2, p1  }
0x47b: {  	s1 =	simm.s32 $0xFFFFFFFF;
	s13 =	simm.s32 @p2 $0xFFFFFFFF  }
0x47c: {  	s14 =	simm.s32 $0x1;
	s13 =	smov.u32 @p1 s1  }
.LBB2_28:
0x47d: {  	s1 =	smov.u32 s13;
	p1 =	sne.s32 s13, $0xFFFFFFFF  }
0x47e: {  	s0 =	sadd.s32 $0x1, s0;
	s13 =	smov.u32 s14;
	s14 =	sadd.s32 $0x1, s14  }
0x47f: {  	p2 =	sne.s32 s6, s14;
	v1 =	vld.msk @!p1 [tilespmem:s0+$0x0], $0x1;
	_ =	sdelay $0x4  }
0x480: {  	(v2sf) =	vpush @!p1 v1, $0x0;
	_ =	sdelay $0xe  }
.Ltmp25:
0x481: {  	s2 =	spop @!p1 (v2sf);
	(pc) =	sbr.rel @p2 .LBB2_28-.Ltmp25, $4  }
0x482: {  	p3 =	seq.s32 @!p1 s12, s2  }
0x483: {  	p3 =	por !p3, p1  }
0x484: {  	s13 =	simm.s32 @p3 $0xFFFFFFFF  }
0x485: {  	s13 =	smov.u32 @p1 s1  }
.LBB2_29:
0x486: {  	p1 =	seq.s32 s13, $0xFFFFFFFF  }
.Ltmp26:
0x487: {  	_ = 	snop;
	(pc) =	sbr.rel @p1 .LBB2_31-.Ltmp26, $1  }
0x488: {  	_ =	sdelay $0x3  }
0x489: {  	s0 =	sshll.u32 s11, $0x5  }
0x48a: {  	s0 =	sand.u32 $0x3FFFFFE0, s0  }
0x48b: {  	v0 =	vld [tilespmem:s0+$0x60B8];
	_ =	sdelay $0x2  }
0x48c: {  	s1 =	sshll.u32 s13, $0x7  }
0x48d: {  	s1 =	sshra.s32 s1, $0x2  }
0x48e: {  	[tilespmem:s1+$0x60B8] =	vst.add.f32.msk $0xffff, v0  }
0x48f: {  	v0 =	vld [tilespmem:s0+$0x60C8]  }
.Ltmp27:
0x490: {  	_ = 	snop;
	(pc) =	sbr.rel .LBB2_32-.Ltmp27, $2  }
0x491: {  	_ =	sdelay $0x2  }
0x492: {  	[tilespmem:s1+$0x60C8] =	vst.add.f32.msk $0xffff, v0  }
.LBB2_33:
0x493: {  	s0 =	simm.s32 $0x6;
	p1 =	seq.s32 s6, $0x0  }
0x494: {  	[sflag:s0] =	ssyncpa.u1 $0x1;
	v0 =	vimm.s32 @p1 $0xFFFFFFFF  }
0x495: {  	s0 =	sadd.s32 $0xFFFFFFFF, s6;
	[tilespmem:$0x64B8] =	vst @p1 v0  }
0x496: {  	v0 =	vld.msk @!p1 [tilespmem:s0+$0x6098], $0x1;
	_ =	sdelay $0x1  }
0x497: {  	v1 =	vld.msk @!p1 [tilespmem:$0x6098], $0x1;
	_ =	sdelay $0x2  }
0x498: {  	p2 =	seq.s32 @!p1 s0, $0x0;
	v0 =	vbroadcast @!p1 v0, $0x0  }
0x499: {  	vm0 =	vmmov @!p1 $0x1;
	p2 =	por !p2, p1  }
0x49a: {  	v1 =	vnsel @!p1 vm0, $0xFFFFFFFF, v1;
	vm0 =	vcmask @!p1 $0x308;
	v0 =	vpsel !p2, $0xFFFFFFFF, v0  }
0x49b: {  	p2 =	sne.s32 @!p1 s8, s7;
	v0 =	vsel @!p1 vm0, v1, v0  }
0x49c: {  	s1 =	simm.s32 @!p1 $0x60B8;
	s2 =	simm.s32 @!p1 $0x0;
	p3 =	por !p2, p1;
	[tilespmem:$0x64B8] =	vst @!p1 v0  }
0x49d: {  	[spmem:s2] =	stream.linear.scatter @!p1 [tilespmem:s1], [sflag:$0x1], $0x20, $0x38;
	[tilespmem:$0x1EC48] =	vst v63  }
0x49e: {  	s1 =	sshll.u32 @!p3 s0, $0x7  }
0x49f: {  	s1 =	sshra.s32 @!p3 s1, $0x2  }
0x4a0: {  	s2 =	simm.s32 @!p3 $0x20;
	s1 =	sadd.s32 @!p3 $0x60B8, s1  }
0x4a1: {  	[spmem:s2] =	stream.linear.scatter @!p3 [tilespmem:s1], [sflag:$0x1], $0x20, $0x38;
	[tilespmem:$0x1EC48] =	vst v63  }
0x4a2: {  	s1 =	simm.s32 @!p3 $0x1  }
0x4a3: {  	_ =	swait.ge @!p3 [sflag:s1], $0x40  }
0x4a4: {  	p1 =	por p2, p1;
	[sflag:s1] =	ssyncset.done @!p3 $0x0  }
0x4a5: {  	[sflag:s1] =	ssyncadd.s32 @!p3 $0xFFFFFFC0;
	s1 =	simm.s32 @!p1 $0x1  }
0x4a6: {  	_ =	swait.ge @!p1 [sflag:s1], $0x20  }
0x4a7: {  	s29 =	simm.s32 $0x64B8;
	[sflag:s1] =	ssyncset.done @!p1 $0x0  }
0x4a8: {  	s30 =	simm.s32 $0x400;
	s31 =	simm.s32 $0x1;
	[sflag:s1] =	ssyncadd.s32 @!p1 $0xFFFFFFE0  }
0x4a9: {  	[spmem:s30] =	stream.linear.scatter [tilespmem:s29], [sflag:$0x1], $0x10, $0x38;
	[tilespmem:$0x1EC48] =	vst v63  }
0x4aa: {  	_ =	swait.ge [sflag:s31], $0x10  }
0x4ab: {  	[sflag:s31] =	ssyncset.done $0x0  }
0x4ac: {  	p1 =	seq.s32 s16, $0x0;
	s9 =	rddreg [dreg:$0x1];
	[sflag:s31] =	ssyncadd.s32 $0xFFFFFFF0  }
0x4ad: {  	s2 =	sshll.u32 @p1 s9, $0xE;
	s8 =	rddreg [dreg:$0x2]  }
0x4ae: {  	s1 =	sadd.s32 @p1 $0x15C3C, s2;
	s2 =	sshll.u32 @p1 s8, $0x11  }
0x4af: {  	_ =	sfence.stream.spmem;
	s1 =	sor.u32 @p1 s2, s1  }
0x4b0: {  	[sflag:s1] =	ssyncadd.remote.s32 @p1 $0x1;
	s1 =	simm.s32 @p1 $0x4  }
0x4b1: {  	s4 =	simm.s32 @!p1 $0x3C;
	s2 =	sand.u32 $0xFFFFFFFE, s9;
	_ =	swait.ge @p1 [sflag:s1], $0xA  }
0x4b2: {  	s5 =	simm.s32 @!p1 $0x0;
	s2 =	sadd.s32 @!p1 $0x4, s2;
	[sflag:s1] =	ssyncset.done @p1 $0x0  }
0x4b3: {  	s7 =	simm.s32 @!p1 $0x40;
	[sflag:s1] =	ssyncadd.s32 @p1 $0xFFFFFFF6;
	s1 =	sshll.u32 @!p1 s2, $0x1A  }
0x4b4: {  	s2 =	sshll.u32 @!p1 s2, $0xD;
	s1 =	sor.u32 @!p1 s1, s8;
	_ =	swait.eq @!p1 [sflag:s4], $0x1  }
0x4b5: {  	s2 =	sor.u32 @!p1 $0x1C04, s2;
	s4 =	simm.s32 @!p1 $0x1C03;
	s1 =	sor.u32 @!p1 $0x80004000, s1  }
0x4b6: {  	[spmem:s7], [sflag:s2] =	dma.general @!p1 [spmem:s5], [sflag:s4], length:$0x8, [dreg:$0x0], stride_count:$0x0, ici_dest:s1, dma_misc:DstOpCode:WRITE  }
0x4b7: {  	p2 =	slt.s32 s0, $0x2;
	s5 =	simm.s32 @!p1 $0x80;
	s7 =	simm.s32 @!p1 $0x82  }
0x4b8: {  	[spmem:s7], [sflag:s2] =	dma.general @!p1 [spmem:s5], [sflag:s4], length:$0x2, [dreg:$0x0], stride_count:$0x0, ici_dest:s1, dma_misc:DstOpCode:WRITE  }
.Ltmp28:
0x4b9: {  	s1 =	simm.s32 @!p1 $0x3;
	(pc) =	sbr.rel @p2 .LBB2_37-.Ltmp28, $4  }
0x4ba: {  	s2 =	sshll.u32 @!p1 s9, $0xE;
	_ =	swait.ge @!p1 [sflag:s1], $0xA  }
0x4bb: {  	s4 =	sshll.u32 @!p1 s8, $0x11;
	s2 =	sadd.s32 @!p1 $0x11C3C, s2;
	[sflag:s1] =	ssyncset.done @!p1 $0x0  }
0x4bc: {  	[sflag:s1] =	ssyncadd.s32 @!p1 $0xFFFFFFF6;
	s1 =	sor.u32 @!p1 s4, s2  }
0x4bd: {  	s0 =	simm.s32 $0x0;
	[sflag:s1] =	ssyncadd.remote.s32 @!p1 $0xFFFFFFFF  }
0x4be: {  	s0 =	simm.s32 $0x6099  }
0x4bf: {  	v0 =	vld.msk [tilespmem:s0+$0x0], $0x1;
	_ =	sdelay $0x4  }
0x4c0: {  	(v2sf) =	vpush v0, $0x0;
	_ =	sdelay $0xc  }
0x4c1: {  	s1 =	sadd.s32 $0xFFFFFFFE, s6  }
0x4c2: {  	s1 =	sadd.s32 $0xFFFFFFFF, s1  }
0x4c3: {  	p2 =	sne.s32 s1, $0x0;
	s2 =	spop (v2sf)  }
.Ltmp29:
0x4c4: {  	p1 =	sgt.u32 s2, $0xC34FD;
	(pc) =	sbr.rel @!p2 .LBB2_36-.Ltmp29, $4  }
0x4c5: {  	s7 =	simm.s32 $0x0;
	s4 =	sand.u32 @!p1 $0xFFFF8, s2  }
0x4c6: {  	s0 =	simm.s32 $0x60D8;
	s2 =	sand.u32 @!p1 $0x7, s2;
	s4 =	sadd.s32 @!p1 s3, s4  }
0x4c7: {  	[hbm4b:s4+s2] =	stream.linear.scatter @!p1 [tilespmem:s0], [sflag:$0x5], $0x13, $0x38;
	[tilespmem:$0x1EC48] =	vst v63  }
0x4c8: {  	s6 =	simm.s32 $0x609A;
	s7 =	simm.s32 @!p1 $0x4C;
	s2 =	simm.s32 $0x0  }
.LBB2_35:
0x4c9: {  	v0 =	vld.msk [tilespmem:s6+$0x0], $0x1;
	s1 =	sadd.s32 $0xFFFFFFFF, s1;
	s2 =	sadd.s32 s2, s7  }
0x4ca: {  	p1 =	sne.s32 s1, $0x0;
	_ =	sdelay $0x3  }
0x4cb: {  	(v2sf) =	vpush v0, $0x0;
	_ =	sdelay $0xe  }
.Ltmp30:
0x4cc: {  	s4 =	spop (v2sf);
	(pc) =	sbr.rel @p1 .LBB2_35-.Ltmp30, $4  }
0x4cd: {  	s7 =	simm.s32 $0x0;
	p2 =	sgt.u32 s4, $0xC34FD  }
0x4ce: {  	s0 =	sadd.s32 $0x20, s0;
	s7 =	simm.s32 @!p2 $0x4C;
	s5 =	sand.u32 @!p2 $0xFFFF8, s4  }
0x4cf: {  	s6 =	sadd.s32 $0x1, s6;
	s4 =	sand.u32 @!p2 $0x7, s4;
	s5 =	sadd.s32 @!p2 s3, s5  }
0x4d0: {  	[hbm4b:s5+s4] =	stream.linear.scatter @!p2 [tilespmem:s0], [sflag:$0x5], $0x13, $0x38;
	[tilespmem:$0x1EC48] =	vst v63  }
.LBB2_36:
0x4d1: {  	s0 =	sadd.s32 s2, s7  }
0x4d2: {  	s0 =	sshrl.u32 s0, $0x2  }
.LBB2_37:
0x4d3: {  	s1 =	simm.s32 $0x5  }
0x4d4: {  	_ =	swait.ge [sflag:s1], s0  }
0x4d5: {  	s31 =	ssub.s32 $0x0, s0;
	[sflag:s1] =	ssyncset.done $0x0  }
0x4d6: {  	[sflag:s1] =	ssyncadd.s32 s31  }
0x4d7: {  	[sflag:s1] =	ssyncpa.u1 $0x1  }
.LBB2_38:
0x4d8: {  	s0 =	sor.u32 s16, s15  }
0x4d9: {  	p1 =	sne.s32 s0, $0x0  }
.Ltmp31:
0x4da: {  	_ = 	snop;
	(pc) =	sbr.rel @p1 .LBB2_53-.Ltmp31, $3  }
0x4db: {  	_ =	sdelay $0x1  }
0x4dc: {  	[bflag:$0x0] =	sbarrier.arrive $0xFFFF  }
0x4dd: {  	_ =	sfence  }
0x4de: {  	s0 =	simm.s32 $0x7  }
0x4df: {  	s1 =	simm.s32 $0x400;
	s2 =	simm.s32 $0x6098;
	[sflag:s0] =	ssyncpa.u1 $0x0  }
0x4e0: {  	[tilespmem:s2], [sflag:$0x7] =	stream.linear.gather [spmem:s1], $0x20, $0x38;
	[tilespmem:$0x1EC48] =	vst v63  }
0x4e1: {  	s30 =	simm.s32 $0x60B8;
	s1 =	simm.s32 $0x0  }
0x4e2: {  	[tilespmem:s30], [sflag:$0x7] =	stream.linear.gather [spmem:s1], $0x400, $0x38;
	[tilespmem:$0x1EC48] =	vst v63  }
.Ltmp32:
0x4e3: {  	_ = 	snop;
	(pc) =	sbr.rel .LBB2_40-.Ltmp32, $4  }
0x4e4: {  	_ =	swait.ge [sflag:s0], $0x420  }
0x4e5: {  	[sflag:s0] =	ssyncset.done $0x0  }
0x4e6: {  	s31 =	simm.s32 $0x8;
	[sflag:s0] =	ssyncadd.s32 $0xFFFFFBE0  }
0x4e7: {  	s2 =	simm.s32 $0x0;
	[sflag:s31] =	ssyncpa.u1 $0x0  }
.LBB2_46:
0x4e8: {  	p1 =	slt.u32 s0, $0xC34FE  }
0x4e9: {  	s4 =	sand.u32 @p1 $0xFFFF8, s0  }
0x4ea: {  	s0 =	sand.u32 @p1 $0x7, s0;
	s5 =	simm.s32 @p1 $0x6068;
	s4 =	sadd.s32 @p1 s3, s4  }
0x4eb: {  	[tilespmem:s5], [sflag:$0x8] =	stream.linear.gather @p1 [hbm4b:s4+s0], $0x13, $0x38;
	[tilespmem:$0x1EC48] =	vst v63  }
0x4ec: {  	s0 =	simm.s32 @p1 $0x8  }
0x4ed: {  	_ =	swait.ge @p1 [sflag:s0], $0x13  }
0x4ee: {  	[sflag:s0] =	ssyncset.done @p1 $0x0  }
0x4ef: {  	[sflag:s0] =	ssyncadd.s32 @p1 $0xFFFFFFED  }
0x4f0: {  	v1 =	vld @p1 [tilespmem:$0x6068];
	_ =	sdelay $0x2  }
0x4f1: {  	s0 =	sshll.u32 @p1 s2, $0x7  }
0x4f2: {  	s4 =	sshrl.u32 @p1 s0, $0x2  }
0x4f3: {  	[tilespmem:s4+$0x60B8] =	vst.add.f32.msk @p1 $0xffff, v1  }
0x4f4: {  	v1 =	vld @p1 [tilespmem:$0x6078];
	_ =	sdelay $0x3  }
0x4f5: {  	s5 =	sshll.u32 @!p1 s2, $0x7  }
0x4f6: {  	s5 =	smov.u32 @p1 s0;
	[tilespmem:s4+$0x60C8] =	vst.add.f32.msk @p1 $0xffff, v1  }
0x4f7: {  	s0 =	sshrl.u32 s5, $0x2;
	[tilespmem:s1+$0x6098] =	vst.msk $0x1, v0  }
0x4f8: {  	v0 =	vld [tilespmem:s0+$0x60B8];
	_ =	sdelay $0x2  }
0x4f9: {  	s31 =	sshll.u32 s1, $0x7  }
0x4fa: {  	s4 =	sshra.s32 s31, $0x2  }
0x4fb: {  	[tilespmem:s4+$0x60B8] =	vst v0  }
0x4fc: {  	v0 =	vld [tilespmem:s0+$0x60C8];
	_ =	sdelay $0x4  }
0x4fd: {  	s1 =	sadd.s32 $0x1, s1;
	[tilespmem:s4+$0x60C8] =	vst v0  }
.LBB2_47:
0x4fe: {  	s2 =	sadd.s32 $0x1, s2  }
0x4ff: {  	p1 =	sne.s32 s2, $0x20  }
.Ltmp33:
0x500: {  	_ = 	snop;
	(pc) =	sbr.rel @!p1 .LBB2_48-.Ltmp33, $1  }
0x501: {  	_ =	sdelay $0x3  }
.LBB2_40:
0x502: {  	v0 =	vld.msk [tilespmem:s2+$0x6098], $0x1;
	_ =	sdelay $0x4  }
0x503: {  	(v2sf) =	vpush v0, $0x0;
	_ =	sdelay $0xe  }
0x504: {  	s0 =	spop (v2sf)  }
0x505: {  	p1 =	seq.s32 s0, $0xFFFFFFFF  }
.Ltmp34:
0x506: {  	_ = 	snop;
	(pc) =	sbr.rel @p1 .LBB2_47-.Ltmp34, $1  }
0x507: {  	_ =	sdelay $0x3  }
0x508: {  	p1 =	slt.s32 s1, $0x1  }
.Ltmp35:
0x509: {  	_ = 	snop;
	(pc) =	sbr.rel @p1 .LBB2_46-.Ltmp35, $1  }
0x50a: {  	_ =	sdelay $0x3  }
0x50b: {  	s4 =	simm.s32 $0x6098;
	p1 =	por $0x0, $0x0  }
0x50c: {  	v1 =	vld.msk @!p1 [tilespmem:s4+$0x0], $0x1;
	_ =	sdelay $0x4  }
0x50d: {  	(v2sf) =	vpush @!p1 v1, $0x0;
	_ =	sdelay $0xd  }
0x50e: {  	p3 =	sne.s32 s1, $0x1  }
.Ltmp36:
0x50f: {  	s5 =	spop @!p1 (v2sf);
	(pc) =	sbr.rel @!p3 .LBB2_44-.Ltmp36, $4  }
0x510: {  	p2 =	seq.s32 @!p1 s0, s5  }
0x511: {  	s5 =	simm.s32 $0x0;
	p2 =	por !p2, p1  }
0x512: {  	s7 =	simm.s32 $0xFFFFFFFF;
	s5 =	simm.s32 @p2 $0xFFFFFFFF  }
0x513: {  	s6 =	simm.s32 $0x1;
	s5 =	smov.u32 @p1 s7  }
.LBB2_43:
0x514: {  	s7 =	smov.u32 s5;
	p1 =	sne.s32 s5, $0xFFFFFFFF  }
0x515: {  	s4 =	sadd.s32 $0x1, s4;
	s5 =	smov.u32 s6;
	s6 =	sadd.s32 $0x1, s6  }
0x516: {  	p2 =	sne.s32 s1, s6;
	v1 =	vld.msk @!p1 [tilespmem:s4+$0x0], $0x1;
	_ =	sdelay $0x4  }
0x517: {  	(v2sf) =	vpush @!p1 v1, $0x0;
	_ =	sdelay $0xe  }
.Ltmp37:
0x518: {  	s8 =	spop @!p1 (v2sf);
	(pc) =	sbr.rel @p2 .LBB2_43-.Ltmp37, $4  }
0x519: {  	p3 =	seq.s32 @!p1 s0, s8  }
0x51a: {  	p3 =	por !p3, p1  }
0x51b: {  	s5 =	simm.s32 @p3 $0xFFFFFFFF  }
0x51c: {  	s5 =	smov.u32 @p1 s7  }
.LBB2_44:
0x51d: {  	p1 =	seq.s32 s5, $0xFFFFFFFF  }
.Ltmp38:
0x51e: {  	_ = 	snop;
	(pc) =	sbr.rel @p1 .LBB2_46-.Ltmp38, $1  }
0x51f: {  	_ =	sdelay $0x3  }
0x520: {  	s0 =	sshll.u32 s2, $0x5  }
0x521: {  	s0 =	sand.u32 $0x3FFFFFE0, s0  }
0x522: {  	v0 =	vld [tilespmem:s0+$0x60B8];
	_ =	sdelay $0x2  }
0x523: {  	s4 =	sshll.u32 s5, $0x7  }
0x524: {  	s4 =	sshra.s32 s4, $0x2  }
0x525: {  	[tilespmem:s4+$0x60B8] =	vst.add.f32.msk $0xffff, v0  }
0x526: {  	v0 =	vld [tilespmem:s0+$0x60C8]  }
.Ltmp39:
0x527: {  	_ = 	snop;
	(pc) =	sbr.rel .LBB2_47-.Ltmp39, $2  }
0x528: {  	_ =	sdelay $0x2  }
0x529: {  	[tilespmem:s4+$0x60C8] =	vst.add.f32.msk $0xffff, v0  }
.LBB2_48:
0x52a: {  	p1 =	slt.s32 s1, $0x1  }
.Ltmp40:
0x52b: {  	_ = 	snop;
	(pc) =	sbr.rel @p1 .LBB2_52-.Ltmp40, $3  }
0x52c: {  	_ =	sdelay $0x1  }
0x52d: {  	s0 =	simm.s32 $0x8  }
0x52e: {  	[sflag:s0] =	ssyncpa.u1 $0x1;
	s0 =	simm.s32 $0x0  }
0x52f: {  	s2 =	simm.s32 $0x6098  }
0x530: {  	v0 =	vld.msk [tilespmem:s2+$0x0], $0x1;
	_ =	sdelay $0x4  }
0x531: {  	(v2sf) =	vpush v0, $0x0;
	_ =	sdelay $0xe  }
0x532: {  	s1 =	sadd.s32 $0xFFFFFFFF, s1;
	s4 =	spop (v2sf)  }
0x533: {  	p2 =	sne.s32 s1, $0x0;
	p1 =	sgt.u32 s4, $0xC34FD  }
.Ltmp41:
0x534: {  	s5 =	sand.u32 @!p1 $0xFFFF8, s4;
	(pc) =	sbr.rel @!p2 .LBB2_51-.Ltmp41, $4  }
0x535: {  	s2 =	simm.s32 $0x60B8;
	s4 =	sand.u32 @!p1 $0x7, s4;
	s5 =	sadd.s32 @!p1 s3, s5  }
0x536: {  	[hbm4b:s5+s4] =	stream.linear.scatter @!p1 [tilespmem:s2], [sflag:$0x7], $0x13, $0x38;
	[tilespmem:$0x1EC48] =	vst v63  }
0x537: {  	s5 =	simm.s32 $0x0  }
0x538: {  	s4 =	simm.s32 $0x6099;
	s5 =	simm.s32 @!p1 $0x4C  }
.LBB2_50:
0x539: {  	v0 =	vld.msk [tilespmem:s4+$0x0], $0x1;
	s1 =	sadd.s32 $0xFFFFFFFF, s1;
	s0 =	sadd.s32 s0, s5  }
0x53a: {  	p1 =	sne.s32 s1, $0x0;
	_ =	sdelay $0x3  }
0x53b: {  	(v2sf) =	vpush v0, $0x0;
	_ =	sdelay $0xe  }
.Ltmp42:
0x53c: {  	s6 =	spop (v2sf);
	(pc) =	sbr.rel @p1 .LBB2_50-.Ltmp42, $4  }
0x53d: {  	s5 =	simm.s32 $0x0;
	p2 =	sgt.u32 s6, $0xC34FD  }
0x53e: {  	s2 =	sadd.s32 $0x20, s2;
	s5 =	simm.s32 @!p2 $0x4C;
	s7 =	sand.u32 @!p2 $0xFFFF8, s6  }
0x53f: {  	s4 =	sadd.s32 $0x1, s4;
	s6 =	sand.u32 @!p2 $0x7, s6;
	s7 =	sadd.s32 @!p2 s3, s7  }
0x540: {  	[hbm4b:s7+s6] =	stream.linear.scatter @!p2 [tilespmem:s2], [sflag:$0x7], $0x13, $0x38;
	[tilespmem:$0x1EC48] =	vst v63  }
.LBB2_51:
0x541: {  	s0 =	sadd.s32 s0, s5  }
0x542: {  	s0 =	sshrl.u32 s0, $0x2  }
.LBB2_52:
0x543: {  	s1 =	simm.s32 $0x7  }
0x544: {  	_ =	swait.ge [sflag:s1], s0  }
0x545: {  	s31 =	ssub.s32 $0x0, s0;
	[sflag:s1] =	ssyncset.done $0x0  }
0x546: {  	[sflag:s1] =	ssyncadd.s32 s31  }
0x547: {  	[sflag:s1] =	ssyncpa.u1 $0x1  }
.LBB2_53:
0x548: {  	_ =	sfence;
	s0 =	simm.s32 $0x1  }
0x549: {  	[sflag:s0] =	ssyncpa.u1 $0x1  }
0x54a: {  	_ =	strace $0x90000053  }
0x54b: {  	[bflag:$0x2] =	sbarrier.arrive $0xFFFF  }
0x54c: {  	s0 =	rddreg [dreg:$0x3]  }
0x54d: {  	s0 =	sadd.s32 @!p0 $0x100000, s0  }
0x54e: {  	[sflag:s0] =	ssyncadd.tile.s32 @!p0 $0x1;
	_ =	shalt  }
.Lfunc_end2:
_tile_overlayer_lowered:
.L_overlay_start_2:
0x54f: {  	(tag) =	ssettag $0x2  }
0x550: {  	s0 =	rddreg [dreg:$0x0];
	s2 =	stileid.u32  }
0x551: {  	s1 =	rddreg [dreg:$0x1];
	p0 =	sne.s32 s2, $0x0  }
0x552: {  	s3 =	rddreg [dreg:$0x2];
	[bflag:$0x3] =	sbarrier.arrive $0xFFFF;
	s2 =	simm.s32 @!p0 $0x1C01  }
0x553: {  	[timem:s3], [sflag:s2] =	dma.local @!p0 [hbm:s0], s1  }
0x554: {  	s0 =	simm.s32 @!p0 $0x1  }
0x555: {  	_ =	swait.ge @!p0 [sflag:s0], s1  }
0x556: {  	s1 =	ssub.s32 @!p0 $0x0, s1;
	[sflag:s0] =	ssyncset.done @!p0 $0x0  }
0x557: {  	[sflag:s0] =	ssyncadd.s32 @!p0 s1  }
0x558: {  	[bflag:$0x3] =	sbarrier.arrive $0xFFFF  }
0x559: {  	_ =	shalt  }

// kernel: scatter_offload_async_start
scs
__scs_entry_jumppad:
0x0: {  	(pc) =	sbr.rel $0x88, $3  }
0x1: {  	(tag) =	ssettag $0x0;
	lr =	simm.s32 $0x1  }
0x2: {  	[smem:$0x3F60] =	sst lr;
	_ =	strace $0xD0000000  }
0x3: {  	_ = 	snop  }
0x4: {  	_ = 	snop  }
0x5: {  	_ = 	snop  }
0x6: {  	_ = 	snop  }
0x7: {  	_ = 	snop  }
__scs_overlays_trampoline_lowered:
0x8: {  	[smem:$0x3F6F] =	sst s0  }
0x9: {  	[smem:$0x3F70] =	sst s1  }
0xa: {  	[smem:$0x3F71] =	sst s2  }
0xb: {  	[smem:$0x3F72] =	sst s3  }
0xc: {  	[smem:$0x3F73] =	sst s4  }
0xd: {  	[smem:$0x3F74] =	sst s5  }
0xe: {  	[smem:$0x3F75] =	sst s6  }
0xf: {  	[smem:$0x3F76] =	sst s7  }
0x10: {  	[smem:$0x3F77] =	sst s8  }
0x11: {  	[smem:$0x3F78] =	sst s9;
	s0 =	simm.s32 @!p0 $0x0  }
0x12: {  	s1 =	sld [smem:$0x3F5E];
	s0 =	simm.s32 @p0 $0x1  }
0x13: {  	[smem:$0x3F79] =	sst s0;
	s0 =	simm.s32 @!p1 $0x0  }
0x14: {  	s2 =	sld [smem:$0x3F5D];
	s0 =	simm.s32 @p1 $0x1  }
0x15: {  	[smem:$0x3F7A] =	sst s0;
	s0 =	simm.s32 @!p2 $0x0  }
0x16: {  	s3 =	sld [smem:$0x3FDB];
	s0 =	simm.s32 @p2 $0x1  }
0x17: {  	s4 =	simm.s32 $0x1BF5;
	[smem:$0x3F7C] =	sst s0  }
0x18: {  	s0 =	sld [smem:$0x3F5F];
	_ =	swait.ge [sflag:s4], $0x0  }
0x19: {  	s7 =	sld [smem:$0x3F60]  }
0x1a: {  	s8 =	sadd.s32 $0xFFFFE003, lr  }
0x1b: {  	s9 =	sadd.s32 $0xFFFFFEF7, lr;
	s5 =	simm.s32 $0xFFFFFFFF;
	p2 =	slt.u32 s8, $0xFFFFF086  }
0x1c: {  	p1 =	slt.u32 s9, $0xF7A;
	s5 =	simm.s32 @!p2 $0x0  }
0x1d: {  	s5 =	simm.s32 @p1 $0x1;
	p0 =	seq.s32 s7, s2  }
0x1e: {  	s7 =	smul.u32 @!p0 $0xF7A, s2;
	p2 =	seq.s32 @!p0 s5, $0x0  }
0x1f: {  	s9 =	smul.u32 $0xF7A, s1;
	s8 =	simm.s32 @!p0 $0x1BF5;
	p2 =	por !p2, p0  }
0x20: {  	[sflag:s8] =	ssyncset.s32 @!p0 $0xFFFFF086;
	s6 =	sadd.s32 @!p0 s3, s7;
	s7 =	simm.s32 @!p0 $0x108  }
0x21: {  	s3 =	sadd.s32 s3, s9;
	s6 =	sadd.s32 @!p0 $0x88, s6;
	s7 =	simm.s32 @p2 $0x1082  }
0x22: {  	[simem:s7], [sflag:s8] =	dma.local @!p0 [hbm:s6], $0xF7A  }
0x23: {  	s9 =	sor.u32 $0xD0000000, s2;
	s6 =	simm.s32 $0x108;
	_ =	swait.ge @!p0 [sflag:s8], $0x0  }
0x24: {  	s3 =	sadd.s32 $0x88, s3;
	s6 =	simm.s32 @!p1 $0x1082;
	[sflag:s4] =	ssyncset.s32 $0xFFFFF086  }
0x25: {  	[simem:s6], [sflag:s4] =	dma.local [hbm:s3], $0xF7A  }
0x26: {  	[smem:$0x3F60] =	sst s1;
	(tag) =	ssettag s2;
	_ =	strace s9  }
0x27: {  	s1 =	sld [smem:$0x3F70]  }
0x28: {  	s2 =	sld [smem:$0x3F71]  }
0x29: {  	s4 =	sld [smem:$0x3F73]  }
0x2a: {  	p0 =	seq.s32 s5, $0x0;
	s5 =	sld [smem:$0x3F74]  }
0x2b: {  	s6 =	sld [smem:$0x3F75]  }
0x2c: {  	s7 =	sld [smem:$0x3F76]  }
0x2d: {  	s3 =	simm.s32 $0x108;
	s8 =	sld [smem:$0x3F77]  }
0x2e: {  	s3 =	simm.s32 @!p0 $0x1082;
	s9 =	sld [smem:$0x3F78]  }
0x2f: {  	lr =	sadd.s32 s0, s3;
	s0 =	sld [smem:$0x3F6F]  }
0x30: {  	s3 =	sld [smem:$0x3F72]  }
0x31: {  	[smem:$0x3F7B] =	sst s10  }
0x32: {  	s10 =	sld [smem:$0x3F79];
	_ =	sdelay $0x3  }
0x33: {  	p0 =	seq.s32 s10, $0x1;
	s10 =	sld [smem:$0x3F7B];
	_ =	sdelay $0x3  }
0x34: {  	[smem:$0x3F7B] =	sst s10  }
0x35: {  	s10 =	sld [smem:$0x3F7A];
	_ =	sdelay $0x3  }
0x36: {  	p1 =	seq.s32 s10, $0x1;
	s10 =	sld [smem:$0x3F7B];
	_ =	sdelay $0x3  }
0x37: {  	[smem:$0x3F7B] =	sst s10  }
0x38: {  	s10 =	sld [smem:$0x3F7C]  }
0x39: {  	_ = 	snop;
	(pc) =	sbr.ind lr, $3  }
0x3a: {  	_ = 	snop  }
0x3b: {  	_ = 	snop  }
0x3c: {  	p2 =	seq.s32 s10, $0x1;
	s10 =	sld [smem:$0x3F7B]  }
0x3d: {  	_ =	shalt  }
0x3e: {  	_ =	shalt  }
0x3f: {  	_ =	shalt  }
0x40: {  	_ =	shalt  }
0x41: {  	_ =	shalt  }
0x42: {  	_ =	shalt  }
0x43: {  	_ =	shalt  }
0x44: {  	_ =	shalt  }
0x45: {  	_ =	shalt  }
0x46: {  	_ =	shalt  }
0x47: {  	_ =	shalt  }
0x48: {  	_ =	shalt  }
0x49: {  	_ =	shalt  }
0x4a: {  	_ =	shalt  }
0x4b: {  	_ =	shalt  }
0x4c: {  	_ =	shalt  }
0x4d: {  	_ =	shalt  }
0x4e: {  	_ =	shalt  }
0x4f: {  	_ =	shalt  }
0x50: {  	_ =	shalt  }
0x51: {  	_ =	shalt  }
0x52: {  	_ =	shalt  }
0x53: {  	_ =	shalt  }
0x54: {  	_ =	shalt  }
0x55: {  	_ =	shalt  }
0x56: {  	_ =	shalt  }
0x57: {  	_ =	shalt  }
0x58: {  	_ =	shalt  }
0x59: {  	_ =	shalt  }
0x5a: {  	_ =	shalt  }
0x5b: {  	_ =	shalt  }
0x5c: {  	_ =	shalt  }
0x5d: {  	_ =	shalt  }
0x5e: {  	_ =	shalt  }
0x5f: {  	_ =	shalt  }
0x60: {  	_ =	shalt  }
0x61: {  	_ =	shalt  }
0x62: {  	_ =	shalt  }
0x63: {  	_ =	shalt  }
0x64: {  	_ =	shalt  }
0x65: {  	_ =	shalt  }
0x66: {  	_ =	shalt  }
0x67: {  	_ =	shalt  }
0x68: {  	_ =	shalt  }
0x69: {  	_ =	shalt  }
0x6a: {  	_ =	shalt  }
0x6b: {  	_ =	shalt  }
0x6c: {  	_ =	shalt  }
0x6d: {  	_ =	shalt  }
0x6e: {  	_ =	shalt  }
0x6f: {  	_ =	shalt  }
0x70: {  	_ =	shalt  }
0x71: {  	_ =	shalt  }
0x72: {  	_ =	shalt  }
0x73: {  	_ =	shalt  }
0x74: {  	_ =	shalt  }
0x75: {  	_ =	shalt  }
0x76: {  	_ =	shalt  }
0x77: {  	_ =	shalt  }
0x78: {  	_ =	shalt  }
0x79: {  	_ =	shalt  }
0x7a: {  	_ =	shalt  }
0x7b: {  	_ =	shalt  }
0x7c: {  	_ =	shalt  }
0x7d: {  	_ =	shalt  }
0x7e: {  	_ =	shalt  }
0x7f: {  	_ =	shalt  }
0x80: {  	_ =	shalt  }
0x81: {  	_ =	shalt  }
0x82: {  	_ =	shalt  }
0x83: {  	_ =	shalt  }
0x84: {  	_ =	shalt  }
0x85: {  	_ =	shalt  }
0x86: {  	_ =	shalt  }
0x87: {  	_ =	shalt  }
.Lfunc_end0:
.L_simem_size_0:
called_computation_lowered:
.L_overlay_start_0:
0x88: {  	s2 =	sld [smem:$0x3FD9]  }
0x89: {  	s3 =	sld [smem:$0x3FFE];
	_ =	sdelay $0x1  }
0x8a: {  	s1 =	srdreg.scid  }
0x8b: {  	s0 =	sand.u32 $0x1, s1  }
0x8c: {  	s15 =	sshll.u32 s0, $0xA;
	s2 =	sadd.s32 s3, s2  }
0x8d: {  	s2 =	sadd.s32 s2, s15  }
0x8e: {  	[smem:$0x3F87] =	sst s2  }
0x8f: {  	_ = 	snop  }
0x90: {  	(tm) =	ssettm $0x1  }
0x91: {  	s16 =	sld [smem:$0x3FFB];
	_ =	sdelay $0x3  }
0x92: {  	_ =	strace s16  }
0x93: {  	s2 =	sld [smem:$0x3FFC];
	_ =	sdelay $0x3  }
0x94: {  	_ =	strace s2  }
0x95: {  	s2 =	sld [smem:$0x3FFD];
	_ =	sdelay $0x3  }
0x96: {  	_ =	strace s2  }
0x97: {  	_ =	strace $0x8FFFFFFF  }
0x98: {  	s17 =	sld [smem:$0x3FDB];
	_ =	sdelay $0x1  }
0x99: {  	s18 =	simm.s32 $_scs_section_size  }
0x9a: {  	s4 =	simm.s32 $_size__tile_overlayer_lowered;
	s5 =	simm.s32 $_tile_overlayer_lowered  }
0x9b: {  	s6 =	simm.s32 $0x1BFF;
	s19 =	sshll.u32 s5, $0x1;
	s3 =	sadd.s32 s18, s17  }
0x9c: {  	s20 =	simm.s32 $0x0;
	s4 =	sshll.u32 s4, $0x1;
	s5 =	sadd.s32 s19, s3  }
0x9d: {  	[timem:s20], [sflag:s6] =	dma.local [hbm:s5], s4  }
0x9e: {  	_ =	swait.ge [sflag:s6], s4  }
0x9f: {  	s4 =	ssub.s32 $0x0, s4;
	[sflag:s6] =	ssyncset.done $0x0  }
0xa0: {  	[sflag:s6] =	ssyncadd.s32 s4;
	_ =	sdelay $0x1  }
0xa1: {  	s21 =	simm.s32 $0x1B8B  }
0xa2: {  	_ =	swait.ge [sflag:s21], $0x1  }
0xa3: {  	[sflag:s21] =	ssyncset.done $0x0  }
0xa4: {  	s22 =	sld [smem:$0x3FFE];
	[sflag:s21] =	ssyncadd.s32 $0xFFFFFFFF  }
0xa5: {  	s24 =	simm.s32 $0x1B8E;
	s23 =	sld [smem:$0x0]  }
0xa6: {  	s25 =	simm.s32 $execute0_lowered;
	[smem:$0x3FD2] =	sst s24  }
0xa7: {  	s6 =	sshll.u32 s25, $0x1;
	_ =	strace $0x80000046;
	[dreg:$0x1] =	wrdreg $0xFFFFFFFF  }
0xa8: {  	s7 =	simm.s32 $_size_execute0_lowered;
	s6 =	sadd.s32 s3, s6;
	[dreg:$0x0] =	wrdreg $0x0  }
0xa9: {  	s7 =	sshll.u32 s7, $0x1;
	[dreg:$0x2] =	wrdreg s6  }
0xaa: {  	[dreg:$0x3] =	wrdreg s7  }
0xab: {  	[dreg:$0x4] =	wrdreg $0xC0  }
0xac: {  	s26 =	simm.s32 $execute1_lowered;
	_ =	task [dreg:s20], $0x5FFFF  }
0xad: {  	s6 =	sshll.u32 s26, $0x1;
	[dreg:$0x1] =	wrdreg $0xFFFFFFFF  }
0xae: {  	s3 =	sadd.s32 s3, s6;
	[dreg:$0x0] =	wrdreg $0x60  }
0xaf: {  	[dreg:$0x2] =	wrdreg s3  }
0xb0: {  	[dreg:$0x3] =	wrdreg s22  }
0xb1: {  	[dreg:$0x4] =	wrdreg $0x9  }
0xb2: {  	_ =	task.clear_ibuf [dreg:s20], $0x5FFFF;
	_ =	strace $0x90000046  }
0xb3: {  	s28 =	simm.s32 $0x9;
	_ =	strace $0x80000048  }
0xb4: {  	_ =	swait.ge [sflag:s28], $0x1  }
0xb5: {  	[sflag:s28] =	ssyncadd.s32 $0xFFFFFFFF  }
0xb6: {  	_ =	strace $0x90000048  }
0xb7: {  	s3 =	sld [smem:$0x0]  }
0xb8: {  	s6 =	sand.u32 $0xFFFFFFFE, s1  }
0xb9: {  	p0 =	sne.s32 s1, s6  }
0xba: {  	s6 =	sshll.u32 @p0 s6, $0xE  }
0xbb: {  	s6 =	sadd.s32 @p0 $0x11BF3, s6;
	s7 =	sshll.u32 @p0 s3, $0x11  }
0xbc: {  	s6 =	sor.u32 @p0 s7, s6  }
0xbd: {  	[sflag:s6] =	ssyncadd.remote.s32 @p0 $0x1;
	_ =	sdelay $0x1  }
0xbe: {  	s6 =	simm.s32 @p0 $0x1BF3  }
0xbf: {  	_ =	swait.eq @p0 [sflag:s6], $0x1  }
0xc0: {  	[sflag:s6] =	ssyncadd.s32 @p0 $0xFFFFFFFF  }
0xc1: {  	s7 =	sshll.u32 @!p0 s1, $0xE  }
0xc2: {  	s7 =	sor.u32 @!p0 $0x4000, s7;
	s6 =	simm.s32 @!p0 $0x1BF3  }
0xc3: {  	s3 =	sshll.u32 @!p0 s3, $0x11;
	s7 =	sadd.s32 @!p0 $0x11BF3, s7;
	_ =	swait.eq @!p0 [sflag:s6], $0x1  }
0xc4: {  	s3 =	sor.u32 @!p0 s3, s7;
	[sflag:s6] =	ssyncadd.s32 @!p0 $0xFFFFFFFF  }
0xc5: {  	[sflag:s3] =	ssyncadd.remote.s32 @!p0 $0x1  }
0xc6: {  	_ =	strace $0x80000049;
	[dreg:$0x1] =	wrdreg $0xFFFFFFFF  }
0xc7: {  	[dreg:$0x0] =	wrdreg $0x2030  }
0xc8: {  	[dreg:$0x2] =	wrdreg s22  }
0xc9: {  	[dreg:$0x3] =	wrdreg s1  }
0xca: {  	[dreg:$0x4] =	wrdreg s23  }
0xcb: {  	[dreg:$0x5] =	wrdreg $0xA  }
0xcc: {  	_ =	task.clear_ibuf [dreg:s20], $0x6FFFF;
	_ =	strace $0x90000049  }
0xcd: {  	s29 =	simm.s32 $0xA;
	_ =	strace $0x8000004B  }
0xce: {  	_ =	swait.ge [sflag:s29], $0x1  }
0xcf: {  	[sflag:s29] =	ssyncadd.s32 $0xFFFFFFFF  }
0xd0: {  	_ =	strace $0x9000004B  }
0xd1: {  	_ =	sfence  }
0xd2: {  	s30 =	sld [smem:$0x0];
	_ =	sdelay $0x2  }
0xd3: {  	s31 =	sshll.u32 s1, $0xD;
	s1 =	sshrl.u32 s1, $0x2  }
0xd4: {  	s4 =	sand.u32 $0x4000, s31;
	s1 =	sadd.s32 s1, s30  }
0xd5: {  	s0 =	sor.u32 s4, s0;
	s1 =	sshll.u32 s1, $0x11  }
0xd6: {  	s0 =	sor.u32 s1, s0  }
0xd7: {  	s0 =	sadd.s32 $0x8F2B, s0  }
0xd8: {  	[sflag:s0] =	ssyncadd.remote.s32 $0x1  }
0xd9: {  	_ =	sfence.sel $0xFFFF  }
0xda: {  	[dreg:$0x0] =	wrdreg $0xFFFFFFFF;
	(pc) =	sbr.abs _section_cstart, $3  }
0xdb: {  	[dreg:$0x1] =	wrdreg $0xFFFFFFFF  }
0xdc: {  	_ =	task.clear_ibuf [dreg:s20], $0x2FFFF;
	_ =	strace $0x9FFFFFFF  }
0xdd: {  	(tm) =	ssettm $0x7FFFFFFF  }
tec
execute0_lowered:
.L_overlay_start_1:
0x0: {  	(tag) =	ssettag $0x1  }
0x1: {  	s2 =	rddreg [dreg:$0x0]  }
0x2: {  	s5 =	rddreg [dreg:$0x1]  }
0x3: {  	s0 =	rddreg [dreg:$0x2];
	s3 =	stileid.u32;
	[bflag:$0x3] =	sbarrier.arrive $0xFFFF  }
0x4: {  	s1 =	simm.s32 $_size_execute1_lowered;
	s29 =	srdreg.scid;
	s31 =	simm.s32 $0x2  }
0x5: {  	s13 =	simm.s32 $0x0;
	s8 =	simm.s32 $0x20;
	p0 =	sne.s32 s3, $0x0  }
0x6: {  	s1 =	sshll.u32 s1, $0x1;
	s4 =	simm.s32 @!p0 $0x1C3F;
	s6 =	simm.s32 @!p0 $0x4060  }
0x7: {  	[timem:s6], [sflag:s4] =	dma.local @!p0 [hbm:s2], s1  }
0x8: {  	s9 =	simm.s32 $0x80;
	s11 =	simm.s32 $0x0;
	s2 =	sshll.u32 s29, $0x9  }
.Ltmp0:
0x9: {  	s3 =	sshll.u32 s3, $0xA;
	s30 =	sand.u32 $0x200, s2;
	(pc) =	sbr.rel .LBB2_1-.Ltmp0, $4  }
0xa: {  	s12 =	simm.s32 $0x0;
	_ =	strace $0x80000047;
	s3 =	sor.u32 s3, s30  }
0xb: {  	s4 =	simm.s32 $0x1;
	s2 =	sadd.s32 $0x18EC00, s5;
	s7 =	ssub.s32 $0xC200, s3  }
0xc: {  	s5 =	sadd.s32 $0x252200, s5;
	[sflag:s4] =	ssyncpa.u1 $0x0;
	s6 =	sshrl.u32 s7, $0xE  }
0xd: {  	[sflag:s31] =	ssyncpa.u1 $0x0;
	s10 =	smov.u32 s3;
	s7 =	sadd.s32 $0x2, s6  }
.LBB2_5:
0xe: {  	_ =	sdelay $0x3  }
0xf: {  	[tilespmem:v1+s16+$0x0 ss:$0x1] =	vst.idx.msk $0xffff, v2  }
0x10: {  	[tilespmem:v1+s17+$0x0 ss:$0x1] =	vst.idx.msk $0xffff, v3  }
.LBB2_6:
0x11: {  	s16 =	sand.u32 $0x1FFFFFF, s11  }
0x12: {  	s17 =	smulhi.u32 $0x14F8B59, s16;
	_ =	sdelay $0x1  }
0x13: {  	s17 =	sshrl.u32 s17, $0x8  }
0x14: {  	s17 =	smul.u32 $0xC350, s17;
	_ =	sdelay $0x1  }
0x15: {  	s16 =	ssub.s32 s16, s17  }
0x16: {  	s16 =	sshll.u32 s16, $0x4  }
0x17: {  	s16 =	sadd.s32 s5, s16  }
0x18: {  	[hbm4b:s16+s8] =	stream.strided.scatter [tilespmem:s15], [sflag:$0x2], s14, s9, s8, $0x38;
	[tilespmem:$0x10000] =	vst v63  }
.LBB2_7:
0x19: {  	p1 =	slt.u32 s12, $0x2  }
0x1a: {  	p2 =	sgt.s32 @!p1 s13, $0xC150  }
0x1b: {  	s14 =	smov.u32 s13;
	s15 =	sshra.s32 @!p1 s13, $0x1F;
	p2 =	por !p2, p1  }
0x1c: {  	s13 =	sand.u32 @!p1 s15, s13;
	s14 =	simm.s32 @p2 $0xC150  }
0x1d: {  	s13 =	ssub.s32 @!p1 s14, s13  }
0x1e: {  	s13 =	sadd.s32 @!p1 $0xFFFF3EB0, s13  }
0x1f: {  	s14 =	sshll.u32 @!p1 s13, $0x7  }
0x20: {  	p2 =	sgt.s32 @!p1 s13, $0x1FF;
	s13 =	ssub.s32 @!p1 $0x10000, s14  }
0x21: {  	s15 =	sadd.s32 $0x4000, s10;
	p2 =	por !p2, p1;
	s13 =	sshrl.u32 @!p1 s13, $0x2  }
0x22: {  	s13 =	simm.s32 @!p2 $0x0;
	p2 =	sgt.s32 s15, $0xC34F  }
0x23: {  	s15 =	smov.u32 @p2 s3;
	p2 =	sne.s32 s12, s7  }
.Ltmp1:
0x24: {  	_ = 	snop;
	(pc) =	sbr.rel @!p2 .LBB2_8-.Ltmp1, $4  }
0x25: {  	s14 =	simm.s32 @!p1 $0x2  }
0x26: {  	_ =	swait.ge @!p1 [sflag:s14], s13;
	s16 =	ssub.s32 @!p1 $0x0, s13  }
0x27: {  	s13 =	smov.u32 s11;
	s12 =	sadd.s32 $0x1, s12;
	[sflag:s14] =	ssyncset.done @!p1 $0x0  }
0x28: {  	s11 =	smov.u32 s10;
	s10 =	smov.u32 s15;
	[sflag:s14] =	ssyncadd.s32 @!p1 s16  }
.LBB2_1:
0x29: {  	p1 =	sgt.u32 s12, s6  }
0x2a: {  	s15 =	smov.u32 s10;
	p2 =	sgt.s32 @!p1 s10, $0xC150  }
0x2b: {  	s14 =	sand.u32 @!p1 $0x1FFFFFF, s10;
	s16 =	sshra.s32 @!p1 s10, $0x1F;
	p2 =	por !p2, p1  }
0x2c: {  	s17 =	smulhi.u32 @!p1 $0x14F8B59, s14;
	s16 =	sand.u32 @!p1 s16, s10;
	s15 =	simm.s32 @p2 $0xC150  }
0x2d: {  	s15 =	ssub.s32 @!p1 s15, s16  }
0x2e: {  	s16 =	sshrl.u32 @!p1 s17, $0x8;
	s15 =	sadd.s32 @!p1 $0xFFFF3EB0, s15  }
0x2f: {  	s17 =	sxor.u32 @!p1 $0xFFFFFFFF, s12;
	s16 =	smul.u32 @!p1 $0xC350, s16;
	s18 =	sshll.u32 @!p1 s15, $0x7  }
0x30: {  	s17 =	sshll.u32 @!p1 s17, $0xE;
	p2 =	sgt.s32 @!p1 s15, $0x1FF;
	s15 =	ssub.s32 @!p1 $0x10000, s18  }
0x31: {  	s14 =	ssub.s32 @!p1 s14, s16;
	p2 =	por !p2, p1;
	s16 =	sand.u32 @!p1 $0x4000, s17  }
0x32: {  	s17 =	simm.s32 @!p1 $0x20;
	s15 =	sshrl.u32 @!p1 s15, $0x2;
	s14 =	sshll.u32 @!p1 s14, $0x4  }
0x33: {  	s18 =	simm.s32 @!p1 $0x80;
	s15 =	simm.s32 @!p2 $0x0;
	s14 =	sadd.s32 @!p1 s2, s14  }
0x34: {  	[tilespmem:s16], [sflag:$0x1] =	stream.strided.gather @!p1 [hbm4b:s14+s17], s15, s18, s17, $0x38;
	[tilespmem:$0x10000] =	vst v63  }
0x35: {  	p1 =	seq.s32 s12, $0x0  }
0x36: {  	p2 =	sge.u32 @!p1 s12, s7  }
0x37: {  	p1 =	por p1, p2  }
.Ltmp2:
0x38: {  	_ = 	snop;
	(pc) =	sbr.rel @p1 .LBB2_7-.Ltmp2, $1  }
0x39: {  	_ =	sdelay $0x3  }
0x3a: {  	p1 =	sgt.s32 s11, $0xC150;
	s14 =	smov.u32 s11;
	s15 =	sshra.s32 s11, $0x1F  }
0x3b: {  	s14 =	simm.s32 @!p1 $0xC150;
	s15 =	sand.u32 s15, s11  }
0x3c: {  	s14 =	ssub.s32 s14, s15  }
0x3d: {  	s14 =	sadd.s32 $0xFFFF3EB0, s14  }
0x3e: {  	s31 =	sshll.u32 s14, $0x7  }
0x3f: {  	s15 =	ssub.s32 $0x10000, s31  }
0x40: {  	p1 =	sgt.s32 s14, $0x1FF;
	s14 =	sshrl.u32 s15, $0x2;
	s15 =	sadd.s32 $0x200, s11  }
0x41: {  	s14 =	simm.s32 @p1 $0x0;
	p1 =	slt.s32 s15, $0xC350  }
0x42: {  	s15 =	simm.s32 @!p1 $0xC350  }
0x43: {  	s18 =	ssub.s32 s15, s11  }
0x44: {  	p1 =	slt.s32 s18, $0x1  }
.Ltmp3:
0x45: {  	_ = 	snop;
	(pc) =	sbr.rel @p1 .LBB2_6-.Ltmp3, $4  }
0x46: {  	_ = 	snop  }
0x47: {  	s16 =	sshll.u32 s12, $0xE;
	_ =	swait.ge [sflag:s4], s14  }
0x48: {  	s16 =	sand.u32 $0x4000, s16;
	s17 =	ssub.s32 $0x0, s14;
	[sflag:s4] =	ssyncset.done $0x0  }
0x49: {  	s15 =	sor.u32 $0x8000, s16;
	[sflag:s4] =	ssyncadd.s32 s17  }
0x4a: {  	v0 =	vmov s16;
	_ =	sdelay $0x2  }
0x4b: {  	s31 =	simm.s32 $0x0;
	p1 =	sne.s32 s18, $0x1  }
.Ltmp4:
0x4c: {  	s16 =	sand.u32 $0x3FE0, s31;
	(pc) =	sbr.rel @!p1 .LBB2_5-.Ltmp4, $3  }
0x4d: {  	v1 =	vmov s15;
	s17 =	sor.u32 $0x10, s16;
	v2 =	vld.idx.msk [tilespmem:v0+s16+$0x0 ss:$0x1], $0xffff  }
0x4e: {  	v3 =	vld.idx.msk [tilespmem:v0+s17+$0x0 ss:$0x1], $0xffff;
	_ =	sdelay $0x1  }
0x4f: {  	s18 =	sadd.s32 $0xFFFFFFFF, s18;
	s19 =	simm.s32 $0x20  }
.LBB2_4:
0x50: {  	s20 =	sand.u32 $0x3FE0, s19;
	p1 =	sne.s32 s18, $0x1;
	s18 =	sadd.s32 $0xFFFFFFFF, s18  }
.Ltmp5:
0x51: {  	s21 =	sor.u32 $0x10, s20;
	[tilespmem:v1+s16+$0x0 ss:$0x1] =	vst.idx.msk $0xffff, v2;
	v2 =	vld.idx.msk [tilespmem:v0+s20+$0x0 ss:$0x1], $0xffff;
	s16 =	smov.u32 s20;
	(pc) =	sbr.rel @p1 .LBB2_4-.Ltmp5, $2  }
0x52: {  	[tilespmem:v1+s17+$0x0 ss:$0x1] =	vst.idx.msk $0xffff, v3;
	v3 =	vld.idx.msk [tilespmem:v0+s21+$0x0 ss:$0x1], $0xffff;
	s17 =	smov.u32 s21;
	_ =	sdelay $0x2  }
0x53: {  	s19 =	sadd.s32 $0x20, s19  }
.Ltmp6:
0x54: {  	_ = 	snop;
	(pc) =	sbr.rel .LBB2_5-.Ltmp6, $1  }
0x55: {  	_ =	sdelay $0x3  }
.LBB2_8:
0x56: {  	_ =	sfence.sel $0x180000  }
0x57: {  	s2 =	simm.s32 $0x1;
	[bflag:$0x0] =	sbarrier.arrive $0xFFFF  }
0x58: {  	s31 =	simm.s32 $0x2;
	[sflag:s2] =	ssyncpa.u1 $0x1  }
0x59: {  	[sflag:s31] =	ssyncpa.u1 $0x1  }
0x5a: {  	_ =	strace $0x90000047  }
0x5b: {  	s0 =	sadd.s32 @!p0 $0x100000, s0;
	[bflag:$0x2] =	sbarrier.arrive $0xFFFF  }
0x5c: {  	[sflag:s0] =	ssyncadd.tile.s32 @!p0 $0x1;
	s0 =	simm.s32 @!p0 $0x3F  }
0x5d: {  	_ =	swait.ge @!p0 [sflag:s0], s1  }
0x5e: {  	s1 =	ssub.s32 @!p0 $0x0, s1;
	[sflag:s0] =	ssyncset.done @!p0 $0x0  }
0x5f: {  	[sflag:s0] =	ssyncadd.s32 @!p0 s1  }
0x60: {  	[bflag:$0x3] =	sbarrier.arrive $0xFFFF  }
0x61: {  	_ =	shalt  }
.Lfunc_end2:
execute1_lowered:
.L_overlay_start_2:
0x62: {  	(tag) =	ssettag $0x2  }
0x63: {  	s6 =	rddreg [dreg:$0x0]  }
0x64: {  	s2 =	rddreg [dreg:$0x1];
	_ =	strace $0x8000004A;
	s7 =	simm.s32 $0x1  }
0x65: {  	v0 =	vimm.s32 $0x0;
	[sflag:s7] =	ssyncpa.u1 $0x0  }
0x66: {  	[tilespmem:$0x48] =	vst v0  }
0x67: {  	[tilespmem:$0x58] =	vst v0  }
0x68: {  	[tilespmem:$0x68] =	vst v0  }
0x69: {  	[tilespmem:$0x78] =	vst v0  }
0x6a: {  	[tilespmem:$0x88] =	vst v0  }
0x6b: {  	[tilespmem:$0x98] =	vst v0  }
0x6c: {  	[tilespmem:$0xA8] =	vst v0  }
0x6d: {  	[tilespmem:$0xB8] =	vst v0  }
0x6e: {  	[tilespmem:$0xC8] =	vst v0  }
0x6f: {  	[tilespmem:$0xD8] =	vst v0  }
0x70: {  	[tilespmem:$0xE8] =	vst v0  }
0x71: {  	[tilespmem:$0xF8] =	vst v0  }
0x72: {  	[tilespmem:$0x108] =	vst v0  }
0x73: {  	[tilespmem:$0x118] =	vst v0  }
0x74: {  	[tilespmem:$0x128] =	vst v0  }
0x75: {  	[tilespmem:$0x138] =	vst v0  }
0x76: {  	[tilespmem:$0x148] =	vst v0  }
0x77: {  	[tilespmem:$0x158] =	vst v0  }
0x78: {  	[tilespmem:$0x168] =	vst v0  }
0x79: {  	[tilespmem:$0x178] =	vst v0  }
0x7a: {  	[tilespmem:$0x188] =	vst v0  }
0x7b: {  	[tilespmem:$0x198] =	vst v0  }
0x7c: {  	[tilespmem:$0x1A8] =	vst v0  }
0x7d: {  	[tilespmem:$0x1B8] =	vst v0  }
0x7e: {  	[tilespmem:$0x1C8] =	vst v0  }
0x7f: {  	[tilespmem:$0x1D8] =	vst v0  }
0x80: {  	[tilespmem:$0x1E8] =	vst v0  }
0x81: {  	[tilespmem:$0x1F8] =	vst v0  }
0x82: {  	[tilespmem:$0x208] =	vst v0  }
0x83: {  	[tilespmem:$0x218] =	vst v0  }
0x84: {  	[tilespmem:$0x228] =	vst v0  }
0x85: {  	[tilespmem:$0x238] =	vst v0  }
0x86: {  	[tilespmem:$0x248] =	vst v0  }
0x87: {  	[tilespmem:$0x258] =	vst v0  }
0x88: {  	[tilespmem:$0x268] =	vst v0  }
0x89: {  	[tilespmem:$0x278] =	vst v0  }
0x8a: {  	[tilespmem:$0x288] =	vst v0  }
0x8b: {  	[tilespmem:$0x298] =	vst v0  }
0x8c: {  	[tilespmem:$0x2A8] =	vst v0  }
0x8d: {  	[tilespmem:$0x2B8] =	vst v0  }
0x8e: {  	[tilespmem:$0x2C8] =	vst v0  }
0x8f: {  	[tilespmem:$0x2D8] =	vst v0  }
0x90: {  	[tilespmem:$0x2E8] =	vst v0  }
0x91: {  	[tilespmem:$0x2F8] =	vst v0  }
0x92: {  	[tilespmem:$0x308] =	vst v0  }
0x93: {  	[tilespmem:$0x318] =	vst v0  }
0x94: {  	[tilespmem:$0x328] =	vst v0  }
0x95: {  	[tilespmem:$0x338] =	vst v0  }
0x96: {  	[tilespmem:$0x348] =	vst v0  }
0x97: {  	[tilespmem:$0x358] =	vst v0  }
0x98: {  	[tilespmem:$0x368] =	vst v0  }
0x99: {  	[tilespmem:$0x378] =	vst v0  }
0x9a: {  	[tilespmem:$0x388] =	vst v0  }
0x9b: {  	[tilespmem:$0x398] =	vst v0  }
0x9c: {  	[tilespmem:$0x3A8] =	vst v0  }
0x9d: {  	[tilespmem:$0x3B8] =	vst v0  }
0x9e: {  	[tilespmem:$0x3C8] =	vst v0  }
0x9f: {  	[tilespmem:$0x3D8] =	vst v0  }
0xa0: {  	[tilespmem:$0x3E8] =	vst v0  }
0xa1: {  	[tilespmem:$0x3F8] =	vst v0  }
0xa2: {  	[tilespmem:$0x408] =	vst v0  }
0xa3: {  	[tilespmem:$0x418] =	vst v0  }
0xa4: {  	[tilespmem:$0x428] =	vst v0  }
0xa5: {  	[tilespmem:$0x438] =	vst v0  }
0xa6: {  	[tilespmem:$0x448] =	vst v0  }
0xa7: {  	[tilespmem:$0x458] =	vst v0  }
0xa8: {  	[tilespmem:$0x468] =	vst v0  }
0xa9: {  	[tilespmem:$0x478] =	vst v0  }
0xaa: {  	[tilespmem:$0x488] =	vst v0  }
0xab: {  	[tilespmem:$0x498] =	vst v0  }
0xac: {  	[tilespmem:$0x4A8] =	vst v0  }
0xad: {  	[tilespmem:$0x4B8] =	vst v0  }
0xae: {  	[tilespmem:$0x4C8] =	vst v0  }
0xaf: {  	[tilespmem:$0x4D8] =	vst v0  }
0xb0: {  	[tilespmem:$0x4E8] =	vst v0  }
0xb1: {  	[tilespmem:$0x4F8] =	vst v0  }
0xb2: {  	[tilespmem:$0x508] =	vst v0  }
0xb3: {  	[tilespmem:$0x518] =	vst v0  }
0xb4: {  	[tilespmem:$0x528] =	vst v0  }
0xb5: {  	[tilespmem:$0x538] =	vst v0  }
0xb6: {  	[tilespmem:$0x548] =	vst v0  }
0xb7: {  	[tilespmem:$0x558] =	vst v0  }
0xb8: {  	[tilespmem:$0x568] =	vst v0  }
0xb9: {  	[tilespmem:$0x578] =	vst v0  }
0xba: {  	[tilespmem:$0x588] =	vst v0  }
0xbb: {  	[tilespmem:$0x598] =	vst v0  }
0xbc: {  	[tilespmem:$0x5A8] =	vst v0  }
0xbd: {  	[tilespmem:$0x5B8] =	vst v0  }
0xbe: {  	[tilespmem:$0x5C8] =	vst v0  }
0xbf: {  	[tilespmem:$0x5D8] =	vst v0  }
0xc0: {  	[tilespmem:$0x5E8] =	vst v0  }
0xc1: {  	[tilespmem:$0x5F8] =	vst v0  }
0xc2: {  	[tilespmem:$0x608] =	vst v0  }
0xc3: {  	[tilespmem:$0x618] =	vst v0  }
0xc4: {  	[tilespmem:$0x628] =	vst v0  }
0xc5: {  	[tilespmem:$0x638] =	vst v0  }
0xc6: {  	[tilespmem:$0x648] =	vst v0  }
0xc7: {  	[tilespmem:$0x658] =	vst v0  }
0xc8: {  	[tilespmem:$0x668] =	vst v0  }
0xc9: {  	[tilespmem:$0x678] =	vst v0  }
0xca: {  	[tilespmem:$0x688] =	vst v0  }
0xcb: {  	[tilespmem:$0x698] =	vst v0  }
0xcc: {  	[tilespmem:$0x6A8] =	vst v0  }
0xcd: {  	[tilespmem:$0x6B8] =	vst v0  }
0xce: {  	[tilespmem:$0x6C8] =	vst v0  }
0xcf: {  	[tilespmem:$0x6D8] =	vst v0  }
0xd0: {  	[tilespmem:$0x6E8] =	vst v0  }
0xd1: {  	[tilespmem:$0x6F8] =	vst v0  }
0xd2: {  	[tilespmem:$0x708] =	vst v0  }
0xd3: {  	[tilespmem:$0x718] =	vst v0  }
0xd4: {  	[tilespmem:$0x728] =	vst v0  }
0xd5: {  	[tilespmem:$0x738] =	vst v0  }
0xd6: {  	[tilespmem:$0x748] =	vst v0  }
0xd7: {  	[tilespmem:$0x758] =	vst v0  }
0xd8: {  	[tilespmem:$0x768] =	vst v0  }
0xd9: {  	[tilespmem:$0x778] =	vst v0  }
0xda: {  	[tilespmem:$0x788] =	vst v0  }
0xdb: {  	[tilespmem:$0x798] =	vst v0  }
0xdc: {  	[tilespmem:$0x7A8] =	vst v0  }
0xdd: {  	[tilespmem:$0x7B8] =	vst v0  }
0xde: {  	[tilespmem:$0x7C8] =	vst v0  }
0xdf: {  	[tilespmem:$0x7D8] =	vst v0  }
0xe0: {  	[tilespmem:$0x7E8] =	vst v0  }
0xe1: {  	[tilespmem:$0x7F8] =	vst v0  }
0xe2: {  	[tilespmem:$0x808] =	vst v0  }
0xe3: {  	[tilespmem:$0x818] =	vst v0  }
0xe4: {  	[tilespmem:$0x828] =	vst v0  }
0xe5: {  	[tilespmem:$0x838] =	vst v0  }
0xe6: {  	[tilespmem:$0x848] =	vst v0  }
0xe7: {  	[tilespmem:$0x858] =	vst v0  }
0xe8: {  	[tilespmem:$0x868] =	vst v0  }
0xe9: {  	[tilespmem:$0x878] =	vst v0  }
0xea: {  	[tilespmem:$0x888] =	vst v0  }
0xeb: {  	[tilespmem:$0x898] =	vst v0  }
0xec: {  	[tilespmem:$0x8A8] =	vst v0  }
0xed: {  	[tilespmem:$0x8B8] =	vst v0  }
0xee: {  	[tilespmem:$0x8C8] =	vst v0  }
0xef: {  	[tilespmem:$0x8D8] =	vst v0  }
0xf0: {  	[tilespmem:$0x8E8] =	vst v0  }
0xf1: {  	[tilespmem:$0x8F8] =	vst v0  }
0xf2: {  	[tilespmem:$0x908] =	vst v0  }
0xf3: {  	[tilespmem:$0x918] =	vst v0  }
0xf4: {  	[tilespmem:$0x928] =	vst v0  }
0xf5: {  	[tilespmem:$0x938] =	vst v0  }
0xf6: {  	[tilespmem:$0x948] =	vst v0  }
0xf7: {  	[tilespmem:$0x958] =	vst v0  }
0xf8: {  	[tilespmem:$0x968] =	vst v0  }
0xf9: {  	[tilespmem:$0x978] =	vst v0  }
0xfa: {  	[tilespmem:$0x988] =	vst v0  }
0xfb: {  	[tilespmem:$0x998] =	vst v0  }
0xfc: {  	[tilespmem:$0x9A8] =	vst v0  }
0xfd: {  	[tilespmem:$0x9B8] =	vst v0  }
0xfe: {  	[tilespmem:$0x9C8] =	vst v0  }
0xff: {  	[tilespmem:$0x9D8] =	vst v0  }
0x100: {  	[tilespmem:$0x9E8] =	vst v0  }
0x101: {  	[tilespmem:$0x9F8] =	vst v0  }
0x102: {  	[tilespmem:$0xA08] =	vst v0  }
0x103: {  	[tilespmem:$0xA18] =	vst v0  }
0x104: {  	[tilespmem:$0xA28] =	vst v0  }
0x105: {  	[tilespmem:$0xA38] =	vst v0  }
0x106: {  	[tilespmem:$0xA48] =	vst v0  }
0x107: {  	[tilespmem:$0xA58] =	vst v0  }
0x108: {  	[tilespmem:$0xA68] =	vst v0  }
0x109: {  	[tilespmem:$0xA78] =	vst v0  }
0x10a: {  	[tilespmem:$0xA88] =	vst v0  }
0x10b: {  	[tilespmem:$0xA98] =	vst v0  }
0x10c: {  	[tilespmem:$0xAA8] =	vst v0  }
0x10d: {  	[tilespmem:$0xAB8] =	vst v0  }
0x10e: {  	[tilespmem:$0xAC8] =	vst v0  }
0x10f: {  	[tilespmem:$0xAD8] =	vst v0  }
0x110: {  	[tilespmem:$0xAE8] =	vst v0  }
0x111: {  	[tilespmem:$0xAF8] =	vst v0  }
0x112: {  	[tilespmem:$0xB08] =	vst v0  }
0x113: {  	[tilespmem:$0xB18] =	vst v0  }
0x114: {  	[tilespmem:$0xB28] =	vst v0  }
0x115: {  	[tilespmem:$0xB38] =	vst v0  }
0x116: {  	[tilespmem:$0xB48] =	vst v0  }
0x117: {  	[tilespmem:$0xB58] =	vst v0  }
0x118: {  	[tilespmem:$0xB68] =	vst v0  }
0x119: {  	[tilespmem:$0xB78] =	vst v0  }
0x11a: {  	[tilespmem:$0xB88] =	vst v0  }
0x11b: {  	[tilespmem:$0xB98] =	vst v0  }
0x11c: {  	[tilespmem:$0xBA8] =	vst v0  }
0x11d: {  	[tilespmem:$0xBB8] =	vst v0  }
0x11e: {  	[tilespmem:$0xBC8] =	vst v0  }
0x11f: {  	[tilespmem:$0xBD8] =	vst v0  }
0x120: {  	[tilespmem:$0xBE8] =	vst v0  }
0x121: {  	[tilespmem:$0xBF8] =	vst v0  }
0x122: {  	[tilespmem:$0xC08] =	vst v0  }
0x123: {  	[tilespmem:$0xC18] =	vst v0  }
0x124: {  	[tilespmem:$0xC28] =	vst v0  }
0x125: {  	[tilespmem:$0xC38] =	vst v0  }
0x126: {  	[tilespmem:$0xC48] =	vst v0  }
0x127: {  	[tilespmem:$0xC58] =	vst v0  }
0x128: {  	[tilespmem:$0xC68] =	vst v0  }
0x129: {  	[tilespmem:$0xC78] =	vst v0  }
0x12a: {  	[tilespmem:$0xC88] =	vst v0  }
0x12b: {  	[tilespmem:$0xC98] =	vst v0  }
0x12c: {  	[tilespmem:$0xCA8] =	vst v0  }
0x12d: {  	[tilespmem:$0xCB8] =	vst v0  }
0x12e: {  	[tilespmem:$0xCC8] =	vst v0  }
0x12f: {  	[tilespmem:$0xCD8] =	vst v0  }
0x130: {  	[tilespmem:$0xCE8] =	vst v0  }
0x131: {  	[tilespmem:$0xCF8] =	vst v0  }
0x132: {  	[tilespmem:$0xD08] =	vst v0  }
0x133: {  	[tilespmem:$0xD18] =	vst v0  }
0x134: {  	[tilespmem:$0xD28] =	vst v0  }
0x135: {  	[tilespmem:$0xD38] =	vst v0  }
0x136: {  	[tilespmem:$0xD48] =	vst v0  }
0x137: {  	[tilespmem:$0xD58] =	vst v0  }
0x138: {  	[tilespmem:$0xD68] =	vst v0  }
0x139: {  	[tilespmem:$0xD78] =	vst v0  }
0x13a: {  	[tilespmem:$0xD88] =	vst v0  }
0x13b: {  	[tilespmem:$0xD98] =	vst v0  }
0x13c: {  	[tilespmem:$0xDA8] =	vst v0  }
0x13d: {  	[tilespmem:$0xDB8] =	vst v0  }
0x13e: {  	[tilespmem:$0xDC8] =	vst v0  }
0x13f: {  	[tilespmem:$0xDD8] =	vst v0  }
0x140: {  	[tilespmem:$0xDE8] =	vst v0  }
0x141: {  	[tilespmem:$0xDF8] =	vst v0  }
0x142: {  	[tilespmem:$0xE08] =	vst v0  }
0x143: {  	[tilespmem:$0xE18] =	vst v0  }
0x144: {  	[tilespmem:$0xE28] =	vst v0  }
0x145: {  	[tilespmem:$0xE38] =	vst v0  }
0x146: {  	[tilespmem:$0xE48] =	vst v0  }
0x147: {  	[tilespmem:$0xE58] =	vst v0  }
0x148: {  	[tilespmem:$0xE68] =	vst v0  }
0x149: {  	[tilespmem:$0xE78] =	vst v0  }
0x14a: {  	[tilespmem:$0xE88] =	vst v0  }
0x14b: {  	[tilespmem:$0xE98] =	vst v0  }
0x14c: {  	[tilespmem:$0xEA8] =	vst v0  }
0x14d: {  	[tilespmem:$0xEB8] =	vst v0  }
0x14e: {  	[tilespmem:$0xEC8] =	vst v0  }
0x14f: {  	[tilespmem:$0xED8] =	vst v0  }
0x150: {  	[tilespmem:$0xEE8] =	vst v0  }
0x151: {  	[tilespmem:$0xEF8] =	vst v0  }
0x152: {  	[tilespmem:$0xF08] =	vst v0  }
0x153: {  	[tilespmem:$0xF18] =	vst v0  }
0x154: {  	[tilespmem:$0xF28] =	vst v0  }
0x155: {  	[tilespmem:$0xF38] =	vst v0  }
0x156: {  	[tilespmem:$0xF48] =	vst v0  }
0x157: {  	[tilespmem:$0xF58] =	vst v0  }
0x158: {  	[tilespmem:$0xF68] =	vst v0  }
0x159: {  	[tilespmem:$0xF78] =	vst v0  }
0x15a: {  	[tilespmem:$0xF88] =	vst v0  }
0x15b: {  	[tilespmem:$0xF98] =	vst v0  }
0x15c: {  	[tilespmem:$0xFA8] =	vst v0  }
0x15d: {  	[tilespmem:$0xFB8] =	vst v0  }
0x15e: {  	[tilespmem:$0xFC8] =	vst v0  }
0x15f: {  	[tilespmem:$0xFD8] =	vst v0  }
0x160: {  	[tilespmem:$0xFE8] =	vst v0  }
0x161: {  	[tilespmem:$0xFF8] =	vst v0  }
0x162: {  	[tilespmem:$0x1008] =	vst v0  }
0x163: {  	[tilespmem:$0x1018] =	vst v0  }
0x164: {  	[tilespmem:$0x1028] =	vst v0  }
0x165: {  	[tilespmem:$0x1178] =	vst v0  }
0x166: {  	[tilespmem:$0x1038] =	vst v0  }
0x167: {  	[tilespmem:$0x1048] =	vst v0  }
0x168: {  	[tilespmem:$0x1058] =	vst v0  }
0x169: {  	[tilespmem:$0x1068] =	vst v0  }
0x16a: {  	[tilespmem:$0x1078] =	vst v0  }
0x16b: {  	[tilespmem:$0x1088] =	vst v0  }
0x16c: {  	[tilespmem:$0x1098] =	vst v0  }
0x16d: {  	[tilespmem:$0x10A8] =	vst v0  }
0x16e: {  	[tilespmem:$0x10B8] =	vst v0  }
0x16f: {  	[tilespmem:$0x10C8] =	vst v0  }
0x170: {  	[tilespmem:$0x10D8] =	vst v0  }
0x171: {  	[tilespmem:$0x10E8] =	vst v0  }
0x172: {  	[tilespmem:$0x10F8] =	vst v0  }
0x173: {  	[tilespmem:$0x1108] =	vst v0  }
0x174: {  	[tilespmem:$0x1118] =	vst v0  }
0x175: {  	[tilespmem:$0x1128] =	vst v0  }
0x176: {  	[tilespmem:$0x1138] =	vst v0  }
0x177: {  	[tilespmem:$0x1148] =	vst v0  }
0x178: {  	[tilespmem:$0x1158] =	vst v0  }
0x179: {  	[tilespmem:$0x1168] =	vst v0  }
0x17a: {  	[tilespmem:$0x1188] =	vst v0  }
0x17b: {  	[tilespmem:$0x1198] =	vst v0  }
0x17c: {  	[tilespmem:$0x11A8] =	vst v0  }
0x17d: {  	[tilespmem:$0x11B8] =	vst v0  }
0x17e: {  	[tilespmem:$0x11C8] =	vst v0  }
0x17f: {  	[tilespmem:$0x11D8] =	vst v0  }
0x180: {  	[tilespmem:$0x11E8] =	vst v0  }
0x181: {  	[tilespmem:$0x11F8] =	vst v0  }
0x182: {  	[tilespmem:$0x1208] =	vst v0  }
0x183: {  	[tilespmem:$0x1218] =	vst v0  }
0x184: {  	[tilespmem:$0x1228] =	vst v0  }
0x185: {  	[tilespmem:$0x1238] =	vst v0  }
0x186: {  	[tilespmem:$0x1248] =	vst v0  }
0x187: {  	[tilespmem:$0x1258] =	vst v0  }
0x188: {  	[tilespmem:$0x1268] =	vst v0  }
0x189: {  	[tilespmem:$0x1278] =	vst v0  }
0x18a: {  	[tilespmem:$0x1288] =	vst v0  }
0x18b: {  	[tilespmem:$0x1298] =	vst v0  }
0x18c: {  	[tilespmem:$0x12A8] =	vst v0  }
0x18d: {  	[tilespmem:$0x12B8] =	vst v0  }
0x18e: {  	[tilespmem:$0x12C8] =	vst v0  }
0x18f: {  	[tilespmem:$0x12D8] =	vst v0  }
0x190: {  	[tilespmem:$0x12E8] =	vst v0  }
0x191: {  	[tilespmem:$0x12F8] =	vst v0  }
0x192: {  	[tilespmem:$0x1308] =	vst v0  }
0x193: {  	[tilespmem:$0x1318] =	vst v0  }
0x194: {  	[tilespmem:$0x1328] =	vst v0  }
0x195: {  	[tilespmem:$0x1338] =	vst v0  }
0x196: {  	[tilespmem:$0x1348] =	vst v0  }
0x197: {  	[tilespmem:$0x1358] =	vst v0  }
0x198: {  	[tilespmem:$0x1368] =	vst v0  }
0x199: {  	[tilespmem:$0x1378] =	vst v0  }
0x19a: {  	[tilespmem:$0x1388] =	vst v0  }
0x19b: {  	[tilespmem:$0x1398] =	vst v0  }
0x19c: {  	[tilespmem:$0x13A8] =	vst v0  }
0x19d: {  	[tilespmem:$0x13B8] =	vst v0  }
0x19e: {  	[tilespmem:$0x13C8] =	vst v0  }
0x19f: {  	[tilespmem:$0x13D8] =	vst v0  }
0x1a0: {  	[tilespmem:$0x13E8] =	vst v0  }
0x1a1: {  	[tilespmem:$0x13F8] =	vst v0  }
0x1a2: {  	[tilespmem:$0x1408] =	vst v0  }
0x1a3: {  	[tilespmem:$0x1418] =	vst v0  }
0x1a4: {  	[tilespmem:$0x1428] =	vst v0  }
0x1a5: {  	[tilespmem:$0x1438] =	vst v0  }
0x1a6: {  	[tilespmem:$0x1448] =	vst v0  }
0x1a7: {  	[tilespmem:$0x1458] =	vst v0  }
0x1a8: {  	[tilespmem:$0x1468] =	vst v0  }
0x1a9: {  	[tilespmem:$0x1478] =	vst v0  }
0x1aa: {  	[tilespmem:$0x1488] =	vst v0  }
0x1ab: {  	[tilespmem:$0x1498] =	vst v0  }
0x1ac: {  	[tilespmem:$0x14A8] =	vst v0  }
0x1ad: {  	[tilespmem:$0x14B8] =	vst v0  }
0x1ae: {  	[tilespmem:$0x14C8] =	vst v0  }
0x1af: {  	[tilespmem:$0x14D8] =	vst v0  }
0x1b0: {  	[tilespmem:$0x14E8] =	vst v0  }
0x1b1: {  	[tilespmem:$0x14F8] =	vst v0  }
0x1b2: {  	[tilespmem:$0x1508] =	vst v0  }
0x1b3: {  	[tilespmem:$0x1518] =	vst v0  }
0x1b4: {  	[tilespmem:$0x1528] =	vst v0  }
0x1b5: {  	[tilespmem:$0x1538] =	vst v0  }
0x1b6: {  	[tilespmem:$0x1548] =	vst v0  }
0x1b7: {  	[tilespmem:$0x1558] =	vst v0  }
0x1b8: {  	[tilespmem:$0x1568] =	vst v0  }
0x1b9: {  	[tilespmem:$0x1578] =	vst v0  }
0x1ba: {  	[tilespmem:$0x1588] =	vst v0  }
0x1bb: {  	[tilespmem:$0x1598] =	vst v0  }
0x1bc: {  	[tilespmem:$0x15A8] =	vst v0  }
0x1bd: {  	[tilespmem:$0x15B8] =	vst v0  }
0x1be: {  	[tilespmem:$0x15C8] =	vst v0  }
0x1bf: {  	[tilespmem:$0x15D8] =	vst v0  }
0x1c0: {  	[tilespmem:$0x15E8] =	vst v0  }
0x1c1: {  	[tilespmem:$0x15F8] =	vst v0  }
0x1c2: {  	[tilespmem:$0x1608] =	vst v0  }
0x1c3: {  	[tilespmem:$0x1618] =	vst v0  }
0x1c4: {  	[tilespmem:$0x1628] =	vst v0  }
0x1c5: {  	[tilespmem:$0x1638] =	vst v0  }
0x1c6: {  	[tilespmem:$0x1648] =	vst v0  }
0x1c7: {  	[tilespmem:$0x1658] =	vst v0  }
0x1c8: {  	[tilespmem:$0x1668] =	vst v0  }
0x1c9: {  	[tilespmem:$0x1678] =	vst v0  }
0x1ca: {  	[tilespmem:$0x1688] =	vst v0  }
0x1cb: {  	[tilespmem:$0x1698] =	vst v0  }
0x1cc: {  	[tilespmem:$0x16A8] =	vst v0  }
0x1cd: {  	[tilespmem:$0x16B8] =	vst v0  }
0x1ce: {  	[tilespmem:$0x16C8] =	vst v0  }
0x1cf: {  	[tilespmem:$0x16D8] =	vst v0  }
0x1d0: {  	[tilespmem:$0x16E8] =	vst v0  }
0x1d1: {  	[tilespmem:$0x16F8] =	vst v0  }
0x1d2: {  	[tilespmem:$0x1708] =	vst v0  }
0x1d3: {  	[tilespmem:$0x1718] =	vst v0  }
0x1d4: {  	[tilespmem:$0x1728] =	vst v0  }
0x1d5: {  	[tilespmem:$0x1738] =	vst v0  }
0x1d6: {  	[tilespmem:$0x1748] =	vst v0  }
0x1d7: {  	[tilespmem:$0x1758] =	vst v0  }
0x1d8: {  	[tilespmem:$0x1768] =	vst v0  }
0x1d9: {  	[tilespmem:$0x1778] =	vst v0  }
0x1da: {  	[tilespmem:$0x1788] =	vst v0  }
0x1db: {  	[tilespmem:$0x1798] =	vst v0  }
0x1dc: {  	[tilespmem:$0x17A8] =	vst v0  }
0x1dd: {  	[tilespmem:$0x17B8] =	vst v0  }
0x1de: {  	[tilespmem:$0x17C8] =	vst v0  }
0x1df: {  	[tilespmem:$0x17D8] =	vst v0  }
0x1e0: {  	[tilespmem:$0x17E8] =	vst v0  }
0x1e1: {  	[tilespmem:$0x17F8] =	vst v0  }
0x1e2: {  	[tilespmem:$0x1808] =	vst v0  }
0x1e3: {  	[tilespmem:$0x1818] =	vst v0  }
0x1e4: {  	[tilespmem:$0x1828] =	vst v0  }
0x1e5: {  	[tilespmem:$0x1838] =	vst v0  }
0x1e6: {  	[tilespmem:$0x1848] =	vst v0  }
0x1e7: {  	[tilespmem:$0x1858] =	vst v0  }
0x1e8: {  	[tilespmem:$0x1868] =	vst v0  }
0x1e9: {  	[tilespmem:$0x1878] =	vst v0  }
0x1ea: {  	[tilespmem:$0x1888] =	vst v0  }
0x1eb: {  	[tilespmem:$0x1898] =	vst v0  }
0x1ec: {  	[tilespmem:$0x18A8] =	vst v0  }
0x1ed: {  	[tilespmem:$0x18B8] =	vst v0  }
0x1ee: {  	[tilespmem:$0x18C8] =	vst v0  }
0x1ef: {  	[tilespmem:$0x18D8] =	vst v0  }
0x1f0: {  	[tilespmem:$0x18E8] =	vst v0  }
0x1f1: {  	[tilespmem:$0x18F8] =	vst v0  }
0x1f2: {  	[tilespmem:$0x1908] =	vst v0  }
0x1f3: {  	[tilespmem:$0x1918] =	vst v0  }
0x1f4: {  	[tilespmem:$0x1928] =	vst v0  }
0x1f5: {  	[tilespmem:$0x1938] =	vst v0  }
0x1f6: {  	[tilespmem:$0x1948] =	vst v0  }
0x1f7: {  	[tilespmem:$0x1958] =	vst v0  }
0x1f8: {  	[tilespmem:$0x1968] =	vst v0  }
0x1f9: {  	[tilespmem:$0x1978] =	vst v0  }
0x1fa: {  	[tilespmem:$0x1988] =	vst v0  }
0x1fb: {  	[tilespmem:$0x1998] =	vst v0  }
0x1fc: {  	[tilespmem:$0x19A8] =	vst v0  }
0x1fd: {  	[tilespmem:$0x19B8] =	vst v0  }
0x1fe: {  	[tilespmem:$0x19C8] =	vst v0  }
0x1ff: {  	[tilespmem:$0x19D8] =	vst v0  }
0x200: {  	[tilespmem:$0x19E8] =	vst v0  }
0x201: {  	[tilespmem:$0x19F8] =	vst v0  }
0x202: {  	[tilespmem:$0x1A08] =	vst v0  }
0x203: {  	[tilespmem:$0x1A18] =	vst v0  }
0x204: {  	[tilespmem:$0x1A28] =	vst v0  }
0x205: {  	[tilespmem:$0x1A38] =	vst v0  }
0x206: {  	[tilespmem:$0x1A48] =	vst v0  }
0x207: {  	[tilespmem:$0x1A58] =	vst v0  }
0x208: {  	[tilespmem:$0x1A68] =	vst v0  }
0x209: {  	[tilespmem:$0x1A78] =	vst v0  }
0x20a: {  	[tilespmem:$0x1A88] =	vst v0  }
0x20b: {  	[tilespmem:$0x1A98] =	vst v0  }
0x20c: {  	[tilespmem:$0x1AA8] =	vst v0  }
0x20d: {  	[tilespmem:$0x1AB8] =	vst v0  }
0x20e: {  	[tilespmem:$0x1AC8] =	vst v0  }
0x20f: {  	[tilespmem:$0x1AD8] =	vst v0  }
0x210: {  	[tilespmem:$0x1AE8] =	vst v0  }
0x211: {  	[tilespmem:$0x1AF8] =	vst v0  }
0x212: {  	[tilespmem:$0x1B08] =	vst v0  }
0x213: {  	[tilespmem:$0x1B18] =	vst v0  }
0x214: {  	[tilespmem:$0x1B28] =	vst v0  }
0x215: {  	[tilespmem:$0x1B38] =	vst v0  }
0x216: {  	[tilespmem:$0x1B48] =	vst v0  }
0x217: {  	[tilespmem:$0x1B58] =	vst v0  }
0x218: {  	[tilespmem:$0x1B68] =	vst v0  }
0x219: {  	[tilespmem:$0x1B78] =	vst v0  }
0x21a: {  	[tilespmem:$0x1B88] =	vst v0  }
0x21b: {  	[tilespmem:$0x1B98] =	vst v0  }
0x21c: {  	[tilespmem:$0x1BA8] =	vst v0  }
0x21d: {  	[tilespmem:$0x1BB8] =	vst v0  }
0x21e: {  	[tilespmem:$0x1BC8] =	vst v0  }
0x21f: {  	[tilespmem:$0x1BD8] =	vst v0  }
0x220: {  	[tilespmem:$0x1BE8] =	vst v0  }
0x221: {  	[tilespmem:$0x1BF8] =	vst v0  }
0x222: {  	[tilespmem:$0x1C08] =	vst v0  }
0x223: {  	[tilespmem:$0x1C18] =	vst v0  }
0x224: {  	[tilespmem:$0x1C28] =	vst v0  }
0x225: {  	[tilespmem:$0x1C38] =	vst v0  }
0x226: {  	[tilespmem:$0x1C48] =	vst v0  }
0x227: {  	[tilespmem:$0x1C58] =	vst v0  }
0x228: {  	[tilespmem:$0x1C68] =	vst v0  }
0x229: {  	[tilespmem:$0x1C78] =	vst v0  }
0x22a: {  	[tilespmem:$0x1C88] =	vst v0  }
0x22b: {  	[tilespmem:$0x1C98] =	vst v0  }
0x22c: {  	[tilespmem:$0x1CA8] =	vst v0  }
0x22d: {  	[tilespmem:$0x1CB8] =	vst v0  }
0x22e: {  	[tilespmem:$0x1CC8] =	vst v0  }
0x22f: {  	[tilespmem:$0x1CD8] =	vst v0  }
0x230: {  	[tilespmem:$0x1CE8] =	vst v0  }
0x231: {  	[tilespmem:$0x1CF8] =	vst v0  }
0x232: {  	[tilespmem:$0x1D08] =	vst v0  }
0x233: {  	[tilespmem:$0x1D18] =	vst v0  }
0x234: {  	[tilespmem:$0x1D28] =	vst v0  }
0x235: {  	[tilespmem:$0x1D38] =	vst v0  }
0x236: {  	[tilespmem:$0x1D48] =	vst v0  }
0x237: {  	[tilespmem:$0x1D58] =	vst v0  }
0x238: {  	[tilespmem:$0x1D68] =	vst v0  }
0x239: {  	[tilespmem:$0x1D78] =	vst v0  }
0x23a: {  	[tilespmem:$0x1D88] =	vst v0  }
0x23b: {  	[tilespmem:$0x1D98] =	vst v0  }
0x23c: {  	[tilespmem:$0x1DA8] =	vst v0  }
0x23d: {  	[tilespmem:$0x1DB8] =	vst v0  }
0x23e: {  	[tilespmem:$0x1DC8] =	vst v0  }
0x23f: {  	[tilespmem:$0x1DD8] =	vst v0  }
0x240: {  	[tilespmem:$0x1DE8] =	vst v0  }
0x241: {  	[tilespmem:$0x1DF8] =	vst v0  }
0x242: {  	[tilespmem:$0x1E08] =	vst v0  }
0x243: {  	[tilespmem:$0x1E18] =	vst v0  }
0x244: {  	[tilespmem:$0x1E28] =	vst v0  }
0x245: {  	[tilespmem:$0x1E38] =	vst v0  }
0x246: {  	[tilespmem:$0x1E48] =	vst v0  }
0x247: {  	[tilespmem:$0x1E58] =	vst v0  }
0x248: {  	[tilespmem:$0x1E68] =	vst v0  }
0x249: {  	[tilespmem:$0x1E78] =	vst v0  }
0x24a: {  	[tilespmem:$0x1E88] =	vst v0  }
0x24b: {  	[tilespmem:$0x1E98] =	vst v0  }
0x24c: {  	[tilespmem:$0x1EA8] =	vst v0  }
0x24d: {  	[tilespmem:$0x1EB8] =	vst v0  }
0x24e: {  	[tilespmem:$0x1EC8] =	vst v0  }
0x24f: {  	[tilespmem:$0x1ED8] =	vst v0  }
0x250: {  	[tilespmem:$0x1EE8] =	vst v0  }
0x251: {  	[tilespmem:$0x1EF8] =	vst v0  }
0x252: {  	[tilespmem:$0x1F08] =	vst v0  }
0x253: {  	[tilespmem:$0x1F18] =	vst v0  }
0x254: {  	[tilespmem:$0x1F28] =	vst v0  }
0x255: {  	[tilespmem:$0x1F38] =	vst v0  }
0x256: {  	[tilespmem:$0x1F48] =	vst v0  }
0x257: {  	[tilespmem:$0x1F58] =	vst v0  }
0x258: {  	[tilespmem:$0x1F68] =	vst v0  }
0x259: {  	[tilespmem:$0x1F78] =	vst v0  }
0x25a: {  	[tilespmem:$0x1F88] =	vst v0  }
0x25b: {  	[tilespmem:$0x1F98] =	vst v0  }
0x25c: {  	[tilespmem:$0x1FA8] =	vst v0  }
0x25d: {  	[tilespmem:$0x1FB8] =	vst v0  }
0x25e: {  	[tilespmem:$0x1FC8] =	vst v0  }
0x25f: {  	[tilespmem:$0x1FD8] =	vst v0  }
0x260: {  	[tilespmem:$0x1FE8] =	vst v0  }
0x261: {  	[tilespmem:$0x1FF8] =	vst v0  }
0x262: {  	[tilespmem:$0x2008] =	vst v0  }
0x263: {  	[tilespmem:$0x2018] =	vst v0  }
0x264: {  	[tilespmem:$0x2028] =	vst v0  }
0x265: {  	[tilespmem:$0x2038] =	vst v0  }
0x266: {  	[tilespmem:$0x2048] =	vst v0  }
0x267: {  	[tilespmem:$0x2058] =	vst v0  }
0x268: {  	[tilespmem:$0x2068] =	vst v0  }
0x269: {  	[tilespmem:$0x2078] =	vst v0  }
0x26a: {  	[tilespmem:$0x2088] =	vst v0  }
0x26b: {  	[tilespmem:$0x2098] =	vst v0  }
0x26c: {  	[tilespmem:$0x20A8] =	vst v0  }
0x26d: {  	[tilespmem:$0x20B8] =	vst v0  }
0x26e: {  	[tilespmem:$0x20C8] =	vst v0  }
0x26f: {  	[tilespmem:$0x20D8] =	vst v0  }
0x270: {  	[tilespmem:$0x20E8] =	vst v0  }
0x271: {  	[tilespmem:$0x20F8] =	vst v0  }
0x272: {  	[tilespmem:$0x2108] =	vst v0  }
0x273: {  	[tilespmem:$0x2118] =	vst v0  }
0x274: {  	[tilespmem:$0x2128] =	vst v0  }
0x275: {  	[tilespmem:$0x2138] =	vst v0  }
0x276: {  	[tilespmem:$0x2148] =	vst v0  }
0x277: {  	[tilespmem:$0x2158] =	vst v0  }
0x278: {  	[tilespmem:$0x2168] =	vst v0  }
0x279: {  	[tilespmem:$0x2198] =	vst v0  }
0x27a: {  	[tilespmem:$0x2258] =	vst v0  }
0x27b: {  	[tilespmem:$0x21D8] =	vst v0  }
0x27c: {  	[tilespmem:$0x3058] =	vst v0  }
0x27d: {  	[tilespmem:$0x3048] =	vst v0  }
0x27e: {  	[tilespmem:$0x3038] =	vst v0  }
0x27f: {  	[tilespmem:$0x3028] =	vst v0  }
0x280: {  	[tilespmem:$0x3018] =	vst v0  }
0x281: {  	[tilespmem:$0x3008] =	vst v0  }
0x282: {  	[tilespmem:$0x2FF8] =	vst v0  }
0x283: {  	[tilespmem:$0x2FE8] =	vst v0  }
0x284: {  	[tilespmem:$0x2FD8] =	vst v0  }
0x285: {  	[tilespmem:$0x2FC8] =	vst v0  }
0x286: {  	[tilespmem:$0x2FB8] =	vst v0  }
0x287: {  	[tilespmem:$0x2FA8] =	vst v0  }
0x288: {  	[tilespmem:$0x2F98] =	vst v0  }
0x289: {  	[tilespmem:$0x2F88] =	vst v0  }
0x28a: {  	[tilespmem:$0x2F78] =	vst v0  }
0x28b: {  	[tilespmem:$0x2F68] =	vst v0  }
0x28c: {  	[tilespmem:$0x2F58] =	vst v0  }
0x28d: {  	[tilespmem:$0x2F48] =	vst v0  }
0x28e: {  	[tilespmem:$0x2F38] =	vst v0  }
0x28f: {  	[tilespmem:$0x2F28] =	vst v0  }
0x290: {  	[tilespmem:$0x2F18] =	vst v0  }
0x291: {  	[tilespmem:$0x2F08] =	vst v0  }
0x292: {  	[tilespmem:$0x2EF8] =	vst v0  }
0x293: {  	[tilespmem:$0x2EE8] =	vst v0  }
0x294: {  	[tilespmem:$0x2ED8] =	vst v0  }
0x295: {  	[tilespmem:$0x2EC8] =	vst v0  }
0x296: {  	[tilespmem:$0x2EB8] =	vst v0  }
0x297: {  	[tilespmem:$0x2EA8] =	vst v0  }
0x298: {  	[tilespmem:$0x2E98] =	vst v0  }
0x299: {  	[tilespmem:$0x2E88] =	vst v0  }
0x29a: {  	[tilespmem:$0x2E78] =	vst v0  }
0x29b: {  	[tilespmem:$0x2E68] =	vst v0  }
0x29c: {  	[tilespmem:$0x2E58] =	vst v0  }
0x29d: {  	[tilespmem:$0x2E48] =	vst v0  }
0x29e: {  	[tilespmem:$0x2E38] =	vst v0  }
0x29f: {  	[tilespmem:$0x2E28] =	vst v0  }
0x2a0: {  	[tilespmem:$0x2E18] =	vst v0  }
0x2a1: {  	[tilespmem:$0x2E08] =	vst v0  }
0x2a2: {  	[tilespmem:$0x2DF8] =	vst v0  }
0x2a3: {  	[tilespmem:$0x2DE8] =	vst v0  }
0x2a4: {  	[tilespmem:$0x2DD8] =	vst v0  }
0x2a5: {  	[tilespmem:$0x2DC8] =	vst v0  }
0x2a6: {  	[tilespmem:$0x2DB8] =	vst v0  }
0x2a7: {  	[tilespmem:$0x2DA8] =	vst v0  }
0x2a8: {  	[tilespmem:$0x2D98] =	vst v0  }
0x2a9: {  	[tilespmem:$0x2D88] =	vst v0  }
0x2aa: {  	[tilespmem:$0x2D78] =	vst v0  }
0x2ab: {  	[tilespmem:$0x2D68] =	vst v0  }
0x2ac: {  	[tilespmem:$0x2D58] =	vst v0  }
0x2ad: {  	[tilespmem:$0x2D48] =	vst v0  }
0x2ae: {  	[tilespmem:$0x2D38] =	vst v0  }
0x2af: {  	[tilespmem:$0x2D28] =	vst v0  }
0x2b0: {  	[tilespmem:$0x2D18] =	vst v0  }
0x2b1: {  	[tilespmem:$0x2D08] =	vst v0  }
0x2b2: {  	[tilespmem:$0x2CF8] =	vst v0  }
0x2b3: {  	[tilespmem:$0x2CE8] =	vst v0  }
0x2b4: {  	[tilespmem:$0x2CD8] =	vst v0  }
0x2b5: {  	[tilespmem:$0x2CC8] =	vst v0  }
0x2b6: {  	[tilespmem:$0x2CB8] =	vst v0  }
0x2b7: {  	[tilespmem:$0x2CA8] =	vst v0  }
0x2b8: {  	[tilespmem:$0x2C98] =	vst v0  }
0x2b9: {  	[tilespmem:$0x2C88] =	vst v0  }
0x2ba: {  	[tilespmem:$0x2C78] =	vst v0  }
0x2bb: {  	[tilespmem:$0x2C68] =	vst v0  }
0x2bc: {  	[tilespmem:$0x2C58] =	vst v0  }
0x2bd: {  	[tilespmem:$0x2C48] =	vst v0  }
0x2be: {  	[tilespmem:$0x2C38] =	vst v0  }
0x2bf: {  	[tilespmem:$0x2C28] =	vst v0  }
0x2c0: {  	[tilespmem:$0x2C18] =	vst v0  }
0x2c1: {  	[tilespmem:$0x2C08] =	vst v0  }
0x2c2: {  	[tilespmem:$0x2BF8] =	vst v0  }
0x2c3: {  	[tilespmem:$0x2BE8] =	vst v0  }
0x2c4: {  	[tilespmem:$0x2BD8] =	vst v0  }
0x2c5: {  	[tilespmem:$0x2BC8] =	vst v0  }
0x2c6: {  	[tilespmem:$0x2BB8] =	vst v0  }
0x2c7: {  	[tilespmem:$0x2BA8] =	vst v0  }
0x2c8: {  	[tilespmem:$0x2B98] =	vst v0  }
0x2c9: {  	[tilespmem:$0x2B88] =	vst v0  }
0x2ca: {  	[tilespmem:$0x2B78] =	vst v0  }
0x2cb: {  	[tilespmem:$0x2B68] =	vst v0  }
0x2cc: {  	[tilespmem:$0x2B58] =	vst v0  }
0x2cd: {  	[tilespmem:$0x2B48] =	vst v0  }
0x2ce: {  	[tilespmem:$0x2B38] =	vst v0  }
0x2cf: {  	[tilespmem:$0x2B28] =	vst v0  }
0x2d0: {  	[tilespmem:$0x2B18] =	vst v0  }
0x2d1: {  	[tilespmem:$0x2B08] =	vst v0  }
0x2d2: {  	[tilespmem:$0x2AF8] =	vst v0  }
0x2d3: {  	[tilespmem:$0x2AE8] =	vst v0  }
0x2d4: {  	[tilespmem:$0x2AD8] =	vst v0  }
0x2d5: {  	[tilespmem:$0x2AC8] =	vst v0  }
0x2d6: {  	[tilespmem:$0x2AB8] =	vst v0  }
0x2d7: {  	[tilespmem:$0x2AA8] =	vst v0  }
0x2d8: {  	[tilespmem:$0x2A98] =	vst v0  }
0x2d9: {  	[tilespmem:$0x2A88] =	vst v0  }
0x2da: {  	[tilespmem:$0x2A78] =	vst v0  }
0x2db: {  	[tilespmem:$0x2A68] =	vst v0  }
0x2dc: {  	[tilespmem:$0x2A58] =	vst v0  }
0x2dd: {  	[tilespmem:$0x2A48] =	vst v0  }
0x2de: {  	[tilespmem:$0x2A38] =	vst v0  }
0x2df: {  	[tilespmem:$0x2A28] =	vst v0  }
0x2e0: {  	[tilespmem:$0x2A18] =	vst v0  }
0x2e1: {  	[tilespmem:$0x2A08] =	vst v0  }
0x2e2: {  	[tilespmem:$0x29F8] =	vst v0  }
0x2e3: {  	[tilespmem:$0x29E8] =	vst v0  }
0x2e4: {  	[tilespmem:$0x29D8] =	vst v0  }
0x2e5: {  	[tilespmem:$0x29C8] =	vst v0  }
0x2e6: {  	[tilespmem:$0x29B8] =	vst v0  }
0x2e7: {  	[tilespmem:$0x29A8] =	vst v0  }
0x2e8: {  	[tilespmem:$0x2998] =	vst v0  }
0x2e9: {  	[tilespmem:$0x2988] =	vst v0  }
0x2ea: {  	[tilespmem:$0x2978] =	vst v0  }
0x2eb: {  	[tilespmem:$0x2968] =	vst v0  }
0x2ec: {  	[tilespmem:$0x2958] =	vst v0  }
0x2ed: {  	[tilespmem:$0x2948] =	vst v0  }
0x2ee: {  	[tilespmem:$0x2938] =	vst v0  }
0x2ef: {  	[tilespmem:$0x2928] =	vst v0  }
0x2f0: {  	[tilespmem:$0x2918] =	vst v0  }
0x2f1: {  	[tilespmem:$0x2908] =	vst v0  }
0x2f2: {  	[tilespmem:$0x28F8] =	vst v0  }
0x2f3: {  	[tilespmem:$0x28E8] =	vst v0  }
0x2f4: {  	[tilespmem:$0x28D8] =	vst v0  }
0x2f5: {  	[tilespmem:$0x28C8] =	vst v0  }
0x2f6: {  	[tilespmem:$0x28B8] =	vst v0  }
0x2f7: {  	[tilespmem:$0x28A8] =	vst v0  }
0x2f8: {  	[tilespmem:$0x2898] =	vst v0  }
0x2f9: {  	[tilespmem:$0x2888] =	vst v0  }
0x2fa: {  	[tilespmem:$0x2878] =	vst v0  }
0x2fb: {  	[tilespmem:$0x2868] =	vst v0  }
0x2fc: {  	[tilespmem:$0x2858] =	vst v0  }
0x2fd: {  	[tilespmem:$0x2848] =	vst v0  }
0x2fe: {  	[tilespmem:$0x2838] =	vst v0  }
0x2ff: {  	[tilespmem:$0x2828] =	vst v0  }
0x300: {  	[tilespmem:$0x2818] =	vst v0  }
0x301: {  	[tilespmem:$0x2808] =	vst v0  }
0x302: {  	[tilespmem:$0x27F8] =	vst v0  }
0x303: {  	[tilespmem:$0x27E8] =	vst v0  }
0x304: {  	[tilespmem:$0x27D8] =	vst v0  }
0x305: {  	[tilespmem:$0x27C8] =	vst v0  }
0x306: {  	[tilespmem:$0x27B8] =	vst v0  }
0x307: {  	[tilespmem:$0x27A8] =	vst v0  }
0x308: {  	[tilespmem:$0x2798] =	vst v0  }
0x309: {  	[tilespmem:$0x2788] =	vst v0  }
0x30a: {  	[tilespmem:$0x2778] =	vst v0  }
0x30b: {  	[tilespmem:$0x2768] =	vst v0  }
0x30c: {  	[tilespmem:$0x2758] =	vst v0  }
0x30d: {  	[tilespmem:$0x2748] =	vst v0  }
0x30e: {  	[tilespmem:$0x2738] =	vst v0  }
0x30f: {  	[tilespmem:$0x2728] =	vst v0  }
0x310: {  	[tilespmem:$0x2718] =	vst v0  }
0x311: {  	[tilespmem:$0x2708] =	vst v0  }
0x312: {  	[tilespmem:$0x26F8] =	vst v0  }
0x313: {  	[tilespmem:$0x26E8] =	vst v0  }
0x314: {  	[tilespmem:$0x26D8] =	vst v0  }
0x315: {  	[tilespmem:$0x26C8] =	vst v0  }
0x316: {  	[tilespmem:$0x26B8] =	vst v0  }
0x317: {  	[tilespmem:$0x26A8] =	vst v0  }
0x318: {  	[tilespmem:$0x2698] =	vst v0  }
0x319: {  	[tilespmem:$0x2688] =	vst v0  }
0x31a: {  	[tilespmem:$0x2678] =	vst v0  }
0x31b: {  	[tilespmem:$0x2668] =	vst v0  }
0x31c: {  	[tilespmem:$0x2658] =	vst v0  }
0x31d: {  	[tilespmem:$0x2648] =	vst v0  }
0x31e: {  	[tilespmem:$0x2638] =	vst v0  }
0x31f: {  	[tilespmem:$0x2628] =	vst v0  }
0x320: {  	[tilespmem:$0x2618] =	vst v0  }
0x321: {  	[tilespmem:$0x2608] =	vst v0  }
0x322: {  	[tilespmem:$0x25F8] =	vst v0  }
0x323: {  	[tilespmem:$0x25E8] =	vst v0  }
0x324: {  	[tilespmem:$0x25D8] =	vst v0  }
0x325: {  	[tilespmem:$0x25C8] =	vst v0  }
0x326: {  	[tilespmem:$0x25B8] =	vst v0  }
0x327: {  	[tilespmem:$0x25A8] =	vst v0  }
0x328: {  	[tilespmem:$0x2598] =	vst v0  }
0x329: {  	[tilespmem:$0x2588] =	vst v0  }
0x32a: {  	[tilespmem:$0x2578] =	vst v0  }
0x32b: {  	[tilespmem:$0x2568] =	vst v0  }
0x32c: {  	[tilespmem:$0x2558] =	vst v0  }
0x32d: {  	[tilespmem:$0x2548] =	vst v0  }
0x32e: {  	[tilespmem:$0x2538] =	vst v0  }
0x32f: {  	[tilespmem:$0x2528] =	vst v0  }
0x330: {  	[tilespmem:$0x2518] =	vst v0  }
0x331: {  	[tilespmem:$0x2508] =	vst v0  }
0x332: {  	[tilespmem:$0x24F8] =	vst v0  }
0x333: {  	[tilespmem:$0x24E8] =	vst v0  }
0x334: {  	[tilespmem:$0x24D8] =	vst v0  }
0x335: {  	[tilespmem:$0x24C8] =	vst v0  }
0x336: {  	[tilespmem:$0x24B8] =	vst v0  }
0x337: {  	[tilespmem:$0x24A8] =	vst v0  }
0x338: {  	[tilespmem:$0x2498] =	vst v0  }
0x339: {  	[tilespmem:$0x2488] =	vst v0  }
0x33a: {  	[tilespmem:$0x2478] =	vst v0  }
0x33b: {  	[tilespmem:$0x2468] =	vst v0  }
0x33c: {  	[tilespmem:$0x2458] =	vst v0  }
0x33d: {  	[tilespmem:$0x2448] =	vst v0  }
0x33e: {  	[tilespmem:$0x2438] =	vst v0  }
0x33f: {  	[tilespmem:$0x2428] =	vst v0  }
0x340: {  	[tilespmem:$0x2418] =	vst v0  }
0x341: {  	[tilespmem:$0x2408] =	vst v0  }
0x342: {  	[tilespmem:$0x23F8] =	vst v0  }
0x343: {  	[tilespmem:$0x23E8] =	vst v0  }
0x344: {  	[tilespmem:$0x23D8] =	vst v0  }
0x345: {  	[tilespmem:$0x23C8] =	vst v0  }
0x346: {  	[tilespmem:$0x23B8] =	vst v0  }
0x347: {  	[tilespmem:$0x23A8] =	vst v0  }
0x348: {  	[tilespmem:$0x2398] =	vst v0  }
0x349: {  	[tilespmem:$0x2388] =	vst v0  }
0x34a: {  	[tilespmem:$0x2378] =	vst v0  }
0x34b: {  	[tilespmem:$0x2368] =	vst v0  }
0x34c: {  	[tilespmem:$0x2358] =	vst v0  }
0x34d: {  	[tilespmem:$0x2348] =	vst v0  }
0x34e: {  	[tilespmem:$0x2338] =	vst v0  }
0x34f: {  	[tilespmem:$0x2328] =	vst v0  }
0x350: {  	[tilespmem:$0x2318] =	vst v0  }
0x351: {  	[tilespmem:$0x2308] =	vst v0  }
0x352: {  	[tilespmem:$0x22F8] =	vst v0  }
0x353: {  	[tilespmem:$0x22E8] =	vst v0  }
0x354: {  	[tilespmem:$0x22D8] =	vst v0  }
0x355: {  	[tilespmem:$0x22C8] =	vst v0  }
0x356: {  	[tilespmem:$0x22B8] =	vst v0  }
0x357: {  	[tilespmem:$0x22A8] =	vst v0  }
0x358: {  	[tilespmem:$0x2298] =	vst v0  }
0x359: {  	[tilespmem:$0x2288] =	vst v0  }
0x35a: {  	s4 =	stileid.u32;
	[tilespmem:$0x2278] =	vst v0  }
0x35b: {  	s0 =	smul.u32 $0x82, s4;
	[tilespmem:$0x2268] =	vst v0  }
0x35c: {  	s1 =	smin.u32 s4, $0x4;
	[tilespmem:$0x2238] =	vst v0  }
0x35d: {  	[tilespmem:$0x2248] =	vst v0;
	s0 =	sadd.s32 s1, s0  }
0x35e: {  	p0 =	slt.u32 s4, $0x4;
	[tilespmem:$0x2228] =	vst v0;
	s1 =	simm.s32 $0xC480;
	s8 =	smul.u32 $0x180, s0  }
0x35f: {  	s1 =	simm.s32 @!p0 $0xC300;
	[tilespmem:$0x21A8] =	vst v0  }
0x360: {  	[tilespmem:$0x2218] =	vst v0;
	s0 =	sadd.s32 s1, s8  }
0x361: {  	s3 =	simm.s32 $0x2;
	[tilespmem:$0x2208] =	vst v0;
	s9 =	smin.u32 s0, $0xC3500  }
0x362: {  	s11 =	simm.s32 $0x9;
	s12 =	simm.s32 $0xA;
	[tilespmem:$0x21F8] =	vst v0;
	s0 =	ssub.s32 s9, s8  }
0x363: {  	s16 =	simm.s32 $0x0;
	p4 =	por $0x0, $0x0;
	[tilespmem:$0x21E8] =	vst v0;
	p0 =	sgt.s32 s0, $0x0  }
0x364: {  	s17 =	simm.s32 $0xC;
	s21 =	simm.s32 $0x0;
	[tilespmem:$0x21C8] =	vst v0;
	s0 =	simm.s32 @!p0 $0x0  }
0x365: {  	s18 =	simm.s32 $0x0;
	s2 =	sand.u32 $0x1, s2;
	[tilespmem:$0x21B8] =	vst v0;
	s30 =	smulhi.u32 $0x2AAAAAAB, s0  }
0x366: {  	s20 =	simm.s32 $0x0;
	s31 =	sshll.u32 s4, $0x6;
	[tilespmem:$0x2188] =	vst v0;
	[dreg:$0x5] =	wrdreg s2  }
0x367: {  	s2 =	smul.u32 $0x186A0, s2;
	[tilespmem:$0x2178] =	vst v0;
	[sflag:s3] =	ssyncpa.u1 $0x0;
	s1 =	sshrl.u32 s30, $0x6  }
0x368: {  	v0 =	vimm.s32 $0xFFFFFFFF;
	s3 =	sadd.s32 $0x252200, s6;
	[dreg:$0x4] =	wrdreg s31;
	s5 =	smul.u32 $0x180, s1  }
.Ltmp7:
0x369: {  	[tilespmem:$0x6088] =	vst v0;
	[sflag:s11] =	ssyncpa.u1 $0x0;
	s2 =	sadd.s32 s2, s6;
	(pc) =	sbr.rel .LBB3_1-.Ltmp7, $4  }
0x36a: {  	[sflag:s12] =	ssyncpa.u1 $0x0;
	s12 =	simm.s32 $0xB;
	p0 =	sne.s32 s0, s5  }
0x36b: {  	s6 =	sadd.s32 $0x4AFDA00, s6;
	[sflag:s12] =	ssyncpa.u1 $0x0;
	s7 =	simm.s32 @!p0 $0x0  }
0x36c: {  	s13 =	sadd.s32 $0x4ACCC00, s2;
	s14 =	sadd.s32 $0x39000, s2;
	s7 =	sadd.s32 s7, s1  }
0x36d: {  	v0 =	vlaneseq.u32;
	s19 =	smov.u32 s8;
	p0 =	por $0x1, $0x1;
	s15 =	sadd.s32 $0x1, s7  }
.LBB3_18:
0x36e: {  	s0 =	simm.s32 $0x2  }
0x36f: {  	_ =	swait.ge [sflag:s0], $0x0  }
0x370: {  	[sflag:s0] =	ssyncset.done $0x0;
	s0 =	simm.s32 $0x0  }
.LBB3_19:
0x371: {  	_ =	swait.ge [sflag:s17], s0  }
0x372: {  	s31 =	ssub.s32 $0x0, s0;
	v1 =	vmov s23;
	vm0 =	veq.s32 v0, $0x0;
	[sflag:s17] =	ssyncset.done $0x0  }
0x373: {  	vm15 =	veq.s32 v0, $0x2;
	v1 =	vsel vm0, s28, v1;
	[sflag:s17] =	ssyncadd.s32 s31  }
0x374: {  	v1 =	vsel vm15, s21, v1;
	[sflag:s17] =	ssyncpa.u1 $0x1  }
0x375: {  	[tilespmem:$0x6088] =	vst v1  }
.LBB3_20:
0x376: {  	s0 =	sadd.s32 $0x180, s19  }
0x377: {  	s1 =	smov.u32 s8;
	p1 =	slt.s32 s0, s9  }
0x378: {  	s1 =	smov.u32 @p1 s0;
	p1 =	sne.s32 s20, s15  }
.Ltmp8:
0x379: {  	_ = 	snop;
	(pc) =	sbr.rel @!p1 .LBB3_21-.Ltmp8, $4  }
0x37a: {  	_ = 	snop  }
0x37b: {  	s21 =	smov.u32 s18  }
0x37c: {  	s31 =	sadd.s32 $0x1, s20;
	s18 =	smov.u32 s19;
	p0 =	por !p0, !p0  }
0x37d: {  	p4 =	por !p4, !p4;
	s20 =	smov.u32 s31;
	s19 =	smov.u32 s1  }
.LBB3_1:
0x37e: {  	p2 =	sge.u32 s20, s7  }
0x37f: {  	s0 =	smulhi.u32 @!p2 $0xAAAAAAAB, s20  }
0x380: {  	s1 =	smov.u32 s19;
	p3 =	sgt.s32 @!p2 s19, $0xC3380  }
0x381: {  	s2 =	sshra.s32 @!p2 s19, $0x1F;
	p3 =	por !p3, p2;
	s0 =	sshrl.u32 @!p2 s0, $0x1  }
0x382: {  	s2 =	sand.u32 @!p2 s2, s19;
	s1 =	simm.s32 @p3 $0xC3380;
	s0 =	smul.u32 @!p2 $0x3, s0  }
0x383: {  	s1 =	ssub.s32 @!p2 s1, s2  }
0x384: {  	s22 =	sadd.s32 $0xFFFFFFFF, s20;
	s1 =	sadd.s32 @!p2 $0xFFF3CC80, s1;
	s0 =	ssub.s32 @!p2 s20, s0  }
0x385: {  	s2 =	sshll.u32 @!p2 s1, $0x2;
	p3 =	sgt.s32 @!p2 s1, $0x17F;
	s0 =	smul.u32 @!p2 $0x600, s0  }
0x386: {  	s5 =	sand.u32 @!p2 $0x7, s19;
	s1 =	ssub.s32 @!p2 $0x600, s2;
	p3 =	por !p3, p2  }
0x387: {  	s2 =	sshrl.u32 @!p2 s19, $0x3;
	s1 =	sshrl.u32 @!p2 s1, $0x2;
	s0 =	sshrl.u32 @!p2 s0, $0x2  }
0x388: {  	s2 =	sadd.s32 @!p2 s2, s13;
	s1 =	simm.s32 @!p3 $0x0;
	s0 =	sadd.s32 @!p2 $0x64C8, s0  }
0x389: {  	[tilespmem:s0], [sflag:$0xA] =	stream.linear.gather @!p2 [hbm4b:s2+s5], s1, $0x38;
	[tilespmem:$0x1EC48] =	vst v63  }
0x38a: {  	p2 =	sge.u32 s22, s7  }
0x38b: {  	p3 =	sgt.s32 @!p2 s18, $0xC3380  }
0x38c: {  	s0 =	smov.u32 s18;
	s1 =	sshra.s32 @!p2 s18, $0x1F;
	p3 =	por !p3, p2  }
0x38d: {  	s1 =	sand.u32 @!p2 s1, s18;
	s0 =	simm.s32 @p3 $0xC3380  }
0x38e: {  	s0 =	ssub.s32 @!p2 s0, s1  }
0x38f: {  	s0 =	sadd.s32 @!p2 $0xFFF3CC80, s0  }
0x390: {  	s1 =	sshll.u32 @!p2 s0, $0x2  }
0x391: {  	p3 =	sgt.s32 @!p2 s0, $0x17F;
	s0 =	ssub.s32 @!p2 $0x600, s1  }
0x392: {  	p3 =	por !p3, p2;
	s0 =	sshrl.u32 @!p2 s0, $0x2  }
0x393: {  	s2 =	simm.s32 @!p2 $0xA;
	s1 =	sand.u32 @!p2 $0x1, s22;
	s0 =	simm.s32 @!p3 $0x0  }
0x394: {  	s1 =	smul.u32 @!p2 $0x600, s1;
	_ =	swait.ge @!p2 [sflag:s2], s0  }
0x395: {  	s5 =	ssub.s32 @!p2 $0x0, s0;
	[sflag:s2] =	ssyncset.done @!p2 $0x0  }
0x396: {  	s1 =	sshrl.u32 @!p2 s1, $0x2;
	[sflag:s2] =	ssyncadd.s32 @!p2 s5;
	s2 =	sshrl.u32 @!p2 s18, $0x3  }
0x397: {  	s1 =	sadd.s32 @!p2 $0x6948, s1;
	s5 =	sand.u32 @!p2 $0x7, s18;
	s2 =	sadd.s32 @!p2 s2, s14  }
0x398: {  	[tilespmem:s1], [sflag:$0xB] =	stream.linear.gather @!p2 [hbm4b:s2+s5], s0, $0x38;
	[tilespmem:$0x1EC48] =	vst v63  }
0x399: {  	s0 =	ssub.s32 @!p2 $0xC3500, s18  }
0x39a: {  	p3 =	slt.s32 @!p2 s0, $0x1  }
0x39b: {  	p3 =	por p2, p3  }
.Ltmp9:
0x39c: {  	_ = 	snop;
	(pc) =	sbr.rel @p3 .LBB3_7-.Ltmp9, $1  }
0x39d: {  	_ =	sdelay $0x3  }
0x39e: {  	s1 =	smulhi.u32 $0xAAAAAAAB, s22;
	_ =	sdelay $0x1  }
0x39f: {  	s1 =	sshrl.u32 s1, $0x1  }
0x3a0: {  	s1 =	smul.u32 $0x3, s1;
	_ =	sdelay $0x1  }
0x3a1: {  	s1 =	ssub.s32 s22, s1  }
0x3a2: {  	s2 =	simm.s32 $0x1;
	s1 =	smul.u32 $0x600, s1  }
.Ltmp10:
0x3a3: {  	s2 =	simm.s32 @!p0 $0x0;
	(pc) =	sbr.rel .LBB3_4-.Ltmp10, $4  }
0x3a4: {  	s2 =	smul.u32 $0x30000, s2  }
0x3a5: {  	p3 =	slt.s32 @!p2 s0, $0x180;
	s1 =	sshrl.u32 s1, $0x2  }
0x3a6: {  	p2 =	por !p3, p2;
	s2 =	sshrl.u32 s2, $0x2;
	s1 =	sadd.s32 $0x64C8, s1  }
0x3a7: {  	s23 =	simm.s32 $0x0;
	s0 =	simm.s32 @p2 $0x180;
	s22 =	sadd.s32 $0x6C48, s2;
	v1 =	vmov s1  }
.LBB3_3:
0x3a8: {  	p2 =	sge.s32 s23, s0  }
.Ltmp11:
0x3a9: {  	_ = 	snop;
	(pc) =	sbr.rel @p2 .LBB3_7-.Ltmp11, $2  }
0x3aa: {  	_ =	sdelay $0x2  }
0x3ab: {  	s22 =	sadd.s32 $0x800, s22  }
.LBB3_4:
0x3ac: {  	p2 =	sle.s32 s0, s23  }
.Ltmp12:
0x3ad: {  	_ = 	snop;
	(pc) =	sbr.rel @p2 .LBB3_3-.Ltmp12, $2  }
0x3ae: {  	_ =	sdelay $0x2  }
0x3af: {  	s24 =	smov.u32 s23;
	s23 =	sadd.s32 $0x10, s23  }
0x3b0: {  	s1 =	ssub.s32 s0, s24  }
0x3b1: {  	p2 =	slt.s32 s1, $0x10  }
0x3b2: {  	s1 =	simm.s32 @!p2 $0x10  }
0x3b3: {  	v2 =	vmov s1  }
0x3b4: {  	vm0 =	vgt.s32 v2, v0;
	_ =	sdelay $0x5  }
0x3b5: {  	v2 =	vld.idx.msk [tilespmem:v1+s24+$0x0 ss:$0x1], vm0;
	_ =	sdelay $0x2  }
0x3b6: {  	p2 =	slt.s32 s23, s0;
	s1 =	smov.u32 s0  }
0x3b7: {  	s2 =	smov.u32 s22;
	s25 =	simm.s32 $0x0;
	s1 =	smov.u32 @p2 s23  }
.LBB3_6:
0x3b8: {  	(v2sf) =	vpush v2, s25;
	_ =	sdelay $0xc  }
0x3b9: {  	s25 =	sadd.s32 $0x1, s25  }
0x3ba: {  	s31 =	sadd.s32 s25, s24  }
0x3bb: {  	p2 =	slt.s32 s31, s1;
	s5 =	spop (v2sf)  }
.Ltmp13:
0x3bc: {  	s5 =	sshll.u32 s5, $0x4;
	(pc) =	sbr.rel @p2 .LBB3_6-.Ltmp13, $4  }
0x3bd: {  	s5 =	sand.u32 $0x1FFFFFF0, s5  }
0x3be: {  	s5 =	sadd.s32 s6, s5  }
0x3bf: {  	[tilespmem:s2], [sflag:$0x9] =	stream.linear.gather [hbm4b:s5+s16], $0x13, $0x38;
	[tilespmem:$0x1EC48] =	vst v63  }
0x3c0: {  	s2 =	sadd.s32 $0x80, s2  }
.Ltmp14:
0x3c1: {  	_ = 	snop;
	(pc) =	sbr.rel .LBB3_3-.Ltmp14, $1  }
0x3c2: {  	_ =	sdelay $0x3  }
.LBB3_7:
0x3c3: {  	p2 =	slt.u32 s20, $0x2  }
.Ltmp15:
0x3c4: {  	_ = 	snop;
	(pc) =	sbr.rel @p2 .LBB3_20-.Ltmp15, $1  }
0x3c5: {  	_ =	sdelay $0x3  }
0x3c6: {  	s0 =	ssub.s32 $0xC3500, s21;
	p2 =	sgt.s32 s21, $0xC3380  }
0x3c7: {  	s1 =	smov.u32 s21;
	s2 =	sshra.s32 s21, $0x1F;
	p3 =	slt.s32 s0, $0x180  }
0x3c8: {  	s1 =	simm.s32 @!p2 $0xC3380;
	s2 =	sand.u32 s2, s21;
	s0 =	simm.s32 @!p3 $0x180  }
0x3c9: {  	s1 =	ssub.s32 s1, s2;
	s0 =	smul.u32 $0x4C, s0  }
0x3ca: {  	s1 =	sadd.s32 $0xFFF3CC80, s1  }
0x3cb: {  	s26 =	sshll.u32 s1, $0x2;
	s0 =	sshrl.u32 s0, $0x2  }
0x3cc: {  	p2 =	sgt.s32 s1, $0x17F;
	s28 =	ssub.s32 $0x600, s26;
	_ =	swait.ge [sflag:s11], s0  }
0x3cd: {  	s0 =	ssub.s32 $0x0, s0;
	s1 =	sshrl.u32 s28, $0x2;
	[sflag:s11] =	ssyncset.done $0x0  }
0x3ce: {  	s1 =	simm.s32 @p2 $0x0;
	[sflag:s11] =	ssyncadd.s32 s0  }
0x3cf: {  	_ =	swait.ge [sflag:s12], s1  }
0x3d0: {  	s29 =	ssub.s32 $0x0, s1;
	[sflag:s12] =	ssyncset.done $0x0  }
0x3d1: {  	[sflag:s12] =	ssyncadd.s32 s29  }
0x3d2: {  	v1 =	vld [tilespmem:$0x6088];
	_ =	sdelay $0x4  }
0x3d3: {  	(v2sf) =	vpush v1, $0x0  }
0x3d4: {  	(v2sf) =	vpush v1, $0x1  }
0x3d5: {  	(v2sf) =	vpush v1, $0x2;
	_ =	sdelay $0x3  }
0x3d6: {  	s0 =	sadd.s32 $0x180, s21  }
0x3d7: {  	p2 =	slt.s32 s9, s0;
	s1 =	ssub.s32 $0x186A00, s21  }
0x3d8: {  	s0 =	smov.u32 @p2 s9;
	p2 =	sgt.s32 s1, $0x0  }
0x3d9: {  	s0 =	ssub.s32 s0, s21;
	s1 =	simm.s32 @!p2 $0x0  }
0x3da: {  	p2 =	slt.s32 s1, s0  }
0x3db: {  	s0 =	smov.u32 @p2 s1  }
0x3dc: {  	s24 =	simm.s32 $0x1;
	p2 =	slt.s32 s0, $0x1  }
.Ltmp16:
0x3dd: {  	s24 =	simm.s32 @!p4 $0x0;
	(pc) =	sbr.rel @p2 .LBB3_12-.Ltmp16, $4  }
0x3de: {  	s30 =	smul.u32 $0x600, s24  }
0x3df: {  	s25 =	spop (v2sf)  }
0x3e0: {  	s31 =	sshrl.u32 s30, $0x2;
	s26 =	spop (v2sf)  }
0x3e1: {  	s22 =	sadd.s32 $0x6948, s31;
	s21 =	spop (v2sf)  }
0x3e2: {  	s1 =	smin.u32 s0, $0x10  }
0x3e3: {  	v1 =	vmov s1  }
0x3e4: {  	p3 =	sgt.s32 s0, $0x10;
	vm1 =	vgt.u32 v1, v0  }
.Ltmp17:
0x3e5: {  	_ = 	snop;
	(pc) =	sbr.rel @!p3 .LBB3_11-.Ltmp17, $2  }
0x3e6: {  	_ =	sdelay $0x2  }
0x3e7: {  	s28 =	simm.s32 $0x10;
	s29 =	sadd.s32 $0xFFFFFFF0, s0;
	s23 =	smov.u32 s22;
	vm0 =	vmmov vm1  }
.LBB3_10:
0x3e8: {  	s1 =	smin.u32 s29, $0x10;
	s28 =	sadd.s32 $0x10, s28;
	v1 =	vld.msk [tilespmem:s23+$0x0 ss:$0x1], vm1  }
0x3e9: {  	v2 =	vmov s1;
	p3 =	slt.s32 s28, s0  }
0x3ea: {  	vm1 =	vgt.u32 v2, v0  }
.Ltmp18:
0x3eb: {  	(pc) =	sbr.rel @p3 .LBB3_10-.Ltmp18, $3  }
0x3ec: {  	_ =	sdelay $0x1  }
0x3ed: {  	v1 =	vshll.u32 v1, $0x4  }
0x3ee: {  	s29 =	sadd.s32 $0xFFFFFFF0, s29;
	[tilespmem:s23+$0x0] =	vst.msk vm0, v1;
	s23 =	sadd.s32 $0x10, s23;
	vm0 =	vmmov vm1  }
.LBB3_11:
0x3ef: {  	_ =	sdelay $0x4  }
0x3f0: {  	v1 =	vld.msk [tilespmem:s23+$0x0 ss:$0x1], vm1;
	_ =	sdelay $0x4  }
0x3f1: {  	v1 =	vshll.u32 v1, $0x4  }
0x3f2: {  	[tilespmem:s23+$0x0] =	vst.msk vm0, v1  }
.LBB3_12:
0x3f3: {  	s1 =	sand.u32 $0x1, s20  }
0x3f4: {  	s1 =	smul.u32 $0x180, s1  }
0x3f5: {  	p3 =	sne.s32 s26, $0xFFFFFFFF  }
0x3f6: {  	v1 =	vld.msk @!p3 [tilespmem:s1+$0x6948], $0x1;
	_ =	sdelay $0x4  }
0x3f7: {  	(v2sf) =	vpush @!p3 v1, $0x0;
	_ =	sdelay $0xc  }
.Ltmp19:
0x3f8: {  	_ = 	snop;
	(pc) =	sbr.rel @p2 .LBB3_18-.Ltmp19, $4  }
0x3f9: {  	_ = 	snop  }
0x3fa: {  	s28 =	spop @!p3 (v2sf)  }
0x3fb: {  	s21 =	simm.s32 @!p3 $0x0;
	s23 =	smov.u32 s28  }
0x3fc: {  	[sflag:s17] =	ssyncpa.u1 $0x0;
	s28 =	smov.u32 @p3 s25;
	s23 =	smov.u32 @p3 s26  }
0x3fd: {  	v1 =	vld.msk [tilespmem:s22+$0x0], $0x1;
	_ =	sdelay $0x4  }
0x3fe: {  	(v2sf) =	vpush v1, $0x0;
	_ =	sdelay $0xd  }
0x3ff: {  	s1 =	simm.s32 @!p4 $0x0  }
0x400: {  	s26 =	smul.u32 $0x30000, s24;
	s29 =	ssub.s32 $0x0, s0;
	s30 =	spop (v2sf)  }
0x401: {  	s1 =	simm.s32 @p4 $0x1;
	s0 =	sadd.s32 $0x1, s29;
	p2 =	seq.s32 s28, s30  }
0x402: {  	[smem:$0x7FD] =	sst s1;
	s1 =	sshrl.u32 s26, $0x2;
	p3 =	sgt.s32 @!p2 s28, $0x0  }
0x403: {  	s24 =	sadd.s32 $0x6C58, s1;
	s1 =	smov.u32 s28;
	p3 =	por !p3, p2  }
0x404: {  	s1 =	simm.s32 @p3 $0x0;
	p3 =	seq.s32 s0, $0x0  }
.Ltmp20:
0x405: {  	_ = 	snop;
	(pc) =	sbr.rel @p3 .LBB3_15-.Ltmp20, $4  }
0x406: {  	_ = 	snop  }
0x407: {  	s25 =	simm.s32 $0x0;
	s31 =	simm.s32 @!p2 $0x1;
	s2 =	smin.u32 @!p2 s1, $0xC34FD  }
0x408: {  	s26 =	sadd.s32 $0x1, s22;
	s31 =	smov.u32 @p2 s25;
	s5 =	sand.u32 @!p2 $0xFFFF8, s2  }
0x409: {  	s1 =	simm.s32 @!p2 $0x3068;
	s2 =	sand.u32 @!p2 $0x7, s2;
	s5 =	sadd.s32 @!p2 s3, s5  }
.LBB3_14:
0x40a: {  	s4 =	smov.u32 s31  }
0x40b: {  	[tilespmem:s1], [sflag:$0x2] =	stream.linear.gather @!p2 [hbm4b:s5+s2], $0x13, $0x38;
	[tilespmem:$0x1EC48] =	vst v63  }
0x40c: {  	s0 =	sadd.s32 $0x1, s0;
	s2 =	smov.u32 s30;
	v1 =	vld.msk [tilespmem:s26+$0x0], $0x1  }
0x40d: {  	p3 =	seq.s32 s0, $0x0;
	_ =	sdelay $0x3  }
0x40e: {  	(v2sf) =	vpush v1, $0x0;
	_ =	sdelay $0xe  }
0x40f: {  	s30 =	spop (v2sf)  }
0x410: {  	p2 =	seq.s32 s2, s30  }
0x411: {  	p4 =	sgt.s32 @!p2 s2, $0x0;
	s1 =	sshll.u32 @!p2 s31, $0x7;
	s31 =	sadd.s32 @!p2 $0x1, s31  }
.Ltmp21:
0x412: {  	p4 =	por !p4, p2;
	s1 =	sshra.s32 @!p2 s1, $0x2;
	(pc) =	sbr.rel @!p3 .LBB3_14-.Ltmp21, $4  }
0x413: {  	s31 =	smov.u32 @p2 s4;
	s2 =	simm.s32 @p4 $0x0;
	s1 =	sadd.s32 @!p2 $0x3068, s1  }
0x414: {  	s2 =	smin.u32 @!p2 s2, $0xC34FD  }
0x415: {  	s4 =	sand.u32 @!p2 $0xFFFF8, s2;
	s2 =	sand.u32 @!p2 $0x7, s2  }
0x416: {  	s26 =	sadd.s32 $0x1, s26;
	s5 =	sadd.s32 @!p2 s3, s4  }
.LBB3_15:
0x417: {  	s0 =	smul.u32 $0x4C, s31  }
0x418: {  	[tilespmem:s1], [sflag:$0x2] =	stream.linear.gather @!p2 [hbm4b:s5+s2], $0x13, $0x38;
	[tilespmem:$0x1EC48] =	vst v63  }
0x419: {  	s31 =	simm.s32 $0x2;
	s0 =	sshrl.u32 s0, $0x2  }
0x41a: {  	_ =	swait.ge [sflag:s31], s0  }
0x41b: {  	s0 =	ssub.s32 $0x0, s0;
	[sflag:s31] =	ssyncset.done $0x0  }
0x41c: {  	[sflag:s31] =	ssyncadd.s32 s0  }
0x41d: {  	v1 =	vld.msk [tilespmem:s22+$0x0], $0x1;
	_ =	sdelay $0x4  }
0x41e: {  	(v2sf) =	vpush v1, $0x0;
	_ =	sdelay $0xe  }
0x41f: {  	s26 =	spop (v2sf)  }
0x420: {  	p2 =	sne.s32 s28, s26  }
0x421: {  	p4 =	sne.s32 @p2 s28, s23  }
0x422: {  	p3 =	por !p4, !p2  }
0x423: {  	s0 =	simm.s32 @!p3 $0x0  }
0x424: {  	v1 =	vld @!p3 [tilespmem:s0+$0x3068];
	_ =	sdelay $0x2  }
0x425: {  	s1 =	sshll.u32 @!p3 s21, $0x7  }
0x426: {  	s1 =	sshra.s32 @!p3 s1, $0x2  }
0x427: {  	[tilespmem:s1+$0x48] =	vst.add.f32.msk @!p3 $0xffff, v1  }
0x428: {  	v1 =	vld.msk @!p3 [tilespmem:s0+$0x3078], $0x7  }
0x429: {  	p5 =	sgt.u32 @!p3 s28, $0xC34FD  }
0x42a: {  	p6 =	por @p2 p5, !p4  }
0x42b: {  	p1 =	por p6, !p2;
	p6 =	por p4, !p2  }
0x42c: {  	s4 =	sand.u32 @!p1 $0xFFFF8, s28;
	s5 =	sshll.u32 @!p6 s21, $0x7;
	s28 =	sand.u32 @!p1 $0x7, s28  }
0x42d: {  	s0 =	sadd.s32 @!p3 $0x48, s1;
	[tilespmem:s1+$0x58] =	vst.add.f32.msk @!p3 $0x7, v1;
	s1 =	sadd.s32 @!p1 s3, s4;
	s4 =	sshra.s32 @!p6 s5, $0x2  }
0x42e: {  	[hbm4b:s1+s28] =	stream.linear.scatter @!p1 [tilespmem:s0], [sflag:$0xC], $0x13, $0x38;
	[tilespmem:$0x1EC48] =	vst v63  }
0x42f: {  	s2 =	rddreg [dreg:$0x4];
	s0 =	sadd.s32 @!p6 $0x48, s4;
	s1 =	simm.s32 @!p6 $0x1  }
0x430: {  	[spmem:s2] =	stream.linear.scatter @!p6 [tilespmem:s0], [sflag:$0x1], $0x13, $0x38;
	[tilespmem:$0x1EC48] =	vst v63  }
0x431: {  	s0 =	sadd.s32 @p2 $0x1, s21;
	_ =	swait.ge @!p6 [sflag:s1], $0x13  }
0x432: {  	s2 =	smulhi.u32 @p2 $0xAAAAAAAB, s0;
	[sflag:s1] =	ssyncset.done @!p6 $0x0  }
0x433: {  	[sflag:s1] =	ssyncadd.s32 @!p6 $0xFFFFFFED  }
0x434: {  	s1 =	sshrl.u32 @p2 s2, $0x8;
	v1 =	vld @p2 [tilespmem:s24+$0xFFFFFFF0]  }
0x435: {  	s1 =	smul.u32 @p2 $0x180, s1;
	_ =	sdelay $0x1  }
0x436: {  	s1 =	ssub.s32 @p2 s0, s1  }
0x437: {  	s0 =	sshll.u32 @p2 s1, $0x5  }
0x438: {  	[tilespmem:s0+$0x48] =	vst @p2 v1  }
0x439: {  	v1 =	vld.msk @p2 [tilespmem:s24+$0x0], $0x7;
	_ =	sdelay $0x4  }
0x43a: {  	p1 =	por @p2 !p5, !p4;
	[tilespmem:s0+$0x58] =	vst.msk @p2 $0x7, v1  }
0x43b: {  	s28 =	sadd.s32 $0x1, s29;
	p1 =	por !p1, !p2;
	s0 =	simm.s32 @!p3 $0x0;
	v1 =	vld @!p2 [tilespmem:s24+$0xFFFFFFF0]  }
0x43c: {  	s0 =	simm.s32 @!p1 $0x4C;
	p1 =	seq.s32 s28, $0x0  }
.Ltmp22:
0x43d: {  	_ = 	snop;
	(pc) =	sbr.rel @p1 .LBB3_17-.Ltmp22, $4  }
0x43e: {  	s2 =	sshll.u32 @!p2 s21, $0x7  }
0x43f: {  	s5 =	sadd.s32 @!p3 $0x0, s0;
	s0 =	sshra.s32 @!p2 s2, $0x2  }
0x440: {  	s4 =	simm.s32 @p2 $0x1;
	s29 =	simm.s32 $0x0;
	s5 =	smov.u32 @p3 s25;
	[tilespmem:s0+$0x48] =	vst.add.f32.msk @!p2 $0xffff, v1  }
0x441: {  	s29 =	smov.u32 @p2 s4;
	s21 =	smov.u32 @p2 s1;
	s25 =	smov.u32 @p2 s5;
	v1 =	vld.msk @!p2 [tilespmem:s24+$0x0], $0x7  }
.LBB3_16:
0x442: {  	_ =	sdelay $0x3  }
0x443: {  	s22 =	sadd.s32 $0x1, s22;
	[tilespmem:s0+$0x58] =	vst.add.f32.msk @!p2 $0x7, v1  }
0x444: {  	v1 =	vld.msk [tilespmem:s22+$0x0], $0x1;
	_ =	sdelay $0x4  }
0x445: {  	(v2sf) =	vpush v1, $0x0;
	_ =	sdelay $0xe  }
0x446: {  	s31 =	smov.u32 s26;
	s26 =	spop (v2sf)  }
0x447: {  	p2 =	sne.s32 s31, s26  }
0x448: {  	p5 =	sne.s32 @p2 s31, s23  }
0x449: {  	p4 =	por !p5, !p2  }
0x44a: {  	s1 =	sadd.s32 @p2 $0x1, s21;
	s4 =	sadd.s32 @p2 $0x1, s29;
	s5 =	sshll.u32 @!p4 s29, $0x7  }
0x44b: {  	s2 =	smulhi.u32 @p2 $0xAAAAAAAB, s1;
	s29 =	smov.u32 @p2 s4;
	s4 =	sshra.s32 @!p4 s5, $0x2  }
0x44c: {  	v1 =	vld @!p4 [tilespmem:s4+$0x3068]  }
0x44d: {  	s2 =	sshrl.u32 @p2 s2, $0x8  }
0x44e: {  	s2 =	smul.u32 @p2 $0x180, s2  }
0x44f: {  	s10 =	sshll.u32 @!p4 s21, $0x7  }
0x450: {  	p1 =	sgt.u32 @!p4 s31, $0xC34FD;
	s1 =	ssub.s32 @p2 s1, s2;
	s2 =	sshra.s32 @!p4 s10, $0x2  }
0x451: {  	p6 =	por @p2 p1, !p5;
	p1 =	por @p2 !p1, !p5;
	[tilespmem:s2+$0x48] =	vst.add.f32.msk @!p4 $0xffff, v1  }
0x452: {  	s5 =	simm.s32 @!p4 $0x0;
	p1 =	por !p1, !p2;
	v1 =	vld.msk @!p4 [tilespmem:s4+$0x3078], $0x7  }
0x453: {  	s5 =	simm.s32 @!p1 $0x4C  }
0x454: {  	s0 =	smov.u32 s21;
	p5 =	por p5, !p2;
	s5 =	sadd.s32 @!p4 s5, s25  }
0x455: {  	s0 =	sshll.u32 @!p5 s0, $0x7;
	p1 =	por p6, !p2;
	s5 =	smov.u32 @p4 s25  }
0x456: {  	s0 =	sshra.s32 @!p5 s0, $0x2;
	s25 =	smov.u32 @p2 s5;
	s5 =	sand.u32 @!p1 $0xFFFF8, s31  }
0x457: {  	s10 =	sadd.s32 @!p4 $0x48, s2;
	s31 =	sand.u32 @!p1 $0x7, s31;
	[tilespmem:s2+$0x58] =	vst.add.f32.msk @!p4 $0x7, v1;
	s2 =	sadd.s32 @!p1 s3, s5  }
0x458: {  	[hbm4b:s2+s31] =	stream.linear.scatter @!p1 [tilespmem:s10], [sflag:$0xC], $0x13, $0x38;
	[tilespmem:$0x1EC48] =	vst v63  }
0x459: {  	s0 =	sadd.s32 @!p5 $0x48, s0;
	s4 =	rddreg [dreg:$0x4];
	s2 =	simm.s32 @!p5 $0x1  }
0x45a: {  	[spmem:s4] =	stream.linear.scatter @!p5 [tilespmem:s0], [sflag:$0x1], $0x13, $0x38;
	[tilespmem:$0x1EC48] =	vst v63  }
0x45b: {  	_ =	swait.ge @!p5 [sflag:s2], $0x13  }
0x45c: {  	[sflag:s2] =	ssyncset.done @!p5 $0x0  }
0x45d: {  	s24 =	sadd.s32 $0x80, s24;
	[sflag:s2] =	ssyncadd.s32 @!p5 $0xFFFFFFED  }
0x45e: {  	v1 =	vld @p2 [tilespmem:s24+$0xFFFFFFF0];
	_ =	sdelay $0x3  }
0x45f: {  	s0 =	sshll.u32 @p2 s1, $0x5  }
0x460: {  	[tilespmem:s0+$0x48] =	vst @p2 v1  }
0x461: {  	v1 =	vld.msk @p2 [tilespmem:s24+$0x0], $0x7;
	_ =	sdelay $0x4  }
0x462: {  	[tilespmem:s0+$0x58] =	vst.msk @p2 $0x7, v1  }
0x463: {  	s28 =	sadd.s32 $0x1, s28;
	v1 =	vld @!p2 [tilespmem:s24+$0xFFFFFFF0]  }
0x464: {  	p3 =	seq.s32 s28, $0x0  }
.Ltmp23:
0x465: {  	_ = 	snop;
	(pc) =	sbr.rel @!p3 .LBB3_16-.Ltmp23, $4  }
0x466: {  	s30 =	sshll.u32 @!p2 s21, $0x7  }
0x467: {  	s0 =	sshra.s32 @!p2 s30, $0x2  }
0x468: {  	[tilespmem:s0+$0x48] =	vst.add.f32.msk @!p2 $0xffff, v1  }
0x469: {  	s21 =	smov.u32 @p2 s1;
	v1 =	vld.msk @!p2 [tilespmem:s24+$0x0], $0x7  }
.LBB3_17:
.Ltmp24:
0x46a: {  	_ = 	snop;
	(pc) =	sbr.rel .LBB3_19-.Ltmp24, $2  }
0x46b: {  	s1 =	sld [smem:$0x7FD];
	_ =	sdelay $0x2  }
0x46c: {  	s28 =	smov.u32 s26;
	p4 =	seq.s32 s1, $0x1;
	[tilespmem:s0+$0x58] =	vst.add.f32.msk @!p2 $0x7, v1;
	s0 =	sshrl.u32 s25, $0x2  }
.LBB3_21:
0x46d: {  	_ =	sfence.sel $0x180000  }
0x46e: {  	s0 =	simm.s32 $0x9;
	[bflag:$0x0] =	sbarrier.arrive $0xFFFF  }
0x46f: {  	s24 =	simm.s32 $0xA;
	[sflag:s0] =	ssyncpa.u1 $0x1  }
0x470: {  	s25 =	simm.s32 $0xB;
	[sflag:s24] =	ssyncpa.u1 $0x1  }
0x471: {  	s26 =	simm.s32 $0x2;
	[sflag:s25] =	ssyncpa.u1 $0x1  }
0x472: {  	[sflag:s26] =	ssyncpa.u1 $0x1  }
0x473: {  	v0 =	vld [tilespmem:$0x6088];
	_ =	sdelay $0x4  }
0x474: {  	(v2sf) =	vpush v0, $0x0  }
0x475: {  	(v2sf) =	vpush v0, $0x1;
	_ =	sdelay $0x1  }
0x476: {  	(v2sf) =	vpush v0, $0x2;
	_ =	sdelay $0xb  }
0x477: {  	s0 =	spop (v2sf)  }
0x478: {  	s1 =	spop (v2sf)  }
0x479: {  	s2 =	smov.u32 s0;
	p0 =	sne.s32 s0, s1  }
0x47a: {  	s4 =	spop (v2sf);
	s2 =	simm.s32 @!p0 $0xFFFFFFFF  }
0x47b: {  	v2 =	vimm.s32 $0x1;
	v3 =	vlaneseq.u32;
	p0 =	seq.s32 s4, $0xFFFFFFFF;
	v1 =	vmov s2  }
0x47c: {  	s15 =	stileid.u32;
	v0 =	vperm.xlane v0, v2;
	p1 =	sne.s32 @!p0 s0, s1;
	v1 =	vperm.xlane v1, v3  }
0x47d: {  	vm0 =	vcmask $0x3F04;
	s6 =	simm.s32 $0x6088;
	s0 =	simm.s32 @!p0 $0x1;
	p1 =	por !p1, p0  }
0x47e: {  	s2 =	sshll.u32 s15, $0x1;
	s1 =	sshll.u32 @!p0 s4, $0x7;
	s0 =	simm.s32 @p1 $0x0;
	v0 =	vsel vm0, v1, v0  }
0x47f: {  	s5 =	sor.u32 $0x400, s2;
	s1 =	sshra.s32 @!p0 s1, $0x2;
	s0 =	sor.u32 @!p0 s0, s2;
	[tilespmem:$0x6088] =	vst v0  }
0x480: {  	[spmem:s5] =	stream.linear.scatter [tilespmem:s6], [sflag:$0x1], $0x2, $0x38;
	[tilespmem:$0x1EC48] =	vst v63  }
0x481: {  	s1 =	sadd.s32 @!p0 $0x48, s1;
	s0 =	sshll.u32 @!p0 s0, $0x5  }
0x482: {  	[spmem:s0] =	stream.linear.scatter @!p0 [tilespmem:s1], [sflag:$0x1], $0x20, $0x38;
	[tilespmem:$0x1EC48] =	vst v63  }
0x483: {  	s0 =	simm.s32 @!p0 $0x22  }
0x484: {  	s28 =	simm.s32 $0x1;
	s0 =	simm.s32 @p0 $0x2  }
0x485: {  	_ =	swait.ge [sflag:s28], s0  }
0x486: {  	s0 =	ssub.s32 $0x0, s0;
	[sflag:s28] =	ssyncset.done $0x0  }
0x487: {  	p0 =	sne.s32 s15, $0x0;
	[sflag:s28] =	ssyncadd.s32 s0  }
.Ltmp25:
0x488: {  	_ =	sfence.stream.spmem;
	(pc) =	sbr.rel @p0 .LBB3_38-.Ltmp25, $4  }
0x489: {  	s29 =	simm.s32 $0x3;
	[bflag:$0x0] =	sbarrier.arrive $0xFFFF  }
0x48a: {  	s30 =	simm.s32 $0x4;
	[sflag:s29] =	ssyncpa.u1 $0x1  }
0x48b: {  	s31 =	simm.s32 $0x3C;
	[sflag:s30] =	ssyncpa.u1 $0x1  }
0x48c: {  	s16 =	rddreg [dreg:$0x5];
	[sflag:s31] =	ssyncpa.u1 $0x1  }
0x48d: {  	_ =	sfence.stream.spmem;
	s0 =	simm.s32 $0x5  }
0x48e: {  	s1 =	simm.s32 $0x400;
	s2 =	simm.s32 $0x6098;
	[sflag:s0] =	ssyncpa.u1 $0x0  }
0x48f: {  	[tilespmem:s2], [sflag:$0x5] =	stream.linear.gather [spmem:s1], $0x20, $0x38;
	[tilespmem:$0x1EC48] =	vst v63  }
0x490: {  	s26 =	simm.s32 $0x0;
	s28 =	simm.s32 $0x60B8  }
0x491: {  	[tilespmem:s28], [sflag:$0x5] =	stream.linear.gather [spmem:s26], $0x400, $0x38;
	[tilespmem:$0x1EC48] =	vst v63  }
0x492: {  	_ =	swait.ge [sflag:s0], $0x420  }
0x493: {  	[sflag:s0] =	ssyncset.done $0x0  }
0x494: {  	s29 =	simm.s32 $0x0;
	[sflag:s0] =	ssyncadd.s32 $0xFFFFFBE0  }
0x495: {  	v0 =	vld.msk [tilespmem:s29+$0x6098], $0x1;
	_ =	sdelay $0x1  }
0x496: {  	s30 =	simm.s32 $0x1  }
0x497: {  	v1 =	vld.msk [tilespmem:s30+$0x6098], $0x1;
	_ =	sdelay $0x1  }
0x498: {  	(v2sf) =	vpush v0, $0x0;
	_ =	sdelay $0x2  }
0x499: {  	(v2sf) =	vpush v1, $0x0;
	_ =	sdelay $0x2  }
0x49a: {  	s31 =	simm.s32 $0x2  }
0x49b: {  	v0 =	vld.msk [tilespmem:s31+$0x6098], $0x1;
	_ =	sdelay $0x2  }
0x49c: {  	s6 =	simm.s32 $0xFFFFFFFF;
	s1 =	simm.s32 $0xFFFFFFFF;
	s0 =	simm.s32 $0xC  }
.LBB3_23:
0x49d: {  	s2 =	smov.u32 s6;
	s4 =	smov.u32 s1  }
0x49e: {  	s1 =	sshra.s32 s0, $0x2;
	p1 =	sne.s32 s0, $0x7C;
	s0 =	sadd.s32 $0x4, s0;
	(v2sf) =	vpush v0, $0x0  }
0x49f: {  	v0 =	vld.msk [tilespmem:s1+$0x6098], $0x1  }
.Ltmp26:
0x4a0: {  	(pc) =	sbr.rel @p1 .LBB3_23-.Ltmp26, $4  }
0x4a1: {  	s6 =	spop (v2sf)  }
0x4a2: {  	p2 =	sne.s32 s4, $0xFFFFFFFF;
	s1 =	smov.u32 s6  }
0x4a3: {  	p3 =	seq.s32 s6, $0xFFFFFFFF;
	s1 =	smov.u32 @p2 s4  }
0x4a4: {  	s6 =	smov.u32 @p3 s2;
	s1 =	smov.u32 @p3 s4  }
0x4a5: {  	(v2sf) =	vpush v0, $0x0;
	_ =	sdelay $0x8  }
0x4a6: {  	s0 =	spop (v2sf)  }
0x4a7: {  	p1 =	sne.s32 s1, $0xFFFFFFFF;
	s2 =	smov.u32 s0  }
0x4a8: {  	s9 =	simm.s32 $0x6;
	p2 =	seq.s32 s0, $0xFFFFFFFF;
	s2 =	smov.u32 @p1 s1  }
0x4a9: {  	s10 =	simm.s32 $0x6068;
	s2 =	smov.u32 @p2 s1;
	s1 =	spop (v2sf)  }
0x4aa: {  	s0 =	smov.u32 @p2 s6;
	p1 =	sne.s32 s2, $0xFFFFFFFF;
	s4 =	smov.u32 s1  }
.Ltmp27:
0x4ab: {  	p2 =	seq.s32 s1, $0xFFFFFFFF;
	s4 =	smov.u32 @p1 s2;
	(pc) =	sbr.rel .LBB3_25-.Ltmp27, $4  }
0x4ac: {  	s11 =	simm.s32 $0x0;
	s4 =	smov.u32 @p2 s2;
	s7 =	spop (v2sf)  }
0x4ad: {  	[sflag:s9] =	ssyncpa.u1 $0x0;
	p1 =	sne.s32 s4, $0xFFFFFFFF;
	s8 =	smov.u32 s7  }
0x4ae: {  	s1 =	smov.u32 @p2 s0;
	p2 =	seq.s32 s7, $0xFFFFFFFF;
	s8 =	smov.u32 @p1 s4  }
0x4af: {  	s6 =	simm.s32 $0x0;
	s7 =	smov.u32 @p2 s1;
	s8 =	smov.u32 @p2 s4  }
.LBB3_31:
0x4b0: {  	p1 =	sgt.u32 s12, $0xC34FD  }
0x4b1: {  	p2 =	seq.s32 @!p1 s12, s8  }
0x4b2: {  	p1 =	por p1, p2  }
0x4b3: {  	p2 =	sne.s32 @!p1 s12, s7  }
0x4b4: {  	p1 =	por p1, !p2  }
0x4b5: {  	s0 =	sshll.u32 @p1 s11, $0x7  }
0x4b6: {  	s0 =	sand.u32 @!p1 $0xFFFF8, s12  }
0x4b7: {  	s1 =	sand.u32 @!p1 $0x7, s12;
	s0 =	sadd.s32 @!p1 s3, s0  }
0x4b8: {  	[tilespmem:s10], [sflag:$0x6] =	stream.linear.gather @!p1 [hbm4b:s0+s1], $0x13, $0x38;
	[tilespmem:$0x1EC48] =	vst v63  }
0x4b9: {  	_ =	swait.ge @!p1 [sflag:s9], $0x13  }
0x4ba: {  	[sflag:s9] =	ssyncset.done @!p1 $0x0  }
0x4bb: {  	[sflag:s9] =	ssyncadd.s32 @!p1 $0xFFFFFFED  }
0x4bc: {  	v1 =	vld @!p1 [tilespmem:$0x6068];
	_ =	sdelay $0x2  }
0x4bd: {  	s0 =	sshll.u32 @!p1 s11, $0x7  }
0x4be: {  	s1 =	sshrl.u32 @!p1 s0, $0x2  }
0x4bf: {  	[tilespmem:s1+$0x60B8] =	vst.add.f32.msk @!p1 $0xffff, v1  }
0x4c0: {  	v1 =	vld @!p1 [tilespmem:$0x6078];
	_ =	sdelay $0x4  }
0x4c1: {  	[tilespmem:s1+$0x60C8] =	vst.add.f32.msk @!p1 $0xffff, v1  }
0x4c2: {  	s0 =	sshrl.u32 s0, $0x2;
	[tilespmem:s6+$0x6098] =	vst.msk $0x1, v0  }
0x4c3: {  	v0 =	vld [tilespmem:s0+$0x60B8];
	_ =	sdelay $0x2  }
0x4c4: {  	s31 =	sshll.u32 s6, $0x7  }
0x4c5: {  	s1 =	sshra.s32 s31, $0x2  }
0x4c6: {  	[tilespmem:s1+$0x60B8] =	vst v0  }
0x4c7: {  	v0 =	vld [tilespmem:s0+$0x60C8];
	_ =	sdelay $0x4  }
0x4c8: {  	s6 =	sadd.s32 $0x1, s6;
	[tilespmem:s1+$0x60C8] =	vst v0  }
.LBB3_32:
0x4c9: {  	s11 =	sadd.s32 $0x1, s11  }
0x4ca: {  	p1 =	sne.s32 s11, $0x20  }
.Ltmp28:
0x4cb: {  	_ = 	snop;
	(pc) =	sbr.rel @!p1 .LBB3_33-.Ltmp28, $1  }
0x4cc: {  	_ =	sdelay $0x3  }
.LBB3_25:
0x4cd: {  	v0 =	vld.msk [tilespmem:s11+$0x6098], $0x1;
	_ =	sdelay $0x4  }
0x4ce: {  	(v2sf) =	vpush v0, $0x0;
	_ =	sdelay $0xe  }
0x4cf: {  	s12 =	spop (v2sf)  }
0x4d0: {  	p1 =	seq.s32 s12, $0xFFFFFFFF  }
.Ltmp29:
0x4d1: {  	_ = 	snop;
	(pc) =	sbr.rel @p1 .LBB3_32-.Ltmp29, $1  }
0x4d2: {  	_ =	sdelay $0x3  }
0x4d3: {  	p1 =	slt.s32 s6, $0x1  }
.Ltmp30:
0x4d4: {  	_ = 	snop;
	(pc) =	sbr.rel @p1 .LBB3_31-.Ltmp30, $1  }
0x4d5: {  	_ =	sdelay $0x3  }
0x4d6: {  	s0 =	simm.s32 $0x6098;
	p1 =	por $0x0, $0x0  }
0x4d7: {  	v1 =	vld.msk @!p1 [tilespmem:s0+$0x0], $0x1;
	_ =	sdelay $0x4  }
0x4d8: {  	(v2sf) =	vpush @!p1 v1, $0x0;
	_ =	sdelay $0xd  }
0x4d9: {  	p3 =	sne.s32 s6, $0x1  }
.Ltmp31:
0x4da: {  	s1 =	spop @!p1 (v2sf);
	(pc) =	sbr.rel @!p3 .LBB3_29-.Ltmp31, $4  }
0x4db: {  	p2 =	seq.s32 @!p1 s12, s1  }
0x4dc: {  	s13 =	simm.s32 $0x0;
	p2 =	por !p2, p1  }
0x4dd: {  	s1 =	simm.s32 $0xFFFFFFFF;
	s13 =	simm.s32 @p2 $0xFFFFFFFF  }
0x4de: {  	s14 =	simm.s32 $0x1;
	s13 =	smov.u32 @p1 s1  }
.LBB3_28:
0x4df: {  	s1 =	smov.u32 s13;
	p1 =	sne.s32 s13, $0xFFFFFFFF  }
0x4e0: {  	s0 =	sadd.s32 $0x1, s0;
	s13 =	smov.u32 s14;
	s14 =	sadd.s32 $0x1, s14  }
0x4e1: {  	p2 =	sne.s32 s6, s14;
	v1 =	vld.msk @!p1 [tilespmem:s0+$0x0], $0x1;
	_ =	sdelay $0x4  }
0x4e2: {  	(v2sf) =	vpush @!p1 v1, $0x0;
	_ =	sdelay $0xe  }
.Ltmp32:
0x4e3: {  	s2 =	spop @!p1 (v2sf);
	(pc) =	sbr.rel @p2 .LBB3_28-.Ltmp32, $4  }
0x4e4: {  	p3 =	seq.s32 @!p1 s12, s2  }
0x4e5: {  	p3 =	por !p3, p1  }
0x4e6: {  	s13 =	simm.s32 @p3 $0xFFFFFFFF  }
0x4e7: {  	s13 =	smov.u32 @p1 s1  }
.LBB3_29:
0x4e8: {  	p1 =	seq.s32 s13, $0xFFFFFFFF  }
.Ltmp33:
0x4e9: {  	_ = 	snop;
	(pc) =	sbr.rel @p1 .LBB3_31-.Ltmp33, $1  }
0x4ea: {  	_ =	sdelay $0x3  }
0x4eb: {  	s0 =	sshll.u32 s11, $0x5  }
0x4ec: {  	s0 =	sand.u32 $0x3FFFFFE0, s0  }
0x4ed: {  	v0 =	vld [tilespmem:s0+$0x60B8];
	_ =	sdelay $0x2  }
0x4ee: {  	s1 =	sshll.u32 s13, $0x7  }
0x4ef: {  	s1 =	sshra.s32 s1, $0x2  }
0x4f0: {  	[tilespmem:s1+$0x60B8] =	vst.add.f32.msk $0xffff, v0  }
0x4f1: {  	v0 =	vld [tilespmem:s0+$0x60C8]  }
.Ltmp34:
0x4f2: {  	_ = 	snop;
	(pc) =	sbr.rel .LBB3_32-.Ltmp34, $2  }
0x4f3: {  	_ =	sdelay $0x2  }
0x4f4: {  	[tilespmem:s1+$0x60C8] =	vst.add.f32.msk $0xffff, v0  }
.LBB3_33:
0x4f5: {  	s0 =	simm.s32 $0x6;
	p1 =	seq.s32 s6, $0x0  }
0x4f6: {  	[sflag:s0] =	ssyncpa.u1 $0x1;
	v0 =	vimm.s32 @p1 $0xFFFFFFFF  }
0x4f7: {  	s0 =	sadd.s32 $0xFFFFFFFF, s6;
	[tilespmem:$0x64B8] =	vst @p1 v0  }
0x4f8: {  	v0 =	vld.msk @!p1 [tilespmem:s0+$0x6098], $0x1;
	_ =	sdelay $0x1  }
0x4f9: {  	v1 =	vld.msk @!p1 [tilespmem:$0x6098], $0x1;
	_ =	sdelay $0x2  }
0x4fa: {  	p2 =	seq.s32 @!p1 s0, $0x0;
	v0 =	vbroadcast @!p1 v0, $0x0  }
0x4fb: {  	vm0 =	vmmov @!p1 $0x1;
	p2 =	por !p2, p1  }
0x4fc: {  	v1 =	vnsel @!p1 vm0, $0xFFFFFFFF, v1;
	vm0 =	vcmask @!p1 $0x308;
	v0 =	vpsel !p2, $0xFFFFFFFF, v0  }
0x4fd: {  	p2 =	sne.s32 @!p1 s8, s7;
	v0 =	vsel @!p1 vm0, v1, v0  }
0x4fe: {  	s1 =	simm.s32 @!p1 $0x60B8;
	s2 =	simm.s32 @!p1 $0x0;
	p3 =	por !p2, p1;
	[tilespmem:$0x64B8] =	vst @!p1 v0  }
0x4ff: {  	[spmem:s2] =	stream.linear.scatter @!p1 [tilespmem:s1], [sflag:$0x1], $0x20, $0x38;
	[tilespmem:$0x1EC48] =	vst v63  }
0x500: {  	s1 =	sshll.u32 @!p3 s0, $0x7  }
0x501: {  	s1 =	sshra.s32 @!p3 s1, $0x2  }
0x502: {  	s2 =	simm.s32 @!p3 $0x20;
	s1 =	sadd.s32 @!p3 $0x60B8, s1  }
0x503: {  	[spmem:s2] =	stream.linear.scatter @!p3 [tilespmem:s1], [sflag:$0x1], $0x20, $0x38;
	[tilespmem:$0x1EC48] =	vst v63  }
0x504: {  	s1 =	simm.s32 @!p3 $0x1  }
0x505: {  	_ =	swait.ge @!p3 [sflag:s1], $0x40  }
0x506: {  	p1 =	por p2, p1;
	[sflag:s1] =	ssyncset.done @!p3 $0x0  }
0x507: {  	[sflag:s1] =	ssyncadd.s32 @!p3 $0xFFFFFFC0;
	s1 =	simm.s32 @!p1 $0x1  }
0x508: {  	_ =	swait.ge @!p1 [sflag:s1], $0x20  }
0x509: {  	s29 =	simm.s32 $0x64B8;
	[sflag:s1] =	ssyncset.done @!p1 $0x0  }
0x50a: {  	s30 =	simm.s32 $0x400;
	s31 =	simm.s32 $0x1;
	[sflag:s1] =	ssyncadd.s32 @!p1 $0xFFFFFFE0  }
0x50b: {  	[spmem:s30] =	stream.linear.scatter [tilespmem:s29], [sflag:$0x1], $0x10, $0x38;
	[tilespmem:$0x1EC48] =	vst v63  }
0x50c: {  	_ =	swait.ge [sflag:s31], $0x10  }
0x50d: {  	[sflag:s31] =	ssyncset.done $0x0  }
0x50e: {  	p1 =	seq.s32 s16, $0x0;
	s9 =	rddreg [dreg:$0x1];
	[sflag:s31] =	ssyncadd.s32 $0xFFFFFFF0  }
0x50f: {  	s2 =	sshll.u32 @p1 s9, $0xE;
	s8 =	rddreg [dreg:$0x2]  }
0x510: {  	s1 =	sadd.s32 @p1 $0x15C3C, s2;
	s2 =	sshll.u32 @p1 s8, $0x11  }
0x511: {  	_ =	sfence.stream.spmem;
	s1 =	sor.u32 @p1 s2, s1  }
0x512: {  	[sflag:s1] =	ssyncadd.remote.s32 @p1 $0x1;
	s1 =	simm.s32 @p1 $0x4  }
0x513: {  	s4 =	simm.s32 @!p1 $0x3C;
	s2 =	sand.u32 $0xFFFFFFFE, s9;
	_ =	swait.ge @p1 [sflag:s1], $0xA  }
0x514: {  	s5 =	simm.s32 @!p1 $0x0;
	s2 =	sadd.s32 @!p1 $0x4, s2;
	[sflag:s1] =	ssyncset.done @p1 $0x0  }
0x515: {  	s7 =	simm.s32 @!p1 $0x40;
	[sflag:s1] =	ssyncadd.s32 @p1 $0xFFFFFFF6;
	s1 =	sshll.u32 @!p1 s2, $0x1A  }
0x516: {  	s2 =	sshll.u32 @!p1 s2, $0xD;
	s1 =	sor.u32 @!p1 s1, s8;
	_ =	swait.eq @!p1 [sflag:s4], $0x1  }
0x517: {  	s2 =	sor.u32 @!p1 $0x1C04, s2;
	s4 =	simm.s32 @!p1 $0x1C03;
	s1 =	sor.u32 @!p1 $0x80004000, s1  }
0x518: {  	[spmem:s7], [sflag:s2] =	dma.general @!p1 [spmem:s5], [sflag:s4], length:$0x8, [dreg:$0x0], stride_count:$0x0, ici_dest:s1, dma_misc:DstOpCode:WRITE  }
0x519: {  	p2 =	slt.s32 s0, $0x2;
	s5 =	simm.s32 @!p1 $0x80;
	s7 =	simm.s32 @!p1 $0x82  }
0x51a: {  	[spmem:s7], [sflag:s2] =	dma.general @!p1 [spmem:s5], [sflag:s4], length:$0x2, [dreg:$0x0], stride_count:$0x0, ici_dest:s1, dma_misc:DstOpCode:WRITE  }
.Ltmp35:
0x51b: {  	s1 =	simm.s32 @!p1 $0x3;
	(pc) =	sbr.rel @p2 .LBB3_37-.Ltmp35, $4  }
0x51c: {  	s2 =	sshll.u32 @!p1 s9, $0xE;
	_ =	swait.ge @!p1 [sflag:s1], $0xA  }
0x51d: {  	s4 =	sshll.u32 @!p1 s8, $0x11;
	s2 =	sadd.s32 @!p1 $0x11C3C, s2;
	[sflag:s1] =	ssyncset.done @!p1 $0x0  }
0x51e: {  	[sflag:s1] =	ssyncadd.s32 @!p1 $0xFFFFFFF6;
	s1 =	sor.u32 @!p1 s4, s2  }
0x51f: {  	s0 =	simm.s32 $0x0;
	[sflag:s1] =	ssyncadd.remote.s32 @!p1 $0xFFFFFFFF  }
0x520: {  	s0 =	simm.s32 $0x6099  }
0x521: {  	v0 =	vld.msk [tilespmem:s0+$0x0], $0x1;
	_ =	sdelay $0x4  }
0x522: {  	(v2sf) =	vpush v0, $0x0;
	_ =	sdelay $0xc  }
0x523: {  	s1 =	sadd.s32 $0xFFFFFFFE, s6  }
0x524: {  	s1 =	sadd.s32 $0xFFFFFFFF, s1  }
0x525: {  	p2 =	sne.s32 s1, $0x0;
	s2 =	spop (v2sf)  }
.Ltmp36:
0x526: {  	p1 =	sgt.u32 s2, $0xC34FD;
	(pc) =	sbr.rel @!p2 .LBB3_36-.Ltmp36, $4  }
0x527: {  	s7 =	simm.s32 $0x0;
	s4 =	sand.u32 @!p1 $0xFFFF8, s2  }
0x528: {  	s0 =	simm.s32 $0x60D8;
	s2 =	sand.u32 @!p1 $0x7, s2;
	s4 =	sadd.s32 @!p1 s3, s4  }
0x529: {  	[hbm4b:s4+s2] =	stream.linear.scatter @!p1 [tilespmem:s0], [sflag:$0x5], $0x13, $0x38;
	[tilespmem:$0x1EC48] =	vst v63  }
0x52a: {  	s6 =	simm.s32 $0x609A;
	s7 =	simm.s32 @!p1 $0x4C;
	s2 =	simm.s32 $0x0  }
.LBB3_35:
0x52b: {  	v0 =	vld.msk [tilespmem:s6+$0x0], $0x1;
	s1 =	sadd.s32 $0xFFFFFFFF, s1;
	s2 =	sadd.s32 s2, s7  }
0x52c: {  	p1 =	sne.s32 s1, $0x0;
	_ =	sdelay $0x3  }
0x52d: {  	(v2sf) =	vpush v0, $0x0;
	_ =	sdelay $0xe  }
.Ltmp37:
0x52e: {  	s4 =	spop (v2sf);
	(pc) =	sbr.rel @p1 .LBB3_35-.Ltmp37, $4  }
0x52f: {  	s7 =	simm.s32 $0x0;
	p2 =	sgt.u32 s4, $0xC34FD  }
0x530: {  	s0 =	sadd.s32 $0x20, s0;
	s7 =	simm.s32 @!p2 $0x4C;
	s5 =	sand.u32 @!p2 $0xFFFF8, s4  }
0x531: {  	s6 =	sadd.s32 $0x1, s6;
	s4 =	sand.u32 @!p2 $0x7, s4;
	s5 =	sadd.s32 @!p2 s3, s5  }
0x532: {  	[hbm4b:s5+s4] =	stream.linear.scatter @!p2 [tilespmem:s0], [sflag:$0x5], $0x13, $0x38;
	[tilespmem:$0x1EC48] =	vst v63  }
.LBB3_36:
0x533: {  	s0 =	sadd.s32 s2, s7  }
0x534: {  	s0 =	sshrl.u32 s0, $0x2  }
.LBB3_37:
0x535: {  	s1 =	simm.s32 $0x5  }
0x536: {  	_ =	swait.ge [sflag:s1], s0  }
0x537: {  	s31 =	ssub.s32 $0x0, s0;
	[sflag:s1] =	ssyncset.done $0x0  }
0x538: {  	[sflag:s1] =	ssyncadd.s32 s31  }
0x539: {  	[sflag:s1] =	ssyncpa.u1 $0x1  }
.LBB3_38:
0x53a: {  	s0 =	sor.u32 s16, s15  }
0x53b: {  	p1 =	sne.s32 s0, $0x0  }
.Ltmp38:
0x53c: {  	_ = 	snop;
	(pc) =	sbr.rel @p1 .LBB3_53-.Ltmp38, $3  }
0x53d: {  	_ =	sdelay $0x1  }
0x53e: {  	[bflag:$0x0] =	sbarrier.arrive $0xFFFF  }
0x53f: {  	_ =	sfence  }
0x540: {  	s0 =	simm.s32 $0x7  }
0x541: {  	s1 =	simm.s32 $0x400;
	s2 =	simm.s32 $0x6098;
	[sflag:s0] =	ssyncpa.u1 $0x0  }
0x542: {  	[tilespmem:s2], [sflag:$0x7] =	stream.linear.gather [spmem:s1], $0x20, $0x38;
	[tilespmem:$0x1EC48] =	vst v63  }
0x543: {  	s30 =	simm.s32 $0x60B8;
	s1 =	simm.s32 $0x0  }
0x544: {  	[tilespmem:s30], [sflag:$0x7] =	stream.linear.gather [spmem:s1], $0x400, $0x38;
	[tilespmem:$0x1EC48] =	vst v63  }
.Ltmp39:
0x545: {  	_ = 	snop;
	(pc) =	sbr.rel .LBB3_40-.Ltmp39, $4  }
0x546: {  	_ =	swait.ge [sflag:s0], $0x420  }
0x547: {  	[sflag:s0] =	ssyncset.done $0x0  }
0x548: {  	s31 =	simm.s32 $0x8;
	[sflag:s0] =	ssyncadd.s32 $0xFFFFFBE0  }
0x549: {  	s2 =	simm.s32 $0x0;
	[sflag:s31] =	ssyncpa.u1 $0x0  }
.LBB3_46:
0x54a: {  	p1 =	slt.u32 s0, $0xC34FE  }
0x54b: {  	s4 =	sand.u32 @p1 $0xFFFF8, s0  }
0x54c: {  	s0 =	sand.u32 @p1 $0x7, s0;
	s5 =	simm.s32 @p1 $0x6068;
	s4 =	sadd.s32 @p1 s3, s4  }
0x54d: {  	[tilespmem:s5], [sflag:$0x8] =	stream.linear.gather @p1 [hbm4b:s4+s0], $0x13, $0x38;
	[tilespmem:$0x1EC48] =	vst v63  }
0x54e: {  	s0 =	simm.s32 @p1 $0x8  }
0x54f: {  	_ =	swait.ge @p1 [sflag:s0], $0x13  }
0x550: {  	[sflag:s0] =	ssyncset.done @p1 $0x0  }
0x551: {  	[sflag:s0] =	ssyncadd.s32 @p1 $0xFFFFFFED  }
0x552: {  	v1 =	vld @p1 [tilespmem:$0x6068];
	_ =	sdelay $0x2  }
0x553: {  	s0 =	sshll.u32 @p1 s2, $0x7  }
0x554: {  	s4 =	sshrl.u32 @p1 s0, $0x2  }
0x555: {  	[tilespmem:s4+$0x60B8] =	vst.add.f32.msk @p1 $0xffff, v1  }
0x556: {  	v1 =	vld @p1 [tilespmem:$0x6078];
	_ =	sdelay $0x3  }
0x557: {  	s5 =	sshll.u32 @!p1 s2, $0x7  }
0x558: {  	s5 =	smov.u32 @p1 s0;
	[tilespmem:s4+$0x60C8] =	vst.add.f32.msk @p1 $0xffff, v1  }
0x559: {  	s0 =	sshrl.u32 s5, $0x2;
	[tilespmem:s1+$0x6098] =	vst.msk $0x1, v0  }
0x55a: {  	v0 =	vld [tilespmem:s0+$0x60B8];
	_ =	sdelay $0x2  }
0x55b: {  	s31 =	sshll.u32 s1, $0x7  }
0x55c: {  	s4 =	sshra.s32 s31, $0x2  }
0x55d: {  	[tilespmem:s4+$0x60B8] =	vst v0  }
0x55e: {  	v0 =	vld [tilespmem:s0+$0x60C8];
	_ =	sdelay $0x4  }
0x55f: {  	s1 =	sadd.s32 $0x1, s1;
	[tilespmem:s4+$0x60C8] =	vst v0  }
.LBB3_47:
0x560: {  	s2 =	sadd.s32 $0x1, s2  }
0x561: {  	p1 =	sne.s32 s2, $0x20  }
.Ltmp40:
0x562: {  	_ = 	snop;
	(pc) =	sbr.rel @!p1 .LBB3_48-.Ltmp40, $1  }
0x563: {  	_ =	sdelay $0x3  }
.LBB3_40:
0x564: {  	v0 =	vld.msk [tilespmem:s2+$0x6098], $0x1;
	_ =	sdelay $0x4  }
0x565: {  	(v2sf) =	vpush v0, $0x0;
	_ =	sdelay $0xe  }
0x566: {  	s0 =	spop (v2sf)  }
0x567: {  	p1 =	seq.s32 s0, $0xFFFFFFFF  }
.Ltmp41:
0x568: {  	_ = 	snop;
	(pc) =	sbr.rel @p1 .LBB3_47-.Ltmp41, $1  }
0x569: {  	_ =	sdelay $0x3  }
0x56a: {  	p1 =	slt.s32 s1, $0x1  }
.Ltmp42:
0x56b: {  	_ = 	snop;
	(pc) =	sbr.rel @p1 .LBB3_46-.Ltmp42, $1  }
0x56c: {  	_ =	sdelay $0x3  }
0x56d: {  	s4 =	simm.s32 $0x6098;
	p1 =	por $0x0, $0x0  }
0x56e: {  	v1 =	vld.msk @!p1 [tilespmem:s4+$0x0], $0x1;
	_ =	sdelay $0x4  }
0x56f: {  	(v2sf) =	vpush @!p1 v1, $0x0;
	_ =	sdelay $0xd  }
0x570: {  	p3 =	sne.s32 s1, $0x1  }
.Ltmp43:
0x571: {  	s5 =	spop @!p1 (v2sf);
	(pc) =	sbr.rel @!p3 .LBB3_44-.Ltmp43, $4  }
0x572: {  	p2 =	seq.s32 @!p1 s0, s5  }
0x573: {  	s5 =	simm.s32 $0x0;
	p2 =	por !p2, p1  }
0x574: {  	s7 =	simm.s32 $0xFFFFFFFF;
	s5 =	simm.s32 @p2 $0xFFFFFFFF  }
0x575: {  	s6 =	simm.s32 $0x1;
	s5 =	smov.u32 @p1 s7  }
.LBB3_43:
0x576: {  	s7 =	smov.u32 s5;
	p1 =	sne.s32 s5, $0xFFFFFFFF  }
0x577: {  	s4 =	sadd.s32 $0x1, s4;
	s5 =	smov.u32 s6;
	s6 =	sadd.s32 $0x1, s6  }
0x578: {  	p2 =	sne.s32 s1, s6;
	v1 =	vld.msk @!p1 [tilespmem:s4+$0x0], $0x1;
	_ =	sdelay $0x4  }
0x579: {  	(v2sf) =	vpush @!p1 v1, $0x0;
	_ =	sdelay $0xe  }
.Ltmp44:
0x57a: {  	s8 =	spop @!p1 (v2sf);
	(pc) =	sbr.rel @p2 .LBB3_43-.Ltmp44, $4  }
0x57b: {  	p3 =	seq.s32 @!p1 s0, s8  }
0x57c: {  	p3 =	por !p3, p1  }
0x57d: {  	s5 =	simm.s32 @p3 $0xFFFFFFFF  }
0x57e: {  	s5 =	smov.u32 @p1 s7  }
.LBB3_44:
0x57f: {  	p1 =	seq.s32 s5, $0xFFFFFFFF  }
.Ltmp45:
0x580: {  	_ = 	snop;
	(pc) =	sbr.rel @p1 .LBB3_46-.Ltmp45, $1  }
0x581: {  	_ =	sdelay $0x3  }
0x582: {  	s0 =	sshll.u32 s2, $0x5  }
0x583: {  	s0 =	sand.u32 $0x3FFFFFE0, s0  }
0x584: {  	v0 =	vld [tilespmem:s0+$0x60B8];
	_ =	sdelay $0x2  }
0x585: {  	s4 =	sshll.u32 s5, $0x7  }
0x586: {  	s4 =	sshra.s32 s4, $0x2  }
0x587: {  	[tilespmem:s4+$0x60B8] =	vst.add.f32.msk $0xffff, v0  }
0x588: {  	v0 =	vld [tilespmem:s0+$0x60C8]  }
.Ltmp46:
0x589: {  	_ = 	snop;
	(pc) =	sbr.rel .LBB3_47-.Ltmp46, $2  }
0x58a: {  	_ =	sdelay $0x2  }
0x58b: {  	[tilespmem:s4+$0x60C8] =	vst.add.f32.msk $0xffff, v0  }
.LBB3_48:
0x58c: {  	p1 =	slt.s32 s1, $0x1  }
.Ltmp47:
0x58d: {  	_ = 	snop;
	(pc) =	sbr.rel @p1 .LBB3_52-.Ltmp47, $3  }
0x58e: {  	_ =	sdelay $0x1  }
0x58f: {  	s0 =	simm.s32 $0x8  }
0x590: {  	[sflag:s0] =	ssyncpa.u1 $0x1;
	s0 =	simm.s32 $0x0  }
0x591: {  	s2 =	simm.s32 $0x6098  }
0x592: {  	v0 =	vld.msk [tilespmem:s2+$0x0], $0x1;
	_ =	sdelay $0x4  }
0x593: {  	(v2sf) =	vpush v0, $0x0;
	_ =	sdelay $0xe  }
0x594: {  	s1 =	sadd.s32 $0xFFFFFFFF, s1;
	s4 =	spop (v2sf)  }
0x595: {  	p2 =	sne.s32 s1, $0x0;
	p1 =	sgt.u32 s4, $0xC34FD  }
.Ltmp48:
0x596: {  	s5 =	sand.u32 @!p1 $0xFFFF8, s4;
	(pc) =	sbr.rel @!p2 .LBB3_51-.Ltmp48, $4  }
0x597: {  	s2 =	simm.s32 $0x60B8;
	s4 =	sand.u32 @!p1 $0x7, s4;
	s5 =	sadd.s32 @!p1 s3, s5  }
0x598: {  	[hbm4b:s5+s4] =	stream.linear.scatter @!p1 [tilespmem:s2], [sflag:$0x7], $0x13, $0x38;
	[tilespmem:$0x1EC48] =	vst v63  }
0x599: {  	s5 =	simm.s32 $0x0  }
0x59a: {  	s4 =	simm.s32 $0x6099;
	s5 =	simm.s32 @!p1 $0x4C  }
.LBB3_50:
0x59b: {  	v0 =	vld.msk [tilespmem:s4+$0x0], $0x1;
	s1 =	sadd.s32 $0xFFFFFFFF, s1;
	s0 =	sadd.s32 s0, s5  }
0x59c: {  	p1 =	sne.s32 s1, $0x0;
	_ =	sdelay $0x3  }
0x59d: {  	(v2sf) =	vpush v0, $0x0;
	_ =	sdelay $0xe  }
.Ltmp49:
0x59e: {  	s6 =	spop (v2sf);
	(pc) =	sbr.rel @p1 .LBB3_50-.Ltmp49, $4  }
0x59f: {  	s5 =	simm.s32 $0x0;
	p2 =	sgt.u32 s6, $0xC34FD  }
0x5a0: {  	s2 =	sadd.s32 $0x20, s2;
	s5 =	simm.s32 @!p2 $0x4C;
	s7 =	sand.u32 @!p2 $0xFFFF8, s6  }
0x5a1: {  	s4 =	sadd.s32 $0x1, s4;
	s6 =	sand.u32 @!p2 $0x7, s6;
	s7 =	sadd.s32 @!p2 s3, s7  }
0x5a2: {  	[hbm4b:s7+s6] =	stream.linear.scatter @!p2 [tilespmem:s2], [sflag:$0x7], $0x13, $0x38;
	[tilespmem:$0x1EC48] =	vst v63  }
.LBB3_51:
0x5a3: {  	s0 =	sadd.s32 s0, s5  }
0x5a4: {  	s0 =	sshrl.u32 s0, $0x2  }
.LBB3_52:
0x5a5: {  	s1 =	simm.s32 $0x7  }
0x5a6: {  	_ =	swait.ge [sflag:s1], s0  }
0x5a7: {  	s31 =	ssub.s32 $0x0, s0;
	[sflag:s1] =	ssyncset.done $0x0  }
0x5a8: {  	[sflag:s1] =	ssyncadd.s32 s31  }
0x5a9: {  	[sflag:s1] =	ssyncpa.u1 $0x1  }
.LBB3_53:
0x5aa: {  	_ =	sfence;
	s0 =	simm.s32 $0x1  }
0x5ab: {  	[sflag:s0] =	ssyncpa.u1 $0x1  }
0x5ac: {  	_ =	strace $0x9000004A  }
0x5ad: {  	[bflag:$0x2] =	sbarrier.arrive $0xFFFF  }
0x5ae: {  	s0 =	rddreg [dreg:$0x3]  }
0x5af: {  	s0 =	sadd.s32 @!p0 $0x100000, s0  }
0x5b0: {  	[sflag:s0] =	ssyncadd.tile.s32 @!p0 $0x1;
	_ =	shalt  }
.Lfunc_end3:
_tile_overlayer_lowered:
.L_overlay_start_3:
0x5b1: {  	(tag) =	ssettag $0x3  }
0x5b2: {  	s0 =	rddreg [dreg:$0x0];
	s2 =	stileid.u32  }
0x5b3: {  	s1 =	rddreg [dreg:$0x1];
	p0 =	sne.s32 s2, $0x0  }
0x5b4: {  	s3 =	rddreg [dreg:$0x2];
	[bflag:$0x3] =	sbarrier.arrive $0xFFFF;
	s2 =	simm.s32 @!p0 $0x1C01  }
0x5b5: {  	[timem:s3], [sflag:s2] =	dma.local @!p0 [hbm:s0], s1  }
0x5b6: {  	s0 =	simm.s32 @!p0 $0x1  }
0x5b7: {  	_ =	swait.ge @!p0 [sflag:s0], s1  }
0x5b8: {  	s1 =	ssub.s32 @!p0 $0x0, s1;
	[sflag:s0] =	ssyncset.done @!p0 $0x0  }
0x5b9: {  	[sflag:s0] =	ssyncadd.s32 @!p0 s1  }
0x5ba: {  	[bflag:$0x3] =	sbarrier.arrive $0xFFFF  }
0x5bb: {  	_ =	shalt  }

</sc_bundles>
